<compile_context>
chip_gen: v7x
topology: tpu7x:2x2x1
jax: 0.10.2.dev20260603
libtpu: 0.0.44.dev20260713+nightly
codegen_flags: <defaults>
</compile_context>

<pallas_src>
import dataclasses
import functools

import jax
import jax.numpy as jnp
from jax import lax
from jax.experimental import pallas as pl
from jax.experimental.pallas import tpu as pltpu
from jax.experimental.pallas import tpu_sc as plsc

DF = 128
DE = 16
K = 64
LYR = 2

NC = 2
NS = 16
LANES = 16
NW = NC * NS
CHUNK = 128
WTILES = 10


def _bf16_bits(x_f32):
    u = lax.bitcast_convert_type(x_f32, jnp.int32)
    return lax.shift_right_logical(
        u + 0x7FFF + (lax.shift_right_logical(u, 16) & 1), 16)


def _embed_tc(x, W, b):
    n = x.shape[0]

    def body(x_ref, w_ref, b_ref, o_ref, ow_ref):
        h = (
            jnp.dot(x_ref[...], w_ref[...], preferred_element_type=jnp.float32)
            + b_ref[...]
        )
        o_ref[...] = h
        ow_ref[...] = _bf16_bits(h[:, :DF // 2]) | (
            _bf16_bits(h[:, DF // 2:]) << 16)

    return pl.pallas_call(
        body,
        out_shape=(
            jax.ShapeDtypeStruct((n, DF), jnp.float32),
            jax.ShapeDtypeStruct((n, DF // 2), jnp.int32),
        ),
    )(x, W, b.reshape(1, DF))


def _gates_tc(ea, W_gate, b_gate, e_real, e_pad):
    blk = 4096
    nblk = e_pad // blk
    last_in = (e_real - 1) // blk
    hb = blk // 4

    def body(ea_ref, wg_ref, bg_ref, o0_ref, o1_ref):
        ea = ea_ref[...]
        i = pl.program_id(0)
        r_iota = lax.broadcasted_iota(jnp.int32, (blk, 1), 0)
        live = i * blk + r_iota < e_real
        for l, o_ref in ((0, o0_ref), (1, o1_ref)):
            z = (
                jnp.dot(ea, wg_ref[l], preferred_element_type=jnp.float32)
                + bg_ref[l]
            )
            g = jnp.where(live, jax.nn.sigmoid(z), 0.0)
            word = _bf16_bits(g[:, :DF // 2]) | (
                _bf16_bits(g[:, DF // 2:]) << 16)
            o_ref[...] = jnp.concatenate(
                [jnp.concatenate([word[:hb], word[hb:2 * hb]], axis=1),
                 jnp.concatenate([word[2 * hb:3 * hb], word[3 * hb:]], axis=1)],
                axis=0)

    out = jax.ShapeDtypeStruct((e_pad // 2, DF), jnp.int32)
    return pl.pallas_call(
        body,
        grid=(nblk,),
        in_specs=[
            pl.BlockSpec((blk, DE), lambda i: (jnp.minimum(i, last_in), 0)),
            pl.BlockSpec((LYR, DE, DF), lambda i: (0, 0, 0)),
            pl.BlockSpec((LYR, DF), lambda i: (0, 0)),
        ],
        out_specs=[
            pl.BlockSpec((blk // 2, DF), lambda i: (i, 0)),
            pl.BlockSpec((blk // 2, DF), lambda i: (i, 0)),
        ],
        out_shape=[out, out],
    )(ea, W_gate, b_gate)


def _chunk_order(v_pad, nb, cpt):
    v4 = v_pad.reshape(nb, 2, 16, 64)
    inter = jnp.stack([v4[:, 0], v4[:, 1]], axis=-1)
    return inter.reshape(NW, cpt, CHUNK)


def _post_tc(h, agg, W_self_l, W_msg_l, b_h_l, W_assign_l, b_assign_l,
             g_true_l):
    n = h.shape[0]

    def body(h_ref, agg_ref, ws_ref, wm_ref, bh_ref, wa_ref, ba_ref, gt_ref,
             hn_ref, hw_ref, s_ref, loss_ref):
        a = agg_ref[0] + agg_ref[1]
        hn = jnp.dot(h_ref[...], ws_ref[...], preferred_element_type=jnp.float32)
        hn = hn + jnp.dot(a, wm_ref[...], preferred_element_type=jnp.float32)
        hn = jnp.maximum(hn + bh_ref[...], 0.0)
        hn_ref[...] = hn
        hw_ref[...] = _bf16_bits(hn[:, :DF // 2]) | (
            _bf16_bits(hn[:, DF // 2:]) << 16)
        logits = (
            jnp.dot(hn, wa_ref[...], preferred_element_type=jnp.float32)
            + ba_ref[...]
        )
        m = jnp.max(logits, axis=-1, keepdims=True)
        e = jnp.exp(logits - m)
        s = e / jnp.sum(e, axis=-1, keepdims=True)
        s_ref[...] = s
        d = s - gt_ref[...]
        loss_ref[...] = jnp.reshape(jnp.sum(d * d) * (1.0 / (n * K)), (1, 1))

    return pl.pallas_call(
        body,
        out_shape=(
            jax.ShapeDtypeStruct((n, DF), jnp.float32),
            jax.ShapeDtypeStruct((n, DF // 2), jnp.int32),
            jax.ShapeDtypeStruct((n, K), jnp.float32),
            jax.ShapeDtypeStruct((1, 1), jnp.float32),
        ),
    )(h, agg, W_self_l, W_msg_l, b_h_l.reshape(1, DF), W_assign_l,
      b_assign_l.reshape(1, K), g_true_l)


def _sc_edge_layer(h, gate_w, idx4, zeros_hbm, n_nodes, cpt):
    wrows = n_nodes // WTILES
    nquad = cpt // 4
    hc = CHUNK // 2
    mesh = plsc.VectorSubcoreMesh(core_axis_name="c", subcore_axis_name="s")
    cp = pltpu.CompilerParams()
    if "needs_layout_passes" in pltpu.CompilerParams.__dataclass_fields__:
        cp = dataclasses.replace(cp, needs_layout_passes=False,
                                 use_tc_tiling_on_sc=False)

    @functools.partial(
        pl.kernel,
        compiler_params=cp,
        out_type=jax.ShapeDtypeStruct((NC, n_nodes, DF), jnp.float32),
        mesh=mesh,
        scratch_types=[
            pltpu.VMEM((4, CHUNK), jnp.int32),
            pltpu.VMEM((4, CHUNK), jnp.int32),
            pltpu.VMEM((CHUNK, DF // 2), jnp.int32),
            pltpu.VMEM((CHUNK, DF // 2), jnp.int32),
            pltpu.VMEM((hc, DF), jnp.int32),
            pltpu.VMEM((hc, DF), jnp.int32),
            pltpu.VMEM((CHUNK, DF), jnp.float32),
            pltpu.VMEM_SHARED((n_nodes, DF), jnp.float32),
            pltpu.SemaphoreType.DMA,
            pltpu.SemaphoreType.DMA,
            pltpu.SemaphoreType.DMA,
            pltpu.SemaphoreType.DMA,
            pltpu.SemaphoreType.DMA,
            pltpu.SemaphoreType.DMA,
        ],
    )
    def sck(h_hbm, gate_hbm, idx_hbm, z_hbm, agg_hbm,
            i0, i1, r0, r1, g0, g1, msg, agg_sh,
            sem_i0, sem_i1, sem_h0, sem_h1, sem_g0, sem_g1):
        c = lax.axis_index("c")
        s = lax.axis_index("s")
        w = c * NS + s

        @pl.when(s < WTILES)
        def _():
            pltpu.sync_copy(z_hbm,
                            agg_sh.at[pl.ds(s * wrows, wrows)])
        plsc.subcore_barrier()

        gbase = w * cpt * hc

        def issue(jc, ibuf, sslot, rb, gb, sem_h, sem_g):
            pltpu.make_async_copy(h_hbm.at[ibuf.at[sslot]], rb, sem_h).start()
            pltpu.make_async_copy(
                gate_hbm.at[pl.ds(gbase + jc * hc, hc)], gb, sem_g
            ).start()

        def consume(ibuf, dslot, rb, gb, sem_h, sem_g):
            pltpu.make_async_copy(h_hbm.at[pl.ds(0, CHUNK)], rb, sem_h).wait()
            pltpu.make_async_copy(gate_hbm.at[pl.ds(0, hc)], gb, sem_g).wait()

            @pl.loop(0, hc)
            def _(rp):
                for rr in range(2):
                    r = 2 * rp + rr
                    for t in range(DF // 32):
                        hv = plsc.bitcast(rb[r, pl.ds(16 * t, 16)],
                                          jnp.bfloat16)
                        gv = plsc.bitcast(
                            gb[rp, pl.ds(rr * (DF // 2) + 16 * t, 16)],
                            jnp.bfloat16)
                        ha, hb2 = plsc.unpack(
                            hv, format=plsc.PackFormat.INTERLEAVED)
                        ga, gb_ = plsc.unpack(
                            gv, format=plsc.PackFormat.INTERLEAVED)
                        msg[r, pl.ds(16 * t, LANES)] = ha * ga
                        msg[r, pl.ds(DF // 2 + 16 * t, LANES)] = hb2 * gb_

            pltpu.sync_copy(msg, agg_sh.at[ibuf.at[dslot]], add=True)

        def start_idx(p, ibuf, sem):
            pltpu.make_async_copy(idx_hbm.at[w, p], ibuf, sem).start()

        def wait_idx(ibuf, sem):
            pltpu.make_async_copy(idx_hbm.at[w, 0], ibuf, sem).wait()

        pltpu.sync_copy(idx_hbm.at[w, 0], i0)
        issue(0, i0, 0, r0, g0, sem_h0, sem_g0)
        start_idx(1, i1, sem_i1)

        @pl.loop(0, nquad)
        def _(u):
            c0 = 4 * u
            wait_idx(i1, sem_i1)
            issue(c0 + 1, i0, 2, r1, g1, sem_h1, sem_g1)
            consume(i0, 1, r0, g0, sem_h0, sem_g0)
            issue(c0 + 2, i1, 0, r0, g0, sem_h0, sem_g0)
            consume(i0, 3, r1, g1, sem_h1, sem_g1)

            @pl.when(u < nquad - 1)
            def _():
                start_idx(2 * u + 2, i0, sem_i0)

            issue(c0 + 3, i1, 2, r1, g1, sem_h1, sem_g1)
            consume(i1, 1, r0, g0, sem_h0, sem_g0)

            @pl.when(u < nquad - 1)
            def _():
                wait_idx(i0, sem_i0)
                issue(c0 + 4, i0, 0, r0, g0, sem_h0, sem_g0)

            consume(i1, 3, r1, g1, sem_h1, sem_g1)

            @pl.when(u < nquad - 1)
            def _():
                start_idx(2 * u + 3, i1, sem_i1)

        plsc.subcore_barrier()

        @pl.when(s < WTILES)
        def _():
            pltpu.sync_copy(agg_sh.at[pl.ds(s * wrows, wrows)],
                            agg_hbm.at[c, pl.ds(s * wrows, wrows)])

    return sck(h, gate_w, idx4, zeros_hbm)


def kernel(x, edge_index, edge_attr, grouping_matrices_true, W_embed, b_embed,
           W_gate, b_gate, W_self, W_msg, b_h, W_assign, b_assign):
    n = x.shape[0]
    e = edge_index.shape[1]

    tile_edges = CHUNK * NW
    cpt = -(-(-(-e // tile_edges)) // 4) * 4
    e_pad = tile_edges * cpt
    pad = e_pad - e

    src = jnp.concatenate(
        [edge_index[0], jnp.arange(pad, dtype=jnp.int32) % n])
    dst = jnp.concatenate(
        [edge_index[1], jnp.arange(pad, dtype=jnp.int32) % n])
    nb = e_pad // 2048
    src3 = _chunk_order(src, nb, cpt)
    dst3 = _chunk_order(dst, nb, cpt)
    idx4 = jnp.stack(
        [src3[:, 0::2], dst3[:, 0::2], src3[:, 1::2], dst3[:, 1::2]], axis=2)

    zeros_hbm = jnp.zeros((n // WTILES, DF), jnp.float32)

    gate0, gate1 = _gates_tc(edge_attr, W_gate, b_gate, e, e_pad)
    h0, h0w = _embed_tc(x, W_embed, b_embed)

    agg0 = _sc_edge_layer(h0w, gate0, idx4, zeros_hbm, n, cpt)
    h1, h1w, s0, l0 = _post_tc(h0, agg0, W_self[0], W_msg[0], b_h[0],
                               W_assign[0], b_assign[0],
                               grouping_matrices_true[0])
    agg1 = _sc_edge_layer(h1w, gate1, idx4, zeros_hbm, n, cpt)
    h2, _, s1, l1 = _post_tc(h1, agg1, W_self[1], W_msg[1], b_h[1],
                             W_assign[1], b_assign[1],
                             grouping_matrices_true[1])

    return h2, jnp.stack([s0, s1]), jnp.stack([l0[0, 0], l1[0, 0]])

# --- scband reference (transcript-rebuilt; emitter-appended) ---
"""Pipeline reference for scband-group-mat-21380347200136 (READ-ONLY COPY).

The authoritative reference and input builder live on the scoring server;
editing this copy changes nothing except your own understanding.
"""

import jax, jax.numpy as jnp
import numpy as np

N = 10000
E = 320000
DF = 128   # num_feature == embedding_dim == hidden_dim
DE = 16    # edge attr dim
K = 64     # number of clusters (grouping matrix width)
L = 2      # num_clustering_layers


def setup_inputs(seed: int = 0) -> dict:
    key = jax.random.key(seed)
    ks = jax.random.split(key, 16)
    x = jax.random.normal(ks[0], (N, DF), dtype=jnp.float32)
    edge_index = jax.random.randint(ks[1], (2, E), 0, N, dtype=jnp.int32)
    edge_attr = jax.random.normal(ks[2], (E, DE), dtype=jnp.float32)
    grouping_matrices_true = jax.random.uniform(ks[3], (L, N, K), dtype=jnp.float32)
    s = 0.05
    W_embed = jax.random.normal(ks[4], (DF, DF), dtype=jnp.float32) * s
    b_embed = jnp.zeros((DF,), dtype=jnp.float32)
    W_gate = jax.random.normal(ks[5], (L, DE, DF), dtype=jnp.float32) * s
    b_gate = jnp.zeros((L, DF), dtype=jnp.float32)
    W_self = jax.random.normal(ks[6], (L, DF, DF), dtype=jnp.float32) * s
    W_msg = jax.random.normal(ks[7], (L, DF, DF), dtype=jnp.float32) * s
    b_h = jnp.zeros((L, DF), dtype=jnp.float32)
    W_assign = jax.random.normal(ks[8], (L, DF, K), dtype=jnp.float32) * s
    b_assign = jnp.zeros((L, K), dtype=jnp.float32)
    return {
        'x': x, 'edge_index': edge_index, 'edge_attr': edge_attr,
        'grouping_matrices_true': grouping_matrices_true,
        'W_embed': W_embed, 'b_embed': b_embed,
        'W_gate': W_gate, 'b_gate': b_gate,
        'W_self': W_self, 'W_msg': W_msg, 'b_h': b_h,
        'W_assign': W_assign, 'b_assign': b_assign,
    }


def reference(x, edge_index, edge_attr, grouping_matrices_true,
              W_embed, b_embed, W_gate, b_gate, W_self, W_msg, b_h,
              W_assign, b_assign):
    # linear_embed on 'note' node features
    h = x @ W_embed + b_embed
    src = edge_index[0]
    dst = edge_index[1]
    S_all = []
    losses = []
    for i in range(L):
        # GNN_Cluster layer: edge-gated message passing + soft cluster assignment
        gate = jax.nn.sigmoid(edge_attr @ W_gate[i] + b_gate[i])        # [E, DF]
        msg = jnp.take(h, src, axis=0) * gate                            # gather  [E, DF]
        agg = jax.ops.segment_sum(msg, dst, num_segments=N)              # scatter-add [N, DF]
        h_new = jax.nn.relu(h @ W_self[i] + agg @ W_msg[i] + b_h[i])     # [N, DF]
        S = jax.nn.softmax(h_new @ W_assign[i] + b_assign[i], axis=-1)   # clustering matrix [N, K]
        grouping_loss = jnp.mean((S - grouping_matrices_true[i]) ** 2)
        S_all.append(S)
        losses.append(grouping_loss)
        h = h_new
    # (x, cluster_results): clustering_matrices == grouping_matrix_preds == S per layer
    return (h, jnp.stack(S_all), jnp.stack(jnp.array(losses)))

if __name__ == "__main__":
    import jax
    _d = setup_inputs()
    print(jax.jit(kernel)(*tuple(_d.values())))

</pallas_src>

<mosaic_0001>
#map = affine_map<(d0, d1) -> (0, 0)>
#map1 = affine_map<(d0, d1) -> (0, 0, 0, 0)>
#map2 = affine_map<(d0, d1) -> (0, 0, 0)>
module attributes {stable_mosaic.version = 14 : i64} {
  func.func @sck(%arg0: i32, %arg1: i32, %arg2: memref<10000x64xi32, #tpu.memory_space<hbm>>, %arg3: memref<163840x128xi32, #tpu.memory_space<hbm>>, %arg4: memref<32x40x4x128xi32, #tpu.memory_space<hbm>>, %arg5: memref<1000x128xf32, #tpu.memory_space<hbm>>, %arg6: memref<2x10000x128xf32, #tpu.memory_space<hbm>>, %arg7: memref<4x128xi32, #tpu.memory_space<vmem>>, %arg8: memref<4x128xi32, #tpu.memory_space<vmem>>, %arg9: memref<128x64xi32, #tpu.memory_space<vmem>>, %arg10: memref<128x64xi32, #tpu.memory_space<vmem>>, %arg11: memref<64x128xi32, #tpu.memory_space<vmem>>, %arg12: memref<64x128xi32, #tpu.memory_space<vmem>>, %arg13: memref<128x128xf32, #tpu.memory_space<vmem>>, %arg14: memref<10000x128xf32, #tpu.memory_space<vmem_shared>>, %arg15: memref<!tpu.dma_semaphore, #tpu.memory_space<semaphore_mem>>, %arg16: memref<!tpu.dma_semaphore, #tpu.memory_space<semaphore_mem>>, %arg17: memref<!tpu.dma_semaphore, #tpu.memory_space<semaphore_mem>>, %arg18: memref<!tpu.dma_semaphore, #tpu.memory_space<semaphore_mem>>, %arg19: memref<!tpu.dma_semaphore, #tpu.memory_space<semaphore_mem>>, %arg20: memref<!tpu.dma_semaphore, #tpu.memory_space<semaphore_mem>>) attributes {dimension_semantics = [#tpu.dimension_semantics<core_parallel>, #tpu.dimension_semantics<subcore_parallel>], iteration_bounds = array<i64: 2, 16>, scalar_prefetch = 0 : i64, scratch_operands = 14 : i64, tpu.core_type = #tpu.core_type<sc_vector_subcore>, window_params = [{transform_indices = #map}, {transform_indices = #map}, {transform_indices = #map1}, {transform_indices = #map}, {transform_indices = #map2}]} {
    %mul3A = arith.constant 16 : i32
    %mul3A_0 = arith.muli %arg0, %mul3A : i32
    %add3A = arith.addi %mul3A_0, %arg1 : i32
    %lt3A = arith.constant 10 : i32
    %lt3A_1 = arith.cmpi slt, %arg1, %lt3A : i32
    %convert_element_type3A = arith.extui %lt3A_1 : i1 to i32
    %cond3A = arith.constant 0 : i32
    %cond3A_2 = arith.cmpi ne, %convert_element_type3A, %cond3A : i32
    scf.if %cond3A_2 {
      %mul3A_38 = arith.constant 1000 : i32
      %mul3A_39 = arith.muli %arg1, %mul3A_38 : i32
      "tpu.region"() ({
        %run_scoped3A_40 = tpu.sem_alloc : memref<!tpu.dma_semaphore, #tpu.memory_space<semaphore_mem>>
        %dma_start3A_41 = arith.constant 0 : i32
        %dma_start3A_42 = tpu.memref_slice %arg14[%mul3A_39, %dma_start3A_41] : memref<10000x128xf32, #tpu.memory_space<vmem_shared>> -> memref<1000x128xf32, #tpu.memory_space<vmem_shared>>
        tpu.enqueue_dma source(%arg5 : memref<1000x128xf32, #tpu.memory_space<hbm>>) target(%dma_start3A_42 : memref<1000x128xf32, #tpu.memory_space<vmem_shared>>) target_semaphore(%run_scoped3A_40 : memref<!tpu.dma_semaphore, #tpu.memory_space<semaphore_mem>>)
        %dma_wait3A = arith.constant 0 : i32
        %dma_wait3A_43 = tpu.memref_slice %arg14[%mul3A_39, %dma_wait3A] : memref<10000x128xf32, #tpu.memory_space<vmem_shared>> -> memref<1000x128xf32, #tpu.memory_space<vmem_shared>>
        tpu.wait_dma2 semaphore(%run_scoped3A_40 : memref<!tpu.dma_semaphore, #tpu.memory_space<semaphore_mem>>) src(%arg5 : memref<1000x128xf32, #tpu.memory_space<hbm>>) dst(%dma_wait3A_43 : memref<1000x128xf32, #tpu.memory_space<vmem_shared>>)
        tpu.yield
      }) : () -> ()
    } else {
    }
    %barrier3A = arith.constant 0 : index
    tpu.barrier barrier_id(%barrier3A)
    %mul3A_3 = arith.constant 80 : i32
    %mul3A_4 = arith.muli %add3A, %mul3A_3 : i32
    %mul3A_5 = arith.constant 64 : i32
    %mul3A_6 = arith.muli %mul3A_4, %mul3A_5 : i32
    %run_scoped3A = arith.constant 0 : i32
    "tpu.region"() ({
      %run_scoped3A_38 = tpu.sem_alloc : memref<!tpu.dma_semaphore, #tpu.memory_space<semaphore_mem>>
      %dma_start3A_39 = arith.constant 0 : i32
      %dma_start3A_40 = arith.constant 0 : i32
      %dma_start3A_41 = tpu.memref_slice %arg4[%add3A, %run_scoped3A, %dma_start3A_39, %dma_start3A_40] : memref<32x40x4x128xi32, #tpu.memory_space<hbm>> -> memref<1x1x4x128xi32, #tpu.memory_space<hbm>>
      %dma_start3A_42 = tpu.memref_squeeze %dma_start3A_41 : memref<1x1x4x128xi32, #tpu.memory_space<hbm>> -> memref<4x128xi32, #tpu.memory_space<hbm>>
      %dma_start3A_43 = arith.constant 0 : i32
      %dma_start3A_44 = arith.constant 0 : i32
      %dma_start3A_45 = tpu.memref_slice %arg4[%add3A, %run_scoped3A, %dma_start3A_43, %dma_start3A_44] : memref<32x40x4x128xi32, #tpu.memory_space<hbm>> -> memref<1x1x4x128xi32, #tpu.memory_space<hbm>>
      %dma_start3A_46 = tpu.memref_squeeze %dma_start3A_45 : memref<1x1x4x128xi32, #tpu.memory_space<hbm>> -> memref<4x128xi32, #tpu.memory_space<hbm>>
      tpu.enqueue_dma source(%dma_start3A_46 : memref<4x128xi32, #tpu.memory_space<hbm>>) target(%arg7 : memref<4x128xi32, #tpu.memory_space<vmem>>) target_semaphore(%run_scoped3A_38 : memref<!tpu.dma_semaphore, #tpu.memory_space<semaphore_mem>>)
      %dma_wait3A = arith.constant 0 : i32
      %dma_wait3A_47 = arith.constant 0 : i32
      %dma_wait3A_48 = tpu.memref_slice %arg4[%add3A, %run_scoped3A, %dma_wait3A, %dma_wait3A_47] : memref<32x40x4x128xi32, #tpu.memory_space<hbm>> -> memref<1x1x4x128xi32, #tpu.memory_space<hbm>>
      %dma_wait3A_49 = tpu.memref_squeeze %dma_wait3A_48 : memref<1x1x4x128xi32, #tpu.memory_space<hbm>> -> memref<4x128xi32, #tpu.memory_space<hbm>>
      %dma_wait3A_50 = arith.constant 0 : i32
      %dma_wait3A_51 = arith.constant 0 : i32
      %dma_wait3A_52 = tpu.memref_slice %arg4[%add3A, %run_scoped3A, %dma_wait3A_50, %dma_wait3A_51] : memref<32x40x4x128xi32, #tpu.memory_space<hbm>> -> memref<1x1x4x128xi32, #tpu.memory_space<hbm>>
      %dma_wait3A_53 = tpu.memref_squeeze %dma_wait3A_52 : memref<1x1x4x128xi32, #tpu.memory_space<hbm>> -> memref<4x128xi32, #tpu.memory_space<hbm>>
      tpu.wait_dma2 semaphore(%run_scoped3A_38 : memref<!tpu.dma_semaphore, #tpu.memory_space<semaphore_mem>>) src(%dma_wait3A_53 : memref<4x128xi32, #tpu.memory_space<hbm>>) dst(%arg7 : memref<4x128xi32, #tpu.memory_space<vmem>>)
      tpu.yield
    }) : () -> ()
    %dma_start3A = arith.constant 0 : i32
    %dma_start3A_7 = arith.constant 0 : i32
    %dma_start3A_8 = tpu.memref_slice %arg7[%dma_start3A, %dma_start3A_7] : memref<4x128xi32, #tpu.memory_space<vmem>> -> memref<1x128xi32, #tpu.memory_space<vmem>>
    %dma_start3A_9 = tpu.memref_squeeze %dma_start3A_8 : memref<1x128xi32, #tpu.memory_space<vmem>> -> memref<128xi32, #tpu.memory_space<vmem>>
    %dma_start3A_10 = arith.constant 0 : i32
    %dma_start3A_11 = arith.constant 0 : i32
    %dma_start3A_12 = tpu.memref_slice %arg2[%dma_start3A_10, %dma_start3A_11] : memref<10000x64xi32, #tpu.memory_space<hbm>> -> memref<10000x64xi32, #tpu.memory_space<hbm>>
    tpu.enqueue_indirect_dma source(%dma_start3A_12 : memref<10000x64xi32, #tpu.memory_space<hbm>>) target(%arg9 : memref<128x64xi32, #tpu.memory_space<vmem>>) offsets(%dma_start3A_9 : memref<128xi32, #tpu.memory_space<vmem>>) semaphore(%arg17 : memref<!tpu.dma_semaphore, #tpu.memory_space<semaphore_mem>>)
    %add3A_13 = arith.constant 0 : i32
    %add3A_14 = arith.addi %mul3A_6, %add3A_13 : i32
    %dma_start3A_15 = arith.constant 0 : i32
    %dma_start3A_16 = tpu.memref_slice %arg3[%add3A_14, %dma_start3A_15] : memref<163840x128xi32, #tpu.memory_space<hbm>> -> memref<64x128xi32, #tpu.memory_space<hbm>>
    %dma_start3A_17 = arith.constant 0 : i32
    %dma_start3A_18 = tpu.memref_slice %arg3[%add3A_14, %dma_start3A_17] : memref<163840x128xi32, #tpu.memory_space<hbm>> -> memref<64x128xi32, #tpu.memory_space<hbm>>
    tpu.enqueue_dma source(%dma_start3A_18 : memref<64x128xi32, #tpu.memory_space<hbm>>) target(%arg11 : memref<64x128xi32, #tpu.memory_space<vmem>>) target_semaphore(%arg19 : memref<!tpu.dma_semaphore, #tpu.memory_space<semaphore_mem>>)
    %dma_start3A_19 = arith.constant 1 : i32
    %dma_start3A_20 = arith.constant 0 : i32
    %dma_start3A_21 = arith.constant 0 : i32
    %dma_start3A_22 = tpu.memref_slice %arg4[%add3A, %dma_start3A_19, %dma_start3A_20, %dma_start3A_21] : memref<32x40x4x128xi32, #tpu.memory_space<hbm>> -> memref<1x1x4x128xi32, #tpu.memory_space<hbm>>
    %dma_start3A_23 = tpu.memref_squeeze %dma_start3A_22 : memref<1x1x4x128xi32, #tpu.memory_space<hbm>> -> memref<4x128xi32, #tpu.memory_space<hbm>>
    %dma_start3A_24 = arith.constant 0 : i32
    %dma_start3A_25 = arith.constant 0 : i32
    %dma_start3A_26 = tpu.memref_slice %arg4[%add3A, %dma_start3A_19, %dma_start3A_24, %dma_start3A_25] : memref<32x40x4x128xi32, #tpu.memory_space<hbm>> -> memref<1x1x4x128xi32, #tpu.memory_space<hbm>>
    %dma_start3A_27 = tpu.memref_squeeze %dma_start3A_26 : memref<1x1x4x128xi32, #tpu.memory_space<hbm>> -> memref<4x128xi32, #tpu.memory_space<hbm>>
    tpu.enqueue_dma source(%dma_start3A_27 : memref<4x128xi32, #tpu.memory_space<hbm>>) target(%arg8 : memref<4x128xi32, #tpu.memory_space<vmem>>) target_semaphore(%arg16 : memref<!tpu.dma_semaphore, #tpu.memory_space<semaphore_mem>>)
    %scan3A = arith.constant 0 : i32
    %scan3A_28 = arith.constant 20 : i32
    %scan3A_29 = arith.addi %scan3A, %scan3A_28 : i32
    %scan3A_30 = arith.constant 1 : i32
    scf.for %scan3A_38 = %scan3A to %scan3A_29 step %scan3A_30  : i32 {
      %mul3A_39 = arith.constant 1 : i32
      %mul3A_40 = arith.muli %scan3A_38, %mul3A_39 : i32
      %add3A_41 = arith.constant 0 : i32
      %add3A_42 = arith.addi %add3A_41, %mul3A_40 : i32
      %mul3A_43 = arith.constant 4 : i32
      %mul3A_44 = arith.muli %mul3A_43, %add3A_42 : i32
      %dma_wait3A = arith.constant 0 : i32
      %dma_wait3A_45 = arith.constant 0 : i32
      %dma_wait3A_46 = arith.constant 0 : i32
      %dma_wait3A_47 = tpu.memref_slice %arg4[%add3A, %dma_wait3A, %dma_wait3A_45, %dma_wait3A_46] : memref<32x40x4x128xi32, #tpu.memory_space<hbm>> -> memref<1x1x4x128xi32, #tpu.memory_space<hbm>>
      %dma_wait3A_48 = tpu.memref_squeeze %dma_wait3A_47 : memref<1x1x4x128xi32, #tpu.memory_space<hbm>> -> memref<4x128xi32, #tpu.memory_space<hbm>>
      %dma_wait3A_49 = arith.constant 0 : i32
      %dma_wait3A_50 = arith.constant 0 : i32
      %dma_wait3A_51 = tpu.memref_slice %arg4[%add3A, %dma_wait3A, %dma_wait3A_49, %dma_wait3A_50] : memref<32x40x4x128xi32, #tpu.memory_space<hbm>> -> memref<1x1x4x128xi32, #tpu.memory_space<hbm>>
      %dma_wait3A_52 = tpu.memref_squeeze %dma_wait3A_51 : memref<1x1x4x128xi32, #tpu.memory_space<hbm>> -> memref<4x128xi32, #tpu.memory_space<hbm>>
      tpu.wait_dma2 semaphore(%arg16 : memref<!tpu.dma_semaphore, #tpu.memory_space<semaphore_mem>>) src(%dma_wait3A_52 : memref<4x128xi32, #tpu.memory_space<hbm>>) dst(%arg8 : memref<4x128xi32, #tpu.memory_space<vmem>>)
      %add3A_53 = arith.constant 1 : i32
      %add3A_54 = arith.addi %mul3A_44, %add3A_53 : i32
      %dma_start3A_55 = arith.constant 2 : i32
      %dma_start3A_56 = arith.constant 0 : i32
      %dma_start3A_57 = tpu.memref_slice %arg7[%dma_start3A_55, %dma_start3A_56] : memref<4x128xi32, #tpu.memory_space<vmem>> -> memref<1x128xi32, #tpu.memory_space<vmem>>
      %dma_start3A_58 = tpu.memref_squeeze %dma_start3A_57 : memref<1x128xi32, #tpu.memory_space<vmem>> -> memref<128xi32, #tpu.memory_space<vmem>>
      %dma_start3A_59 = arith.constant 0 : i32
      %dma_start3A_60 = arith.constant 0 : i32
      %dma_start3A_61 = tpu.memref_slice %arg2[%dma_start3A_59, %dma_start3A_60] : memref<10000x64xi32, #tpu.memory_space<hbm>> -> memref<10000x64xi32, #tpu.memory_space<hbm>>
      tpu.enqueue_indirect_dma source(%dma_start3A_61 : memref<10000x64xi32, #tpu.memory_space<hbm>>) target(%arg10 : memref<128x64xi32, #tpu.memory_space<vmem>>) offsets(%dma_start3A_58 : memref<128xi32, #tpu.memory_space<vmem>>) semaphore(%arg18 : memref<!tpu.dma_semaphore, #tpu.memory_space<semaphore_mem>>)
      %mul3A_62 = arith.constant 64 : i32
      %mul3A_63 = arith.muli %add3A_54, %mul3A_62 : i32
      %add3A_64 = arith.addi %mul3A_6, %mul3A_63 : i32
      %dma_start3A_65 = arith.constant 0 : i32
      %dma_start3A_66 = tpu.memref_slice %arg3[%add3A_64, %dma_start3A_65] : memref<163840x128xi32, #tpu.memory_space<hbm>> -> memref<64x128xi32, #tpu.memory_space<hbm>>
      %dma_start3A_67 = arith.constant 0 : i32
      %dma_start3A_68 = tpu.memref_slice %arg3[%add3A_64, %dma_start3A_67] : memref<163840x128xi32, #tpu.memory_space<hbm>> -> memref<64x128xi32, #tpu.memory_space<hbm>>
      tpu.enqueue_dma source(%dma_start3A_68 : memref<64x128xi32, #tpu.memory_space<hbm>>) target(%arg12 : memref<64x128xi32, #tpu.memory_space<vmem>>) target_semaphore(%arg20 : memref<!tpu.dma_semaphore, #tpu.memory_space<semaphore_mem>>)
      %dma_wait3A_69 = arith.constant 0 : i32
      %dma_wait3A_70 = arith.constant 0 : i32
      %dma_wait3A_71 = tpu.memref_slice %arg2[%dma_wait3A_69, %dma_wait3A_70] : memref<10000x64xi32, #tpu.memory_space<hbm>> -> memref<128x64xi32, #tpu.memory_space<hbm>>
      %dma_wait3A_72 = arith.constant 0 : i32
      %dma_wait3A_73 = arith.constant 0 : i32
      %dma_wait3A_74 = tpu.memref_slice %arg2[%dma_wait3A_72, %dma_wait3A_73] : memref<10000x64xi32, #tpu.memory_space<hbm>> -> memref<128x64xi32, #tpu.memory_space<hbm>>
      tpu.wait_dma2 semaphore(%arg17 : memref<!tpu.dma_semaphore, #tpu.memory_space<semaphore_mem>>) src(%dma_wait3A_74 : memref<128x64xi32, #tpu.memory_space<hbm>>) dst(%arg9 : memref<128x64xi32, #tpu.memory_space<vmem>>)
      %dma_wait3A_75 = arith.constant 0 : i32
      %dma_wait3A_76 = arith.constant 0 : i32
      %dma_wait3A_77 = tpu.memref_slice %arg3[%dma_wait3A_75, %dma_wait3A_76] : memref<163840x128xi32, #tpu.memory_space<hbm>> -> memref<64x128xi32, #tpu.memory_space<hbm>>
      %dma_wait3A_78 = arith.constant 0 : i32
      %dma_wait3A_79 = arith.constant 0 : i32
      %dma_wait3A_80 = tpu.memref_slice %arg3[%dma_wait3A_78, %dma_wait3A_79] : memref<163840x128xi32, #tpu.memory_space<hbm>> -> memref<64x128xi32, #tpu.memory_space<hbm>>
      tpu.wait_dma2 semaphore(%arg19 : memref<!tpu.dma_semaphore, #tpu.memory_space<semaphore_mem>>) src(%dma_wait3A_80 : memref<64x128xi32, #tpu.memory_space<hbm>>) dst(%arg11 : memref<64x128xi32, #tpu.memory_space<vmem>>)
      %scan3A_81 = arith.constant 0 : i32
      %scan3A_82 = arith.constant 64 : i32
      %scan3A_83 = arith.addi %scan3A_81, %scan3A_82 : i32
      %scan3A_84 = arith.constant 1 : i32
      scf.for %scan3A_188 = %scan3A_81 to %scan3A_83 step %scan3A_84  : i32 {
        %mul3A_189 = arith.constant 1 : i32
        %mul3A_190 = arith.muli %scan3A_188, %mul3A_189 : i32
        %add3A_191 = arith.constant 0 : i32
        %add3A_192 = arith.addi %add3A_191, %mul3A_190 : i32
        %mul3A_193 = arith.constant 2 : i32
        %mul3A_194 = arith.muli %mul3A_193, %add3A_192 : i32
        %add3A_195 = arith.constant 0 : i32
        %add3A_196 = arith.addi %mul3A_194, %add3A_195 : i32
        %get3A = arith.index_cast %add3A_196 : i32 to index
        %get3A_197 = arith.constant 0 : index
        %get3A_198 = tpu.vector_load %arg9[%get3A, %get3A_197] {strides = array<i32>} : memref<128x64xi32, #tpu.memory_space<vmem>>, vector<16xi32>,
        %bitcast3A = vector.bitcast %get3A_198 : vector<16xi32> to vector<32xbf16>
        %get3A_199 = arith.index_cast %add3A_192 : i32 to index
        %get3A_200 = arith.constant 0 : index
        %get3A_201 = tpu.vector_load %arg11[%get3A_199, %get3A_200] {strides = array<i32>} : memref<64x128xi32, #tpu.memory_space<vmem>>, vector<16xi32>,
        %bitcast3A_202 = vector.bitcast %get3A_201 : vector<16xi32> to vector<32xbf16>
        %unpack3A = tpu.unpack_subelements %bitcast3A, 0 {pack_format = #tpu.pack_format<interleaved>} : vector<32xbf16> -> vector<16xf32>
        %unpack3A_203 = tpu.unpack_subelements %bitcast3A, 1 {pack_format = #tpu.pack_format<interleaved>} : vector<32xbf16> -> vector<16xf32>
        %unpack3A_204 = tpu.unpack_subelements %bitcast3A_202, 0 {pack_format = #tpu.pack_format<interleaved>} : vector<32xbf16> -> vector<16xf32>
        %unpack3A_205 = tpu.unpack_subelements %bitcast3A_202, 1 {pack_format = #tpu.pack_format<interleaved>} : vector<32xbf16> -> vector<16xf32>
        %mul3A_206 = arith.mulf %unpack3A, %unpack3A_204 : vector<16xf32>
        %swap3A = arith.index_cast %add3A_196 : i32 to index
        %swap3A_207 = arith.constant 0 : index
        %swap3A_208 = tpu.vector_load %arg13[%swap3A, %swap3A_207] {strides = array<i32>} : memref<128x128xf32, #tpu.memory_space<vmem>>, vector<16xf32>,
        tpu.vector_store %arg13[%swap3A, %swap3A_207], %mul3A_206 {strides = array<i32>} : memref<128x128xf32, #tpu.memory_space<vmem>>, vector<16xf32>,
        %mul3A_209 = arith.mulf %unpack3A_203, %unpack3A_205 : vector<16xf32>
        %swap3A_210 = arith.index_cast %add3A_196 : i32 to index
        %swap3A_211 = arith.constant 64 : index
        %swap3A_212 = tpu.vector_load %arg13[%swap3A_210, %swap3A_211] {strides = array<i32>} : memref<128x128xf32, #tpu.memory_space<vmem>>, vector<16xf32>,
        tpu.vector_store %arg13[%swap3A_210, %swap3A_211], %mul3A_209 {strides = array<i32>} : memref<128x128xf32, #tpu.memory_space<vmem>>, vector<16xf32>,
        %get3A_213 = arith.index_cast %add3A_196 : i32 to index
        %get3A_214 = arith.constant 16 : index
        %get3A_215 = tpu.vector_load %arg9[%get3A_213, %get3A_214] {strides = array<i32>} : memref<128x64xi32, #tpu.memory_space<vmem>>, vector<16xi32>,
        %bitcast3A_216 = vector.bitcast %get3A_215 : vector<16xi32> to vector<32xbf16>
        %get3A_217 = arith.index_cast %add3A_192 : i32 to index
        %get3A_218 = arith.constant 16 : index
        %get3A_219 = tpu.vector_load %arg11[%get3A_217, %get3A_218] {strides = array<i32>} : memref<64x128xi32, #tpu.memory_space<vmem>>, vector<16xi32>,
        %bitcast3A_220 = vector.bitcast %get3A_219 : vector<16xi32> to vector<32xbf16>
        %unpack3A_221 = tpu.unpack_subelements %bitcast3A_216, 0 {pack_format = #tpu.pack_format<interleaved>} : vector<32xbf16> -> vector<16xf32>
        %unpack3A_222 = tpu.unpack_subelements %bitcast3A_216, 1 {pack_format = #tpu.pack_format<interleaved>} : vector<32xbf16> -> vector<16xf32>
        %unpack3A_223 = tpu.unpack_subelements %bitcast3A_220, 0 {pack_format = #tpu.pack_format<interleaved>} : vector<32xbf16> -> vector<16xf32>
        %unpack3A_224 = tpu.unpack_subelements %bitcast3A_220, 1 {pack_format = #tpu.pack_format<interleaved>} : vector<32xbf16> -> vector<16xf32>
        %mul3A_225 = arith.mulf %unpack3A_221, %unpack3A_223 : vector<16xf32>
        %swap3A_226 = arith.index_cast %add3A_196 : i32 to index
        %swap3A_227 = arith.constant 16 : index
        %swap3A_228 = tpu.vector_load %arg13[%swap3A_226, %swap3A_227] {strides = array<i32>} : memref<128x128xf32, #tpu.memory_space<vmem>>, vector<16xf32>,
        tpu.vector_store %arg13[%swap3A_226, %swap3A_227], %mul3A_225 {strides = array<i32>} : memref<128x128xf32, #tpu.memory_space<vmem>>, vector<16xf32>,
        %mul3A_229 = arith.mulf %unpack3A_222, %unpack3A_224 : vector<16xf32>
        %swap3A_230 = arith.index_cast %add3A_196 : i32 to index
        %swap3A_231 = arith.constant 80 : index
        %swap3A_232 = tpu.vector_load %arg13[%swap3A_230, %swap3A_231] {strides = array<i32>} : memref<128x128xf32, #tpu.memory_space<vmem>>, vector<16xf32>,
        tpu.vector_store %arg13[%swap3A_230, %swap3A_231], %mul3A_229 {strides = array<i32>} : memref<128x128xf32, #tpu.memory_space<vmem>>, vector<16xf32>,
        %get3A_233 = arith.index_cast %add3A_196 : i32 to index
        %get3A_234 = arith.constant 32 : index
        %get3A_235 = tpu.vector_load %arg9[%get3A_233, %get3A_234] {strides = array<i32>} : memref<128x64xi32, #tpu.memory_space<vmem>>, vector<16xi32>,
        %bitcast3A_236 = vector.bitcast %get3A_235 : vector<16xi32> to vector<32xbf16>
        %get3A_237 = arith.index_cast %add3A_192 : i32 to index
        %get3A_238 = arith.constant 32 : index
        %get3A_239 = tpu.vector_load %arg11[%get3A_237, %get3A_238] {strides = array<i32>} : memref<64x128xi32, #tpu.memory_space<vmem>>, vector<16xi32>,
        %bitcast3A_240 = vector.bitcast %get3A_239 : vector<16xi32> to vector<32xbf16>
        %unpack3A_241 = tpu.unpack_subelements %bitcast3A_236, 0 {pack_format = #tpu.pack_format<interleaved>} : vector<32xbf16> -> vector<16xf32>
        %unpack3A_242 = tpu.unpack_subelements %bitcast3A_236, 1 {pack_format = #tpu.pack_format<interleaved>} : vector<32xbf16> -> vector<16xf32>
        %unpack3A_243 = tpu.unpack_subelements %bitcast3A_240, 0 {pack_format = #tpu.pack_format<interleaved>} : vector<32xbf16> -> vector<16xf32>
        %unpack3A_244 = tpu.unpack_subelements %bitcast3A_240, 1 {pack_format = #tpu.pack_format<interleaved>} : vector<32xbf16> -> vector<16xf32>
        %mul3A_245 = arith.mulf %unpack3A_241, %unpack3A_243 : vector<16xf32>
        %swap3A_246 = arith.index_cast %add3A_196 : i32 to index
        %swap3A_247 = arith.constant 32 : index
        %swap3A_248 = tpu.vector_load %arg13[%swap3A_246, %swap3A_247] {strides = array<i32>} : memref<128x128xf32, #tpu.memory_space<vmem>>, vector<16xf32>,
        tpu.vector_store %arg13[%swap3A_246, %swap3A_247], %mul3A_245 {strides = array<i32>} : memref<128x128xf32, #tpu.memory_space<vmem>>, vector<16xf32>,
        %mul3A_249 = arith.mulf %unpack3A_242, %unpack3A_244 : vector<16xf32>
        %swap3A_250 = arith.index_cast %add3A_196 : i32 to index
        %swap3A_251 = arith.constant 96 : index
        %swap3A_252 = tpu.vector_load %arg13[%swap3A_250, %swap3A_251] {strides = array<i32>} : memref<128x128xf32, #tpu.memory_space<vmem>>, vector<16xf32>,
        tpu.vector_store %arg13[%swap3A_250, %swap3A_251], %mul3A_249 {strides = array<i32>} : memref<128x128xf32, #tpu.memory_space<vmem>>, vector<16xf32>,
        %get3A_253 = arith.index_cast %add3A_196 : i32 to index
        %get3A_254 = arith.constant 48 : index
        %get3A_255 = tpu.vector_load %arg9[%get3A_253, %get3A_254] {strides = array<i32>} : memref<128x64xi32, #tpu.memory_space<vmem>>, vector<16xi32>,
        %bitcast3A_256 = vector.bitcast %get3A_255 : vector<16xi32> to vector<32xbf16>
        %get3A_257 = arith.index_cast %add3A_192 : i32 to index
        %get3A_258 = arith.constant 48 : index
        %get3A_259 = tpu.vector_load %arg11[%get3A_257, %get3A_258] {strides = array<i32>} : memref<64x128xi32, #tpu.memory_space<vmem>>, vector<16xi32>,
        %bitcast3A_260 = vector.bitcast %get3A_259 : vector<16xi32> to vector<32xbf16>
        %unpack3A_261 = tpu.unpack_subelements %bitcast3A_256, 0 {pack_format = #tpu.pack_format<interleaved>} : vector<32xbf16> -> vector<16xf32>
        %unpack3A_262 = tpu.unpack_subelements %bitcast3A_256, 1 {pack_format = #tpu.pack_format<interleaved>} : vector<32xbf16> -> vector<16xf32>
        %unpack3A_263 = tpu.unpack_subelements %bitcast3A_260, 0 {pack_format = #tpu.pack_format<interleaved>} : vector<32xbf16> -> vector<16xf32>
        %unpack3A_264 = tpu.unpack_subelements %bitcast3A_260, 1 {pack_format = #tpu.pack_format<interleaved>} : vector<32xbf16> -> vector<16xf32>
        %mul3A_265 = arith.mulf %unpack3A_261, %unpack3A_263 : vector<16xf32>
        %swap3A_266 = arith.index_cast %add3A_196 : i32 to index
        %swap3A_267 = arith.constant 48 : index
        %swap3A_268 = tpu.vector_load %arg13[%swap3A_266, %swap3A_267] {strides = array<i32>} : memref<128x128xf32, #tpu.memory_space<vmem>>, vector<16xf32>,
        tpu.vector_store %arg13[%swap3A_266, %swap3A_267], %mul3A_265 {strides = array<i32>} : memref<128x128xf32, #tpu.memory_space<vmem>>, vector<16xf32>,
        %mul3A_269 = arith.mulf %unpack3A_262, %unpack3A_264 : vector<16xf32>
        %swap3A_270 = arith.index_cast %add3A_196 : i32 to index
        %swap3A_271 = arith.constant 112 : index
        %swap3A_272 = tpu.vector_load %arg13[%swap3A_270, %swap3A_271] {strides = array<i32>} : memref<128x128xf32, #tpu.memory_space<vmem>>, vector<16xf32>,
        tpu.vector_store %arg13[%swap3A_270, %swap3A_271], %mul3A_269 {strides = array<i32>} : memref<128x128xf32, #tpu.memory_space<vmem>>, vector<16xf32>,
        %mul3A_273 = arith.constant 2 : i32
        %mul3A_274 = arith.muli %mul3A_273, %add3A_192 : i32
        %add3A_275 = arith.constant 1 : i32
        %add3A_276 = arith.addi %mul3A_274, %add3A_275 : i32
        %get3A_277 = arith.index_cast %add3A_276 : i32 to index
        %get3A_278 = arith.constant 0 : index
        %get3A_279 = tpu.vector_load %arg9[%get3A_277, %get3A_278] {strides = array<i32>} : memref<128x64xi32, #tpu.memory_space<vmem>>, vector<16xi32>,
        %bitcast3A_280 = vector.bitcast %get3A_279 : vector<16xi32> to vector<32xbf16>
        %get3A_281 = arith.index_cast %add3A_192 : i32 to index
        %get3A_282 = arith.constant 64 : index
        %get3A_283 = tpu.vector_load %arg11[%get3A_281, %get3A_282] {strides = array<i32>} : memref<64x128xi32, #tpu.memory_space<vmem>>, vector<16xi32>,
        %bitcast3A_284 = vector.bitcast %get3A_283 : vector<16xi32> to vector<32xbf16>
        %unpack3A_285 = tpu.unpack_subelements %bitcast3A_280, 0 {pack_format = #tpu.pack_format<interleaved>} : vector<32xbf16> -> vector<16xf32>
        %unpack3A_286 = tpu.unpack_subelements %bitcast3A_280, 1 {pack_format = #tpu.pack_format<interleaved>} : vector<32xbf16> -> vector<16xf32>
        %unpack3A_287 = tpu.unpack_subelements %bitcast3A_284, 0 {pack_format = #tpu.pack_format<interleaved>} : vector<32xbf16> -> vector<16xf32>
        %unpack3A_288 = tpu.unpack_subelements %bitcast3A_284, 1 {pack_format = #tpu.pack_format<interleaved>} : vector<32xbf16> -> vector<16xf32>
        %mul3A_289 = arith.mulf %unpack3A_285, %unpack3A_287 : vector<16xf32>
        %swap3A_290 = arith.index_cast %add3A_276 : i32 to index
        %swap3A_291 = arith.constant 0 : index
        %swap3A_292 = tpu.vector_load %arg13[%swap3A_290, %swap3A_291] {strides = array<i32>} : memref<128x128xf32, #tpu.memory_space<vmem>>, vector<16xf32>,
        tpu.vector_store %arg13[%swap3A_290, %swap3A_291], %mul3A_289 {strides = array<i32>} : memref<128x128xf32, #tpu.memory_space<vmem>>, vector<16xf32>,
        %mul3A_293 = arith.mulf %unpack3A_286, %unpack3A_288 : vector<16xf32>
        %swap3A_294 = arith.index_cast %add3A_276 : i32 to index
        %swap3A_295 = arith.constant 64 : index
        %swap3A_296 = tpu.vector_load %arg13[%swap3A_294, %swap3A_295] {strides = array<i32>} : memref<128x128xf32, #tpu.memory_space<vmem>>, vector<16xf32>,
        tpu.vector_store %arg13[%swap3A_294, %swap3A_295], %mul3A_293 {strides = array<i32>} : memref<128x128xf32, #tpu.memory_space<vmem>>, vector<16xf32>,
        %get3A_297 = arith.index_cast %add3A_276 : i32 to index
        %get3A_298 = arith.constant 16 : index
        %get3A_299 = tpu.vector_load %arg9[%get3A_297, %get3A_298] {strides = array<i32>} : memref<128x64xi32, #tpu.memory_space<vmem>>, vector<16xi32>,
        %bitcast3A_300 = vector.bitcast %get3A_299 : vector<16xi32> to vector<32xbf16>
        %get3A_301 = arith.index_cast %add3A_192 : i32 to index
        %get3A_302 = arith.constant 80 : index
        %get3A_303 = tpu.vector_load %arg11[%get3A_301, %get3A_302] {strides = array<i32>} : memref<64x128xi32, #tpu.memory_space<vmem>>, vector<16xi32>,
        %bitcast3A_304 = vector.bitcast %get3A_303 : vector<16xi32> to vector<32xbf16>
        %unpack3A_305 = tpu.unpack_subelements %bitcast3A_300, 0 {pack_format = #tpu.pack_format<interleaved>} : vector<32xbf16> -> vector<16xf32>
        %unpack3A_306 = tpu.unpack_subelements %bitcast3A_300, 1 {pack_format = #tpu.pack_format<interleaved>} : vector<32xbf16> -> vector<16xf32>
        %unpack3A_307 = tpu.unpack_subelements %bitcast3A_304, 0 {pack_format = #tpu.pack_format<interleaved>} : vector<32xbf16> -> vector<16xf32>
        %unpack3A_308 = tpu.unpack_subelements %bitcast3A_304, 1 {pack_format = #tpu.pack_format<interleaved>} : vector<32xbf16> -> vector<16xf32>
        %mul3A_309 = arith.mulf %unpack3A_305, %unpack3A_307 : vector<16xf32>
        %swap3A_310 = arith.index_cast %add3A_276 : i32 to index
        %swap3A_311 = arith.constant 16 : index
        %swap3A_312 = tpu.vector_load %arg13[%swap3A_310, %swap3A_311] {strides = array<i32>} : memref<128x128xf32, #tpu.memory_space<vmem>>, vector<16xf32>,
        tpu.vector_store %arg13[%swap3A_310, %swap3A_311], %mul3A_309 {strides = array<i32>} : memref<128x128xf32, #tpu.memory_space<vmem>>, vector<16xf32>,
        %mul3A_313 = arith.mulf %unpack3A_306, %unpack3A_308 : vector<16xf32>
        %swap3A_314 = arith.index_cast %add3A_276 : i32 to index
        %swap3A_315 = arith.constant 80 : index
        %swap3A_316 = tpu.vector_load %arg13[%swap3A_314, %swap3A_315] {strides = array<i32>} : memref<128x128xf32, #tpu.memory_space<vmem>>, vector<16xf32>,
        tpu.vector_store %arg13[%swap3A_314, %swap3A_315], %mul3A_313 {strides = array<i32>} : memref<128x128xf32, #tpu.memory_space<vmem>>, vector<16xf32>,
        %get3A_317 = arith.index_cast %add3A_276 : i32 to index
        %get3A_318 = arith.constant 32 : index
        %get3A_319 = tpu.vector_load %arg9[%get3A_317, %get3A_318] {strides = array<i32>} : memref<128x64xi32, #tpu.memory_space<vmem>>, vector<16xi32>,
        %bitcast3A_320 = vector.bitcast %get3A_319 : vector<16xi32> to vector<32xbf16>
        %get3A_321 = arith.index_cast %add3A_192 : i32 to index
        %get3A_322 = arith.constant 96 : index
        %get3A_323 = tpu.vector_load %arg11[%get3A_321, %get3A_322] {strides = array<i32>} : memref<64x128xi32, #tpu.memory_space<vmem>>, vector<16xi32>,
        %bitcast3A_324 = vector.bitcast %get3A_323 : vector<16xi32> to vector<32xbf16>
        %unpack3A_325 = tpu.unpack_subelements %bitcast3A_320, 0 {pack_format = #tpu.pack_format<interleaved>} : vector<32xbf16> -> vector<16xf32>
        %unpack3A_326 = tpu.unpack_subelements %bitcast3A_320, 1 {pack_format = #tpu.pack_format<interleaved>} : vector<32xbf16> -> vector<16xf32>
        %unpack3A_327 = tpu.unpack_subelements %bitcast3A_324, 0 {pack_format = #tpu.pack_format<interleaved>} : vector<32xbf16> -> vector<16xf32>
        %unpack3A_328 = tpu.unpack_subelements %bitcast3A_324, 1 {pack_format = #tpu.pack_format<interleaved>} : vector<32xbf16> -> vector<16xf32>
        %mul3A_329 = arith.mulf %unpack3A_325, %unpack3A_327 : vector<16xf32>
        %swap3A_330 = arith.index_cast %add3A_276 : i32 to index
        %swap3A_331 = arith.constant 32 : index
        %swap3A_332 = tpu.vector_load %arg13[%swap3A_330, %swap3A_331] {strides = array<i32>} : memref<128x128xf32, #tpu.memory_space<vmem>>, vector<16xf32>,
        tpu.vector_store %arg13[%swap3A_330, %swap3A_331], %mul3A_329 {strides = array<i32>} : memref<128x128xf32, #tpu.memory_space<vmem>>, vector<16xf32>,
        %mul3A_333 = arith.mulf %unpack3A_326, %unpack3A_328 : vector<16xf32>
        %swap3A_334 = arith.index_cast %add3A_276 : i32 to index
        %swap3A_335 = arith.constant 96 : index
        %swap3A_336 = tpu.vector_load %arg13[%swap3A_334, %swap3A_335] {strides = array<i32>} : memref<128x128xf32, #tpu.memory_space<vmem>>, vector<16xf32>,
        tpu.vector_store %arg13[%swap3A_334, %swap3A_335], %mul3A_333 {strides = array<i32>} : memref<128x128xf32, #tpu.memory_space<vmem>>, vector<16xf32>,
        %get3A_337 = arith.index_cast %add3A_276 : i32 to index
        %get3A_338 = arith.constant 48 : index
        %get3A_339 = tpu.vector_load %arg9[%get3A_337, %get3A_338] {strides = array<i32>} : memref<128x64xi32, #tpu.memory_space<vmem>>, vector<16xi32>,
        %bitcast3A_340 = vector.bitcast %get3A_339 : vector<16xi32> to vector<32xbf16>
        %get3A_341 = arith.index_cast %add3A_192 : i32 to index
        %get3A_342 = arith.constant 112 : index
        %get3A_343 = tpu.vector_load %arg11[%get3A_341, %get3A_342] {strides = array<i32>} : memref<64x128xi32, #tpu.memory_space<vmem>>, vector<16xi32>,
        %bitcast3A_344 = vector.bitcast %get3A_343 : vector<16xi32> to vector<32xbf16>
        %unpack3A_345 = tpu.unpack_subelements %bitcast3A_340, 0 {pack_format = #tpu.pack_format<interleaved>} : vector<32xbf16> -> vector<16xf32>
        %unpack3A_346 = tpu.unpack_subelements %bitcast3A_340, 1 {pack_format = #tpu.pack_format<interleaved>} : vector<32xbf16> -> vector<16xf32>
        %unpack3A_347 = tpu.unpack_subelements %bitcast3A_344, 0 {pack_format = #tpu.pack_format<interleaved>} : vector<32xbf16> -> vector<16xf32>
        %unpack3A_348 = tpu.unpack_subelements %bitcast3A_344, 1 {pack_format = #tpu.pack_format<interleaved>} : vector<32xbf16> -> vector<16xf32>
        %mul3A_349 = arith.mulf %unpack3A_345, %unpack3A_347 : vector<16xf32>
        %swap3A_350 = arith.index_cast %add3A_276 : i32 to index
        %swap3A_351 = arith.constant 48 : index
        %swap3A_352 = tpu.vector_load %arg13[%swap3A_350, %swap3A_351] {strides = array<i32>} : memref<128x128xf32, #tpu.memory_space<vmem>>, vector<16xf32>,
        tpu.vector_store %arg13[%swap3A_350, %swap3A_351], %mul3A_349 {strides = array<i32>} : memref<128x128xf32, #tpu.memory_space<vmem>>, vector<16xf32>,
        %mul3A_353 = arith.mulf %unpack3A_346, %unpack3A_348 : vector<16xf32>
        %swap3A_354 = arith.index_cast %add3A_276 : i32 to index
        %swap3A_355 = arith.constant 112 : index
        %swap3A_356 = tpu.vector_load %arg13[%swap3A_354, %swap3A_355] {strides = array<i32>} : memref<128x128xf32, #tpu.memory_space<vmem>>, vector<16xf32>,
        tpu.vector_store %arg13[%swap3A_354, %swap3A_355], %mul3A_353 {strides = array<i32>} : memref<128x128xf32, #tpu.memory_space<vmem>>, vector<16xf32>,
      }
      %scan3A_85 = arith.constant 64 : i32
      %run_scoped3A_86 = arith.constant 1 : i32
      "tpu.region"() ({
        %run_scoped3A_188 = tpu.sem_alloc : memref<!tpu.dma_semaphore, #tpu.memory_space<semaphore_mem>>
        %dma_start3A_189 = arith.constant 0 : i32
        %dma_start3A_190 = tpu.memref_slice %arg7[%run_scoped3A_86, %dma_start3A_189] : memref<4x128xi32, #tpu.memory_space<vmem>> -> memref<1x128xi32, #tpu.memory_space<vmem>>
        %dma_start3A_191 = tpu.memref_squeeze %dma_start3A_190 : memref<1x128xi32, #tpu.memory_space<vmem>> -> memref<128xi32, #tpu.memory_space<vmem>>
        %dma_start3A_192 = arith.constant 0 : i32
        %dma_start3A_193 = arith.constant 0 : i32
        %dma_start3A_194 = tpu.memref_slice %arg14[%dma_start3A_192, %dma_start3A_193] : memref<10000x128xf32, #tpu.memory_space<vmem_shared>> -> memref<10000x128xf32, #tpu.memory_space<vmem_shared>>
        tpu.enqueue_indirect_dma source(%arg13 : memref<128x128xf32, #tpu.memory_space<vmem>>) target(%dma_start3A_194 : memref<10000x128xf32, #tpu.memory_space<vmem_shared>>) offsets(%dma_start3A_191 : memref<128xi32, #tpu.memory_space<vmem>>) semaphore(%run_scoped3A_188 : memref<!tpu.dma_semaphore, #tpu.memory_space<semaphore_mem>>) {add = true}
        %dma_wait3A_195 = arith.constant 0 : i32
        %dma_wait3A_196 = tpu.memref_slice %arg7[%run_scoped3A_86, %dma_wait3A_195] : memref<4x128xi32, #tpu.memory_space<vmem>> -> memref<1x128xi32, #tpu.memory_space<vmem>>
        %dma_wait3A_197 = tpu.memref_squeeze %dma_wait3A_196 : memref<1x128xi32, #tpu.memory_space<vmem>> -> memref<128xi32, #tpu.memory_space<vmem>>
        %dma_wait3A_198 = arith.constant 0 : i32
        %dma_wait3A_199 = arith.constant 0 : i32
        %dma_wait3A_200 = tpu.memref_slice %arg14[%dma_wait3A_198, %dma_wait3A_199] : memref<10000x128xf32, #tpu.memory_space<vmem_shared>> -> memref<10000x128xf32, #tpu.memory_space<vmem_shared>>
        tpu.wait_indirect_dma semaphore(%run_scoped3A_188 : memref<!tpu.dma_semaphore, #tpu.memory_space<semaphore_mem>>) src(%arg13 : memref<128x128xf32, #tpu.memory_space<vmem>>) dst(%dma_wait3A_200 : memref<10000x128xf32, #tpu.memory_space<vmem_shared>>)
        tpu.yield
      }) : () -> ()
      %add3A_87 = arith.constant 2 : i32
      %add3A_88 = arith.addi %mul3A_44, %add3A_87 : i32
      %dma_start3A_89 = arith.constant 0 : i32
      %dma_start3A_90 = arith.constant 0 : i32
      %dma_start3A_91 = tpu.memref_slice %arg8[%dma_start3A_89, %dma_start3A_90] : memref<4x128xi32, #tpu.memory_space<vmem>> -> memref<1x128xi32, #tpu.memory_space<vmem>>
      %dma_start3A_92 = tpu.memref_squeeze %dma_start3A_91 : memref<1x128xi32, #tpu.memory_space<vmem>> -> memref<128xi32, #tpu.memory_space<vmem>>
      %dma_start3A_93 = arith.constant 0 : i32
      %dma_start3A_94 = arith.constant 0 : i32
      %dma_start3A_95 = tpu.memref_slice %arg2[%dma_start3A_93, %dma_start3A_94] : memref<10000x64xi32, #tpu.memory_space<hbm>> -> memref<10000x64xi32, #tpu.memory_space<hbm>>
      tpu.enqueue_indirect_dma source(%dma_start3A_95 : memref<10000x64xi32, #tpu.memory_space<hbm>>) target(%arg9 : memref<128x64xi32, #tpu.memory_space<vmem>>) offsets(%dma_start3A_92 : memref<128xi32, #tpu.memory_space<vmem>>) semaphore(%arg17 : memref<!tpu.dma_semaphore, #tpu.memory_space<semaphore_mem>>)
      %mul3A_96 = arith.constant 64 : i32
      %mul3A_97 = arith.muli %add3A_88, %mul3A_96 : i32
      %add3A_98 = arith.addi %mul3A_6, %mul3A_97 : i32
      %dma_start3A_99 = arith.constant 0 : i32
      %dma_start3A_100 = tpu.memref_slice %arg3[%add3A_98, %dma_start3A_99] : memref<163840x128xi32, #tpu.memory_space<hbm>> -> memref<64x128xi32, #tpu.memory_space<hbm>>
      %dma_start3A_101 = arith.constant 0 : i32
      %dma_start3A_102 = tpu.memref_slice %arg3[%add3A_98, %dma_start3A_101] : memref<163840x128xi32, #tpu.memory_space<hbm>> -> memref<64x128xi32, #tpu.memory_space<hbm>>
      tpu.enqueue_dma source(%dma_start3A_102 : memref<64x128xi32, #tpu.memory_space<hbm>>) target(%arg11 : memref<64x128xi32, #tpu.memory_space<vmem>>) target_semaphore(%arg19 : memref<!tpu.dma_semaphore, #tpu.memory_space<semaphore_mem>>)
      %dma_wait3A_103 = arith.constant 0 : i32
      %dma_wait3A_104 = arith.constant 0 : i32
      %dma_wait3A_105 = tpu.memref_slice %arg2[%dma_wait3A_103, %dma_wait3A_104] : memref<10000x64xi32, #tpu.memory_space<hbm>> -> memref<128x64xi32, #tpu.memory_space<hbm>>
      %dma_wait3A_106 = arith.constant 0 : i32
      %dma_wait3A_107 = arith.constant 0 : i32
      %dma_wait3A_108 = tpu.memref_slice %arg2[%dma_wait3A_106, %dma_wait3A_107] : memref<10000x64xi32, #tpu.memory_space<hbm>> -> memref<128x64xi32, #tpu.memory_space<hbm>>
      tpu.wait_dma2 semaphore(%arg18 : memref<!tpu.dma_semaphore, #tpu.memory_space<semaphore_mem>>) src(%dma_wait3A_108 : memref<128x64xi32, #tpu.memory_space<hbm>>) dst(%arg10 : memref<128x64xi32, #tpu.memory_space<vmem>>)
      %dma_wait3A_109 = arith.constant 0 : i32
      %dma_wait3A_110 = arith.constant 0 : i32
      %dma_wait3A_111 = tpu.memref_slice %arg3[%dma_wait3A_109, %dma_wait3A_110] : memref<163840x128xi32, #tpu.memory_space<hbm>> -> memref<64x128xi32, #tpu.memory_space<hbm>>
      %dma_wait3A_112 = arith.constant 0 : i32
      %dma_wait3A_113 = arith.constant 0 : i32
      %dma_wait3A_114 = tpu.memref_slice %arg3[%dma_wait3A_112, %dma_wait3A_113] : memref<163840x128xi32, #tpu.memory_space<hbm>> -> memref<64x128xi32, #tpu.memory_space<hbm>>
      tpu.wait_dma2 semaphore(%arg20 : memref<!tpu.dma_semaphore, #tpu.memory_space<semaphore_mem>>) src(%dma_wait3A_114 : memref<64x128xi32, #tpu.memory_space<hbm>>) dst(%arg12 : memref<64x128xi32, #tpu.memory_space<vmem>>)
      %scan3A_115 = arith.constant 0 : i32
      %scan3A_116 = arith.constant 64 : i32
      %scan3A_117 = arith.addi %scan3A_115, %scan3A_116 : i32
      %scan3A_118 = arith.constant 1 : i32
      scf.for %scan3A_188 = %scan3A_115 to %scan3A_117 step %scan3A_118  : i32 {
        %mul3A_189 = arith.constant 1 : i32
        %mul3A_190 = arith.muli %scan3A_188, %mul3A_189 : i32
        %add3A_191 = arith.constant 0 : i32
        %add3A_192 = arith.addi %add3A_191, %mul3A_190 : i32
        %mul3A_193 = arith.constant 2 : i32
        %mul3A_194 = arith.muli %mul3A_193, %add3A_192 : i32
        %add3A_195 = arith.constant 0 : i32
        %add3A_196 = arith.addi %mul3A_194, %add3A_195 : i32
        %get3A = arith.index_cast %add3A_196 : i32 to index
        %get3A_197 = arith.constant 0 : index
        %get3A_198 = tpu.vector_load %arg10[%get3A, %get3A_197] {strides = array<i32>} : memref<128x64xi32, #tpu.memory_space<vmem>>, vector<16xi32>,
        %bitcast3A = vector.bitcast %get3A_198 : vector<16xi32> to vector<32xbf16>
        %get3A_199 = arith.index_cast %add3A_192 : i32 to index
        %get3A_200 = arith.constant 0 : index
        %get3A_201 = tpu.vector_load %arg12[%get3A_199, %get3A_200] {strides = array<i32>} : memref<64x128xi32, #tpu.memory_space<vmem>>, vector<16xi32>,
        %bitcast3A_202 = vector.bitcast %get3A_201 : vector<16xi32> to vector<32xbf16>
        %unpack3A = tpu.unpack_subelements %bitcast3A, 0 {pack_format = #tpu.pack_format<interleaved>} : vector<32xbf16> -> vector<16xf32>
        %unpack3A_203 = tpu.unpack_subelements %bitcast3A, 1 {pack_format = #tpu.pack_format<interleaved>} : vector<32xbf16> -> vector<16xf32>
        %unpack3A_204 = tpu.unpack_subelements %bitcast3A_202, 0 {pack_format = #tpu.pack_format<interleaved>} : vector<32xbf16> -> vector<16xf32>
        %unpack3A_205 = tpu.unpack_subelements %bitcast3A_202, 1 {pack_format = #tpu.pack_format<interleaved>} : vector<32xbf16> -> vector<16xf32>
        %mul3A_206 = arith.mulf %unpack3A, %unpack3A_204 : vector<16xf32>
        %swap3A = arith.index_cast %add3A_196 : i32 to index
        %swap3A_207 = arith.constant 0 : index
        %swap3A_208 = tpu.vector_load %arg13[%swap3A, %swap3A_207] {strides = array<i32>} : memref<128x128xf32, #tpu.memory_space<vmem>>, vector<16xf32>,
        tpu.vector_store %arg13[%swap3A, %swap3A_207], %mul3A_206 {strides = array<i32>} : memref<128x128xf32, #tpu.memory_space<vmem>>, vector<16xf32>,
        %mul3A_209 = arith.mulf %unpack3A_203, %unpack3A_205 : vector<16xf32>
        %swap3A_210 = arith.index_cast %add3A_196 : i32 to index
        %swap3A_211 = arith.constant 64 : index
        %swap3A_212 = tpu.vector_load %arg13[%swap3A_210, %swap3A_211] {strides = array<i32>} : memref<128x128xf32, #tpu.memory_space<vmem>>, vector<16xf32>,
        tpu.vector_store %arg13[%swap3A_210, %swap3A_211], %mul3A_209 {strides = array<i32>} : memref<128x128xf32, #tpu.memory_space<vmem>>, vector<16xf32>,
        %get3A_213 = arith.index_cast %add3A_196 : i32 to index
        %get3A_214 = arith.constant 16 : index
        %get3A_215 = tpu.vector_load %arg10[%get3A_213, %get3A_214] {strides = array<i32>} : memref<128x64xi32, #tpu.memory_space<vmem>>, vector<16xi32>,
        %bitcast3A_216 = vector.bitcast %get3A_215 : vector<16xi32> to vector<32xbf16>
        %get3A_217 = arith.index_cast %add3A_192 : i32 to index
        %get3A_218 = arith.constant 16 : index
        %get3A_219 = tpu.vector_load %arg12[%get3A_217, %get3A_218] {strides = array<i32>} : memref<64x128xi32, #tpu.memory_space<vmem>>, vector<16xi32>,
        %bitcast3A_220 = vector.bitcast %get3A_219 : vector<16xi32> to vector<32xbf16>
        %unpack3A_221 = tpu.unpack_subelements %bitcast3A_216, 0 {pack_format = #tpu.pack_format<interleaved>} : vector<32xbf16> -> vector<16xf32>
        %unpack3A_222 = tpu.unpack_subelements %bitcast3A_216, 1 {pack_format = #tpu.pack_format<interleaved>} : vector<32xbf16> -> vector<16xf32>
        %unpack3A_223 = tpu.unpack_subelements %bitcast3A_220, 0 {pack_format = #tpu.pack_format<interleaved>} : vector<32xbf16> -> vector<16xf32>
        %unpack3A_224 = tpu.unpack_subelements %bitcast3A_220, 1 {pack_format = #tpu.pack_format<interleaved>} : vector<32xbf16> -> vector<16xf32>
        %mul3A_225 = arith.mulf %unpack3A_221, %unpack3A_223 : vector<16xf32>
        %swap3A_226 = arith.index_cast %add3A_196 : i32 to index
        %swap3A_227 = arith.constant 16 : index
        %swap3A_228 = tpu.vector_load %arg13[%swap3A_226, %swap3A_227] {strides = array<i32>} : memref<128x128xf32, #tpu.memory_space<vmem>>, vector<16xf32>,
        tpu.vector_store %arg13[%swap3A_226, %swap3A_227], %mul3A_225 {strides = array<i32>} : memref<128x128xf32, #tpu.memory_space<vmem>>, vector<16xf32>,
        %mul3A_229 = arith.mulf %unpack3A_222, %unpack3A_224 : vector<16xf32>
        %swap3A_230 = arith.index_cast %add3A_196 : i32 to index
        %swap3A_231 = arith.constant 80 : index
        %swap3A_232 = tpu.vector_load %arg13[%swap3A_230, %swap3A_231] {strides = array<i32>} : memref<128x128xf32, #tpu.memory_space<vmem>>, vector<16xf32>,
        tpu.vector_store %arg13[%swap3A_230, %swap3A_231], %mul3A_229 {strides = array<i32>} : memref<128x128xf32, #tpu.memory_space<vmem>>, vector<16xf32>,
        %get3A_233 = arith.index_cast %add3A_196 : i32 to index
        %get3A_234 = arith.constant 32 : index
        %get3A_235 = tpu.vector_load %arg10[%get3A_233, %get3A_234] {strides = array<i32>} : memref<128x64xi32, #tpu.memory_space<vmem>>, vector<16xi32>,
        %bitcast3A_236 = vector.bitcast %get3A_235 : vector<16xi32> to vector<32xbf16>
        %get3A_237 = arith.index_cast %add3A_192 : i32 to index
        %get3A_238 = arith.constant 32 : index
        %get3A_239 = tpu.vector_load %arg12[%get3A_237, %get3A_238] {strides = array<i32>} : memref<64x128xi32, #tpu.memory_space<vmem>>, vector<16xi32>,
        %bitcast3A_240 = vector.bitcast %get3A_239 : vector<16xi32> to vector<32xbf16>
        %unpack3A_241 = tpu.unpack_subelements %bitcast3A_236, 0 {pack_format = #tpu.pack_format<interleaved>} : vector<32xbf16> -> vector<16xf32>
        %unpack3A_242 = tpu.unpack_subelements %bitcast3A_236, 1 {pack_format = #tpu.pack_format<interleaved>} : vector<32xbf16> -> vector<16xf32>
        %unpack3A_243 = tpu.unpack_subelements %bitcast3A_240, 0 {pack_format = #tpu.pack_format<interleaved>} : vector<32xbf16> -> vector<16xf32>
        %unpack3A_244 = tpu.unpack_subelements %bitcast3A_240, 1 {pack_format = #tpu.pack_format<interleaved>} : vector<32xbf16> -> vector<16xf32>
        %mul3A_245 = arith.mulf %unpack3A_241, %unpack3A_243 : vector<16xf32>
        %swap3A_246 = arith.index_cast %add3A_196 : i32 to index
        %swap3A_247 = arith.constant 32 : index
        %swap3A_248 = tpu.vector_load %arg13[%swap3A_246, %swap3A_247] {strides = array<i32>} : memref<128x128xf32, #tpu.memory_space<vmem>>, vector<16xf32>,
        tpu.vector_store %arg13[%swap3A_246, %swap3A_247], %mul3A_245 {strides = array<i32>} : memref<128x128xf32, #tpu.memory_space<vmem>>, vector<16xf32>,
        %mul3A_249 = arith.mulf %unpack3A_242, %unpack3A_244 : vector<16xf32>
        %swap3A_250 = arith.index_cast %add3A_196 : i32 to index
        %swap3A_251 = arith.constant 96 : index
        %swap3A_252 = tpu.vector_load %arg13[%swap3A_250, %swap3A_251] {strides = array<i32>} : memref<128x128xf32, #tpu.memory_space<vmem>>, vector<16xf32>,
        tpu.vector_store %arg13[%swap3A_250, %swap3A_251], %mul3A_249 {strides = array<i32>} : memref<128x128xf32, #tpu.memory_space<vmem>>, vector<16xf32>,
        %get3A_253 = arith.index_cast %add3A_196 : i32 to index
        %get3A_254 = arith.constant 48 : index
        %get3A_255 = tpu.vector_load %arg10[%get3A_253, %get3A_254] {strides = array<i32>} : memref<128x64xi32, #tpu.memory_space<vmem>>, vector<16xi32>,
        %bitcast3A_256 = vector.bitcast %get3A_255 : vector<16xi32> to vector<32xbf16>
        %get3A_257 = arith.index_cast %add3A_192 : i32 to index
        %get3A_258 = arith.constant 48 : index
        %get3A_259 = tpu.vector_load %arg12[%get3A_257, %get3A_258] {strides = array<i32>} : memref<64x128xi32, #tpu.memory_space<vmem>>, vector<16xi32>,
        %bitcast3A_260 = vector.bitcast %get3A_259 : vector<16xi32> to vector<32xbf16>
        %unpack3A_261 = tpu.unpack_subelements %bitcast3A_256, 0 {pack_format = #tpu.pack_format<interleaved>} : vector<32xbf16> -> vector<16xf32>
        %unpack3A_262 = tpu.unpack_subelements %bitcast3A_256, 1 {pack_format = #tpu.pack_format<interleaved>} : vector<32xbf16> -> vector<16xf32>
        %unpack3A_263 = tpu.unpack_subelements %bitcast3A_260, 0 {pack_format = #tpu.pack_format<interleaved>} : vector<32xbf16> -> vector<16xf32>
        %unpack3A_264 = tpu.unpack_subelements %bitcast3A_260, 1 {pack_format = #tpu.pack_format<interleaved>} : vector<32xbf16> -> vector<16xf32>
        %mul3A_265 = arith.mulf %unpack3A_261, %unpack3A_263 : vector<16xf32>
        %swap3A_266 = arith.index_cast %add3A_196 : i32 to index
        %swap3A_267 = arith.constant 48 : index
        %swap3A_268 = tpu.vector_load %arg13[%swap3A_266, %swap3A_267] {strides = array<i32>} : memref<128x128xf32, #tpu.memory_space<vmem>>, vector<16xf32>,
        tpu.vector_store %arg13[%swap3A_266, %swap3A_267], %mul3A_265 {strides = array<i32>} : memref<128x128xf32, #tpu.memory_space<vmem>>, vector<16xf32>,
        %mul3A_269 = arith.mulf %unpack3A_262, %unpack3A_264 : vector<16xf32>
        %swap3A_270 = arith.index_cast %add3A_196 : i32 to index
        %swap3A_271 = arith.constant 112 : index
        %swap3A_272 = tpu.vector_load %arg13[%swap3A_270, %swap3A_271] {strides = array<i32>} : memref<128x128xf32, #tpu.memory_space<vmem>>, vector<16xf32>,
        tpu.vector_store %arg13[%swap3A_270, %swap3A_271], %mul3A_269 {strides = array<i32>} : memref<128x128xf32, #tpu.memory_space<vmem>>, vector<16xf32>,
        %mul3A_273 = arith.constant 2 : i32
        %mul3A_274 = arith.muli %mul3A_273, %add3A_192 : i32
        %add3A_275 = arith.constant 1 : i32
        %add3A_276 = arith.addi %mul3A_274, %add3A_275 : i32
        %get3A_277 = arith.index_cast %add3A_276 : i32 to index
        %get3A_278 = arith.constant 0 : index
        %get3A_279 = tpu.vector_load %arg10[%get3A_277, %get3A_278] {strides = array<i32>} : memref<128x64xi32, #tpu.memory_space<vmem>>, vector<16xi32>,
        %bitcast3A_280 = vector.bitcast %get3A_279 : vector<16xi32> to vector<32xbf16>
        %get3A_281 = arith.index_cast %add3A_192 : i32 to index
        %get3A_282 = arith.constant 64 : index
        %get3A_283 = tpu.vector_load %arg12[%get3A_281, %get3A_282] {strides = array<i32>} : memref<64x128xi32, #tpu.memory_space<vmem>>, vector<16xi32>,
        %bitcast3A_284 = vector.bitcast %get3A_283 : vector<16xi32> to vector<32xbf16>
        %unpack3A_285 = tpu.unpack_subelements %bitcast3A_280, 0 {pack_format = #tpu.pack_format<interleaved>} : vector<32xbf16> -> vector<16xf32>
        %unpack3A_286 = tpu.unpack_subelements %bitcast3A_280, 1 {pack_format = #tpu.pack_format<interleaved>} : vector<32xbf16> -> vector<16xf32>
        %unpack3A_287 = tpu.unpack_subelements %bitcast3A_284, 0 {pack_format = #tpu.pack_format<interleaved>} : vector<32xbf16> -> vector<16xf32>
        %unpack3A_288 = tpu.unpack_subelements %bitcast3A_284, 1 {pack_format = #tpu.pack_format<interleaved>} : vector<32xbf16> -> vector<16xf32>
        %mul3A_289 = arith.mulf %unpack3A_285, %unpack3A_287 : vector<16xf32>
        %swap3A_290 = arith.index_cast %add3A_276 : i32 to index
        %swap3A_291 = arith.constant 0 : index
        %swap3A_292 = tpu.vector_load %arg13[%swap3A_290, %swap3A_291] {strides = array<i32>} : memref<128x128xf32, #tpu.memory_space<vmem>>, vector<16xf32>,
        tpu.vector_store %arg13[%swap3A_290, %swap3A_291], %mul3A_289 {strides = array<i32>} : memref<128x128xf32, #tpu.memory_space<vmem>>, vector<16xf32>,
        %mul3A_293 = arith.mulf %unpack3A_286, %unpack3A_288 : vector<16xf32>
        %swap3A_294 = arith.index_cast %add3A_276 : i32 to index
        %swap3A_295 = arith.constant 64 : index
        %swap3A_296 = tpu.vector_load %arg13[%swap3A_294, %swap3A_295] {strides = array<i32>} : memref<128x128xf32, #tpu.memory_space<vmem>>, vector<16xf32>,
        tpu.vector_store %arg13[%swap3A_294, %swap3A_295], %mul3A_293 {strides = array<i32>} : memref<128x128xf32, #tpu.memory_space<vmem>>, vector<16xf32>,
        %get3A_297 = arith.index_cast %add3A_276 : i32 to index
        %get3A_298 = arith.constant 16 : index
        %get3A_299 = tpu.vector_load %arg10[%get3A_297, %get3A_298] {strides = array<i32>} : memref<128x64xi32, #tpu.memory_space<vmem>>, vector<16xi32>,
        %bitcast3A_300 = vector.bitcast %get3A_299 : vector<16xi32> to vector<32xbf16>
        %get3A_301 = arith.index_cast %add3A_192 : i32 to index
        %get3A_302 = arith.constant 80 : index
        %get3A_303 = tpu.vector_load %arg12[%get3A_301, %get3A_302] {strides = array<i32>} : memref<64x128xi32, #tpu.memory_space<vmem>>, vector<16xi32>,
        %bitcast3A_304 = vector.bitcast %get3A_303 : vector<16xi32> to vector<32xbf16>
        %unpack3A_305 = tpu.unpack_subelements %bitcast3A_300, 0 {pack_format = #tpu.pack_format<interleaved>} : vector<32xbf16> -> vector<16xf32>
        %unpack3A_306 = tpu.unpack_subelements %bitcast3A_300, 1 {pack_format = #tpu.pack_format<interleaved>} : vector<32xbf16> -> vector<16xf32>
        %unpack3A_307 = tpu.unpack_subelements %bitcast3A_304, 0 {pack_format = #tpu.pack_format<interleaved>} : vector<32xbf16> -> vector<16xf32>
        %unpack3A_308 = tpu.unpack_subelements %bitcast3A_304, 1 {pack_format = #tpu.pack_format<interleaved>} : vector<32xbf16> -> vector<16xf32>
        %mul3A_309 = arith.mulf %unpack3A_305, %unpack3A_307 : vector<16xf32>
        %swap3A_310 = arith.index_cast %add3A_276 : i32 to index
        %swap3A_311 = arith.constant 16 : index
        %swap3A_312 = tpu.vector_load %arg13[%swap3A_310, %swap3A_311] {strides = array<i32>} : memref<128x128xf32, #tpu.memory_space<vmem>>, vector<16xf32>,
        tpu.vector_store %arg13[%swap3A_310, %swap3A_311], %mul3A_309 {strides = array<i32>} : memref<128x128xf32, #tpu.memory_space<vmem>>, vector<16xf32>,
        %mul3A_313 = arith.mulf %unpack3A_306, %unpack3A_308 : vector<16xf32>
        %swap3A_314 = arith.index_cast %add3A_276 : i32 to index
        %swap3A_315 = arith.constant 80 : index
        %swap3A_316 = tpu.vector_load %arg13[%swap3A_314, %swap3A_315] {strides = array<i32>} : memref<128x128xf32, #tpu.memory_space<vmem>>, vector<16xf32>,
        tpu.vector_store %arg13[%swap3A_314, %swap3A_315], %mul3A_313 {strides = array<i32>} : memref<128x128xf32, #tpu.memory_space<vmem>>, vector<16xf32>,
        %get3A_317 = arith.index_cast %add3A_276 : i32 to index
        %get3A_318 = arith.constant 32 : index
        %get3A_319 = tpu.vector_load %arg10[%get3A_317, %get3A_318] {strides = array<i32>} : memref<128x64xi32, #tpu.memory_space<vmem>>, vector<16xi32>,
        %bitcast3A_320 = vector.bitcast %get3A_319 : vector<16xi32> to vector<32xbf16>
        %get3A_321 = arith.index_cast %add3A_192 : i32 to index
        %get3A_322 = arith.constant 96 : index
        %get3A_323 = tpu.vector_load %arg12[%get3A_321, %get3A_322] {strides = array<i32>} : memref<64x128xi32, #tpu.memory_space<vmem>>, vector<16xi32>,
        %bitcast3A_324 = vector.bitcast %get3A_323 : vector<16xi32> to vector<32xbf16>
        %unpack3A_325 = tpu.unpack_subelements %bitcast3A_320, 0 {pack_format = #tpu.pack_format<interleaved>} : vector<32xbf16> -> vector<16xf32>
        %unpack3A_326 = tpu.unpack_subelements %bitcast3A_320, 1 {pack_format = #tpu.pack_format<interleaved>} : vector<32xbf16> -> vector<16xf32>
        %unpack3A_327 = tpu.unpack_subelements %bitcast3A_324, 0 {pack_format = #tpu.pack_format<interleaved>} : vector<32xbf16> -> vector<16xf32>
        %unpack3A_328 = tpu.unpack_subelements %bitcast3A_324, 1 {pack_format = #tpu.pack_format<interleaved>} : vector<32xbf16> -> vector<16xf32>
        %mul3A_329 = arith.mulf %unpack3A_325, %unpack3A_327 : vector<16xf32>
        %swap3A_330 = arith.index_cast %add3A_276 : i32 to index
        %swap3A_331 = arith.constant 32 : index
        %swap3A_332 = tpu.vector_load %arg13[%swap3A_330, %swap3A_331] {strides = array<i32>} : memref<128x128xf32, #tpu.memory_space<vmem>>, vector<16xf32>,
        tpu.vector_store %arg13[%swap3A_330, %swap3A_331], %mul3A_329 {strides = array<i32>} : memref<128x128xf32, #tpu.memory_space<vmem>>, vector<16xf32>,
        %mul3A_333 = arith.mulf %unpack3A_326, %unpack3A_328 : vector<16xf32>
        %swap3A_334 = arith.index_cast %add3A_276 : i32 to index
        %swap3A_335 = arith.constant 96 : index
        %swap3A_336 = tpu.vector_load %arg13[%swap3A_334, %swap3A_335] {strides = array<i32>} : memref<128x128xf32, #tpu.memory_space<vmem>>, vector<16xf32>,
        tpu.vector_store %arg13[%swap3A_334, %swap3A_335], %mul3A_333 {strides = array<i32>} : memref<128x128xf32, #tpu.memory_space<vmem>>, vector<16xf32>,
        %get3A_337 = arith.index_cast %add3A_276 : i32 to index
        %get3A_338 = arith.constant 48 : index
        %get3A_339 = tpu.vector_load %arg10[%get3A_337, %get3A_338] {strides = array<i32>} : memref<128x64xi32, #tpu.memory_space<vmem>>, vector<16xi32>,
        %bitcast3A_340 = vector.bitcast %get3A_339 : vector<16xi32> to vector<32xbf16>
        %get3A_341 = arith.index_cast %add3A_192 : i32 to index
        %get3A_342 = arith.constant 112 : index
        %get3A_343 = tpu.vector_load %arg12[%get3A_341, %get3A_342] {strides = array<i32>} : memref<64x128xi32, #tpu.memory_space<vmem>>, vector<16xi32>,
        %bitcast3A_344 = vector.bitcast %get3A_343 : vector<16xi32> to vector<32xbf16>
        %unpack3A_345 = tpu.unpack_subelements %bitcast3A_340, 0 {pack_format = #tpu.pack_format<interleaved>} : vector<32xbf16> -> vector<16xf32>
        %unpack3A_346 = tpu.unpack_subelements %bitcast3A_340, 1 {pack_format = #tpu.pack_format<interleaved>} : vector<32xbf16> -> vector<16xf32>
        %unpack3A_347 = tpu.unpack_subelements %bitcast3A_344, 0 {pack_format = #tpu.pack_format<interleaved>} : vector<32xbf16> -> vector<16xf32>
        %unpack3A_348 = tpu.unpack_subelements %bitcast3A_344, 1 {pack_format = #tpu.pack_format<interleaved>} : vector<32xbf16> -> vector<16xf32>
        %mul3A_349 = arith.mulf %unpack3A_345, %unpack3A_347 : vector<16xf32>
        %swap3A_350 = arith.index_cast %add3A_276 : i32 to index
        %swap3A_351 = arith.constant 48 : index
        %swap3A_352 = tpu.vector_load %arg13[%swap3A_350, %swap3A_351] {strides = array<i32>} : memref<128x128xf32, #tpu.memory_space<vmem>>, vector<16xf32>,
        tpu.vector_store %arg13[%swap3A_350, %swap3A_351], %mul3A_349 {strides = array<i32>} : memref<128x128xf32, #tpu.memory_space<vmem>>, vector<16xf32>,
        %mul3A_353 = arith.mulf %unpack3A_346, %unpack3A_348 : vector<16xf32>
        %swap3A_354 = arith.index_cast %add3A_276 : i32 to index
        %swap3A_355 = arith.constant 112 : index
        %swap3A_356 = tpu.vector_load %arg13[%swap3A_354, %swap3A_355] {strides = array<i32>} : memref<128x128xf32, #tpu.memory_space<vmem>>, vector<16xf32>,
        tpu.vector_store %arg13[%swap3A_354, %swap3A_355], %mul3A_353 {strides = array<i32>} : memref<128x128xf32, #tpu.memory_space<vmem>>, vector<16xf32>,
      }
      %scan3A_119 = arith.constant 64 : i32
      %run_scoped3A_120 = arith.constant 3 : i32
      "tpu.region"() ({
        %run_scoped3A_188 = tpu.sem_alloc : memref<!tpu.dma_semaphore, #tpu.memory_space<semaphore_mem>>
        %dma_start3A_189 = arith.constant 0 : i32
        %dma_start3A_190 = tpu.memref_slice %arg7[%run_scoped3A_120, %dma_start3A_189] : memref<4x128xi32, #tpu.memory_space<vmem>> -> memref<1x128xi32, #tpu.memory_space<vmem>>
        %dma_start3A_191 = tpu.memref_squeeze %dma_start3A_190 : memref<1x128xi32, #tpu.memory_space<vmem>> -> memref<128xi32, #tpu.memory_space<vmem>>
        %dma_start3A_192 = arith.constant 0 : i32
        %dma_start3A_193 = arith.constant 0 : i32
        %dma_start3A_194 = tpu.memref_slice %arg14[%dma_start3A_192, %dma_start3A_193] : memref<10000x128xf32, #tpu.memory_space<vmem_shared>> -> memref<10000x128xf32, #tpu.memory_space<vmem_shared>>
        tpu.enqueue_indirect_dma source(%arg13 : memref<128x128xf32, #tpu.memory_space<vmem>>) target(%dma_start3A_194 : memref<10000x128xf32, #tpu.memory_space<vmem_shared>>) offsets(%dma_start3A_191 : memref<128xi32, #tpu.memory_space<vmem>>) semaphore(%run_scoped3A_188 : memref<!tpu.dma_semaphore, #tpu.memory_space<semaphore_mem>>) {add = true}
        %dma_wait3A_195 = arith.constant 0 : i32
        %dma_wait3A_196 = tpu.memref_slice %arg7[%run_scoped3A_120, %dma_wait3A_195] : memref<4x128xi32, #tpu.memory_space<vmem>> -> memref<1x128xi32, #tpu.memory_space<vmem>>
        %dma_wait3A_197 = tpu.memref_squeeze %dma_wait3A_196 : memref<1x128xi32, #tpu.memory_space<vmem>> -> memref<128xi32, #tpu.memory_space<vmem>>
        %dma_wait3A_198 = arith.constant 0 : i32
        %dma_wait3A_199 = arith.constant 0 : i32
        %dma_wait3A_200 = tpu.memref_slice %arg14[%dma_wait3A_198, %dma_wait3A_199] : memref<10000x128xf32, #tpu.memory_space<vmem_shared>> -> memref<10000x128xf32, #tpu.memory_space<vmem_shared>>
        tpu.wait_indirect_dma semaphore(%run_scoped3A_188 : memref<!tpu.dma_semaphore, #tpu.memory_space<semaphore_mem>>) src(%arg13 : memref<128x128xf32, #tpu.memory_space<vmem>>) dst(%dma_wait3A_200 : memref<10000x128xf32, #tpu.memory_space<vmem_shared>>)
        tpu.yield
      }) : () -> ()
      %lt3A_121 = arith.constant 19 : i32
      %lt3A_122 = arith.cmpi slt, %add3A_42, %lt3A_121 : i32
      %convert_element_type3A_123 = arith.extui %lt3A_122 : i1 to i32
      %cond3A_124 = arith.constant 0 : i32
      %cond3A_125 = arith.cmpi ne, %convert_element_type3A_123, %cond3A_124 : i32
      scf.if %cond3A_125 {
        %mul3A_188 = arith.constant 2 : i32
        %mul3A_189 = arith.muli %mul3A_188, %add3A_42 : i32
        %add3A_190 = arith.constant 2 : i32
        %add3A_191 = arith.addi %mul3A_189, %add3A_190 : i32
        %dma_start3A_192 = arith.constant 0 : i32
        %dma_start3A_193 = arith.constant 0 : i32
        %dma_start3A_194 = tpu.memref_slice %arg4[%add3A, %add3A_191, %dma_start3A_192, %dma_start3A_193] : memref<32x40x4x128xi32, #tpu.memory_space<hbm>> -> memref<1x1x4x128xi32, #tpu.memory_space<hbm>>
        %dma_start3A_195 = tpu.memref_squeeze %dma_start3A_194 : memref<1x1x4x128xi32, #tpu.memory_space<hbm>> -> memref<4x128xi32, #tpu.memory_space<hbm>>
        %dma_start3A_196 = arith.constant 0 : i32
        %dma_start3A_197 = arith.constant 0 : i32
        %dma_start3A_198 = tpu.memref_slice %arg4[%add3A, %add3A_191, %dma_start3A_196, %dma_start3A_197] : memref<32x40x4x128xi32, #tpu.memory_space<hbm>> -> memref<1x1x4x128xi32, #tpu.memory_space<hbm>>
        %dma_start3A_199 = tpu.memref_squeeze %dma_start3A_198 : memref<1x1x4x128xi32, #tpu.memory_space<hbm>> -> memref<4x128xi32, #tpu.memory_space<hbm>>
        tpu.enqueue_dma source(%dma_start3A_199 : memref<4x128xi32, #tpu.memory_space<hbm>>) target(%arg7 : memref<4x128xi32, #tpu.memory_space<vmem>>) target_semaphore(%arg15 : memref<!tpu.dma_semaphore, #tpu.memory_space<semaphore_mem>>)
      } else {
      }
      %add3A_126 = arith.constant 3 : i32
      %add3A_127 = arith.addi %mul3A_44, %add3A_126 : i32
      %dma_start3A_128 = arith.constant 2 : i32
      %dma_start3A_129 = arith.constant 0 : i32
      %dma_start3A_130 = tpu.memref_slice %arg8[%dma_start3A_128, %dma_start3A_129] : memref<4x128xi32, #tpu.memory_space<vmem>> -> memref<1x128xi32, #tpu.memory_space<vmem>>
      %dma_start3A_131 = tpu.memref_squeeze %dma_start3A_130 : memref<1x128xi32, #tpu.memory_space<vmem>> -> memref<128xi32, #tpu.memory_space<vmem>>
      %dma_start3A_132 = arith.constant 0 : i32
      %dma_start3A_133 = arith.constant 0 : i32
      %dma_start3A_134 = tpu.memref_slice %arg2[%dma_start3A_132, %dma_start3A_133] : memref<10000x64xi32, #tpu.memory_space<hbm>> -> memref<10000x64xi32, #tpu.memory_space<hbm>>
      tpu.enqueue_indirect_dma source(%dma_start3A_134 : memref<10000x64xi32, #tpu.memory_space<hbm>>) target(%arg10 : memref<128x64xi32, #tpu.memory_space<vmem>>) offsets(%dma_start3A_131 : memref<128xi32, #tpu.memory_space<vmem>>) semaphore(%arg18 : memref<!tpu.dma_semaphore, #tpu.memory_space<semaphore_mem>>)
      %mul3A_135 = arith.constant 64 : i32
      %mul3A_136 = arith.muli %add3A_127, %mul3A_135 : i32
      %add3A_137 = arith.addi %mul3A_6, %mul3A_136 : i32
      %dma_start3A_138 = arith.constant 0 : i32
      %dma_start3A_139 = tpu.memref_slice %arg3[%add3A_137, %dma_start3A_138] : memref<163840x128xi32, #tpu.memory_space<hbm>> -> memref<64x128xi32, #tpu.memory_space<hbm>>
      %dma_start3A_140 = arith.constant 0 : i32
      %dma_start3A_141 = tpu.memref_slice %arg3[%add3A_137, %dma_start3A_140] : memref<163840x128xi32, #tpu.memory_space<hbm>> -> memref<64x128xi32, #tpu.memory_space<hbm>>
      tpu.enqueue_dma source(%dma_start3A_141 : memref<64x128xi32, #tpu.memory_space<hbm>>) target(%arg12 : memref<64x128xi32, #tpu.memory_space<vmem>>) target_semaphore(%arg20 : memref<!tpu.dma_semaphore, #tpu.memory_space<semaphore_mem>>)
      %dma_wait3A_142 = arith.constant 0 : i32
      %dma_wait3A_143 = arith.constant 0 : i32
      %dma_wait3A_144 = tpu.memref_slice %arg2[%dma_wait3A_142, %dma_wait3A_143] : memref<10000x64xi32, #tpu.memory_space<hbm>> -> memref<128x64xi32, #tpu.memory_space<hbm>>
      %dma_wait3A_145 = arith.constant 0 : i32
      %dma_wait3A_146 = arith.constant 0 : i32
      %dma_wait3A_147 = tpu.memref_slice %arg2[%dma_wait3A_145, %dma_wait3A_146] : memref<10000x64xi32, #tpu.memory_space<hbm>> -> memref<128x64xi32, #tpu.memory_space<hbm>>
      tpu.wait_dma2 semaphore(%arg17 : memref<!tpu.dma_semaphore, #tpu.memory_space<semaphore_mem>>) src(%dma_wait3A_147 : memref<128x64xi32, #tpu.memory_space<hbm>>) dst(%arg9 : memref<128x64xi32, #tpu.memory_space<vmem>>)
      %dma_wait3A_148 = arith.constant 0 : i32
      %dma_wait3A_149 = arith.constant 0 : i32
      %dma_wait3A_150 = tpu.memref_slice %arg3[%dma_wait3A_148, %dma_wait3A_149] : memref<163840x128xi32, #tpu.memory_space<hbm>> -> memref<64x128xi32, #tpu.memory_space<hbm>>
      %dma_wait3A_151 = arith.constant 0 : i32
      %dma_wait3A_152 = arith.constant 0 : i32
      %dma_wait3A_153 = tpu.memref_slice %arg3[%dma_wait3A_151, %dma_wait3A_152] : memref<163840x128xi32, #tpu.memory_space<hbm>> -> memref<64x128xi32, #tpu.memory_space<hbm>>
      tpu.wait_dma2 semaphore(%arg19 : memref<!tpu.dma_semaphore, #tpu.memory_space<semaphore_mem>>) src(%dma_wait3A_153 : memref<64x128xi32, #tpu.memory_space<hbm>>) dst(%arg11 : memref<64x128xi32, #tpu.memory_space<vmem>>)
      %scan3A_154 = arith.constant 0 : i32
      %scan3A_155 = arith.constant 64 : i32
      %scan3A_156 = arith.addi %scan3A_154, %scan3A_155 : i32
      %scan3A_157 = arith.constant 1 : i32
      scf.for %scan3A_188 = %scan3A_154 to %scan3A_156 step %scan3A_157  : i32 {
        %mul3A_189 = arith.constant 1 : i32
        %mul3A_190 = arith.muli %scan3A_188, %mul3A_189 : i32
        %add3A_191 = arith.constant 0 : i32
        %add3A_192 = arith.addi %add3A_191, %mul3A_190 : i32
        %mul3A_193 = arith.constant 2 : i32
        %mul3A_194 = arith.muli %mul3A_193, %add3A_192 : i32
        %add3A_195 = arith.constant 0 : i32
        %add3A_196 = arith.addi %mul3A_194, %add3A_195 : i32
        %get3A = arith.index_cast %add3A_196 : i32 to index
        %get3A_197 = arith.constant 0 : index
        %get3A_198 = tpu.vector_load %arg9[%get3A, %get3A_197] {strides = array<i32>} : memref<128x64xi32, #tpu.memory_space<vmem>>, vector<16xi32>,
        %bitcast3A = vector.bitcast %get3A_198 : vector<16xi32> to vector<32xbf16>
        %get3A_199 = arith.index_cast %add3A_192 : i32 to index
        %get3A_200 = arith.constant 0 : index
        %get3A_201 = tpu.vector_load %arg11[%get3A_199, %get3A_200] {strides = array<i32>} : memref<64x128xi32, #tpu.memory_space<vmem>>, vector<16xi32>,
        %bitcast3A_202 = vector.bitcast %get3A_201 : vector<16xi32> to vector<32xbf16>
        %unpack3A = tpu.unpack_subelements %bitcast3A, 0 {pack_format = #tpu.pack_format<interleaved>} : vector<32xbf16> -> vector<16xf32>
        %unpack3A_203 = tpu.unpack_subelements %bitcast3A, 1 {pack_format = #tpu.pack_format<interleaved>} : vector<32xbf16> -> vector<16xf32>
        %unpack3A_204 = tpu.unpack_subelements %bitcast3A_202, 0 {pack_format = #tpu.pack_format<interleaved>} : vector<32xbf16> -> vector<16xf32>
        %unpack3A_205 = tpu.unpack_subelements %bitcast3A_202, 1 {pack_format = #tpu.pack_format<interleaved>} : vector<32xbf16> -> vector<16xf32>
        %mul3A_206 = arith.mulf %unpack3A, %unpack3A_204 : vector<16xf32>
        %swap3A = arith.index_cast %add3A_196 : i32 to index
        %swap3A_207 = arith.constant 0 : index
        %swap3A_208 = tpu.vector_load %arg13[%swap3A, %swap3A_207] {strides = array<i32>} : memref<128x128xf32, #tpu.memory_space<vmem>>, vector<16xf32>,
        tpu.vector_store %arg13[%swap3A, %swap3A_207], %mul3A_206 {strides = array<i32>} : memref<128x128xf32, #tpu.memory_space<vmem>>, vector<16xf32>,
        %mul3A_209 = arith.mulf %unpack3A_203, %unpack3A_205 : vector<16xf32>
        %swap3A_210 = arith.index_cast %add3A_196 : i32 to index
        %swap3A_211 = arith.constant 64 : index
        %swap3A_212 = tpu.vector_load %arg13[%swap3A_210, %swap3A_211] {strides = array<i32>} : memref<128x128xf32, #tpu.memory_space<vmem>>, vector<16xf32>,
        tpu.vector_store %arg13[%swap3A_210, %swap3A_211], %mul3A_209 {strides = array<i32>} : memref<128x128xf32, #tpu.memory_space<vmem>>, vector<16xf32>,
        %get3A_213 = arith.index_cast %add3A_196 : i32 to index
        %get3A_214 = arith.constant 16 : index
        %get3A_215 = tpu.vector_load %arg9[%get3A_213, %get3A_214] {strides = array<i32>} : memref<128x64xi32, #tpu.memory_space<vmem>>, vector<16xi32>,
        %bitcast3A_216 = vector.bitcast %get3A_215 : vector<16xi32> to vector<32xbf16>
        %get3A_217 = arith.index_cast %add3A_192 : i32 to index
        %get3A_218 = arith.constant 16 : index
        %get3A_219 = tpu.vector_load %arg11[%get3A_217, %get3A_218] {strides = array<i32>} : memref<64x128xi32, #tpu.memory_space<vmem>>, vector<16xi32>,
        %bitcast3A_220 = vector.bitcast %get3A_219 : vector<16xi32> to vector<32xbf16>
        %unpack3A_221 = tpu.unpack_subelements %bitcast3A_216, 0 {pack_format = #tpu.pack_format<interleaved>} : vector<32xbf16> -> vector<16xf32>
        %unpack3A_222 = tpu.unpack_subelements %bitcast3A_216, 1 {pack_format = #tpu.pack_format<interleaved>} : vector<32xbf16> -> vector<16xf32>
        %unpack3A_223 = tpu.unpack_subelements %bitcast3A_220, 0 {pack_format = #tpu.pack_format<interleaved>} : vector<32xbf16> -> vector<16xf32>
        %unpack3A_224 = tpu.unpack_subelements %bitcast3A_220, 1 {pack_format = #tpu.pack_format<interleaved>} : vector<32xbf16> -> vector<16xf32>
        %mul3A_225 = arith.mulf %unpack3A_221, %unpack3A_223 : vector<16xf32>
        %swap3A_226 = arith.index_cast %add3A_196 : i32 to index
        %swap3A_227 = arith.constant 16 : index
        %swap3A_228 = tpu.vector_load %arg13[%swap3A_226, %swap3A_227] {strides = array<i32>} : memref<128x128xf32, #tpu.memory_space<vmem>>, vector<16xf32>,
        tpu.vector_store %arg13[%swap3A_226, %swap3A_227], %mul3A_225 {strides = array<i32>} : memref<128x128xf32, #tpu.memory_space<vmem>>, vector<16xf32>,
        %mul3A_229 = arith.mulf %unpack3A_222, %unpack3A_224 : vector<16xf32>
        %swap3A_230 = arith.index_cast %add3A_196 : i32 to index
        %swap3A_231 = arith.constant 80 : index
        %swap3A_232 = tpu.vector_load %arg13[%swap3A_230, %swap3A_231] {strides = array<i32>} : memref<128x128xf32, #tpu.memory_space<vmem>>, vector<16xf32>,
        tpu.vector_store %arg13[%swap3A_230, %swap3A_231], %mul3A_229 {strides = array<i32>} : memref<128x128xf32, #tpu.memory_space<vmem>>, vector<16xf32>,
        %get3A_233 = arith.index_cast %add3A_196 : i32 to index
        %get3A_234 = arith.constant 32 : index
        %get3A_235 = tpu.vector_load %arg9[%get3A_233, %get3A_234] {strides = array<i32>} : memref<128x64xi32, #tpu.memory_space<vmem>>, vector<16xi32>,
        %bitcast3A_236 = vector.bitcast %get3A_235 : vector<16xi32> to vector<32xbf16>
        %get3A_237 = arith.index_cast %add3A_192 : i32 to index
        %get3A_238 = arith.constant 32 : index
        %get3A_239 = tpu.vector_load %arg11[%get3A_237, %get3A_238] {strides = array<i32>} : memref<64x128xi32, #tpu.memory_space<vmem>>, vector<16xi32>,
        %bitcast3A_240 = vector.bitcast %get3A_239 : vector<16xi32> to vector<32xbf16>
        %unpack3A_241 = tpu.unpack_subelements %bitcast3A_236, 0 {pack_format = #tpu.pack_format<interleaved>} : vector<32xbf16> -> vector<16xf32>
        %unpack3A_242 = tpu.unpack_subelements %bitcast3A_236, 1 {pack_format = #tpu.pack_format<interleaved>} : vector<32xbf16> -> vector<16xf32>
        %unpack3A_243 = tpu.unpack_subelements %bitcast3A_240, 0 {pack_format = #tpu.pack_format<interleaved>} : vector<32xbf16> -> vector<16xf32>
        %unpack3A_244 = tpu.unpack_subelements %bitcast3A_240, 1 {pack_format = #tpu.pack_format<interleaved>} : vector<32xbf16> -> vector<16xf32>
        %mul3A_245 = arith.mulf %unpack3A_241, %unpack3A_243 : vector<16xf32>
        %swap3A_246 = arith.index_cast %add3A_196 : i32 to index
        %swap3A_247 = arith.constant 32 : index
        %swap3A_248 = tpu.vector_load %arg13[%swap3A_246, %swap3A_247] {strides = array<i32>} : memref<128x128xf32, #tpu.memory_space<vmem>>, vector<16xf32>,
        tpu.vector_store %arg13[%swap3A_246, %swap3A_247], %mul3A_245 {strides = array<i32>} : memref<128x128xf32, #tpu.memory_space<vmem>>, vector<16xf32>,
        %mul3A_249 = arith.mulf %unpack3A_242, %unpack3A_244 : vector<16xf32>
        %swap3A_250 = arith.index_cast %add3A_196 : i32 to index
        %swap3A_251 = arith.constant 96 : index
        %swap3A_252 = tpu.vector_load %arg13[%swap3A_250, %swap3A_251] {strides = array<i32>} : memref<128x128xf32, #tpu.memory_space<vmem>>, vector<16xf32>,
        tpu.vector_store %arg13[%swap3A_250, %swap3A_251], %mul3A_249 {strides = array<i32>} : memref<128x128xf32, #tpu.memory_space<vmem>>, vector<16xf32>,
        %get3A_253 = arith.index_cast %add3A_196 : i32 to index
        %get3A_254 = arith.constant 48 : index
        %get3A_255 = tpu.vector_load %arg9[%get3A_253, %get3A_254] {strides = array<i32>} : memref<128x64xi32, #tpu.memory_space<vmem>>, vector<16xi32>,
        %bitcast3A_256 = vector.bitcast %get3A_255 : vector<16xi32> to vector<32xbf16>
        %get3A_257 = arith.index_cast %add3A_192 : i32 to index
        %get3A_258 = arith.constant 48 : index
        %get3A_259 = tpu.vector_load %arg11[%get3A_257, %get3A_258] {strides = array<i32>} : memref<64x128xi32, #tpu.memory_space<vmem>>, vector<16xi32>,
        %bitcast3A_260 = vector.bitcast %get3A_259 : vector<16xi32> to vector<32xbf16>
        %unpack3A_261 = tpu.unpack_subelements %bitcast3A_256, 0 {pack_format = #tpu.pack_format<interleaved>} : vector<32xbf16> -> vector<16xf32>
        %unpack3A_262 = tpu.unpack_subelements %bitcast3A_256, 1 {pack_format = #tpu.pack_format<interleaved>} : vector<32xbf16> -> vector<16xf32>
        %unpack3A_263 = tpu.unpack_subelements %bitcast3A_260, 0 {pack_format = #tpu.pack_format<interleaved>} : vector<32xbf16> -> vector<16xf32>
        %unpack3A_264 = tpu.unpack_subelements %bitcast3A_260, 1 {pack_format = #tpu.pack_format<interleaved>} : vector<32xbf16> -> vector<16xf32>
        %mul3A_265 = arith.mulf %unpack3A_261, %unpack3A_263 : vector<16xf32>
        %swap3A_266 = arith.index_cast %add3A_196 : i32 to index
        %swap3A_267 = arith.constant 48 : index
        %swap3A_268 = tpu.vector_load %arg13[%swap3A_266, %swap3A_267] {strides = array<i32>} : memref<128x128xf32, #tpu.memory_space<vmem>>, vector<16xf32>,
        tpu.vector_store %arg13[%swap3A_266, %swap3A_267], %mul3A_265 {strides = array<i32>} : memref<128x128xf32, #tpu.memory_space<vmem>>, vector<16xf32>,
        %mul3A_269 = arith.mulf %unpack3A_262, %unpack3A_264 : vector<16xf32>
        %swap3A_270 = arith.index_cast %add3A_196 : i32 to index
        %swap3A_271 = arith.constant 112 : index
        %swap3A_272 = tpu.vector_load %arg13[%swap3A_270, %swap3A_271] {strides = array<i32>} : memref<128x128xf32, #tpu.memory_space<vmem>>, vector<16xf32>,
        tpu.vector_store %arg13[%swap3A_270, %swap3A_271], %mul3A_269 {strides = array<i32>} : memref<128x128xf32, #tpu.memory_space<vmem>>, vector<16xf32>,
        %mul3A_273 = arith.constant 2 : i32
        %mul3A_274 = arith.muli %mul3A_273, %add3A_192 : i32
        %add3A_275 = arith.constant 1 : i32
        %add3A_276 = arith.addi %mul3A_274, %add3A_275 : i32
        %get3A_277 = arith.index_cast %add3A_276 : i32 to index
        %get3A_278 = arith.constant 0 : index
        %get3A_279 = tpu.vector_load %arg9[%get3A_277, %get3A_278] {strides = array<i32>} : memref<128x64xi32, #tpu.memory_space<vmem>>, vector<16xi32>,
        %bitcast3A_280 = vector.bitcast %get3A_279 : vector<16xi32> to vector<32xbf16>
        %get3A_281 = arith.index_cast %add3A_192 : i32 to index
        %get3A_282 = arith.constant 64 : index
        %get3A_283 = tpu.vector_load %arg11[%get3A_281, %get3A_282] {strides = array<i32>} : memref<64x128xi32, #tpu.memory_space<vmem>>, vector<16xi32>,
        %bitcast3A_284 = vector.bitcast %get3A_283 : vector<16xi32> to vector<32xbf16>
        %unpack3A_285 = tpu.unpack_subelements %bitcast3A_280, 0 {pack_format = #tpu.pack_format<interleaved>} : vector<32xbf16> -> vector<16xf32>
        %unpack3A_286 = tpu.unpack_subelements %bitcast3A_280, 1 {pack_format = #tpu.pack_format<interleaved>} : vector<32xbf16> -> vector<16xf32>
        %unpack3A_287 = tpu.unpack_subelements %bitcast3A_284, 0 {pack_format = #tpu.pack_format<interleaved>} : vector<32xbf16> -> vector<16xf32>
        %unpack3A_288 = tpu.unpack_subelements %bitcast3A_284, 1 {pack_format = #tpu.pack_format<interleaved>} : vector<32xbf16> -> vector<16xf32>
        %mul3A_289 = arith.mulf %unpack3A_285, %unpack3A_287 : vector<16xf32>
        %swap3A_290 = arith.index_cast %add3A_276 : i32 to index
        %swap3A_291 = arith.constant 0 : index
        %swap3A_292 = tpu.vector_load %arg13[%swap3A_290, %swap3A_291] {strides = array<i32>} : memref<128x128xf32, #tpu.memory_space<vmem>>, vector<16xf32>,
        tpu.vector_store %arg13[%swap3A_290, %swap3A_291], %mul3A_289 {strides = array<i32>} : memref<128x128xf32, #tpu.memory_space<vmem>>, vector<16xf32>,
        %mul3A_293 = arith.mulf %unpack3A_286, %unpack3A_288 : vector<16xf32>
        %swap3A_294 = arith.index_cast %add3A_276 : i32 to index
        %swap3A_295 = arith.constant 64 : index
        %swap3A_296 = tpu.vector_load %arg13[%swap3A_294, %swap3A_295] {strides = array<i32>} : memref<128x128xf32, #tpu.memory_space<vmem>>, vector<16xf32>,
        tpu.vector_store %arg13[%swap3A_294, %swap3A_295], %mul3A_293 {strides = array<i32>} : memref<128x128xf32, #tpu.memory_space<vmem>>, vector<16xf32>,
        %get3A_297 = arith.index_cast %add3A_276 : i32 to index
        %get3A_298 = arith.constant 16 : index
        %get3A_299 = tpu.vector_load %arg9[%get3A_297, %get3A_298] {strides = array<i32>} : memref<128x64xi32, #tpu.memory_space<vmem>>, vector<16xi32>,
        %bitcast3A_300 = vector.bitcast %get3A_299 : vector<16xi32> to vector<32xbf16>
        %get3A_301 = arith.index_cast %add3A_192 : i32 to index
        %get3A_302 = arith.constant 80 : index
        %get3A_303 = tpu.vector_load %arg11[%get3A_301, %get3A_302] {strides = array<i32>} : memref<64x128xi32, #tpu.memory_space<vmem>>, vector<16xi32>,
        %bitcast3A_304 = vector.bitcast %get3A_303 : vector<16xi32> to vector<32xbf16>
        %unpack3A_305 = tpu.unpack_subelements %bitcast3A_300, 0 {pack_format = #tpu.pack_format<interleaved>} : vector<32xbf16> -> vector<16xf32>
        %unpack3A_306 = tpu.unpack_subelements %bitcast3A_300, 1 {pack_format = #tpu.pack_format<interleaved>} : vector<32xbf16> -> vector<16xf32>
        %unpack3A_307 = tpu.unpack_subelements %bitcast3A_304, 0 {pack_format = #tpu.pack_format<interleaved>} : vector<32xbf16> -> vector<16xf32>
        %unpack3A_308 = tpu.unpack_subelements %bitcast3A_304, 1 {pack_format = #tpu.pack_format<interleaved>} : vector<32xbf16> -> vector<16xf32>
        %mul3A_309 = arith.mulf %unpack3A_305, %unpack3A_307 : vector<16xf32>
        %swap3A_310 = arith.index_cast %add3A_276 : i32 to index
        %swap3A_311 = arith.constant 16 : index
        %swap3A_312 = tpu.vector_load %arg13[%swap3A_310, %swap3A_311] {strides = array<i32>} : memref<128x128xf32, #tpu.memory_space<vmem>>, vector<16xf32>,
        tpu.vector_store %arg13[%swap3A_310, %swap3A_311], %mul3A_309 {strides = array<i32>} : memref<128x128xf32, #tpu.memory_space<vmem>>, vector<16xf32>,
        %mul3A_313 = arith.mulf %unpack3A_306, %unpack3A_308 : vector<16xf32>
        %swap3A_314 = arith.index_cast %add3A_276 : i32 to index
        %swap3A_315 = arith.constant 80 : index
        %swap3A_316 = tpu.vector_load %arg13[%swap3A_314, %swap3A_315] {strides = array<i32>} : memref<128x128xf32, #tpu.memory_space<vmem>>, vector<16xf32>,
        tpu.vector_store %arg13[%swap3A_314, %swap3A_315], %mul3A_313 {strides = array<i32>} : memref<128x128xf32, #tpu.memory_space<vmem>>, vector<16xf32>,
        %get3A_317 = arith.index_cast %add3A_276 : i32 to index
        %get3A_318 = arith.constant 32 : index
        %get3A_319 = tpu.vector_load %arg9[%get3A_317, %get3A_318] {strides = array<i32>} : memref<128x64xi32, #tpu.memory_space<vmem>>, vector<16xi32>,
        %bitcast3A_320 = vector.bitcast %get3A_319 : vector<16xi32> to vector<32xbf16>
        %get3A_321 = arith.index_cast %add3A_192 : i32 to index
        %get3A_322 = arith.constant 96 : index
        %get3A_323 = tpu.vector_load %arg11[%get3A_321, %get3A_322] {strides = array<i32>} : memref<64x128xi32, #tpu.memory_space<vmem>>, vector<16xi32>,
        %bitcast3A_324 = vector.bitcast %get3A_323 : vector<16xi32> to vector<32xbf16>
        %unpack3A_325 = tpu.unpack_subelements %bitcast3A_320, 0 {pack_format = #tpu.pack_format<interleaved>} : vector<32xbf16> -> vector<16xf32>
        %unpack3A_326 = tpu.unpack_subelements %bitcast3A_320, 1 {pack_format = #tpu.pack_format<interleaved>} : vector<32xbf16> -> vector<16xf32>
        %unpack3A_327 = tpu.unpack_subelements %bitcast3A_324, 0 {pack_format = #tpu.pack_format<interleaved>} : vector<32xbf16> -> vector<16xf32>
        %unpack3A_328 = tpu.unpack_subelements %bitcast3A_324, 1 {pack_format = #tpu.pack_format<interleaved>} : vector<32xbf16> -> vector<16xf32>
        %mul3A_329 = arith.mulf %unpack3A_325, %unpack3A_327 : vector<16xf32>
        %swap3A_330 = arith.index_cast %add3A_276 : i32 to index
        %swap3A_331 = arith.constant 32 : index
        %swap3A_332 = tpu.vector_load %arg13[%swap3A_330, %swap3A_331] {strides = array<i32>} : memref<128x128xf32, #tpu.memory_space<vmem>>, vector<16xf32>,
        tpu.vector_store %arg13[%swap3A_330, %swap3A_331], %mul3A_329 {strides = array<i32>} : memref<128x128xf32, #tpu.memory_space<vmem>>, vector<16xf32>,
        %mul3A_333 = arith.mulf %unpack3A_326, %unpack3A_328 : vector<16xf32>
        %swap3A_334 = arith.index_cast %add3A_276 : i32 to index
        %swap3A_335 = arith.constant 96 : index
        %swap3A_336 = tpu.vector_load %arg13[%swap3A_334, %swap3A_335] {strides = array<i32>} : memref<128x128xf32, #tpu.memory_space<vmem>>, vector<16xf32>,
        tpu.vector_store %arg13[%swap3A_334, %swap3A_335], %mul3A_333 {strides = array<i32>} : memref<128x128xf32, #tpu.memory_space<vmem>>, vector<16xf32>,
        %get3A_337 = arith.index_cast %add3A_276 : i32 to index
        %get3A_338 = arith.constant 48 : index
        %get3A_339 = tpu.vector_load %arg9[%get3A_337, %get3A_338] {strides = array<i32>} : memref<128x64xi32, #tpu.memory_space<vmem>>, vector<16xi32>,
        %bitcast3A_340 = vector.bitcast %get3A_339 : vector<16xi32> to vector<32xbf16>
        %get3A_341 = arith.index_cast %add3A_192 : i32 to index
        %get3A_342 = arith.constant 112 : index
        %get3A_343 = tpu.vector_load %arg11[%get3A_341, %get3A_342] {strides = array<i32>} : memref<64x128xi32, #tpu.memory_space<vmem>>, vector<16xi32>,
        %bitcast3A_344 = vector.bitcast %get3A_343 : vector<16xi32> to vector<32xbf16>
        %unpack3A_345 = tpu.unpack_subelements %bitcast3A_340, 0 {pack_format = #tpu.pack_format<interleaved>} : vector<32xbf16> -> vector<16xf32>
        %unpack3A_346 = tpu.unpack_subelements %bitcast3A_340, 1 {pack_format = #tpu.pack_format<interleaved>} : vector<32xbf16> -> vector<16xf32>
        %unpack3A_347 = tpu.unpack_subelements %bitcast3A_344, 0 {pack_format = #tpu.pack_format<interleaved>} : vector<32xbf16> -> vector<16xf32>
        %unpack3A_348 = tpu.unpack_subelements %bitcast3A_344, 1 {pack_format = #tpu.pack_format<interleaved>} : vector<32xbf16> -> vector<16xf32>
        %mul3A_349 = arith.mulf %unpack3A_345, %unpack3A_347 : vector<16xf32>
        %swap3A_350 = arith.index_cast %add3A_276 : i32 to index
        %swap3A_351 = arith.constant 48 : index
        %swap3A_352 = tpu.vector_load %arg13[%swap3A_350, %swap3A_351] {strides = array<i32>} : memref<128x128xf32, #tpu.memory_space<vmem>>, vector<16xf32>,
        tpu.vector_store %arg13[%swap3A_350, %swap3A_351], %mul3A_349 {strides = array<i32>} : memref<128x128xf32, #tpu.memory_space<vmem>>, vector<16xf32>,
        %mul3A_353 = arith.mulf %unpack3A_346, %unpack3A_348 : vector<16xf32>
        %swap3A_354 = arith.index_cast %add3A_276 : i32 to index
        %swap3A_355 = arith.constant 112 : index
        %swap3A_356 = tpu.vector_load %arg13[%swap3A_354, %swap3A_355] {strides = array<i32>} : memref<128x128xf32, #tpu.memory_space<vmem>>, vector<16xf32>,
        tpu.vector_store %arg13[%swap3A_354, %swap3A_355], %mul3A_353 {strides = array<i32>} : memref<128x128xf32, #tpu.memory_space<vmem>>, vector<16xf32>,
      }
      %scan3A_158 = arith.constant 64 : i32
      %run_scoped3A_159 = arith.constant 1 : i32
      "tpu.region"() ({
        %run_scoped3A_188 = tpu.sem_alloc : memref<!tpu.dma_semaphore, #tpu.memory_space<semaphore_mem>>
        %dma_start3A_189 = arith.constant 0 : i32
        %dma_start3A_190 = tpu.memref_slice %arg8[%run_scoped3A_159, %dma_start3A_189] : memref<4x128xi32, #tpu.memory_space<vmem>> -> memref<1x128xi32, #tpu.memory_space<vmem>>
        %dma_start3A_191 = tpu.memref_squeeze %dma_start3A_190 : memref<1x128xi32, #tpu.memory_space<vmem>> -> memref<128xi32, #tpu.memory_space<vmem>>
        %dma_start3A_192 = arith.constant 0 : i32
        %dma_start3A_193 = arith.constant 0 : i32
        %dma_start3A_194 = tpu.memref_slice %arg14[%dma_start3A_192, %dma_start3A_193] : memref<10000x128xf32, #tpu.memory_space<vmem_shared>> -> memref<10000x128xf32, #tpu.memory_space<vmem_shared>>
        tpu.enqueue_indirect_dma source(%arg13 : memref<128x128xf32, #tpu.memory_space<vmem>>) target(%dma_start3A_194 : memref<10000x128xf32, #tpu.memory_space<vmem_shared>>) offsets(%dma_start3A_191 : memref<128xi32, #tpu.memory_space<vmem>>) semaphore(%run_scoped3A_188 : memref<!tpu.dma_semaphore, #tpu.memory_space<semaphore_mem>>) {add = true}
        %dma_wait3A_195 = arith.constant 0 : i32
        %dma_wait3A_196 = tpu.memref_slice %arg8[%run_scoped3A_159, %dma_wait3A_195] : memref<4x128xi32, #tpu.memory_space<vmem>> -> memref<1x128xi32, #tpu.memory_space<vmem>>
        %dma_wait3A_197 = tpu.memref_squeeze %dma_wait3A_196 : memref<1x128xi32, #tpu.memory_space<vmem>> -> memref<128xi32, #tpu.memory_space<vmem>>
        %dma_wait3A_198 = arith.constant 0 : i32
        %dma_wait3A_199 = arith.constant 0 : i32
        %dma_wait3A_200 = tpu.memref_slice %arg14[%dma_wait3A_198, %dma_wait3A_199] : memref<10000x128xf32, #tpu.memory_space<vmem_shared>> -> memref<10000x128xf32, #tpu.memory_space<vmem_shared>>
        tpu.wait_indirect_dma semaphore(%run_scoped3A_188 : memref<!tpu.dma_semaphore, #tpu.memory_space<semaphore_mem>>) src(%arg13 : memref<128x128xf32, #tpu.memory_space<vmem>>) dst(%dma_wait3A_200 : memref<10000x128xf32, #tpu.memory_space<vmem_shared>>)
        tpu.yield
      }) : () -> ()
      %lt3A_160 = arith.constant 19 : i32
      %lt3A_161 = arith.cmpi slt, %add3A_42, %lt3A_160 : i32
      %convert_element_type3A_162 = arith.extui %lt3A_161 : i1 to i32
      %cond3A_163 = arith.constant 0 : i32
      %cond3A_164 = arith.cmpi ne, %convert_element_type3A_162, %cond3A_163 : i32
      scf.if %cond3A_164 {
        %dma_wait3A_188 = arith.constant 0 : i32
        %dma_wait3A_189 = arith.constant 0 : i32
        %dma_wait3A_190 = arith.constant 0 : i32
        %dma_wait3A_191 = tpu.memref_slice %arg4[%add3A, %dma_wait3A_188, %dma_wait3A_189, %dma_wait3A_190] : memref<32x40x4x128xi32, #tpu.memory_space<hbm>> -> memref<1x1x4x128xi32, #tpu.memory_space<hbm>>
        %dma_wait3A_192 = tpu.memref_squeeze %dma_wait3A_191 : memref<1x1x4x128xi32, #tpu.memory_space<hbm>> -> memref<4x128xi32, #tpu.memory_space<hbm>>
        %dma_wait3A_193 = arith.constant 0 : i32
        %dma_wait3A_194 = arith.constant 0 : i32
        %dma_wait3A_195 = tpu.memref_slice %arg4[%add3A, %dma_wait3A_188, %dma_wait3A_193, %dma_wait3A_194] : memref<32x40x4x128xi32, #tpu.memory_space<hbm>> -> memref<1x1x4x128xi32, #tpu.memory_space<hbm>>
        %dma_wait3A_196 = tpu.memref_squeeze %dma_wait3A_195 : memref<1x1x4x128xi32, #tpu.memory_space<hbm>> -> memref<4x128xi32, #tpu.memory_space<hbm>>
        tpu.wait_dma2 semaphore(%arg15 : memref<!tpu.dma_semaphore, #tpu.memory_space<semaphore_mem>>) src(%dma_wait3A_196 : memref<4x128xi32, #tpu.memory_space<hbm>>) dst(%arg7 : memref<4x128xi32, #tpu.memory_space<vmem>>)
        %add3A_197 = arith.constant 4 : i32
        %add3A_198 = arith.addi %mul3A_44, %add3A_197 : i32
        %dma_start3A_199 = arith.constant 0 : i32
        %dma_start3A_200 = arith.constant 0 : i32
        %dma_start3A_201 = tpu.memref_slice %arg7[%dma_start3A_199, %dma_start3A_200] : memref<4x128xi32, #tpu.memory_space<vmem>> -> memref<1x128xi32, #tpu.memory_space<vmem>>
        %dma_start3A_202 = tpu.memref_squeeze %dma_start3A_201 : memref<1x128xi32, #tpu.memory_space<vmem>> -> memref<128xi32, #tpu.memory_space<vmem>>
        %dma_start3A_203 = arith.constant 0 : i32
        %dma_start3A_204 = arith.constant 0 : i32
        %dma_start3A_205 = tpu.memref_slice %arg2[%dma_start3A_203, %dma_start3A_204] : memref<10000x64xi32, #tpu.memory_space<hbm>> -> memref<10000x64xi32, #tpu.memory_space<hbm>>
        tpu.enqueue_indirect_dma source(%dma_start3A_205 : memref<10000x64xi32, #tpu.memory_space<hbm>>) target(%arg9 : memref<128x64xi32, #tpu.memory_space<vmem>>) offsets(%dma_start3A_202 : memref<128xi32, #tpu.memory_space<vmem>>) semaphore(%arg17 : memref<!tpu.dma_semaphore, #tpu.memory_space<semaphore_mem>>)
        %mul3A_206 = arith.constant 64 : i32
        %mul3A_207 = arith.muli %add3A_198, %mul3A_206 : i32
        %add3A_208 = arith.addi %mul3A_6, %mul3A_207 : i32
        %dma_start3A_209 = arith.constant 0 : i32
        %dma_start3A_210 = tpu.memref_slice %arg3[%add3A_208, %dma_start3A_209] : memref<163840x128xi32, #tpu.memory_space<hbm>> -> memref<64x128xi32, #tpu.memory_space<hbm>>
        %dma_start3A_211 = arith.constant 0 : i32
        %dma_start3A_212 = tpu.memref_slice %arg3[%add3A_208, %dma_start3A_211] : memref<163840x128xi32, #tpu.memory_space<hbm>> -> memref<64x128xi32, #tpu.memory_space<hbm>>
        tpu.enqueue_dma source(%dma_start3A_212 : memref<64x128xi32, #tpu.memory_space<hbm>>) target(%arg11 : memref<64x128xi32, #tpu.memory_space<vmem>>) target_semaphore(%arg19 : memref<!tpu.dma_semaphore, #tpu.memory_space<semaphore_mem>>)
      } else {
      }
      %dma_wait3A_165 = arith.constant 0 : i32
      %dma_wait3A_166 = arith.constant 0 : i32
      %dma_wait3A_167 = tpu.memref_slice %arg2[%dma_wait3A_165, %dma_wait3A_166] : memref<10000x64xi32, #tpu.memory_space<hbm>> -> memref<128x64xi32, #tpu.memory_space<hbm>>
      %dma_wait3A_168 = arith.constant 0 : i32
      %dma_wait3A_169 = arith.constant 0 : i32
      %dma_wait3A_170 = tpu.memref_slice %arg2[%dma_wait3A_168, %dma_wait3A_169] : memref<10000x64xi32, #tpu.memory_space<hbm>> -> memref<128x64xi32, #tpu.memory_space<hbm>>
      tpu.wait_dma2 semaphore(%arg18 : memref<!tpu.dma_semaphore, #tpu.memory_space<semaphore_mem>>) src(%dma_wait3A_170 : memref<128x64xi32, #tpu.memory_space<hbm>>) dst(%arg10 : memref<128x64xi32, #tpu.memory_space<vmem>>)
      %dma_wait3A_171 = arith.constant 0 : i32
      %dma_wait3A_172 = arith.constant 0 : i32
      %dma_wait3A_173 = tpu.memref_slice %arg3[%dma_wait3A_171, %dma_wait3A_172] : memref<163840x128xi32, #tpu.memory_space<hbm>> -> memref<64x128xi32, #tpu.memory_space<hbm>>
      %dma_wait3A_174 = arith.constant 0 : i32
      %dma_wait3A_175 = arith.constant 0 : i32
      %dma_wait3A_176 = tpu.memref_slice %arg3[%dma_wait3A_174, %dma_wait3A_175] : memref<163840x128xi32, #tpu.memory_space<hbm>> -> memref<64x128xi32, #tpu.memory_space<hbm>>
      tpu.wait_dma2 semaphore(%arg20 : memref<!tpu.dma_semaphore, #tpu.memory_space<semaphore_mem>>) src(%dma_wait3A_176 : memref<64x128xi32, #tpu.memory_space<hbm>>) dst(%arg12 : memref<64x128xi32, #tpu.memory_space<vmem>>)
      %scan3A_177 = arith.constant 0 : i32
      %scan3A_178 = arith.constant 64 : i32
      %scan3A_179 = arith.addi %scan3A_177, %scan3A_178 : i32
      %scan3A_180 = arith.constant 1 : i32
      scf.for %scan3A_188 = %scan3A_177 to %scan3A_179 step %scan3A_180  : i32 {
        %mul3A_189 = arith.constant 1 : i32
        %mul3A_190 = arith.muli %scan3A_188, %mul3A_189 : i32
        %add3A_191 = arith.constant 0 : i32
        %add3A_192 = arith.addi %add3A_191, %mul3A_190 : i32
        %mul3A_193 = arith.constant 2 : i32
        %mul3A_194 = arith.muli %mul3A_193, %add3A_192 : i32
        %add3A_195 = arith.constant 0 : i32
        %add3A_196 = arith.addi %mul3A_194, %add3A_195 : i32
        %get3A = arith.index_cast %add3A_196 : i32 to index
        %get3A_197 = arith.constant 0 : index
        %get3A_198 = tpu.vector_load %arg10[%get3A, %get3A_197] {strides = array<i32>} : memref<128x64xi32, #tpu.memory_space<vmem>>, vector<16xi32>,
        %bitcast3A = vector.bitcast %get3A_198 : vector<16xi32> to vector<32xbf16>
        %get3A_199 = arith.index_cast %add3A_192 : i32 to index
        %get3A_200 = arith.constant 0 : index
        %get3A_201 = tpu.vector_load %arg12[%get3A_199, %get3A_200] {strides = array<i32>} : memref<64x128xi32, #tpu.memory_space<vmem>>, vector<16xi32>,
        %bitcast3A_202 = vector.bitcast %get3A_201 : vector<16xi32> to vector<32xbf16>
        %unpack3A = tpu.unpack_subelements %bitcast3A, 0 {pack_format = #tpu.pack_format<interleaved>} : vector<32xbf16> -> vector<16xf32>
        %unpack3A_203 = tpu.unpack_subelements %bitcast3A, 1 {pack_format = #tpu.pack_format<interleaved>} : vector<32xbf16> -> vector<16xf32>
        %unpack3A_204 = tpu.unpack_subelements %bitcast3A_202, 0 {pack_format = #tpu.pack_format<interleaved>} : vector<32xbf16> -> vector<16xf32>
        %unpack3A_205 = tpu.unpack_subelements %bitcast3A_202, 1 {pack_format = #tpu.pack_format<interleaved>} : vector<32xbf16> -> vector<16xf32>
        %mul3A_206 = arith.mulf %unpack3A, %unpack3A_204 : vector<16xf32>
        %swap3A = arith.index_cast %add3A_196 : i32 to index
        %swap3A_207 = arith.constant 0 : index
        %swap3A_208 = tpu.vector_load %arg13[%swap3A, %swap3A_207] {strides = array<i32>} : memref<128x128xf32, #tpu.memory_space<vmem>>, vector<16xf32>,
        tpu.vector_store %arg13[%swap3A, %swap3A_207], %mul3A_206 {strides = array<i32>} : memref<128x128xf32, #tpu.memory_space<vmem>>, vector<16xf32>,
        %mul3A_209 = arith.mulf %unpack3A_203, %unpack3A_205 : vector<16xf32>
        %swap3A_210 = arith.index_cast %add3A_196 : i32 to index
        %swap3A_211 = arith.constant 64 : index
        %swap3A_212 = tpu.vector_load %arg13[%swap3A_210, %swap3A_211] {strides = array<i32>} : memref<128x128xf32, #tpu.memory_space<vmem>>, vector<16xf32>,
        tpu.vector_store %arg13[%swap3A_210, %swap3A_211], %mul3A_209 {strides = array<i32>} : memref<128x128xf32, #tpu.memory_space<vmem>>, vector<16xf32>,
        %get3A_213 = arith.index_cast %add3A_196 : i32 to index
        %get3A_214 = arith.constant 16 : index
        %get3A_215 = tpu.vector_load %arg10[%get3A_213, %get3A_214] {strides = array<i32>} : memref<128x64xi32, #tpu.memory_space<vmem>>, vector<16xi32>,
        %bitcast3A_216 = vector.bitcast %get3A_215 : vector<16xi32> to vector<32xbf16>
        %get3A_217 = arith.index_cast %add3A_192 : i32 to index
        %get3A_218 = arith.constant 16 : index
        %get3A_219 = tpu.vector_load %arg12[%get3A_217, %get3A_218] {strides = array<i32>} : memref<64x128xi32, #tpu.memory_space<vmem>>, vector<16xi32>,
        %bitcast3A_220 = vector.bitcast %get3A_219 : vector<16xi32> to vector<32xbf16>
        %unpack3A_221 = tpu.unpack_subelements %bitcast3A_216, 0 {pack_format = #tpu.pack_format<interleaved>} : vector<32xbf16> -> vector<16xf32>
        %unpack3A_222 = tpu.unpack_subelements %bitcast3A_216, 1 {pack_format = #tpu.pack_format<interleaved>} : vector<32xbf16> -> vector<16xf32>
        %unpack3A_223 = tpu.unpack_subelements %bitcast3A_220, 0 {pack_format = #tpu.pack_format<interleaved>} : vector<32xbf16> -> vector<16xf32>
        %unpack3A_224 = tpu.unpack_subelements %bitcast3A_220, 1 {pack_format = #tpu.pack_format<interleaved>} : vector<32xbf16> -> vector<16xf32>
        %mul3A_225 = arith.mulf %unpack3A_221, %unpack3A_223 : vector<16xf32>
        %swap3A_226 = arith.index_cast %add3A_196 : i32 to index
        %swap3A_227 = arith.constant 16 : index
        %swap3A_228 = tpu.vector_load %arg13[%swap3A_226, %swap3A_227] {strides = array<i32>} : memref<128x128xf32, #tpu.memory_space<vmem>>, vector<16xf32>,
        tpu.vector_store %arg13[%swap3A_226, %swap3A_227], %mul3A_225 {strides = array<i32>} : memref<128x128xf32, #tpu.memory_space<vmem>>, vector<16xf32>,
        %mul3A_229 = arith.mulf %unpack3A_222, %unpack3A_224 : vector<16xf32>
        %swap3A_230 = arith.index_cast %add3A_196 : i32 to index
        %swap3A_231 = arith.constant 80 : index
        %swap3A_232 = tpu.vector_load %arg13[%swap3A_230, %swap3A_231] {strides = array<i32>} : memref<128x128xf32, #tpu.memory_space<vmem>>, vector<16xf32>,
        tpu.vector_store %arg13[%swap3A_230, %swap3A_231], %mul3A_229 {strides = array<i32>} : memref<128x128xf32, #tpu.memory_space<vmem>>, vector<16xf32>,
        %get3A_233 = arith.index_cast %add3A_196 : i32 to index
        %get3A_234 = arith.constant 32 : index
        %get3A_235 = tpu.vector_load %arg10[%get3A_233, %get3A_234] {strides = array<i32>} : memref<128x64xi32, #tpu.memory_space<vmem>>, vector<16xi32>,
        %bitcast3A_236 = vector.bitcast %get3A_235 : vector<16xi32> to vector<32xbf16>
        %get3A_237 = arith.index_cast %add3A_192 : i32 to index
        %get3A_238 = arith.constant 32 : index
        %get3A_239 = tpu.vector_load %arg12[%get3A_237, %get3A_238] {strides = array<i32>} : memref<64x128xi32, #tpu.memory_space<vmem>>, vector<16xi32>,
        %bitcast3A_240 = vector.bitcast %get3A_239 : vector<16xi32> to vector<32xbf16>
        %unpack3A_241 = tpu.unpack_subelements %bitcast3A_236, 0 {pack_format = #tpu.pack_format<interleaved>} : vector<32xbf16> -> vector<16xf32>
        %unpack3A_242 = tpu.unpack_subelements %bitcast3A_236, 1 {pack_format = #tpu.pack_format<interleaved>} : vector<32xbf16> -> vector<16xf32>
        %unpack3A_243 = tpu.unpack_subelements %bitcast3A_240, 0 {pack_format = #tpu.pack_format<interleaved>} : vector<32xbf16> -> vector<16xf32>
        %unpack3A_244 = tpu.unpack_subelements %bitcast3A_240, 1 {pack_format = #tpu.pack_format<interleaved>} : vector<32xbf16> -> vector<16xf32>
        %mul3A_245 = arith.mulf %unpack3A_241, %unpack3A_243 : vector<16xf32>
        %swap3A_246 = arith.index_cast %add3A_196 : i32 to index
        %swap3A_247 = arith.constant 32 : index
        %swap3A_248 = tpu.vector_load %arg13[%swap3A_246, %swap3A_247] {strides = array<i32>} : memref<128x128xf32, #tpu.memory_space<vmem>>, vector<16xf32>,
        tpu.vector_store %arg13[%swap3A_246, %swap3A_247], %mul3A_245 {strides = array<i32>} : memref<128x128xf32, #tpu.memory_space<vmem>>, vector<16xf32>,
        %mul3A_249 = arith.mulf %unpack3A_242, %unpack3A_244 : vector<16xf32>
        %swap3A_250 = arith.index_cast %add3A_196 : i32 to index
        %swap3A_251 = arith.constant 96 : index
        %swap3A_252 = tpu.vector_load %arg13[%swap3A_250, %swap3A_251] {strides = array<i32>} : memref<128x128xf32, #tpu.memory_space<vmem>>, vector<16xf32>,
        tpu.vector_store %arg13[%swap3A_250, %swap3A_251], %mul3A_249 {strides = array<i32>} : memref<128x128xf32, #tpu.memory_space<vmem>>, vector<16xf32>,
        %get3A_253 = arith.index_cast %add3A_196 : i32 to index
        %get3A_254 = arith.constant 48 : index
        %get3A_255 = tpu.vector_load %arg10[%get3A_253, %get3A_254] {strides = array<i32>} : memref<128x64xi32, #tpu.memory_space<vmem>>, vector<16xi32>,
        %bitcast3A_256 = vector.bitcast %get3A_255 : vector<16xi32> to vector<32xbf16>
        %get3A_257 = arith.index_cast %add3A_192 : i32 to index
        %get3A_258 = arith.constant 48 : index
        %get3A_259 = tpu.vector_load %arg12[%get3A_257, %get3A_258] {strides = array<i32>} : memref<64x128xi32, #tpu.memory_space<vmem>>, vector<16xi32>,
        %bitcast3A_260 = vector.bitcast %get3A_259 : vector<16xi32> to vector<32xbf16>
        %unpack3A_261 = tpu.unpack_subelements %bitcast3A_256, 0 {pack_format = #tpu.pack_format<interleaved>} : vector<32xbf16> -> vector<16xf32>
        %unpack3A_262 = tpu.unpack_subelements %bitcast3A_256, 1 {pack_format = #tpu.pack_format<interleaved>} : vector<32xbf16> -> vector<16xf32>
        %unpack3A_263 = tpu.unpack_subelements %bitcast3A_260, 0 {pack_format = #tpu.pack_format<interleaved>} : vector<32xbf16> -> vector<16xf32>
        %unpack3A_264 = tpu.unpack_subelements %bitcast3A_260, 1 {pack_format = #tpu.pack_format<interleaved>} : vector<32xbf16> -> vector<16xf32>
        %mul3A_265 = arith.mulf %unpack3A_261, %unpack3A_263 : vector<16xf32>
        %swap3A_266 = arith.index_cast %add3A_196 : i32 to index
        %swap3A_267 = arith.constant 48 : index
        %swap3A_268 = tpu.vector_load %arg13[%swap3A_266, %swap3A_267] {strides = array<i32>} : memref<128x128xf32, #tpu.memory_space<vmem>>, vector<16xf32>,
        tpu.vector_store %arg13[%swap3A_266, %swap3A_267], %mul3A_265 {strides = array<i32>} : memref<128x128xf32, #tpu.memory_space<vmem>>, vector<16xf32>,
        %mul3A_269 = arith.mulf %unpack3A_262, %unpack3A_264 : vector<16xf32>
        %swap3A_270 = arith.index_cast %add3A_196 : i32 to index
        %swap3A_271 = arith.constant 112 : index
        %swap3A_272 = tpu.vector_load %arg13[%swap3A_270, %swap3A_271] {strides = array<i32>} : memref<128x128xf32, #tpu.memory_space<vmem>>, vector<16xf32>,
        tpu.vector_store %arg13[%swap3A_270, %swap3A_271], %mul3A_269 {strides = array<i32>} : memref<128x128xf32, #tpu.memory_space<vmem>>, vector<16xf32>,
        %mul3A_273 = arith.constant 2 : i32
        %mul3A_274 = arith.muli %mul3A_273, %add3A_192 : i32
        %add3A_275 = arith.constant 1 : i32
        %add3A_276 = arith.addi %mul3A_274, %add3A_275 : i32
        %get3A_277 = arith.index_cast %add3A_276 : i32 to index
        %get3A_278 = arith.constant 0 : index
        %get3A_279 = tpu.vector_load %arg10[%get3A_277, %get3A_278] {strides = array<i32>} : memref<128x64xi32, #tpu.memory_space<vmem>>, vector<16xi32>,
        %bitcast3A_280 = vector.bitcast %get3A_279 : vector<16xi32> to vector<32xbf16>
        %get3A_281 = arith.index_cast %add3A_192 : i32 to index
        %get3A_282 = arith.constant 64 : index
        %get3A_283 = tpu.vector_load %arg12[%get3A_281, %get3A_282] {strides = array<i32>} : memref<64x128xi32, #tpu.memory_space<vmem>>, vector<16xi32>,
        %bitcast3A_284 = vector.bitcast %get3A_283 : vector<16xi32> to vector<32xbf16>
        %unpack3A_285 = tpu.unpack_subelements %bitcast3A_280, 0 {pack_format = #tpu.pack_format<interleaved>} : vector<32xbf16> -> vector<16xf32>
        %unpack3A_286 = tpu.unpack_subelements %bitcast3A_280, 1 {pack_format = #tpu.pack_format<interleaved>} : vector<32xbf16> -> vector<16xf32>
        %unpack3A_287 = tpu.unpack_subelements %bitcast3A_284, 0 {pack_format = #tpu.pack_format<interleaved>} : vector<32xbf16> -> vector<16xf32>
        %unpack3A_288 = tpu.unpack_subelements %bitcast3A_284, 1 {pack_format = #tpu.pack_format<interleaved>} : vector<32xbf16> -> vector<16xf32>
        %mul3A_289 = arith.mulf %unpack3A_285, %unpack3A_287 : vector<16xf32>
        %swap3A_290 = arith.index_cast %add3A_276 : i32 to index
        %swap3A_291 = arith.constant 0 : index
        %swap3A_292 = tpu.vector_load %arg13[%swap3A_290, %swap3A_291] {strides = array<i32>} : memref<128x128xf32, #tpu.memory_space<vmem>>, vector<16xf32>,
        tpu.vector_store %arg13[%swap3A_290, %swap3A_291], %mul3A_289 {strides = array<i32>} : memref<128x128xf32, #tpu.memory_space<vmem>>, vector<16xf32>,
        %mul3A_293 = arith.mulf %unpack3A_286, %unpack3A_288 : vector<16xf32>
        %swap3A_294 = arith.index_cast %add3A_276 : i32 to index
        %swap3A_295 = arith.constant 64 : index
        %swap3A_296 = tpu.vector_load %arg13[%swap3A_294, %swap3A_295] {strides = array<i32>} : memref<128x128xf32, #tpu.memory_space<vmem>>, vector<16xf32>,
        tpu.vector_store %arg13[%swap3A_294, %swap3A_295], %mul3A_293 {strides = array<i32>} : memref<128x128xf32, #tpu.memory_space<vmem>>, vector<16xf32>,
        %get3A_297 = arith.index_cast %add3A_276 : i32 to index
        %get3A_298 = arith.constant 16 : index
        %get3A_299 = tpu.vector_load %arg10[%get3A_297, %get3A_298] {strides = array<i32>} : memref<128x64xi32, #tpu.memory_space<vmem>>, vector<16xi32>,
        %bitcast3A_300 = vector.bitcast %get3A_299 : vector<16xi32> to vector<32xbf16>
        %get3A_301 = arith.index_cast %add3A_192 : i32 to index
        %get3A_302 = arith.constant 80 : index
        %get3A_303 = tpu.vector_load %arg12[%get3A_301, %get3A_302] {strides = array<i32>} : memref<64x128xi32, #tpu.memory_space<vmem>>, vector<16xi32>,
        %bitcast3A_304 = vector.bitcast %get3A_303 : vector<16xi32> to vector<32xbf16>
        %unpack3A_305 = tpu.unpack_subelements %bitcast3A_300, 0 {pack_format = #tpu.pack_format<interleaved>} : vector<32xbf16> -> vector<16xf32>
        %unpack3A_306 = tpu.unpack_subelements %bitcast3A_300, 1 {pack_format = #tpu.pack_format<interleaved>} : vector<32xbf16> -> vector<16xf32>
        %unpack3A_307 = tpu.unpack_subelements %bitcast3A_304, 0 {pack_format = #tpu.pack_format<interleaved>} : vector<32xbf16> -> vector<16xf32>
        %unpack3A_308 = tpu.unpack_subelements %bitcast3A_304, 1 {pack_format = #tpu.pack_format<interleaved>} : vector<32xbf16> -> vector<16xf32>
        %mul3A_309 = arith.mulf %unpack3A_305, %unpack3A_307 : vector<16xf32>
        %swap3A_310 = arith.index_cast %add3A_276 : i32 to index
        %swap3A_311 = arith.constant 16 : index
        %swap3A_312 = tpu.vector_load %arg13[%swap3A_310, %swap3A_311] {strides = array<i32>} : memref<128x128xf32, #tpu.memory_space<vmem>>, vector<16xf32>,
        tpu.vector_store %arg13[%swap3A_310, %swap3A_311], %mul3A_309 {strides = array<i32>} : memref<128x128xf32, #tpu.memory_space<vmem>>, vector<16xf32>,
        %mul3A_313 = arith.mulf %unpack3A_306, %unpack3A_308 : vector<16xf32>
        %swap3A_314 = arith.index_cast %add3A_276 : i32 to index
        %swap3A_315 = arith.constant 80 : index
        %swap3A_316 = tpu.vector_load %arg13[%swap3A_314, %swap3A_315] {strides = array<i32>} : memref<128x128xf32, #tpu.memory_space<vmem>>, vector<16xf32>,
        tpu.vector_store %arg13[%swap3A_314, %swap3A_315], %mul3A_313 {strides = array<i32>} : memref<128x128xf32, #tpu.memory_space<vmem>>, vector<16xf32>,
        %get3A_317 = arith.index_cast %add3A_276 : i32 to index
        %get3A_318 = arith.constant 32 : index
        %get3A_319 = tpu.vector_load %arg10[%get3A_317, %get3A_318] {strides = array<i32>} : memref<128x64xi32, #tpu.memory_space<vmem>>, vector<16xi32>,
        %bitcast3A_320 = vector.bitcast %get3A_319 : vector<16xi32> to vector<32xbf16>
        %get3A_321 = arith.index_cast %add3A_192 : i32 to index
        %get3A_322 = arith.constant 96 : index
        %get3A_323 = tpu.vector_load %arg12[%get3A_321, %get3A_322] {strides = array<i32>} : memref<64x128xi32, #tpu.memory_space<vmem>>, vector<16xi32>,
        %bitcast3A_324 = vector.bitcast %get3A_323 : vector<16xi32> to vector<32xbf16>
        %unpack3A_325 = tpu.unpack_subelements %bitcast3A_320, 0 {pack_format = #tpu.pack_format<interleaved>} : vector<32xbf16> -> vector<16xf32>
        %unpack3A_326 = tpu.unpack_subelements %bitcast3A_320, 1 {pack_format = #tpu.pack_format<interleaved>} : vector<32xbf16> -> vector<16xf32>
        %unpack3A_327 = tpu.unpack_subelements %bitcast3A_324, 0 {pack_format = #tpu.pack_format<interleaved>} : vector<32xbf16> -> vector<16xf32>
        %unpack3A_328 = tpu.unpack_subelements %bitcast3A_324, 1 {pack_format = #tpu.pack_format<interleaved>} : vector<32xbf16> -> vector<16xf32>
        %mul3A_329 = arith.mulf %unpack3A_325, %unpack3A_327 : vector<16xf32>
        %swap3A_330 = arith.index_cast %add3A_276 : i32 to index
        %swap3A_331 = arith.constant 32 : index
        %swap3A_332 = tpu.vector_load %arg13[%swap3A_330, %swap3A_331] {strides = array<i32>} : memref<128x128xf32, #tpu.memory_space<vmem>>, vector<16xf32>,
        tpu.vector_store %arg13[%swap3A_330, %swap3A_331], %mul3A_329 {strides = array<i32>} : memref<128x128xf32, #tpu.memory_space<vmem>>, vector<16xf32>,
        %mul3A_333 = arith.mulf %unpack3A_326, %unpack3A_328 : vector<16xf32>
        %swap3A_334 = arith.index_cast %add3A_276 : i32 to index
        %swap3A_335 = arith.constant 96 : index
        %swap3A_336 = tpu.vector_load %arg13[%swap3A_334, %swap3A_335] {strides = array<i32>} : memref<128x128xf32, #tpu.memory_space<vmem>>, vector<16xf32>,
        tpu.vector_store %arg13[%swap3A_334, %swap3A_335], %mul3A_333 {strides = array<i32>} : memref<128x128xf32, #tpu.memory_space<vmem>>, vector<16xf32>,
        %get3A_337 = arith.index_cast %add3A_276 : i32 to index
        %get3A_338 = arith.constant 48 : index
        %get3A_339 = tpu.vector_load %arg10[%get3A_337, %get3A_338] {strides = array<i32>} : memref<128x64xi32, #tpu.memory_space<vmem>>, vector<16xi32>,
        %bitcast3A_340 = vector.bitcast %get3A_339 : vector<16xi32> to vector<32xbf16>
        %get3A_341 = arith.index_cast %add3A_192 : i32 to index
        %get3A_342 = arith.constant 112 : index
        %get3A_343 = tpu.vector_load %arg12[%get3A_341, %get3A_342] {strides = array<i32>} : memref<64x128xi32, #tpu.memory_space<vmem>>, vector<16xi32>,
        %bitcast3A_344 = vector.bitcast %get3A_343 : vector<16xi32> to vector<32xbf16>
        %unpack3A_345 = tpu.unpack_subelements %bitcast3A_340, 0 {pack_format = #tpu.pack_format<interleaved>} : vector<32xbf16> -> vector<16xf32>
        %unpack3A_346 = tpu.unpack_subelements %bitcast3A_340, 1 {pack_format = #tpu.pack_format<interleaved>} : vector<32xbf16> -> vector<16xf32>
        %unpack3A_347 = tpu.unpack_subelements %bitcast3A_344, 0 {pack_format = #tpu.pack_format<interleaved>} : vector<32xbf16> -> vector<16xf32>
        %unpack3A_348 = tpu.unpack_subelements %bitcast3A_344, 1 {pack_format = #tpu.pack_format<interleaved>} : vector<32xbf16> -> vector<16xf32>
        %mul3A_349 = arith.mulf %unpack3A_345, %unpack3A_347 : vector<16xf32>
        %swap3A_350 = arith.index_cast %add3A_276 : i32 to index
        %swap3A_351 = arith.constant 48 : index
        %swap3A_352 = tpu.vector_load %arg13[%swap3A_350, %swap3A_351] {strides = array<i32>} : memref<128x128xf32, #tpu.memory_space<vmem>>, vector<16xf32>,
        tpu.vector_store %arg13[%swap3A_350, %swap3A_351], %mul3A_349 {strides = array<i32>} : memref<128x128xf32, #tpu.memory_space<vmem>>, vector<16xf32>,
        %mul3A_353 = arith.mulf %unpack3A_346, %unpack3A_348 : vector<16xf32>
        %swap3A_354 = arith.index_cast %add3A_276 : i32 to index
        %swap3A_355 = arith.constant 112 : index
        %swap3A_356 = tpu.vector_load %arg13[%swap3A_354, %swap3A_355] {strides = array<i32>} : memref<128x128xf32, #tpu.memory_space<vmem>>, vector<16xf32>,
        tpu.vector_store %arg13[%swap3A_354, %swap3A_355], %mul3A_353 {strides = array<i32>} : memref<128x128xf32, #tpu.memory_space<vmem>>, vector<16xf32>,
      }
      %scan3A_181 = arith.constant 64 : i32
      %run_scoped3A_182 = arith.constant 3 : i32
      "tpu.region"() ({
        %run_scoped3A_188 = tpu.sem_alloc : memref<!tpu.dma_semaphore, #tpu.memory_space<semaphore_mem>>
        %dma_start3A_189 = arith.constant 0 : i32
        %dma_start3A_190 = tpu.memref_slice %arg8[%run_scoped3A_182, %dma_start3A_189] : memref<4x128xi32, #tpu.memory_space<vmem>> -> memref<1x128xi32, #tpu.memory_space<vmem>>
        %dma_start3A_191 = tpu.memref_squeeze %dma_start3A_190 : memref<1x128xi32, #tpu.memory_space<vmem>> -> memref<128xi32, #tpu.memory_space<vmem>>
        %dma_start3A_192 = arith.constant 0 : i32
        %dma_start3A_193 = arith.constant 0 : i32
        %dma_start3A_194 = tpu.memref_slice %arg14[%dma_start3A_192, %dma_start3A_193] : memref<10000x128xf32, #tpu.memory_space<vmem_shared>> -> memref<10000x128xf32, #tpu.memory_space<vmem_shared>>
        tpu.enqueue_indirect_dma source(%arg13 : memref<128x128xf32, #tpu.memory_space<vmem>>) target(%dma_start3A_194 : memref<10000x128xf32, #tpu.memory_space<vmem_shared>>) offsets(%dma_start3A_191 : memref<128xi32, #tpu.memory_space<vmem>>) semaphore(%run_scoped3A_188 : memref<!tpu.dma_semaphore, #tpu.memory_space<semaphore_mem>>) {add = true}
        %dma_wait3A_195 = arith.constant 0 : i32
        %dma_wait3A_196 = tpu.memref_slice %arg8[%run_scoped3A_182, %dma_wait3A_195] : memref<4x128xi32, #tpu.memory_space<vmem>> -> memref<1x128xi32, #tpu.memory_space<vmem>>
        %dma_wait3A_197 = tpu.memref_squeeze %dma_wait3A_196 : memref<1x128xi32, #tpu.memory_space<vmem>> -> memref<128xi32, #tpu.memory_space<vmem>>
        %dma_wait3A_198 = arith.constant 0 : i32
        %dma_wait3A_199 = arith.constant 0 : i32
        %dma_wait3A_200 = tpu.memref_slice %arg14[%dma_wait3A_198, %dma_wait3A_199] : memref<10000x128xf32, #tpu.memory_space<vmem_shared>> -> memref<10000x128xf32, #tpu.memory_space<vmem_shared>>
        tpu.wait_indirect_dma semaphore(%run_scoped3A_188 : memref<!tpu.dma_semaphore, #tpu.memory_space<semaphore_mem>>) src(%arg13 : memref<128x128xf32, #tpu.memory_space<vmem>>) dst(%dma_wait3A_200 : memref<10000x128xf32, #tpu.memory_space<vmem_shared>>)
        tpu.yield
      }) : () -> ()
      %lt3A_183 = arith.constant 19 : i32
      %lt3A_184 = arith.cmpi slt, %add3A_42, %lt3A_183 : i32
      %convert_element_type3A_185 = arith.extui %lt3A_184 : i1 to i32
      %cond3A_186 = arith.constant 0 : i32
      %cond3A_187 = arith.cmpi ne, %convert_element_type3A_185, %cond3A_186 : i32
      scf.if %cond3A_187 {
        %mul3A_188 = arith.constant 2 : i32
        %mul3A_189 = arith.muli %mul3A_188, %add3A_42 : i32
        %add3A_190 = arith.constant 3 : i32
        %add3A_191 = arith.addi %mul3A_189, %add3A_190 : i32
        %dma_start3A_192 = arith.constant 0 : i32
        %dma_start3A_193 = arith.constant 0 : i32
        %dma_start3A_194 = tpu.memref_slice %arg4[%add3A, %add3A_191, %dma_start3A_192, %dma_start3A_193] : memref<32x40x4x128xi32, #tpu.memory_space<hbm>> -> memref<1x1x4x128xi32, #tpu.memory_space<hbm>>
        %dma_start3A_195 = tpu.memref_squeeze %dma_start3A_194 : memref<1x1x4x128xi32, #tpu.memory_space<hbm>> -> memref<4x128xi32, #tpu.memory_space<hbm>>
        %dma_start3A_196 = arith.constant 0 : i32
        %dma_start3A_197 = arith.constant 0 : i32
        %dma_start3A_198 = tpu.memref_slice %arg4[%add3A, %add3A_191, %dma_start3A_196, %dma_start3A_197] : memref<32x40x4x128xi32, #tpu.memory_space<hbm>> -> memref<1x1x4x128xi32, #tpu.memory_space<hbm>>
        %dma_start3A_199 = tpu.memref_squeeze %dma_start3A_198 : memref<1x1x4x128xi32, #tpu.memory_space<hbm>> -> memref<4x128xi32, #tpu.memory_space<hbm>>
        tpu.enqueue_dma source(%dma_start3A_199 : memref<4x128xi32, #tpu.memory_space<hbm>>) target(%arg8 : memref<4x128xi32, #tpu.memory_space<vmem>>) target_semaphore(%arg16 : memref<!tpu.dma_semaphore, #tpu.memory_space<semaphore_mem>>)
      } else {
      }
    }
    %scan3A_31 = arith.constant 20 : i32
    %barrier3A_32 = arith.constant 0 : index
    tpu.barrier barrier_id(%barrier3A_32)
    %lt3A_33 = arith.constant 10 : i32
    %lt3A_34 = arith.cmpi slt, %arg1, %lt3A_33 : i32
    %convert_element_type3A_35 = arith.extui %lt3A_34 : i1 to i32
    %cond3A_36 = arith.constant 0 : i32
    %cond3A_37 = arith.cmpi ne, %convert_element_type3A_35, %cond3A_36 : i32
    scf.if %cond3A_37 {
      %mul3A_38 = arith.constant 1000 : i32
      %mul3A_39 = arith.muli %arg1, %mul3A_38 : i32
      %mul3A_40 = arith.constant 1000 : i32
      %mul3A_41 = arith.muli %arg1, %mul3A_40 : i32
      "tpu.region"() ({
        %run_scoped3A_42 = tpu.sem_alloc : memref<!tpu.dma_semaphore, #tpu.memory_space<semaphore_mem>>
        %dma_start3A_43 = arith.constant 0 : i32
        %dma_start3A_44 = tpu.memref_slice %arg6[%arg0, %mul3A_41, %dma_start3A_43] : memref<2x10000x128xf32, #tpu.memory_space<hbm>> -> memref<1x1000x128xf32, #tpu.memory_space<hbm>>
        %dma_start3A_45 = tpu.memref_squeeze %dma_start3A_44 : memref<1x1000x128xf32, #tpu.memory_space<hbm>> -> memref<1000x128xf32, #tpu.memory_space<hbm>>
        %dma_start3A_46 = arith.constant 0 : i32
        %dma_start3A_47 = tpu.memref_slice %arg14[%mul3A_39, %dma_start3A_46] : memref<10000x128xf32, #tpu.memory_space<vmem_shared>> -> memref<1000x128xf32, #tpu.memory_space<vmem_shared>>
        tpu.enqueue_dma source(%dma_start3A_47 : memref<1000x128xf32, #tpu.memory_space<vmem_shared>>) target(%dma_start3A_45 : memref<1000x128xf32, #tpu.memory_space<hbm>>) target_semaphore(%run_scoped3A_42 : memref<!tpu.dma_semaphore, #tpu.memory_space<semaphore_mem>>)
        %dma_wait3A = arith.constant 0 : i32
        %dma_wait3A_48 = tpu.memref_slice %arg6[%arg0, %mul3A_41, %dma_wait3A] : memref<2x10000x128xf32, #tpu.memory_space<hbm>> -> memref<1x1000x128xf32, #tpu.memory_space<hbm>>
        %dma_wait3A_49 = tpu.memref_squeeze %dma_wait3A_48 : memref<1x1000x128xf32, #tpu.memory_space<hbm>> -> memref<1000x128xf32, #tpu.memory_space<hbm>>
        %dma_wait3A_50 = arith.constant 0 : i32
        %dma_wait3A_51 = tpu.memref_slice %arg14[%mul3A_39, %dma_wait3A_50] : memref<10000x128xf32, #tpu.memory_space<vmem_shared>> -> memref<1000x128xf32, #tpu.memory_space<vmem_shared>>
        tpu.wait_dma2 semaphore(%run_scoped3A_42 : memref<!tpu.dma_semaphore, #tpu.memory_space<semaphore_mem>>) src(%dma_wait3A_51 : memref<1000x128xf32, #tpu.memory_space<vmem_shared>>) dst(%dma_wait3A_49 : memref<1000x128xf32, #tpu.memory_space<hbm>>)
        tpu.yield
      }) : () -> ()
    } else {
    }
    return
  }
}

#map = affine_map<(d0, d1) -> (0, 0)>
#map1 = affine_map<(d0, d1) -> (0, 0, 0, 0)>
#map2 = affine_map<(d0, d1) -> (0, 0, 0)>
module attributes {stable_mosaic.version = 14 : i64} {
  func.func @sck(%arg0: i32, %arg1: i32, %arg2: memref<10000x64xi32, #tpu.memory_space<hbm>>, %arg3: memref<163840x128xi32, #tpu.memory_space<hbm>>, %arg4: memref<32x40x4x128xi32, #tpu.memory_space<hbm>>, %arg5: memref<1000x128xf32, #tpu.memory_space<hbm>>, %arg6: memref<2x10000x128xf32, #tpu.memory_space<hbm>>, %arg7: memref<4x128xi32, #tpu.memory_space<vmem>>, %arg8: memref<4x128xi32, #tpu.memory_space<vmem>>, %arg9: memref<128x64xi32, #tpu.memory_space<vmem>>, %arg10: memref<128x64xi32, #tpu.memory_space<vmem>>, %arg11: memref<64x128xi32, #tpu.memory_space<vmem>>, %arg12: memref<64x128xi32, #tpu.memory_space<vmem>>, %arg13: memref<128x128xf32, #tpu.memory_space<vmem>>, %arg14: memref<10000x128xf32, #tpu.memory_space<vmem_shared>>, %arg15: memref<!tpu.dma_semaphore, #tpu.memory_space<semaphore_mem>>, %arg16: memref<!tpu.dma_semaphore, #tpu.memory_space<semaphore_mem>>, %arg17: memref<!tpu.dma_semaphore, #tpu.memory_space<semaphore_mem>>, %arg18: memref<!tpu.dma_semaphore, #tpu.memory_space<semaphore_mem>>, %arg19: memref<!tpu.dma_semaphore, #tpu.memory_space<semaphore_mem>>, %arg20: memref<!tpu.dma_semaphore, #tpu.memory_space<semaphore_mem>>) attributes {dimension_semantics = [#tpu.dimension_semantics<core_parallel>, #tpu.dimension_semantics<subcore_parallel>], iteration_bounds = array<i64: 2, 16>, scalar_prefetch = 0 : i64, scratch_operands = 14 : i64, tpu.core_type = #tpu.core_type<sc_vector_subcore>, window_params = [{transform_indices = #map}, {transform_indices = #map}, {transform_indices = #map1}, {transform_indices = #map}, {transform_indices = #map2}]} {
    %mul3A = arith.constant 16 : i32
    %mul3A_0 = arith.muli %arg0, %mul3A : i32
    %add3A = arith.addi %mul3A_0, %arg1 : i32
    %lt3A = arith.constant 10 : i32
    %lt3A_1 = arith.cmpi slt, %arg1, %lt3A : i32
    %convert_element_type3A = arith.extui %lt3A_1 : i1 to i32
    %cond3A = arith.constant 0 : i32
    %cond3A_2 = arith.cmpi ne, %convert_element_type3A, %cond3A : i32
    scf.if %cond3A_2 {
      %mul3A_38 = arith.constant 1000 : i32
      %mul3A_39 = arith.muli %arg1, %mul3A_38 : i32
      "tpu.region"() ({
        %run_scoped3A_40 = tpu.sem_alloc : memref<!tpu.dma_semaphore, #tpu.memory_space<semaphore_mem>>
        %dma_start3A_41 = arith.constant 0 : i32
        %dma_start3A_42 = tpu.memref_slice %arg14[%mul3A_39, %dma_start3A_41] : memref<10000x128xf32, #tpu.memory_space<vmem_shared>> -> memref<1000x128xf32, #tpu.memory_space<vmem_shared>>
        tpu.enqueue_dma source(%arg5 : memref<1000x128xf32, #tpu.memory_space<hbm>>) target(%dma_start3A_42 : memref<1000x128xf32, #tpu.memory_space<vmem_shared>>) target_semaphore(%run_scoped3A_40 : memref<!tpu.dma_semaphore, #tpu.memory_space<semaphore_mem>>)
        %dma_wait3A = arith.constant 0 : i32
        %dma_wait3A_43 = tpu.memref_slice %arg14[%mul3A_39, %dma_wait3A] : memref<10000x128xf32, #tpu.memory_space<vmem_shared>> -> memref<1000x128xf32, #tpu.memory_space<vmem_shared>>
        tpu.wait_dma2 semaphore(%run_scoped3A_40 : memref<!tpu.dma_semaphore, #tpu.memory_space<semaphore_mem>>) src(%arg5 : memref<1000x128xf32, #tpu.memory_space<hbm>>) dst(%dma_wait3A_43 : memref<1000x128xf32, #tpu.memory_space<vmem_shared>>)
        tpu.yield
      }) : () -> ()
    } else {
    }
    %barrier3A = arith.constant 0 : index
    tpu.barrier barrier_id(%barrier3A)
    %mul3A_3 = arith.constant 80 : i32
    %mul3A_4 = arith.muli %add3A, %mul3A_3 : i32
    %mul3A_5 = arith.constant 64 : i32
    %mul3A_6 = arith.muli %mul3A_4, %mul3A_5 : i32
    %run_scoped3A = arith.constant 0 : i32
    "tpu.region"() ({
      %run_scoped3A_38 = tpu.sem_alloc : memref<!tpu.dma_semaphore, #tpu.memory_space<semaphore_mem>>
      %dma_start3A_39 = arith.constant 0 : i32
      %dma_start3A_40 = arith.constant 0 : i32
      %dma_start3A_41 = tpu.memref_slice %arg4[%add3A, %run_scoped3A, %dma_start3A_39, %dma_start3A_40] : memref<32x40x4x128xi32, #tpu.memory_space<hbm>> -> memref<1x1x4x128xi32, #tpu.memory_space<hbm>>
      %dma_start3A_42 = tpu.memref_squeeze %dma_start3A_41 : memref<1x1x4x128xi32, #tpu.memory_space<hbm>> -> memref<4x128xi32, #tpu.memory_space<hbm>>
      %dma_start3A_43 = arith.constant 0 : i32
      %dma_start3A_44 = arith.constant 0 : i32
      %dma_start3A_45 = tpu.memref_slice %arg4[%add3A, %run_scoped3A, %dma_start3A_43, %dma_start3A_44] : memref<32x40x4x128xi32, #tpu.memory_space<hbm>> -> memref<1x1x4x128xi32, #tpu.memory_space<hbm>>
      %dma_start3A_46 = tpu.memref_squeeze %dma_start3A_45 : memref<1x1x4x128xi32, #tpu.memory_space<hbm>> -> memref<4x128xi32, #tpu.memory_space<hbm>>
      tpu.enqueue_dma source(%dma_start3A_46 : memref<4x128xi32, #tpu.memory_space<hbm>>) target(%arg7 : memref<4x128xi32, #tpu.memory_space<vmem>>) target_semaphore(%run_scoped3A_38 : memref<!tpu.dma_semaphore, #tpu.memory_space<semaphore_mem>>)
      %dma_wait3A = arith.constant 0 : i32
      %dma_wait3A_47 = arith.constant 0 : i32
      %dma_wait3A_48 = tpu.memref_slice %arg4[%add3A, %run_scoped3A, %dma_wait3A, %dma_wait3A_47] : memref<32x40x4x128xi32, #tpu.memory_space<hbm>> -> memref<1x1x4x128xi32, #tpu.memory_space<hbm>>
      %dma_wait3A_49 = tpu.memref_squeeze %dma_wait3A_48 : memref<1x1x4x128xi32, #tpu.memory_space<hbm>> -> memref<4x128xi32, #tpu.memory_space<hbm>>
      %dma_wait3A_50 = arith.constant 0 : i32
      %dma_wait3A_51 = arith.constant 0 : i32
      %dma_wait3A_52 = tpu.memref_slice %arg4[%add3A, %run_scoped3A, %dma_wait3A_50, %dma_wait3A_51] : memref<32x40x4x128xi32, #tpu.memory_space<hbm>> -> memref<1x1x4x128xi32, #tpu.memory_space<hbm>>
      %dma_wait3A_53 = tpu.memref_squeeze %dma_wait3A_52 : memref<1x1x4x128xi32, #tpu.memory_space<hbm>> -> memref<4x128xi32, #tpu.memory_space<hbm>>
      tpu.wait_dma2 semaphore(%run_scoped3A_38 : memref<!tpu.dma_semaphore, #tpu.memory_space<semaphore_mem>>) src(%dma_wait3A_53 : memref<4x128xi32, #tpu.memory_space<hbm>>) dst(%arg7 : memref<4x128xi32, #tpu.memory_space<vmem>>)
      tpu.yield
    }) : () -> ()
    %dma_start3A = arith.constant 0 : i32
    %dma_start3A_7 = arith.constant 0 : i32
    %dma_start3A_8 = tpu.memref_slice %arg7[%dma_start3A, %dma_start3A_7] : memref<4x128xi32, #tpu.memory_space<vmem>> -> memref<1x128xi32, #tpu.memory_space<vmem>>
    %dma_start3A_9 = tpu.memref_squeeze %dma_start3A_8 : memref<1x128xi32, #tpu.memory_space<vmem>> -> memref<128xi32, #tpu.memory_space<vmem>>
    %dma_start3A_10 = arith.constant 0 : i32
    %dma_start3A_11 = arith.constant 0 : i32
    %dma_start3A_12 = tpu.memref_slice %arg2[%dma_start3A_10, %dma_start3A_11] : memref<10000x64xi32, #tpu.memory_space<hbm>> -> memref<10000x64xi32, #tpu.memory_space<hbm>>
    tpu.enqueue_indirect_dma source(%dma_start3A_12 : memref<10000x64xi32, #tpu.memory_space<hbm>>) target(%arg9 : memref<128x64xi32, #tpu.memory_space<vmem>>) offsets(%dma_start3A_9 : memref<128xi32, #tpu.memory_space<vmem>>) semaphore(%arg17 : memref<!tpu.dma_semaphore, #tpu.memory_space<semaphore_mem>>)
    %add3A_13 = arith.constant 0 : i32
    %add3A_14 = arith.addi %mul3A_6, %add3A_13 : i32
    %dma_start3A_15 = arith.constant 0 : i32
    %dma_start3A_16 = tpu.memref_slice %arg3[%add3A_14, %dma_start3A_15] : memref<163840x128xi32, #tpu.memory_space<hbm>> -> memref<64x128xi32, #tpu.memory_space<hbm>>
    %dma_start3A_17 = arith.constant 0 : i32
    %dma_start3A_18 = tpu.memref_slice %arg3[%add3A_14, %dma_start3A_17] : memref<163840x128xi32, #tpu.memory_space<hbm>> -> memref<64x128xi32, #tpu.memory_space<hbm>>
    tpu.enqueue_dma source(%dma_start3A_18 : memref<64x128xi32, #tpu.memory_space<hbm>>) target(%arg11 : memref<64x128xi32, #tpu.memory_space<vmem>>) target_semaphore(%arg19 : memref<!tpu.dma_semaphore, #tpu.memory_space<semaphore_mem>>)
    %dma_start3A_19 = arith.constant 1 : i32
    %dma_start3A_20 = arith.constant 0 : i32
    %dma_start3A_21 = arith.constant 0 : i32
    %dma_start3A_22 = tpu.memref_slice %arg4[%add3A, %dma_start3A_19, %dma_start3A_20, %dma_start3A_21] : memref<32x40x4x128xi32, #tpu.memory_space<hbm>> -> memref<1x1x4x128xi32, #tpu.memory_space<hbm>>
    %dma_start3A_23 = tpu.memref_squeeze %dma_start3A_22 : memref<1x1x4x128xi32, #tpu.memory_space<hbm>> -> memref<4x128xi32, #tpu.memory_space<hbm>>
    %dma_start3A_24 = arith.constant 0 : i32
    %dma_start3A_25 = arith.constant 0 : i32
    %dma_start3A_26 = tpu.memref_slice %arg4[%add3A, %dma_start3A_19, %dma_start3A_24, %dma_start3A_25] : memref<32x40x4x128xi32, #tpu.memory_space<hbm>> -> memref<1x1x4x128xi32, #tpu.memory_space<hbm>>
    %dma_start3A_27 = tpu.memref_squeeze %dma_start3A_26 : memref<1x1x4x128xi32, #tpu.memory_space<hbm>> -> memref<4x128xi32, #tpu.memory_space<hbm>>
    tpu.enqueue_dma source(%dma_start3A_27 : memref<4x128xi32, #tpu.memory_space<hbm>>) target(%arg8 : memref<4x128xi32, #tpu.memory_space<vmem>>) target_semaphore(%arg16 : memref<!tpu.dma_semaphore, #tpu.memory_space<semaphore_mem>>)
    %scan3A = arith.constant 0 : i32
    %scan3A_28 = arith.constant 20 : i32
    %scan3A_29 = arith.addi %scan3A, %scan3A_28 : i32
    %scan3A_30 = arith.constant 1 : i32
    scf.for %scan3A_38 = %scan3A to %scan3A_29 step %scan3A_30  : i32 {
      %mul3A_39 = arith.constant 1 : i32
      %mul3A_40 = arith.muli %scan3A_38, %mul3A_39 : i32
      %add3A_41 = arith.constant 0 : i32
      %add3A_42 = arith.addi %add3A_41, %mul3A_40 : i32
      %mul3A_43 = arith.constant 4 : i32
      %mul3A_44 = arith.muli %mul3A_43, %add3A_42 : i32
      %dma_wait3A = arith.constant 0 : i32
      %dma_wait3A_45 = arith.constant 0 : i32
      %dma_wait3A_46 = arith.constant 0 : i32
      %dma_wait3A_47 = tpu.memref_slice %arg4[%add3A, %dma_wait3A, %dma_wait3A_45, %dma_wait3A_46] : memref<32x40x4x128xi32, #tpu.memory_space<hbm>> -> memref<1x1x4x128xi32, #tpu.memory_space<hbm>>
      %dma_wait3A_48 = tpu.memref_squeeze %dma_wait3A_47 : memref<1x1x4x128xi32, #tpu.memory_space<hbm>> -> memref<4x128xi32, #tpu.memory_space<hbm>>
      %dma_wait3A_49 = arith.constant 0 : i32
      %dma_wait3A_50 = arith.constant 0 : i32
      %dma_wait3A_51 = tpu.memref_slice %arg4[%add3A, %dma_wait3A, %dma_wait3A_49, %dma_wait3A_50] : memref<32x40x4x128xi32, #tpu.memory_space<hbm>> -> memref<1x1x4x128xi32, #tpu.memory_space<hbm>>
      %dma_wait3A_52 = tpu.memref_squeeze %dma_wait3A_51 : memref<1x1x4x128xi32, #tpu.memory_space<hbm>> -> memref<4x128xi32, #tpu.memory_space<hbm>>
      tpu.wait_dma2 semaphore(%arg16 : memref<!tpu.dma_semaphore, #tpu.memory_space<semaphore_mem>>) src(%dma_wait3A_52 : memref<4x128xi32, #tpu.memory_space<hbm>>) dst(%arg8 : memref<4x128xi32, #tpu.memory_space<vmem>>)
      %add3A_53 = arith.constant 1 : i32
      %add3A_54 = arith.addi %mul3A_44, %add3A_53 : i32
      %dma_start3A_55 = arith.constant 2 : i32
      %dma_start3A_56 = arith.constant 0 : i32
      %dma_start3A_57 = tpu.memref_slice %arg7[%dma_start3A_55, %dma_start3A_56] : memref<4x128xi32, #tpu.memory_space<vmem>> -> memref<1x128xi32, #tpu.memory_space<vmem>>
      %dma_start3A_58 = tpu.memref_squeeze %dma_start3A_57 : memref<1x128xi32, #tpu.memory_space<vmem>> -> memref<128xi32, #tpu.memory_space<vmem>>
      %dma_start3A_59 = arith.constant 0 : i32
      %dma_start3A_60 = arith.constant 0 : i32
      %dma_start3A_61 = tpu.memref_slice %arg2[%dma_start3A_59, %dma_start3A_60] : memref<10000x64xi32, #tpu.memory_space<hbm>> -> memref<10000x64xi32, #tpu.memory_space<hbm>>
      tpu.enqueue_indirect_dma source(%dma_start3A_61 : memref<10000x64xi32, #tpu.memory_space<hbm>>) target(%arg10 : memref<128x64xi32, #tpu.memory_space<vmem>>) offsets(%dma_start3A_58 : memref<128xi32, #tpu.memory_space<vmem>>) semaphore(%arg18 : memref<!tpu.dma_semaphore, #tpu.memory_space<semaphore_mem>>)
      %mul3A_62 = arith.constant 64 : i32
      %mul3A_63 = arith.muli %add3A_54, %mul3A_62 : i32
      %add3A_64 = arith.addi %mul3A_6, %mul3A_63 : i32
      %dma_start3A_65 = arith.constant 0 : i32
      %dma_start3A_66 = tpu.memref_slice %arg3[%add3A_64, %dma_start3A_65] : memref<163840x128xi32, #tpu.memory_space<hbm>> -> memref<64x128xi32, #tpu.memory_space<hbm>>
      %dma_start3A_67 = arith.constant 0 : i32
      %dma_start3A_68 = tpu.memref_slice %arg3[%add3A_64, %dma_start3A_67] : memref<163840x128xi32, #tpu.memory_space<hbm>> -> memref<64x128xi32, #tpu.memory_space<hbm>>
      tpu.enqueue_dma source(%dma_start3A_68 : memref<64x128xi32, #tpu.memory_space<hbm>>) target(%arg12 : memref<64x128xi32, #tpu.memory_space<vmem>>) target_semaphore(%arg20 : memref<!tpu.dma_semaphore, #tpu.memory_space<semaphore_mem>>)
      %dma_wait3A_69 = arith.constant 0 : i32
      %dma_wait3A_70 = arith.constant 0 : i32
      %dma_wait3A_71 = tpu.memref_slice %arg2[%dma_wait3A_69, %dma_wait3A_70] : memref<10000x64xi32, #tpu.memory_space<hbm>> -> memref<128x64xi32, #tpu.memory_space<hbm>>
      %dma_wait3A_72 = arith.constant 0 : i32
      %dma_wait3A_73 = arith.constant 0 : i32
      %dma_wait3A_74 = tpu.memref_slice %arg2[%dma_wait3A_72, %dma_wait3A_73] : memref<10000x64xi32, #tpu.memory_space<hbm>> -> memref<128x64xi32, #tpu.memory_space<hbm>>
      tpu.wait_dma2 semaphore(%arg17 : memref<!tpu.dma_semaphore, #tpu.memory_space<semaphore_mem>>) src(%dma_wait3A_74 : memref<128x64xi32, #tpu.memory_space<hbm>>) dst(%arg9 : memref<128x64xi32, #tpu.memory_space<vmem>>)
      %dma_wait3A_75 = arith.constant 0 : i32
      %dma_wait3A_76 = arith.constant 0 : i32
      %dma_wait3A_77 = tpu.memref_slice %arg3[%dma_wait3A_75, %dma_wait3A_76] : memref<163840x128xi32, #tpu.memory_space<hbm>> -> memref<64x128xi32, #tpu.memory_space<hbm>>
      %dma_wait3A_78 = arith.constant 0 : i32
      %dma_wait3A_79 = arith.constant 0 : i32
      %dma_wait3A_80 = tpu.memref_slice %arg3[%dma_wait3A_78, %dma_wait3A_79] : memref<163840x128xi32, #tpu.memory_space<hbm>> -> memref<64x128xi32, #tpu.memory_space<hbm>>
      tpu.wait_dma2 semaphore(%arg19 : memref<!tpu.dma_semaphore, #tpu.memory_space<semaphore_mem>>) src(%dma_wait3A_80 : memref<64x128xi32, #tpu.memory_space<hbm>>) dst(%arg11 : memref<64x128xi32, #tpu.memory_space<vmem>>)
      %scan3A_81 = arith.constant 0 : i32
      %scan3A_82 = arith.constant 64 : i32
      %scan3A_83 = arith.addi %scan3A_81, %scan3A_82 : i32
      %scan3A_84 = arith.constant 1 : i32
      scf.for %scan3A_188 = %scan3A_81 to %scan3A_83 step %scan3A_84  : i32 {
        %mul3A_189 = arith.constant 1 : i32
        %mul3A_190 = arith.muli %scan3A_188, %mul3A_189 : i32
        %add3A_191 = arith.constant 0 : i32
        %add3A_192 = arith.addi %add3A_191, %mul3A_190 : i32
        %mul3A_193 = arith.constant 2 : i32
        %mul3A_194 = arith.muli %mul3A_193, %add3A_192 : i32
        %add3A_195 = arith.constant 0 : i32
        %add3A_196 = arith.addi %mul3A_194, %add3A_195 : i32
        %get3A = arith.index_cast %add3A_196 : i32 to index
        %get3A_197 = arith.constant 0 : index
        %get3A_198 = tpu.vector_load %arg9[%get3A, %get3A_197] {strides = array<i32>} : memref<128x64xi32, #tpu.memory_space<vmem>>, vector<16xi32>,
        %bitcast3A = vector.bitcast %get3A_198 : vector<16xi32> to vector<32xbf16>
        %get3A_199 = arith.index_cast %add3A_192 : i32 to index
        %get3A_200 = arith.constant 0 : index
        %get3A_201 = tpu.vector_load %arg11[%get3A_199, %get3A_200] {strides = array<i32>} : memref<64x128xi32, #tpu.memory_space<vmem>>, vector<16xi32>,
        %bitcast3A_202 = vector.bitcast %get3A_201 : vector<16xi32> to vector<32xbf16>
        %unpack3A = tpu.unpack_subelements %bitcast3A, 0 {pack_format = #tpu.pack_format<interleaved>} : vector<32xbf16> -> vector<16xf32>
        %unpack3A_203 = tpu.unpack_subelements %bitcast3A, 1 {pack_format = #tpu.pack_format<interleaved>} : vector<32xbf16> -> vector<16xf32>
        %unpack3A_204 = tpu.unpack_subelements %bitcast3A_202, 0 {pack_format = #tpu.pack_format<interleaved>} : vector<32xbf16> -> vector<16xf32>
        %unpack3A_205 = tpu.unpack_subelements %bitcast3A_202, 1 {pack_format = #tpu.pack_format<interleaved>} : vector<32xbf16> -> vector<16xf32>
        %mul3A_206 = arith.mulf %unpack3A, %unpack3A_204 : vector<16xf32>
        %swap3A = arith.index_cast %add3A_196 : i32 to index
        %swap3A_207 = arith.constant 0 : index
        %swap3A_208 = tpu.vector_load %arg13[%swap3A, %swap3A_207] {strides = array<i32>} : memref<128x128xf32, #tpu.memory_space<vmem>>, vector<16xf32>,
        tpu.vector_store %arg13[%swap3A, %swap3A_207], %mul3A_206 {strides = array<i32>} : memref<128x128xf32, #tpu.memory_space<vmem>>, vector<16xf32>,
        %mul3A_209 = arith.mulf %unpack3A_203, %unpack3A_205 : vector<16xf32>
        %swap3A_210 = arith.index_cast %add3A_196 : i32 to index
        %swap3A_211 = arith.constant 64 : index
        %swap3A_212 = tpu.vector_load %arg13[%swap3A_210, %swap3A_211] {strides = array<i32>} : memref<128x128xf32, #tpu.memory_space<vmem>>, vector<16xf32>,
        tpu.vector_store %arg13[%swap3A_210, %swap3A_211], %mul3A_209 {strides = array<i32>} : memref<128x128xf32, #tpu.memory_space<vmem>>, vector<16xf32>,
        %get3A_213 = arith.index_cast %add3A_196 : i32 to index
        %get3A_214 = arith.constant 16 : index
        %get3A_215 = tpu.vector_load %arg9[%get3A_213, %get3A_214] {strides = array<i32>} : memref<128x64xi32, #tpu.memory_space<vmem>>, vector<16xi32>,
        %bitcast3A_216 = vector.bitcast %get3A_215 : vector<16xi32> to vector<32xbf16>
        %get3A_217 = arith.index_cast %add3A_192 : i32 to index
        %get3A_218 = arith.constant 16 : index
        %get3A_219 = tpu.vector_load %arg11[%get3A_217, %get3A_218] {strides = array<i32>} : memref<64x128xi32, #tpu.memory_space<vmem>>, vector<16xi32>,
        %bitcast3A_220 = vector.bitcast %get3A_219 : vector<16xi32> to vector<32xbf16>
        %unpack3A_221 = tpu.unpack_subelements %bitcast3A_216, 0 {pack_format = #tpu.pack_format<interleaved>} : vector<32xbf16> -> vector<16xf32>
        %unpack3A_222 = tpu.unpack_subelements %bitcast3A_216, 1 {pack_format = #tpu.pack_format<interleaved>} : vector<32xbf16> -> vector<16xf32>
        %unpack3A_223 = tpu.unpack_subelements %bitcast3A_220, 0 {pack_format = #tpu.pack_format<interleaved>} : vector<32xbf16> -> vector<16xf32>
        %unpack3A_224 = tpu.unpack_subelements %bitcast3A_220, 1 {pack_format = #tpu.pack_format<interleaved>} : vector<32xbf16> -> vector<16xf32>
        %mul3A_225 = arith.mulf %unpack3A_221, %unpack3A_223 : vector<16xf32>
        %swap3A_226 = arith.index_cast %add3A_196 : i32 to index
        %swap3A_227 = arith.constant 16 : index
        %swap3A_228 = tpu.vector_load %arg13[%swap3A_226, %swap3A_227] {strides = array<i32>} : memref<128x128xf32, #tpu.memory_space<vmem>>, vector<16xf32>,
        tpu.vector_store %arg13[%swap3A_226, %swap3A_227], %mul3A_225 {strides = array<i32>} : memref<128x128xf32, #tpu.memory_space<vmem>>, vector<16xf32>,
        %mul3A_229 = arith.mulf %unpack3A_222, %unpack3A_224 : vector<16xf32>
        %swap3A_230 = arith.index_cast %add3A_196 : i32 to index
        %swap3A_231 = arith.constant 80 : index
        %swap3A_232 = tpu.vector_load %arg13[%swap3A_230, %swap3A_231] {strides = array<i32>} : memref<128x128xf32, #tpu.memory_space<vmem>>, vector<16xf32>,
        tpu.vector_store %arg13[%swap3A_230, %swap3A_231], %mul3A_229 {strides = array<i32>} : memref<128x128xf32, #tpu.memory_space<vmem>>, vector<16xf32>,
        %get3A_233 = arith.index_cast %add3A_196 : i32 to index
        %get3A_234 = arith.constant 32 : index
        %get3A_235 = tpu.vector_load %arg9[%get3A_233, %get3A_234] {strides = array<i32>} : memref<128x64xi32, #tpu.memory_space<vmem>>, vector<16xi32>,
        %bitcast3A_236 = vector.bitcast %get3A_235 : vector<16xi32> to vector<32xbf16>
        %get3A_237 = arith.index_cast %add3A_192 : i32 to index
        %get3A_238 = arith.constant 32 : index
        %get3A_239 = tpu.vector_load %arg11[%get3A_237, %get3A_238] {strides = array<i32>} : memref<64x128xi32, #tpu.memory_space<vmem>>, vector<16xi32>,
        %bitcast3A_240 = vector.bitcast %get3A_239 : vector<16xi32> to vector<32xbf16>
        %unpack3A_241 = tpu.unpack_subelements %bitcast3A_236, 0 {pack_format = #tpu.pack_format<interleaved>} : vector<32xbf16> -> vector<16xf32>
        %unpack3A_242 = tpu.unpack_subelements %bitcast3A_236, 1 {pack_format = #tpu.pack_format<interleaved>} : vector<32xbf16> -> vector<16xf32>
        %unpack3A_243 = tpu.unpack_subelements %bitcast3A_240, 0 {pack_format = #tpu.pack_format<interleaved>} : vector<32xbf16> -> vector<16xf32>
        %unpack3A_244 = tpu.unpack_subelements %bitcast3A_240, 1 {pack_format = #tpu.pack_format<interleaved>} : vector<32xbf16> -> vector<16xf32>
        %mul3A_245 = arith.mulf %unpack3A_241, %unpack3A_243 : vector<16xf32>
        %swap3A_246 = arith.index_cast %add3A_196 : i32 to index
        %swap3A_247 = arith.constant 32 : index
        %swap3A_248 = tpu.vector_load %arg13[%swap3A_246, %swap3A_247] {strides = array<i32>} : memref<128x128xf32, #tpu.memory_space<vmem>>, vector<16xf32>,
        tpu.vector_store %arg13[%swap3A_246, %swap3A_247], %mul3A_245 {strides = array<i32>} : memref<128x128xf32, #tpu.memory_space<vmem>>, vector<16xf32>,
        %mul3A_249 = arith.mulf %unpack3A_242, %unpack3A_244 : vector<16xf32>
        %swap3A_250 = arith.index_cast %add3A_196 : i32 to index
        %swap3A_251 = arith.constant 96 : index
        %swap3A_252 = tpu.vector_load %arg13[%swap3A_250, %swap3A_251] {strides = array<i32>} : memref<128x128xf32, #tpu.memory_space<vmem>>, vector<16xf32>,
        tpu.vector_store %arg13[%swap3A_250, %swap3A_251], %mul3A_249 {strides = array<i32>} : memref<128x128xf32, #tpu.memory_space<vmem>>, vector<16xf32>,
        %get3A_253 = arith.index_cast %add3A_196 : i32 to index
        %get3A_254 = arith.constant 48 : index
        %get3A_255 = tpu.vector_load %arg9[%get3A_253, %get3A_254] {strides = array<i32>} : memref<128x64xi32, #tpu.memory_space<vmem>>, vector<16xi32>,
        %bitcast3A_256 = vector.bitcast %get3A_255 : vector<16xi32> to vector<32xbf16>
        %get3A_257 = arith.index_cast %add3A_192 : i32 to index
        %get3A_258 = arith.constant 48 : index
        %get3A_259 = tpu.vector_load %arg11[%get3A_257, %get3A_258] {strides = array<i32>} : memref<64x128xi32, #tpu.memory_space<vmem>>, vector<16xi32>,
        %bitcast3A_260 = vector.bitcast %get3A_259 : vector<16xi32> to vector<32xbf16>
        %unpack3A_261 = tpu.unpack_subelements %bitcast3A_256, 0 {pack_format = #tpu.pack_format<interleaved>} : vector<32xbf16> -> vector<16xf32>
        %unpack3A_262 = tpu.unpack_subelements %bitcast3A_256, 1 {pack_format = #tpu.pack_format<interleaved>} : vector<32xbf16> -> vector<16xf32>
        %unpack3A_263 = tpu.unpack_subelements %bitcast3A_260, 0 {pack_format = #tpu.pack_format<interleaved>} : vector<32xbf16> -> vector<16xf32>
        %unpack3A_264 = tpu.unpack_subelements %bitcast3A_260, 1 {pack_format = #tpu.pack_format<interleaved>} : vector<32xbf16> -> vector<16xf32>
        %mul3A_265 = arith.mulf %unpack3A_261, %unpack3A_263 : vector<16xf32>
        %swap3A_266 = arith.index_cast %add3A_196 : i32 to index
        %swap3A_267 = arith.constant 48 : index
        %swap3A_268 = tpu.vector_load %arg13[%swap3A_266, %swap3A_267] {strides = array<i32>} : memref<128x128xf32, #tpu.memory_space<vmem>>, vector<16xf32>,
        tpu.vector_store %arg13[%swap3A_266, %swap3A_267], %mul3A_265 {strides = array<i32>} : memref<128x128xf32, #tpu.memory_space<vmem>>, vector<16xf32>,
        %mul3A_269 = arith.mulf %unpack3A_262, %unpack3A_264 : vector<16xf32>
        %swap3A_270 = arith.index_cast %add3A_196 : i32 to index
        %swap3A_271 = arith.constant 112 : index
        %swap3A_272 = tpu.vector_load %arg13[%swap3A_270, %swap3A_271] {strides = array<i32>} : memref<128x128xf32, #tpu.memory_space<vmem>>, vector<16xf32>,
        tpu.vector_store %arg13[%swap3A_270, %swap3A_271], %mul3A_269 {strides = array<i32>} : memref<128x128xf32, #tpu.memory_space<vmem>>, vector<16xf32>,
        %mul3A_273 = arith.constant 2 : i32
        %mul3A_274 = arith.muli %mul3A_273, %add3A_192 : i32
        %add3A_275 = arith.constant 1 : i32
        %add3A_276 = arith.addi %mul3A_274, %add3A_275 : i32
        %get3A_277 = arith.index_cast %add3A_276 : i32 to index
        %get3A_278 = arith.constant 0 : index
        %get3A_279 = tpu.vector_load %arg9[%get3A_277, %get3A_278] {strides = array<i32>} : memref<128x64xi32, #tpu.memory_space<vmem>>, vector<16xi32>,
        %bitcast3A_280 = vector.bitcast %get3A_279 : vector<16xi32> to vector<32xbf16>
        %get3A_281 = arith.index_cast %add3A_192 : i32 to index
        %get3A_282 = arith.constant 64 : index
        %get3A_283 = tpu.vector_load %arg11[%get3A_281, %get3A_282] {strides = array<i32>} : memref<64x128xi32, #tpu.memory_space<vmem>>, vector<16xi32>,
        %bitcast3A_284 = vector.bitcast %get3A_283 : vector<16xi32> to vector<32xbf16>
        %unpack3A_285 = tpu.unpack_subelements %bitcast3A_280, 0 {pack_format = #tpu.pack_format<interleaved>} : vector<32xbf16> -> vector<16xf32>
        %unpack3A_286 = tpu.unpack_subelements %bitcast3A_280, 1 {pack_format = #tpu.pack_format<interleaved>} : vector<32xbf16> -> vector<16xf32>
        %unpack3A_287 = tpu.unpack_subelements %bitcast3A_284, 0 {pack_format = #tpu.pack_format<interleaved>} : vector<32xbf16> -> vector<16xf32>
        %unpack3A_288 = tpu.unpack_subelements %bitcast3A_284, 1 {pack_format = #tpu.pack_format<interleaved>} : vector<32xbf16> -> vector<16xf32>
        %mul3A_289 = arith.mulf %unpack3A_285, %unpack3A_287 : vector<16xf32>
        %swap3A_290 = arith.index_cast %add3A_276 : i32 to index
        %swap3A_291 = arith.constant 0 : index
        %swap3A_292 = tpu.vector_load %arg13[%swap3A_290, %swap3A_291] {strides = array<i32>} : memref<128x128xf32, #tpu.memory_space<vmem>>, vector<16xf32>,
        tpu.vector_store %arg13[%swap3A_290, %swap3A_291], %mul3A_289 {strides = array<i32>} : memref<128x128xf32, #tpu.memory_space<vmem>>, vector<16xf32>,
        %mul3A_293 = arith.mulf %unpack3A_286, %unpack3A_288 : vector<16xf32>
        %swap3A_294 = arith.index_cast %add3A_276 : i32 to index
        %swap3A_295 = arith.constant 64 : index
        %swap3A_296 = tpu.vector_load %arg13[%swap3A_294, %swap3A_295] {strides = array<i32>} : memref<128x128xf32, #tpu.memory_space<vmem>>, vector<16xf32>,
        tpu.vector_store %arg13[%swap3A_294, %swap3A_295], %mul3A_293 {strides = array<i32>} : memref<128x128xf32, #tpu.memory_space<vmem>>, vector<16xf32>,
        %get3A_297 = arith.index_cast %add3A_276 : i32 to index
        %get3A_298 = arith.constant 16 : index
        %get3A_299 = tpu.vector_load %arg9[%get3A_297, %get3A_298] {strides = array<i32>} : memref<128x64xi32, #tpu.memory_space<vmem>>, vector<16xi32>,
        %bitcast3A_300 = vector.bitcast %get3A_299 : vector<16xi32> to vector<32xbf16>
        %get3A_301 = arith.index_cast %add3A_192 : i32 to index
        %get3A_302 = arith.constant 80 : index
        %get3A_303 = tpu.vector_load %arg11[%get3A_301, %get3A_302] {strides = array<i32>} : memref<64x128xi32, #tpu.memory_space<vmem>>, vector<16xi32>,
        %bitcast3A_304 = vector.bitcast %get3A_303 : vector<16xi32> to vector<32xbf16>
        %unpack3A_305 = tpu.unpack_subelements %bitcast3A_300, 0 {pack_format = #tpu.pack_format<interleaved>} : vector<32xbf16> -> vector<16xf32>
        %unpack3A_306 = tpu.unpack_subelements %bitcast3A_300, 1 {pack_format = #tpu.pack_format<interleaved>} : vector<32xbf16> -> vector<16xf32>
        %unpack3A_307 = tpu.unpack_subelements %bitcast3A_304, 0 {pack_format = #tpu.pack_format<interleaved>} : vector<32xbf16> -> vector<16xf32>
        %unpack3A_308 = tpu.unpack_subelements %bitcast3A_304, 1 {pack_format = #tpu.pack_format<interleaved>} : vector<32xbf16> -> vector<16xf32>
        %mul3A_309 = arith.mulf %unpack3A_305, %unpack3A_307 : vector<16xf32>
        %swap3A_310 = arith.index_cast %add3A_276 : i32 to index
        %swap3A_311 = arith.constant 16 : index
        %swap3A_312 = tpu.vector_load %arg13[%swap3A_310, %swap3A_311] {strides = array<i32>} : memref<128x128xf32, #tpu.memory_space<vmem>>, vector<16xf32>,
        tpu.vector_store %arg13[%swap3A_310, %swap3A_311], %mul3A_309 {strides = array<i32>} : memref<128x128xf32, #tpu.memory_space<vmem>>, vector<16xf32>,
        %mul3A_313 = arith.mulf %unpack3A_306, %unpack3A_308 : vector<16xf32>
        %swap3A_314 = arith.index_cast %add3A_276 : i32 to index
        %swap3A_315 = arith.constant 80 : index
        %swap3A_316 = tpu.vector_load %arg13[%swap3A_314, %swap3A_315] {strides = array<i32>} : memref<128x128xf32, #tpu.memory_space<vmem>>, vector<16xf32>,
        tpu.vector_store %arg13[%swap3A_314, %swap3A_315], %mul3A_313 {strides = array<i32>} : memref<128x128xf32, #tpu.memory_space<vmem>>, vector<16xf32>,
        %get3A_317 = arith.index_cast %add3A_276 : i32 to index
        %get3A_318 = arith.constant 32 : index
        %get3A_319 = tpu.vector_load %arg9[%get3A_317, %get3A_318] {strides = array<i32>} : memref<128x64xi32, #tpu.memory_space<vmem>>, vector<16xi32>,
        %bitcast3A_320 = vector.bitcast %get3A_319 : vector<16xi32> to vector<32xbf16>
        %get3A_321 = arith.index_cast %add3A_192 : i32 to index
        %get3A_322 = arith.constant 96 : index
        %get3A_323 = tpu.vector_load %arg11[%get3A_321, %get3A_322] {strides = array<i32>} : memref<64x128xi32, #tpu.memory_space<vmem>>, vector<16xi32>,
        %bitcast3A_324 = vector.bitcast %get3A_323 : vector<16xi32> to vector<32xbf16>
        %unpack3A_325 = tpu.unpack_subelements %bitcast3A_320, 0 {pack_format = #tpu.pack_format<interleaved>} : vector<32xbf16> -> vector<16xf32>
        %unpack3A_326 = tpu.unpack_subelements %bitcast3A_320, 1 {pack_format = #tpu.pack_format<interleaved>} : vector<32xbf16> -> vector<16xf32>
        %unpack3A_327 = tpu.unpack_subelements %bitcast3A_324, 0 {pack_format = #tpu.pack_format<interleaved>} : vector<32xbf16> -> vector<16xf32>
        %unpack3A_328 = tpu.unpack_subelements %bitcast3A_324, 1 {pack_format = #tpu.pack_format<interleaved>} : vector<32xbf16> -> vector<16xf32>
        %mul3A_329 = arith.mulf %unpack3A_325, %unpack3A_327 : vector<16xf32>
        %swap3A_330 = arith.index_cast %add3A_276 : i32 to index
        %swap3A_331 = arith.constant 32 : index
        %swap3A_332 = tpu.vector_load %arg13[%swap3A_330, %swap3A_331] {strides = array<i32>} : memref<128x128xf32, #tpu.memory_space<vmem>>, vector<16xf32>,
        tpu.vector_store %arg13[%swap3A_330, %swap3A_331], %mul3A_329 {strides = array<i32>} : memref<128x128xf32, #tpu.memory_space<vmem>>, vector<16xf32>,
        %mul3A_333 = arith.mulf %unpack3A_326, %unpack3A_328 : vector<16xf32>
        %swap3A_334 = arith.index_cast %add3A_276 : i32 to index
        %swap3A_335 = arith.constant 96 : index
        %swap3A_336 = tpu.vector_load %arg13[%swap3A_334, %swap3A_335] {strides = array<i32>} : memref<128x128xf32, #tpu.memory_space<vmem>>, vector<16xf32>,
        tpu.vector_store %arg13[%swap3A_334, %swap3A_335], %mul3A_333 {strides = array<i32>} : memref<128x128xf32, #tpu.memory_space<vmem>>, vector<16xf32>,
        %get3A_337 = arith.index_cast %add3A_276 : i32 to index
        %get3A_338 = arith.constant 48 : index
        %get3A_339 = tpu.vector_load %arg9[%get3A_337, %get3A_338] {strides = array<i32>} : memref<128x64xi32, #tpu.memory_space<vmem>>, vector<16xi32>,
        %bitcast3A_340 = vector.bitcast %get3A_339 : vector<16xi32> to vector<32xbf16>
        %get3A_341 = arith.index_cast %add3A_192 : i32 to index
        %get3A_342 = arith.constant 112 : index
        %get3A_343 = tpu.vector_load %arg11[%get3A_341, %get3A_342] {strides = array<i32>} : memref<64x128xi32, #tpu.memory_space<vmem>>, vector<16xi32>,
        %bitcast3A_344 = vector.bitcast %get3A_343 : vector<16xi32> to vector<32xbf16>
        %unpack3A_345 = tpu.unpack_subelements %bitcast3A_340, 0 {pack_format = #tpu.pack_format<interleaved>} : vector<32xbf16> -> vector<16xf32>
        %unpack3A_346 = tpu.unpack_subelements %bitcast3A_340, 1 {pack_format = #tpu.pack_format<interleaved>} : vector<32xbf16> -> vector<16xf32>
        %unpack3A_347 = tpu.unpack_subelements %bitcast3A_344, 0 {pack_format = #tpu.pack_format<interleaved>} : vector<32xbf16> -> vector<16xf32>
        %unpack3A_348 = tpu.unpack_subelements %bitcast3A_344, 1 {pack_format = #tpu.pack_format<interleaved>} : vector<32xbf16> -> vector<16xf32>
        %mul3A_349 = arith.mulf %unpack3A_345, %unpack3A_347 : vector<16xf32>
        %swap3A_350 = arith.index_cast %add3A_276 : i32 to index
        %swap3A_351 = arith.constant 48 : index
        %swap3A_352 = tpu.vector_load %arg13[%swap3A_350, %swap3A_351] {strides = array<i32>} : memref<128x128xf32, #tpu.memory_space<vmem>>, vector<16xf32>,
        tpu.vector_store %arg13[%swap3A_350, %swap3A_351], %mul3A_349 {strides = array<i32>} : memref<128x128xf32, #tpu.memory_space<vmem>>, vector<16xf32>,
        %mul3A_353 = arith.mulf %unpack3A_346, %unpack3A_348 : vector<16xf32>
        %swap3A_354 = arith.index_cast %add3A_276 : i32 to index
        %swap3A_355 = arith.constant 112 : index
        %swap3A_356 = tpu.vector_load %arg13[%swap3A_354, %swap3A_355] {strides = array<i32>} : memref<128x128xf32, #tpu.memory_space<vmem>>, vector<16xf32>,
        tpu.vector_store %arg13[%swap3A_354, %swap3A_355], %mul3A_353 {strides = array<i32>} : memref<128x128xf32, #tpu.memory_space<vmem>>, vector<16xf32>,
      }
      %scan3A_85 = arith.constant 64 : i32
      %run_scoped3A_86 = arith.constant 1 : i32
      "tpu.region"() ({
        %run_scoped3A_188 = tpu.sem_alloc : memref<!tpu.dma_semaphore, #tpu.memory_space<semaphore_mem>>
        %dma_start3A_189 = arith.constant 0 : i32
        %dma_start3A_190 = tpu.memref_slice %arg7[%run_scoped3A_86, %dma_start3A_189] : memref<4x128xi32, #tpu.memory_space<vmem>> -> memref<1x128xi32, #tpu.memory_space<vmem>>
        %dma_start3A_191 = tpu.memref_squeeze %dma_start3A_190 : memref<1x128xi32, #tpu.memory_space<vmem>> -> memref<128xi32, #tpu.memory_space<vmem>>
        %dma_start3A_192 = arith.constant 0 : i32
        %dma_start3A_193 = arith.constant 0 : i32
        %dma_start3A_194 = tpu.memref_slice %arg14[%dma_start3A_192, %dma_start3A_193] : memref<10000x128xf32, #tpu.memory_space<vmem_shared>> -> memref<10000x128xf32, #tpu.memory_space<vmem_shared>>
        tpu.enqueue_indirect_dma source(%arg13 : memref<128x128xf32, #tpu.memory_space<vmem>>) target(%dma_start3A_194 : memref<10000x128xf32, #tpu.memory_space<vmem_shared>>) offsets(%dma_start3A_191 : memref<128xi32, #tpu.memory_space<vmem>>) semaphore(%run_scoped3A_188 : memref<!tpu.dma_semaphore, #tpu.memory_space<semaphore_mem>>) {add = true}
        %dma_wait3A_195 = arith.constant 0 : i32
        %dma_wait3A_196 = tpu.memref_slice %arg7[%run_scoped3A_86, %dma_wait3A_195] : memref<4x128xi32, #tpu.memory_space<vmem>> -> memref<1x128xi32, #tpu.memory_space<vmem>>
        %dma_wait3A_197 = tpu.memref_squeeze %dma_wait3A_196 : memref<1x128xi32, #tpu.memory_space<vmem>> -> memref<128xi32, #tpu.memory_space<vmem>>
        %dma_wait3A_198 = arith.constant 0 : i32
        %dma_wait3A_199 = arith.constant 0 : i32
        %dma_wait3A_200 = tpu.memref_slice %arg14[%dma_wait3A_198, %dma_wait3A_199] : memref<10000x128xf32, #tpu.memory_space<vmem_shared>> -> memref<10000x128xf32, #tpu.memory_space<vmem_shared>>
        tpu.wait_indirect_dma semaphore(%run_scoped3A_188 : memref<!tpu.dma_semaphore, #tpu.memory_space<semaphore_mem>>) src(%arg13 : memref<128x128xf32, #tpu.memory_space<vmem>>) dst(%dma_wait3A_200 : memref<10000x128xf32, #tpu.memory_space<vmem_shared>>)
        tpu.yield
      }) : () -> ()
      %add3A_87 = arith.constant 2 : i32
      %add3A_88 = arith.addi %mul3A_44, %add3A_87 : i32
      %dma_start3A_89 = arith.constant 0 : i32
      %dma_start3A_90 = arith.constant 0 : i32
      %dma_start3A_91 = tpu.memref_slice %arg8[%dma_start3A_89, %dma_start3A_90] : memref<4x128xi32, #tpu.memory_space<vmem>> -> memref<1x128xi32, #tpu.memory_space<vmem>>
      %dma_start3A_92 = tpu.memref_squeeze %dma_start3A_91 : memref<1x128xi32, #tpu.memory_space<vmem>> -> memref<128xi32, #tpu.memory_space<vmem>>
      %dma_start3A_93 = arith.constant 0 : i32
      %dma_start3A_94 = arith.constant 0 : i32
      %dma_start3A_95 = tpu.memref_slice %arg2[%dma_start3A_93, %dma_start3A_94] : memref<10000x64xi32, #tpu.memory_space<hbm>> -> memref<10000x64xi32, #tpu.memory_space<hbm>>
      tpu.enqueue_indirect_dma source(%dma_start3A_95 : memref<10000x64xi32, #tpu.memory_space<hbm>>) target(%arg9 : memref<128x64xi32, #tpu.memory_space<vmem>>) offsets(%dma_start3A_92 : memref<128xi32, #tpu.memory_space<vmem>>) semaphore(%arg17 : memref<!tpu.dma_semaphore, #tpu.memory_space<semaphore_mem>>)
      %mul3A_96 = arith.constant 64 : i32
      %mul3A_97 = arith.muli %add3A_88, %mul3A_96 : i32
      %add3A_98 = arith.addi %mul3A_6, %mul3A_97 : i32
      %dma_start3A_99 = arith.constant 0 : i32
      %dma_start3A_100 = tpu.memref_slice %arg3[%add3A_98, %dma_start3A_99] : memref<163840x128xi32, #tpu.memory_space<hbm>> -> memref<64x128xi32, #tpu.memory_space<hbm>>
      %dma_start3A_101 = arith.constant 0 : i32
      %dma_start3A_102 = tpu.memref_slice %arg3[%add3A_98, %dma_start3A_101] : memref<163840x128xi32, #tpu.memory_space<hbm>> -> memref<64x128xi32, #tpu.memory_space<hbm>>
      tpu.enqueue_dma source(%dma_start3A_102 : memref<64x128xi32, #tpu.memory_space<hbm>>) target(%arg11 : memref<64x128xi32, #tpu.memory_space<vmem>>) target_semaphore(%arg19 : memref<!tpu.dma_semaphore, #tpu.memory_space<semaphore_mem>>)
      %dma_wait3A_103 = arith.constant 0 : i32
      %dma_wait3A_104 = arith.constant 0 : i32
      %dma_wait3A_105 = tpu.memref_slice %arg2[%dma_wait3A_103, %dma_wait3A_104] : memref<10000x64xi32, #tpu.memory_space<hbm>> -> memref<128x64xi32, #tpu.memory_space<hbm>>
      %dma_wait3A_106 = arith.constant 0 : i32
      %dma_wait3A_107 = arith.constant 0 : i32
      %dma_wait3A_108 = tpu.memref_slice %arg2[%dma_wait3A_106, %dma_wait3A_107] : memref<10000x64xi32, #tpu.memory_space<hbm>> -> memref<128x64xi32, #tpu.memory_space<hbm>>
      tpu.wait_dma2 semaphore(%arg18 : memref<!tpu.dma_semaphore, #tpu.memory_space<semaphore_mem>>) src(%dma_wait3A_108 : memref<128x64xi32, #tpu.memory_space<hbm>>) dst(%arg10 : memref<128x64xi32, #tpu.memory_space<vmem>>)
      %dma_wait3A_109 = arith.constant 0 : i32
      %dma_wait3A_110 = arith.constant 0 : i32
      %dma_wait3A_111 = tpu.memref_slice %arg3[%dma_wait3A_109, %dma_wait3A_110] : memref<163840x128xi32, #tpu.memory_space<hbm>> -> memref<64x128xi32, #tpu.memory_space<hbm>>
      %dma_wait3A_112 = arith.constant 0 : i32
      %dma_wait3A_113 = arith.constant 0 : i32
      %dma_wait3A_114 = tpu.memref_slice %arg3[%dma_wait3A_112, %dma_wait3A_113] : memref<163840x128xi32, #tpu.memory_space<hbm>> -> memref<64x128xi32, #tpu.memory_space<hbm>>
      tpu.wait_dma2 semaphore(%arg20 : memref<!tpu.dma_semaphore, #tpu.memory_space<semaphore_mem>>) src(%dma_wait3A_114 : memref<64x128xi32, #tpu.memory_space<hbm>>) dst(%arg12 : memref<64x128xi32, #tpu.memory_space<vmem>>)
      %scan3A_115 = arith.constant 0 : i32
      %scan3A_116 = arith.constant 64 : i32
      %scan3A_117 = arith.addi %scan3A_115, %scan3A_116 : i32
      %scan3A_118 = arith.constant 1 : i32
      scf.for %scan3A_188 = %scan3A_115 to %scan3A_117 step %scan3A_118  : i32 {
        %mul3A_189 = arith.constant 1 : i32
        %mul3A_190 = arith.muli %scan3A_188, %mul3A_189 : i32
        %add3A_191 = arith.constant 0 : i32
        %add3A_192 = arith.addi %add3A_191, %mul3A_190 : i32
        %mul3A_193 = arith.constant 2 : i32
        %mul3A_194 = arith.muli %mul3A_193, %add3A_192 : i32
        %add3A_195 = arith.constant 0 : i32
        %add3A_196 = arith.addi %mul3A_194, %add3A_195 : i32
        %get3A = arith.index_cast %add3A_196 : i32 to index
        %get3A_197 = arith.constant 0 : index
        %get3A_198 = tpu.vector_load %arg10[%get3A, %get3A_197] {strides = array<i32>} : memref<128x64xi32, #tpu.memory_space<vmem>>, vector<16xi32>,
        %bitcast3A = vector.bitcast %get3A_198 : vector<16xi32> to vector<32xbf16>
        %get3A_199 = arith.index_cast %add3A_192 : i32 to index
        %get3A_200 = arith.constant 0 : index
        %get3A_201 = tpu.vector_load %arg12[%get3A_199, %get3A_200] {strides = array<i32>} : memref<64x128xi32, #tpu.memory_space<vmem>>, vector<16xi32>,
        %bitcast3A_202 = vector.bitcast %get3A_201 : vector<16xi32> to vector<32xbf16>
        %unpack3A = tpu.unpack_subelements %bitcast3A, 0 {pack_format = #tpu.pack_format<interleaved>} : vector<32xbf16> -> vector<16xf32>
        %unpack3A_203 = tpu.unpack_subelements %bitcast3A, 1 {pack_format = #tpu.pack_format<interleaved>} : vector<32xbf16> -> vector<16xf32>
        %unpack3A_204 = tpu.unpack_subelements %bitcast3A_202, 0 {pack_format = #tpu.pack_format<interleaved>} : vector<32xbf16> -> vector<16xf32>
        %unpack3A_205 = tpu.unpack_subelements %bitcast3A_202, 1 {pack_format = #tpu.pack_format<interleaved>} : vector<32xbf16> -> vector<16xf32>
        %mul3A_206 = arith.mulf %unpack3A, %unpack3A_204 : vector<16xf32>
        %swap3A = arith.index_cast %add3A_196 : i32 to index
        %swap3A_207 = arith.constant 0 : index
        %swap3A_208 = tpu.vector_load %arg13[%swap3A, %swap3A_207] {strides = array<i32>} : memref<128x128xf32, #tpu.memory_space<vmem>>, vector<16xf32>,
        tpu.vector_store %arg13[%swap3A, %swap3A_207], %mul3A_206 {strides = array<i32>} : memref<128x128xf32, #tpu.memory_space<vmem>>, vector<16xf32>,
        %mul3A_209 = arith.mulf %unpack3A_203, %unpack3A_205 : vector<16xf32>
        %swap3A_210 = arith.index_cast %add3A_196 : i32 to index
        %swap3A_211 = arith.constant 64 : index
        %swap3A_212 = tpu.vector_load %arg13[%swap3A_210, %swap3A_211] {strides = array<i32>} : memref<128x128xf32, #tpu.memory_space<vmem>>, vector<16xf32>,
        tpu.vector_store %arg13[%swap3A_210, %swap3A_211], %mul3A_209 {strides = array<i32>} : memref<128x128xf32, #tpu.memory_space<vmem>>, vector<16xf32>,
        %get3A_213 = arith.index_cast %add3A_196 : i32 to index
        %get3A_214 = arith.constant 16 : index
        %get3A_215 = tpu.vector_load %arg10[%get3A_213, %get3A_214] {strides = array<i32>} : memref<128x64xi32, #tpu.memory_space<vmem>>, vector<16xi32>,
        %bitcast3A_216 = vector.bitcast %get3A_215 : vector<16xi32> to vector<32xbf16>
        %get3A_217 = arith.index_cast %add3A_192 : i32 to index
        %get3A_218 = arith.constant 16 : index
        %get3A_219 = tpu.vector_load %arg12[%get3A_217, %get3A_218] {strides = array<i32>} : memref<64x128xi32, #tpu.memory_space<vmem>>, vector<16xi32>,
        %bitcast3A_220 = vector.bitcast %get3A_219 : vector<16xi32> to vector<32xbf16>
        %unpack3A_221 = tpu.unpack_subelements %bitcast3A_216, 0 {pack_format = #tpu.pack_format<interleaved>} : vector<32xbf16> -> vector<16xf32>
        %unpack3A_222 = tpu.unpack_subelements %bitcast3A_216, 1 {pack_format = #tpu.pack_format<interleaved>} : vector<32xbf16> -> vector<16xf32>
        %unpack3A_223 = tpu.unpack_subelements %bitcast3A_220, 0 {pack_format = #tpu.pack_format<interleaved>} : vector<32xbf16> -> vector<16xf32>
        %unpack3A_224 = tpu.unpack_subelements %bitcast3A_220, 1 {pack_format = #tpu.pack_format<interleaved>} : vector<32xbf16> -> vector<16xf32>
        %mul3A_225 = arith.mulf %unpack3A_221, %unpack3A_223 : vector<16xf32>
        %swap3A_226 = arith.index_cast %add3A_196 : i32 to index
        %swap3A_227 = arith.constant 16 : index
        %swap3A_228 = tpu.vector_load %arg13[%swap3A_226, %swap3A_227] {strides = array<i32>} : memref<128x128xf32, #tpu.memory_space<vmem>>, vector<16xf32>,
        tpu.vector_store %arg13[%swap3A_226, %swap3A_227], %mul3A_225 {strides = array<i32>} : memref<128x128xf32, #tpu.memory_space<vmem>>, vector<16xf32>,
        %mul3A_229 = arith.mulf %unpack3A_222, %unpack3A_224 : vector<16xf32>
        %swap3A_230 = arith.index_cast %add3A_196 : i32 to index
        %swap3A_231 = arith.constant 80 : index
        %swap3A_232 = tpu.vector_load %arg13[%swap3A_230, %swap3A_231] {strides = array<i32>} : memref<128x128xf32, #tpu.memory_space<vmem>>, vector<16xf32>,
        tpu.vector_store %arg13[%swap3A_230, %swap3A_231], %mul3A_229 {strides = array<i32>} : memref<128x128xf32, #tpu.memory_space<vmem>>, vector<16xf32>,
        %get3A_233 = arith.index_cast %add3A_196 : i32 to index
        %get3A_234 = arith.constant 32 : index
        %get3A_235 = tpu.vector_load %arg10[%get3A_233, %get3A_234] {strides = array<i32>} : memref<128x64xi32, #tpu.memory_space<vmem>>, vector<16xi32>,
        %bitcast3A_236 = vector.bitcast %get3A_235 : vector<16xi32> to vector<32xbf16>
        %get3A_237 = arith.index_cast %add3A_192 : i32 to index
        %get3A_238 = arith.constant 32 : index
        %get3A_239 = tpu.vector_load %arg12[%get3A_237, %get3A_238] {strides = array<i32>} : memref<64x128xi32, #tpu.memory_space<vmem>>, vector<16xi32>,
        %bitcast3A_240 = vector.bitcast %get3A_239 : vector<16xi32> to vector<32xbf16>
        %unpack3A_241 = tpu.unpack_subelements %bitcast3A_236, 0 {pack_format = #tpu.pack_format<interleaved>} : vector<32xbf16> -> vector<16xf32>
        %unpack3A_242 = tpu.unpack_subelements %bitcast3A_236, 1 {pack_format = #tpu.pack_format<interleaved>} : vector<32xbf16> -> vector<16xf32>
        %unpack3A_243 = tpu.unpack_subelements %bitcast3A_240, 0 {pack_format = #tpu.pack_format<interleaved>} : vector<32xbf16> -> vector<16xf32>
        %unpack3A_244 = tpu.unpack_subelements %bitcast3A_240, 1 {pack_format = #tpu.pack_format<interleaved>} : vector<32xbf16> -> vector<16xf32>
        %mul3A_245 = arith.mulf %unpack3A_241, %unpack3A_243 : vector<16xf32>
        %swap3A_246 = arith.index_cast %add3A_196 : i32 to index
        %swap3A_247 = arith.constant 32 : index
        %swap3A_248 = tpu.vector_load %arg13[%swap3A_246, %swap3A_247] {strides = array<i32>} : memref<128x128xf32, #tpu.memory_space<vmem>>, vector<16xf32>,
        tpu.vector_store %arg13[%swap3A_246, %swap3A_247], %mul3A_245 {strides = array<i32>} : memref<128x128xf32, #tpu.memory_space<vmem>>, vector<16xf32>,
        %mul3A_249 = arith.mulf %unpack3A_242, %unpack3A_244 : vector<16xf32>
        %swap3A_250 = arith.index_cast %add3A_196 : i32 to index
        %swap3A_251 = arith.constant 96 : index
        %swap3A_252 = tpu.vector_load %arg13[%swap3A_250, %swap3A_251] {strides = array<i32>} : memref<128x128xf32, #tpu.memory_space<vmem>>, vector<16xf32>,
        tpu.vector_store %arg13[%swap3A_250, %swap3A_251], %mul3A_249 {strides = array<i32>} : memref<128x128xf32, #tpu.memory_space<vmem>>, vector<16xf32>,
        %get3A_253 = arith.index_cast %add3A_196 : i32 to index
        %get3A_254 = arith.constant 48 : index
        %get3A_255 = tpu.vector_load %arg10[%get3A_253, %get3A_254] {strides = array<i32>} : memref<128x64xi32, #tpu.memory_space<vmem>>, vector<16xi32>,
        %bitcast3A_256 = vector.bitcast %get3A_255 : vector<16xi32> to vector<32xbf16>
        %get3A_257 = arith.index_cast %add3A_192 : i32 to index
        %get3A_258 = arith.constant 48 : index
        %get3A_259 = tpu.vector_load %arg12[%get3A_257, %get3A_258] {strides = array<i32>} : memref<64x128xi32, #tpu.memory_space<vmem>>, vector<16xi32>,
        %bitcast3A_260 = vector.bitcast %get3A_259 : vector<16xi32> to vector<32xbf16>
        %unpack3A_261 = tpu.unpack_subelements %bitcast3A_256, 0 {pack_format = #tpu.pack_format<interleaved>} : vector<32xbf16> -> vector<16xf32>
        %unpack3A_262 = tpu.unpack_subelements %bitcast3A_256, 1 {pack_format = #tpu.pack_format<interleaved>} : vector<32xbf16> -> vector<16xf32>
        %unpack3A_263 = tpu.unpack_subelements %bitcast3A_260, 0 {pack_format = #tpu.pack_format<interleaved>} : vector<32xbf16> -> vector<16xf32>
        %unpack3A_264 = tpu.unpack_subelements %bitcast3A_260, 1 {pack_format = #tpu.pack_format<interleaved>} : vector<32xbf16> -> vector<16xf32>
        %mul3A_265 = arith.mulf %unpack3A_261, %unpack3A_263 : vector<16xf32>
        %swap3A_266 = arith.index_cast %add3A_196 : i32 to index
        %swap3A_267 = arith.constant 48 : index
        %swap3A_268 = tpu.vector_load %arg13[%swap3A_266, %swap3A_267] {strides = array<i32>} : memref<128x128xf32, #tpu.memory_space<vmem>>, vector<16xf32>,
        tpu.vector_store %arg13[%swap3A_266, %swap3A_267], %mul3A_265 {strides = array<i32>} : memref<128x128xf32, #tpu.memory_space<vmem>>, vector<16xf32>,
        %mul3A_269 = arith.mulf %unpack3A_262, %unpack3A_264 : vector<16xf32>
        %swap3A_270 = arith.index_cast %add3A_196 : i32 to index
        %swap3A_271 = arith.constant 112 : index
        %swap3A_272 = tpu.vector_load %arg13[%swap3A_270, %swap3A_271] {strides = array<i32>} : memref<128x128xf32, #tpu.memory_space<vmem>>, vector<16xf32>,
        tpu.vector_store %arg13[%swap3A_270, %swap3A_271], %mul3A_269 {strides = array<i32>} : memref<128x128xf32, #tpu.memory_space<vmem>>, vector<16xf32>,
        %mul3A_273 = arith.constant 2 : i32
        %mul3A_274 = arith.muli %mul3A_273, %add3A_192 : i32
        %add3A_275 = arith.constant 1 : i32
        %add3A_276 = arith.addi %mul3A_274, %add3A_275 : i32
        %get3A_277 = arith.index_cast %add3A_276 : i32 to index
        %get3A_278 = arith.constant 0 : index
        %get3A_279 = tpu.vector_load %arg10[%get3A_277, %get3A_278] {strides = array<i32>} : memref<128x64xi32, #tpu.memory_space<vmem>>, vector<16xi32>,
        %bitcast3A_280 = vector.bitcast %get3A_279 : vector<16xi32> to vector<32xbf16>
        %get3A_281 = arith.index_cast %add3A_192 : i32 to index
        %get3A_282 = arith.constant 64 : index
        %get3A_283 = tpu.vector_load %arg12[%get3A_281, %get3A_282] {strides = array<i32>} : memref<64x128xi32, #tpu.memory_space<vmem>>, vector<16xi32>,
        %bitcast3A_284 = vector.bitcast %get3A_283 : vector<16xi32> to vector<32xbf16>
        %unpack3A_285 = tpu.unpack_subelements %bitcast3A_280, 0 {pack_format = #tpu.pack_format<interleaved>} : vector<32xbf16> -> vector<16xf32>
        %unpack3A_286 = tpu.unpack_subelements %bitcast3A_280, 1 {pack_format = #tpu.pack_format<interleaved>} : vector<32xbf16> -> vector<16xf32>
        %unpack3A_287 = tpu.unpack_subelements %bitcast3A_284, 0 {pack_format = #tpu.pack_format<interleaved>} : vector<32xbf16> -> vector<16xf32>
        %unpack3A_288 = tpu.unpack_subelements %bitcast3A_284, 1 {pack_format = #tpu.pack_format<interleaved>} : vector<32xbf16> -> vector<16xf32>
        %mul3A_289 = arith.mulf %unpack3A_285, %unpack3A_287 : vector<16xf32>
        %swap3A_290 = arith.index_cast %add3A_276 : i32 to index
        %swap3A_291 = arith.constant 0 : index
        %swap3A_292 = tpu.vector_load %arg13[%swap3A_290, %swap3A_291] {strides = array<i32>} : memref<128x128xf32, #tpu.memory_space<vmem>>, vector<16xf32>,
        tpu.vector_store %arg13[%swap3A_290, %swap3A_291], %mul3A_289 {strides = array<i32>} : memref<128x128xf32, #tpu.memory_space<vmem>>, vector<16xf32>,
        %mul3A_293 = arith.mulf %unpack3A_286, %unpack3A_288 : vector<16xf32>
        %swap3A_294 = arith.index_cast %add3A_276 : i32 to index
        %swap3A_295 = arith.constant 64 : index
        %swap3A_296 = tpu.vector_load %arg13[%swap3A_294, %swap3A_295] {strides = array<i32>} : memref<128x128xf32, #tpu.memory_space<vmem>>, vector<16xf32>,
        tpu.vector_store %arg13[%swap3A_294, %swap3A_295], %mul3A_293 {strides = array<i32>} : memref<128x128xf32, #tpu.memory_space<vmem>>, vector<16xf32>,
        %get3A_297 = arith.index_cast %add3A_276 : i32 to index
        %get3A_298 = arith.constant 16 : index
        %get3A_299 = tpu.vector_load %arg10[%get3A_297, %get3A_298] {strides = array<i32>} : memref<128x64xi32, #tpu.memory_space<vmem>>, vector<16xi32>,
        %bitcast3A_300 = vector.bitcast %get3A_299 : vector<16xi32> to vector<32xbf16>
        %get3A_301 = arith.index_cast %add3A_192 : i32 to index
        %get3A_302 = arith.constant 80 : index
        %get3A_303 = tpu.vector_load %arg12[%get3A_301, %get3A_302] {strides = array<i32>} : memref<64x128xi32, #tpu.memory_space<vmem>>, vector<16xi32>,
        %bitcast3A_304 = vector.bitcast %get3A_303 : vector<16xi32> to vector<32xbf16>
        %unpack3A_305 = tpu.unpack_subelements %bitcast3A_300, 0 {pack_format = #tpu.pack_format<interleaved>} : vector<32xbf16> -> vector<16xf32>
        %unpack3A_306 = tpu.unpack_subelements %bitcast3A_300, 1 {pack_format = #tpu.pack_format<interleaved>} : vector<32xbf16> -> vector<16xf32>
        %unpack3A_307 = tpu.unpack_subelements %bitcast3A_304, 0 {pack_format = #tpu.pack_format<interleaved>} : vector<32xbf16> -> vector<16xf32>
        %unpack3A_308 = tpu.unpack_subelements %bitcast3A_304, 1 {pack_format = #tpu.pack_format<interleaved>} : vector<32xbf16> -> vector<16xf32>
        %mul3A_309 = arith.mulf %unpack3A_305, %unpack3A_307 : vector<16xf32>
        %swap3A_310 = arith.index_cast %add3A_276 : i32 to index
        %swap3A_311 = arith.constant 16 : index
        %swap3A_312 = tpu.vector_load %arg13[%swap3A_310, %swap3A_311] {strides = array<i32>} : memref<128x128xf32, #tpu.memory_space<vmem>>, vector<16xf32>,
        tpu.vector_store %arg13[%swap3A_310, %swap3A_311], %mul3A_309 {strides = array<i32>} : memref<128x128xf32, #tpu.memory_space<vmem>>, vector<16xf32>,
        %mul3A_313 = arith.mulf %unpack3A_306, %unpack3A_308 : vector<16xf32>
        %swap3A_314 = arith.index_cast %add3A_276 : i32 to index
        %swap3A_315 = arith.constant 80 : index
        %swap3A_316 = tpu.vector_load %arg13[%swap3A_314, %swap3A_315] {strides = array<i32>} : memref<128x128xf32, #tpu.memory_space<vmem>>, vector<16xf32>,
        tpu.vector_store %arg13[%swap3A_314, %swap3A_315], %mul3A_313 {strides = array<i32>} : memref<128x128xf32, #tpu.memory_space<vmem>>, vector<16xf32>,
        %get3A_317 = arith.index_cast %add3A_276 : i32 to index
        %get3A_318 = arith.constant 32 : index
        %get3A_319 = tpu.vector_load %arg10[%get3A_317, %get3A_318] {strides = array<i32>} : memref<128x64xi32, #tpu.memory_space<vmem>>, vector<16xi32>,
        %bitcast3A_320 = vector.bitcast %get3A_319 : vector<16xi32> to vector<32xbf16>
        %get3A_321 = arith.index_cast %add3A_192 : i32 to index
        %get3A_322 = arith.constant 96 : index
        %get3A_323 = tpu.vector_load %arg12[%get3A_321, %get3A_322] {strides = array<i32>} : memref<64x128xi32, #tpu.memory_space<vmem>>, vector<16xi32>,
        %bitcast3A_324 = vector.bitcast %get3A_323 : vector<16xi32> to vector<32xbf16>
        %unpack3A_325 = tpu.unpack_subelements %bitcast3A_320, 0 {pack_format = #tpu.pack_format<interleaved>} : vector<32xbf16> -> vector<16xf32>
        %unpack3A_326 = tpu.unpack_subelements %bitcast3A_320, 1 {pack_format = #tpu.pack_format<interleaved>} : vector<32xbf16> -> vector<16xf32>
        %unpack3A_327 = tpu.unpack_subelements %bitcast3A_324, 0 {pack_format = #tpu.pack_format<interleaved>} : vector<32xbf16> -> vector<16xf32>
        %unpack3A_328 = tpu.unpack_subelements %bitcast3A_324, 1 {pack_format = #tpu.pack_format<interleaved>} : vector<32xbf16> -> vector<16xf32>
        %mul3A_329 = arith.mulf %unpack3A_325, %unpack3A_327 : vector<16xf32>
        %swap3A_330 = arith.index_cast %add3A_276 : i32 to index
        %swap3A_331 = arith.constant 32 : index
        %swap3A_332 = tpu.vector_load %arg13[%swap3A_330, %swap3A_331] {strides = array<i32>} : memref<128x128xf32, #tpu.memory_space<vmem>>, vector<16xf32>,
        tpu.vector_store %arg13[%swap3A_330, %swap3A_331], %mul3A_329 {strides = array<i32>} : memref<128x128xf32, #tpu.memory_space<vmem>>, vector<16xf32>,
        %mul3A_333 = arith.mulf %unpack3A_326, %unpack3A_328 : vector<16xf32>
        %swap3A_334 = arith.index_cast %add3A_276 : i32 to index
        %swap3A_335 = arith.constant 96 : index
        %swap3A_336 = tpu.vector_load %arg13[%swap3A_334, %swap3A_335] {strides = array<i32>} : memref<128x128xf32, #tpu.memory_space<vmem>>, vector<16xf32>,
        tpu.vector_store %arg13[%swap3A_334, %swap3A_335], %mul3A_333 {strides = array<i32>} : memref<128x128xf32, #tpu.memory_space<vmem>>, vector<16xf32>,
        %get3A_337 = arith.index_cast %add3A_276 : i32 to index
        %get3A_338 = arith.constant 48 : index
        %get3A_339 = tpu.vector_load %arg10[%get3A_337, %get3A_338] {strides = array<i32>} : memref<128x64xi32, #tpu.memory_space<vmem>>, vector<16xi32>,
        %bitcast3A_340 = vector.bitcast %get3A_339 : vector<16xi32> to vector<32xbf16>
        %get3A_341 = arith.index_cast %add3A_192 : i32 to index
        %get3A_342 = arith.constant 112 : index
        %get3A_343 = tpu.vector_load %arg12[%get3A_341, %get3A_342] {strides = array<i32>} : memref<64x128xi32, #tpu.memory_space<vmem>>, vector<16xi32>,
        %bitcast3A_344 = vector.bitcast %get3A_343 : vector<16xi32> to vector<32xbf16>
        %unpack3A_345 = tpu.unpack_subelements %bitcast3A_340, 0 {pack_format = #tpu.pack_format<interleaved>} : vector<32xbf16> -> vector<16xf32>
        %unpack3A_346 = tpu.unpack_subelements %bitcast3A_340, 1 {pack_format = #tpu.pack_format<interleaved>} : vector<32xbf16> -> vector<16xf32>
        %unpack3A_347 = tpu.unpack_subelements %bitcast3A_344, 0 {pack_format = #tpu.pack_format<interleaved>} : vector<32xbf16> -> vector<16xf32>
        %unpack3A_348 = tpu.unpack_subelements %bitcast3A_344, 1 {pack_format = #tpu.pack_format<interleaved>} : vector<32xbf16> -> vector<16xf32>
        %mul3A_349 = arith.mulf %unpack3A_345, %unpack3A_347 : vector<16xf32>
        %swap3A_350 = arith.index_cast %add3A_276 : i32 to index
        %swap3A_351 = arith.constant 48 : index
        %swap3A_352 = tpu.vector_load %arg13[%swap3A_350, %swap3A_351] {strides = array<i32>} : memref<128x128xf32, #tpu.memory_space<vmem>>, vector<16xf32>,
        tpu.vector_store %arg13[%swap3A_350, %swap3A_351], %mul3A_349 {strides = array<i32>} : memref<128x128xf32, #tpu.memory_space<vmem>>, vector<16xf32>,
        %mul3A_353 = arith.mulf %unpack3A_346, %unpack3A_348 : vector<16xf32>
        %swap3A_354 = arith.index_cast %add3A_276 : i32 to index
        %swap3A_355 = arith.constant 112 : index
        %swap3A_356 = tpu.vector_load %arg13[%swap3A_354, %swap3A_355] {strides = array<i32>} : memref<128x128xf32, #tpu.memory_space<vmem>>, vector<16xf32>,
        tpu.vector_store %arg13[%swap3A_354, %swap3A_355], %mul3A_353 {strides = array<i32>} : memref<128x128xf32, #tpu.memory_space<vmem>>, vector<16xf32>,
      }
      %scan3A_119 = arith.constant 64 : i32
      %run_scoped3A_120 = arith.constant 3 : i32
      "tpu.region"() ({
        %run_scoped3A_188 = tpu.sem_alloc : memref<!tpu.dma_semaphore, #tpu.memory_space<semaphore_mem>>
        %dma_start3A_189 = arith.constant 0 : i32
        %dma_start3A_190 = tpu.memref_slice %arg7[%run_scoped3A_120, %dma_start3A_189] : memref<4x128xi32, #tpu.memory_space<vmem>> -> memref<1x128xi32, #tpu.memory_space<vmem>>
        %dma_start3A_191 = tpu.memref_squeeze %dma_start3A_190 : memref<1x128xi32, #tpu.memory_space<vmem>> -> memref<128xi32, #tpu.memory_space<vmem>>
        %dma_start3A_192 = arith.constant 0 : i32
        %dma_start3A_193 = arith.constant 0 : i32
        %dma_start3A_194 = tpu.memref_slice %arg14[%dma_start3A_192, %dma_start3A_193] : memref<10000x128xf32, #tpu.memory_space<vmem_shared>> -> memref<10000x128xf32, #tpu.memory_space<vmem_shared>>
        tpu.enqueue_indirect_dma source(%arg13 : memref<128x128xf32, #tpu.memory_space<vmem>>) target(%dma_start3A_194 : memref<10000x128xf32, #tpu.memory_space<vmem_shared>>) offsets(%dma_start3A_191 : memref<128xi32, #tpu.memory_space<vmem>>) semaphore(%run_scoped3A_188 : memref<!tpu.dma_semaphore, #tpu.memory_space<semaphore_mem>>) {add = true}
        %dma_wait3A_195 = arith.constant 0 : i32
        %dma_wait3A_196 = tpu.memref_slice %arg7[%run_scoped3A_120, %dma_wait3A_195] : memref<4x128xi32, #tpu.memory_space<vmem>> -> memref<1x128xi32, #tpu.memory_space<vmem>>
        %dma_wait3A_197 = tpu.memref_squeeze %dma_wait3A_196 : memref<1x128xi32, #tpu.memory_space<vmem>> -> memref<128xi32, #tpu.memory_space<vmem>>
        %dma_wait3A_198 = arith.constant 0 : i32
        %dma_wait3A_199 = arith.constant 0 : i32
        %dma_wait3A_200 = tpu.memref_slice %arg14[%dma_wait3A_198, %dma_wait3A_199] : memref<10000x128xf32, #tpu.memory_space<vmem_shared>> -> memref<10000x128xf32, #tpu.memory_space<vmem_shared>>
        tpu.wait_indirect_dma semaphore(%run_scoped3A_188 : memref<!tpu.dma_semaphore, #tpu.memory_space<semaphore_mem>>) src(%arg13 : memref<128x128xf32, #tpu.memory_space<vmem>>) dst(%dma_wait3A_200 : memref<10000x128xf32, #tpu.memory_space<vmem_shared>>)
        tpu.yield
      }) : () -> ()
      %lt3A_121 = arith.constant 19 : i32
      %lt3A_122 = arith.cmpi slt, %add3A_42, %lt3A_121 : i32
      %convert_element_type3A_123 = arith.extui %lt3A_122 : i1 to i32
      %cond3A_124 = arith.constant 0 : i32
      %cond3A_125 = arith.cmpi ne, %convert_element_type3A_123, %cond3A_124 : i32
      scf.if %cond3A_125 {
        %mul3A_188 = arith.constant 2 : i32
        %mul3A_189 = arith.muli %mul3A_188, %add3A_42 : i32
        %add3A_190 = arith.constant 2 : i32
        %add3A_191 = arith.addi %mul3A_189, %add3A_190 : i32
        %dma_start3A_192 = arith.constant 0 : i32
        %dma_start3A_193 = arith.constant 0 : i32
        %dma_start3A_194 = tpu.memref_slice %arg4[%add3A, %add3A_191, %dma_start3A_192, %dma_start3A_193] : memref<32x40x4x128xi32, #tpu.memory_space<hbm>> -> memref<1x1x4x128xi32, #tpu.memory_space<hbm>>
        %dma_start3A_195 = tpu.memref_squeeze %dma_start3A_194 : memref<1x1x4x128xi32, #tpu.memory_space<hbm>> -> memref<4x128xi32, #tpu.memory_space<hbm>>
        %dma_start3A_196 = arith.constant 0 : i32
        %dma_start3A_197 = arith.constant 0 : i32
        %dma_start3A_198 = tpu.memref_slice %arg4[%add3A, %add3A_191, %dma_start3A_196, %dma_start3A_197] : memref<32x40x4x128xi32, #tpu.memory_space<hbm>> -> memref<1x1x4x128xi32, #tpu.memory_space<hbm>>
        %dma_start3A_199 = tpu.memref_squeeze %dma_start3A_198 : memref<1x1x4x128xi32, #tpu.memory_space<hbm>> -> memref<4x128xi32, #tpu.memory_space<hbm>>
        tpu.enqueue_dma source(%dma_start3A_199 : memref<4x128xi32, #tpu.memory_space<hbm>>) target(%arg7 : memref<4x128xi32, #tpu.memory_space<vmem>>) target_semaphore(%arg15 : memref<!tpu.dma_semaphore, #tpu.memory_space<semaphore_mem>>)
      } else {
      }
      %add3A_126 = arith.constant 3 : i32
      %add3A_127 = arith.addi %mul3A_44, %add3A_126 : i32
      %dma_start3A_128 = arith.constant 2 : i32
      %dma_start3A_129 = arith.constant 0 : i32
      %dma_start3A_130 = tpu.memref_slice %arg8[%dma_start3A_128, %dma_start3A_129] : memref<4x128xi32, #tpu.memory_space<vmem>> -> memref<1x128xi32, #tpu.memory_space<vmem>>
      %dma_start3A_131 = tpu.memref_squeeze %dma_start3A_130 : memref<1x128xi32, #tpu.memory_space<vmem>> -> memref<128xi32, #tpu.memory_space<vmem>>
      %dma_start3A_132 = arith.constant 0 : i32
      %dma_start3A_133 = arith.constant 0 : i32
      %dma_start3A_134 = tpu.memref_slice %arg2[%dma_start3A_132, %dma_start3A_133] : memref<10000x64xi32, #tpu.memory_space<hbm>> -> memref<10000x64xi32, #tpu.memory_space<hbm>>
      tpu.enqueue_indirect_dma source(%dma_start3A_134 : memref<10000x64xi32, #tpu.memory_space<hbm>>) target(%arg10 : memref<128x64xi32, #tpu.memory_space<vmem>>) offsets(%dma_start3A_131 : memref<128xi32, #tpu.memory_space<vmem>>) semaphore(%arg18 : memref<!tpu.dma_semaphore, #tpu.memory_space<semaphore_mem>>)
      %mul3A_135 = arith.constant 64 : i32
      %mul3A_136 = arith.muli %add3A_127, %mul3A_135 : i32
      %add3A_137 = arith.addi %mul3A_6, %mul3A_136 : i32
      %dma_start3A_138 = arith.constant 0 : i32
      %dma_start3A_139 = tpu.memref_slice %arg3[%add3A_137, %dma_start3A_138] : memref<163840x128xi32, #tpu.memory_space<hbm>> -> memref<64x128xi32, #tpu.memory_space<hbm>>
      %dma_start3A_140 = arith.constant 0 : i32
      %dma_start3A_141 = tpu.memref_slice %arg3[%add3A_137, %dma_start3A_140] : memref<163840x128xi32, #tpu.memory_space<hbm>> -> memref<64x128xi32, #tpu.memory_space<hbm>>
      tpu.enqueue_dma source(%dma_start3A_141 : memref<64x128xi32, #tpu.memory_space<hbm>>) target(%arg12 : memref<64x128xi32, #tpu.memory_space<vmem>>) target_semaphore(%arg20 : memref<!tpu.dma_semaphore, #tpu.memory_space<semaphore_mem>>)
      %dma_wait3A_142 = arith.constant 0 : i32
      %dma_wait3A_143 = arith.constant 0 : i32
      %dma_wait3A_144 = tpu.memref_slice %arg2[%dma_wait3A_142, %dma_wait3A_143] : memref<10000x64xi32, #tpu.memory_space<hbm>> -> memref<128x64xi32, #tpu.memory_space<hbm>>
      %dma_wait3A_145 = arith.constant 0 : i32
      %dma_wait3A_146 = arith.constant 0 : i32
      %dma_wait3A_147 = tpu.memref_slice %arg2[%dma_wait3A_145, %dma_wait3A_146] : memref<10000x64xi32, #tpu.memory_space<hbm>> -> memref<128x64xi32, #tpu.memory_space<hbm>>
      tpu.wait_dma2 semaphore(%arg17 : memref<!tpu.dma_semaphore, #tpu.memory_space<semaphore_mem>>) src(%dma_wait3A_147 : memref<128x64xi32, #tpu.memory_space<hbm>>) dst(%arg9 : memref<128x64xi32, #tpu.memory_space<vmem>>)
      %dma_wait3A_148 = arith.constant 0 : i32
      %dma_wait3A_149 = arith.constant 0 : i32
      %dma_wait3A_150 = tpu.memref_slice %arg3[%dma_wait3A_148, %dma_wait3A_149] : memref<163840x128xi32, #tpu.memory_space<hbm>> -> memref<64x128xi32, #tpu.memory_space<hbm>>
      %dma_wait3A_151 = arith.constant 0 : i32
      %dma_wait3A_152 = arith.constant 0 : i32
      %dma_wait3A_153 = tpu.memref_slice %arg3[%dma_wait3A_151, %dma_wait3A_152] : memref<163840x128xi32, #tpu.memory_space<hbm>> -> memref<64x128xi32, #tpu.memory_space<hbm>>
      tpu.wait_dma2 semaphore(%arg19 : memref<!tpu.dma_semaphore, #tpu.memory_space<semaphore_mem>>) src(%dma_wait3A_153 : memref<64x128xi32, #tpu.memory_space<hbm>>) dst(%arg11 : memref<64x128xi32, #tpu.memory_space<vmem>>)
      %scan3A_154 = arith.constant 0 : i32
      %scan3A_155 = arith.constant 64 : i32
      %scan3A_156 = arith.addi %scan3A_154, %scan3A_155 : i32
      %scan3A_157 = arith.constant 1 : i32
      scf.for %scan3A_188 = %scan3A_154 to %scan3A_156 step %scan3A_157  : i32 {
        %mul3A_189 = arith.constant 1 : i32
        %mul3A_190 = arith.muli %scan3A_188, %mul3A_189 : i32
        %add3A_191 = arith.constant 0 : i32
        %add3A_192 = arith.addi %add3A_191, %mul3A_190 : i32
        %mul3A_193 = arith.constant 2 : i32
        %mul3A_194 = arith.muli %mul3A_193, %add3A_192 : i32
        %add3A_195 = arith.constant 0 : i32
        %add3A_196 = arith.addi %mul3A_194, %add3A_195 : i32
        %get3A = arith.index_cast %add3A_196 : i32 to index
        %get3A_197 = arith.constant 0 : index
        %get3A_198 = tpu.vector_load %arg9[%get3A, %get3A_197] {strides = array<i32>} : memref<128x64xi32, #tpu.memory_space<vmem>>, vector<16xi32>,
        %bitcast3A = vector.bitcast %get3A_198 : vector<16xi32> to vector<32xbf16>
        %get3A_199 = arith.index_cast %add3A_192 : i32 to index
        %get3A_200 = arith.constant 0 : index
        %get3A_201 = tpu.vector_load %arg11[%get3A_199, %get3A_200] {strides = array<i32>} : memref<64x128xi32, #tpu.memory_space<vmem>>, vector<16xi32>,
        %bitcast3A_202 = vector.bitcast %get3A_201 : vector<16xi32> to vector<32xbf16>
        %unpack3A = tpu.unpack_subelements %bitcast3A, 0 {pack_format = #tpu.pack_format<interleaved>} : vector<32xbf16> -> vector<16xf32>
        %unpack3A_203 = tpu.unpack_subelements %bitcast3A, 1 {pack_format = #tpu.pack_format<interleaved>} : vector<32xbf16> -> vector<16xf32>
        %unpack3A_204 = tpu.unpack_subelements %bitcast3A_202, 0 {pack_format = #tpu.pack_format<interleaved>} : vector<32xbf16> -> vector<16xf32>
        %unpack3A_205 = tpu.unpack_subelements %bitcast3A_202, 1 {pack_format = #tpu.pack_format<interleaved>} : vector<32xbf16> -> vector<16xf32>
        %mul3A_206 = arith.mulf %unpack3A, %unpack3A_204 : vector<16xf32>
        %swap3A = arith.index_cast %add3A_196 : i32 to index
        %swap3A_207 = arith.constant 0 : index
        %swap3A_208 = tpu.vector_load %arg13[%swap3A, %swap3A_207] {strides = array<i32>} : memref<128x128xf32, #tpu.memory_space<vmem>>, vector<16xf32>,
        tpu.vector_store %arg13[%swap3A, %swap3A_207], %mul3A_206 {strides = array<i32>} : memref<128x128xf32, #tpu.memory_space<vmem>>, vector<16xf32>,
        %mul3A_209 = arith.mulf %unpack3A_203, %unpack3A_205 : vector<16xf32>
        %swap3A_210 = arith.index_cast %add3A_196 : i32 to index
        %swap3A_211 = arith.constant 64 : index
        %swap3A_212 = tpu.vector_load %arg13[%swap3A_210, %swap3A_211] {strides = array<i32>} : memref<128x128xf32, #tpu.memory_space<vmem>>, vector<16xf32>,
        tpu.vector_store %arg13[%swap3A_210, %swap3A_211], %mul3A_209 {strides = array<i32>} : memref<128x128xf32, #tpu.memory_space<vmem>>, vector<16xf32>,
        %get3A_213 = arith.index_cast %add3A_196 : i32 to index
        %get3A_214 = arith.constant 16 : index
        %get3A_215 = tpu.vector_load %arg9[%get3A_213, %get3A_214] {strides = array<i32>} : memref<128x64xi32, #tpu.memory_space<vmem>>, vector<16xi32>,
        %bitcast3A_216 = vector.bitcast %get3A_215 : vector<16xi32> to vector<32xbf16>
        %get3A_217 = arith.index_cast %add3A_192 : i32 to index
        %get3A_218 = arith.constant 16 : index
        %get3A_219 = tpu.vector_load %arg11[%get3A_217, %get3A_218] {strides = array<i32>} : memref<64x128xi32, #tpu.memory_space<vmem>>, vector<16xi32>,
        %bitcast3A_220 = vector.bitcast %get3A_219 : vector<16xi32> to vector<32xbf16>
        %unpack3A_221 = tpu.unpack_subelements %bitcast3A_216, 0 {pack_format = #tpu.pack_format<interleaved>} : vector<32xbf16> -> vector<16xf32>
        %unpack3A_222 = tpu.unpack_subelements %bitcast3A_216, 1 {pack_format = #tpu.pack_format<interleaved>} : vector<32xbf16> -> vector<16xf32>
        %unpack3A_223 = tpu.unpack_subelements %bitcast3A_220, 0 {pack_format = #tpu.pack_format<interleaved>} : vector<32xbf16> -> vector<16xf32>
        %unpack3A_224 = tpu.unpack_subelements %bitcast3A_220, 1 {pack_format = #tpu.pack_format<interleaved>} : vector<32xbf16> -> vector<16xf32>
        %mul3A_225 = arith.mulf %unpack3A_221, %unpack3A_223 : vector<16xf32>
        %swap3A_226 = arith.index_cast %add3A_196 : i32 to index
        %swap3A_227 = arith.constant 16 : index
        %swap3A_228 = tpu.vector_load %arg13[%swap3A_226, %swap3A_227] {strides = array<i32>} : memref<128x128xf32, #tpu.memory_space<vmem>>, vector<16xf32>,
        tpu.vector_store %arg13[%swap3A_226, %swap3A_227], %mul3A_225 {strides = array<i32>} : memref<128x128xf32, #tpu.memory_space<vmem>>, vector<16xf32>,
        %mul3A_229 = arith.mulf %unpack3A_222, %unpack3A_224 : vector<16xf32>
        %swap3A_230 = arith.index_cast %add3A_196 : i32 to index
        %swap3A_231 = arith.constant 80 : index
        %swap3A_232 = tpu.vector_load %arg13[%swap3A_230, %swap3A_231] {strides = array<i32>} : memref<128x128xf32, #tpu.memory_space<vmem>>, vector<16xf32>,
        tpu.vector_store %arg13[%swap3A_230, %swap3A_231], %mul3A_229 {strides = array<i32>} : memref<128x128xf32, #tpu.memory_space<vmem>>, vector<16xf32>,
        %get3A_233 = arith.index_cast %add3A_196 : i32 to index
        %get3A_234 = arith.constant 32 : index
        %get3A_235 = tpu.vector_load %arg9[%get3A_233, %get3A_234] {strides = array<i32>} : memref<128x64xi32, #tpu.memory_space<vmem>>, vector<16xi32>,
        %bitcast3A_236 = vector.bitcast %get3A_235 : vector<16xi32> to vector<32xbf16>
        %get3A_237 = arith.index_cast %add3A_192 : i32 to index
        %get3A_238 = arith.constant 32 : index
        %get3A_239 = tpu.vector_load %arg11[%get3A_237, %get3A_238] {strides = array<i32>} : memref<64x128xi32, #tpu.memory_space<vmem>>, vector<16xi32>,
        %bitcast3A_240 = vector.bitcast %get3A_239 : vector<16xi32> to vector<32xbf16>
        %unpack3A_241 = tpu.unpack_subelements %bitcast3A_236, 0 {pack_format = #tpu.pack_format<interleaved>} : vector<32xbf16> -> vector<16xf32>
        %unpack3A_242 = tpu.unpack_subelements %bitcast3A_236, 1 {pack_format = #tpu.pack_format<interleaved>} : vector<32xbf16> -> vector<16xf32>
        %unpack3A_243 = tpu.unpack_subelements %bitcast3A_240, 0 {pack_format = #tpu.pack_format<interleaved>} : vector<32xbf16> -> vector<16xf32>
        %unpack3A_244 = tpu.unpack_subelements %bitcast3A_240, 1 {pack_format = #tpu.pack_format<interleaved>} : vector<32xbf16> -> vector<16xf32>
        %mul3A_245 = arith.mulf %unpack3A_241, %unpack3A_243 : vector<16xf32>
        %swap3A_246 = arith.index_cast %add3A_196 : i32 to index
        %swap3A_247 = arith.constant 32 : index
        %swap3A_248 = tpu.vector_load %arg13[%swap3A_246, %swap3A_247] {strides = array<i32>} : memref<128x128xf32, #tpu.memory_space<vmem>>, vector<16xf32>,
        tpu.vector_store %arg13[%swap3A_246, %swap3A_247], %mul3A_245 {strides = array<i32>} : memref<128x128xf32, #tpu.memory_space<vmem>>, vector<16xf32>,
        %mul3A_249 = arith.mulf %unpack3A_242, %unpack3A_244 : vector<16xf32>
        %swap3A_250 = arith.index_cast %add3A_196 : i32 to index
        %swap3A_251 = arith.constant 96 : index
        %swap3A_252 = tpu.vector_load %arg13[%swap3A_250, %swap3A_251] {strides = array<i32>} : memref<128x128xf32, #tpu.memory_space<vmem>>, vector<16xf32>,
        tpu.vector_store %arg13[%swap3A_250, %swap3A_251], %mul3A_249 {strides = array<i32>} : memref<128x128xf32, #tpu.memory_space<vmem>>, vector<16xf32>,
        %get3A_253 = arith.index_cast %add3A_196 : i32 to index
        %get3A_254 = arith.constant 48 : index
        %get3A_255 = tpu.vector_load %arg9[%get3A_253, %get3A_254] {strides = array<i32>} : memref<128x64xi32, #tpu.memory_space<vmem>>, vector<16xi32>,
        %bitcast3A_256 = vector.bitcast %get3A_255 : vector<16xi32> to vector<32xbf16>
        %get3A_257 = arith.index_cast %add3A_192 : i32 to index
        %get3A_258 = arith.constant 48 : index
        %get3A_259 = tpu.vector_load %arg11[%get3A_257, %get3A_258] {strides = array<i32>} : memref<64x128xi32, #tpu.memory_space<vmem>>, vector<16xi32>,
        %bitcast3A_260 = vector.bitcast %get3A_259 : vector<16xi32> to vector<32xbf16>
        %unpack3A_261 = tpu.unpack_subelements %bitcast3A_256, 0 {pack_format = #tpu.pack_format<interleaved>} : vector<32xbf16> -> vector<16xf32>
        %unpack3A_262 = tpu.unpack_subelements %bitcast3A_256, 1 {pack_format = #tpu.pack_format<interleaved>} : vector<32xbf16> -> vector<16xf32>
        %unpack3A_263 = tpu.unpack_subelements %bitcast3A_260, 0 {pack_format = #tpu.pack_format<interleaved>} : vector<32xbf16> -> vector<16xf32>
        %unpack3A_264 = tpu.unpack_subelements %bitcast3A_260, 1 {pack_format = #tpu.pack_format<interleaved>} : vector<32xbf16> -> vector<16xf32>
        %mul3A_265 = arith.mulf %unpack3A_261, %unpack3A_263 : vector<16xf32>
        %swap3A_266 = arith.index_cast %add3A_196 : i32 to index
        %swap3A_267 = arith.constant 48 : index
        %swap3A_268 = tpu.vector_load %arg13[%swap3A_266, %swap3A_267] {strides = array<i32>} : memref<128x128xf32, #tpu.memory_space<vmem>>, vector<16xf32>,
        tpu.vector_store %arg13[%swap3A_266, %swap3A_267], %mul3A_265 {strides = array<i32>} : memref<128x128xf32, #tpu.memory_space<vmem>>, vector<16xf32>,
        %mul3A_269 = arith.mulf %unpack3A_262, %unpack3A_264 : vector<16xf32>
        %swap3A_270 = arith.index_cast %add3A_196 : i32 to index
        %swap3A_271 = arith.constant 112 : index
        %swap3A_272 = tpu.vector_load %arg13[%swap3A_270, %swap3A_271] {strides = array<i32>} : memref<128x128xf32, #tpu.memory_space<vmem>>, vector<16xf32>,
        tpu.vector_store %arg13[%swap3A_270, %swap3A_271], %mul3A_269 {strides = array<i32>} : memref<128x128xf32, #tpu.memory_space<vmem>>, vector<16xf32>,
        %mul3A_273 = arith.constant 2 : i32
        %mul3A_274 = arith.muli %mul3A_273, %add3A_192 : i32
        %add3A_275 = arith.constant 1 : i32
        %add3A_276 = arith.addi %mul3A_274, %add3A_275 : i32
        %get3A_277 = arith.index_cast %add3A_276 : i32 to index
        %get3A_278 = arith.constant 0 : index
        %get3A_279 = tpu.vector_load %arg9[%get3A_277, %get3A_278] {strides = array<i32>} : memref<128x64xi32, #tpu.memory_space<vmem>>, vector<16xi32>,
        %bitcast3A_280 = vector.bitcast %get3A_279 : vector<16xi32> to vector<32xbf16>
        %get3A_281 = arith.index_cast %add3A_192 : i32 to index
        %get3A_282 = arith.constant 64 : index
        %get3A_283 = tpu.vector_load %arg11[%get3A_281, %get3A_282] {strides = array<i32>} : memref<64x128xi32, #tpu.memory_space<vmem>>, vector<16xi32>,
        %bitcast3A_284 = vector.bitcast %get3A_283 : vector<16xi32> to vector<32xbf16>
        %unpack3A_285 = tpu.unpack_subelements %bitcast3A_280, 0 {pack_format = #tpu.pack_format<interleaved>} : vector<32xbf16> -> vector<16xf32>
        %unpack3A_286 = tpu.unpack_subelements %bitcast3A_280, 1 {pack_format = #tpu.pack_format<interleaved>} : vector<32xbf16> -> vector<16xf32>
        %unpack3A_287 = tpu.unpack_subelements %bitcast3A_284, 0 {pack_format = #tpu.pack_format<interleaved>} : vector<32xbf16> -> vector<16xf32>
        %unpack3A_288 = tpu.unpack_subelements %bitcast3A_284, 1 {pack_format = #tpu.pack_format<interleaved>} : vector<32xbf16> -> vector<16xf32>
        %mul3A_289 = arith.mulf %unpack3A_285, %unpack3A_287 : vector<16xf32>
        %swap3A_290 = arith.index_cast %add3A_276 : i32 to index
        %swap3A_291 = arith.constant 0 : index
        %swap3A_292 = tpu.vector_load %arg13[%swap3A_290, %swap3A_291] {strides = array<i32>} : memref<128x128xf32, #tpu.memory_space<vmem>>, vector<16xf32>,
        tpu.vector_store %arg13[%swap3A_290, %swap3A_291], %mul3A_289 {strides = array<i32>} : memref<128x128xf32, #tpu.memory_space<vmem>>, vector<16xf32>,
        %mul3A_293 = arith.mulf %unpack3A_286, %unpack3A_288 : vector<16xf32>
        %swap3A_294 = arith.index_cast %add3A_276 : i32 to index
        %swap3A_295 = arith.constant 64 : index
        %swap3A_296 = tpu.vector_load %arg13[%swap3A_294, %swap3A_295] {strides = array<i32>} : memref<128x128xf32, #tpu.memory_space<vmem>>, vector<16xf32>,
        tpu.vector_store %arg13[%swap3A_294, %swap3A_295], %mul3A_293 {strides = array<i32>} : memref<128x128xf32, #tpu.memory_space<vmem>>, vector<16xf32>,
        %get3A_297 = arith.index_cast %add3A_276 : i32 to index
        %get3A_298 = arith.constant 16 : index
        %get3A_299 = tpu.vector_load %arg9[%get3A_297, %get3A_298] {strides = array<i32>} : memref<128x64xi32, #tpu.memory_space<vmem>>, vector<16xi32>,
        %bitcast3A_300 = vector.bitcast %get3A_299 : vector<16xi32> to vector<32xbf16>
        %get3A_301 = arith.index_cast %add3A_192 : i32 to index
        %get3A_302 = arith.constant 80 : index
        %get3A_303 = tpu.vector_load %arg11[%get3A_301, %get3A_302] {strides = array<i32>} : memref<64x128xi32, #tpu.memory_space<vmem>>, vector<16xi32>,
        %bitcast3A_304 = vector.bitcast %get3A_303 : vector<16xi32> to vector<32xbf16>
        %unpack3A_305 = tpu.unpack_subelements %bitcast3A_300, 0 {pack_format = #tpu.pack_format<interleaved>} : vector<32xbf16> -> vector<16xf32>
        %unpack3A_306 = tpu.unpack_subelements %bitcast3A_300, 1 {pack_format = #tpu.pack_format<interleaved>} : vector<32xbf16> -> vector<16xf32>
        %unpack3A_307 = tpu.unpack_subelements %bitcast3A_304, 0 {pack_format = #tpu.pack_format<interleaved>} : vector<32xbf16> -> vector<16xf32>
        %unpack3A_308 = tpu.unpack_subelements %bitcast3A_304, 1 {pack_format = #tpu.pack_format<interleaved>} : vector<32xbf16> -> vector<16xf32>
        %mul3A_309 = arith.mulf %unpack3A_305, %unpack3A_307 : vector<16xf32>
        %swap3A_310 = arith.index_cast %add3A_276 : i32 to index
        %swap3A_311 = arith.constant 16 : index
        %swap3A_312 = tpu.vector_load %arg13[%swap3A_310, %swap3A_311] {strides = array<i32>} : memref<128x128xf32, #tpu.memory_space<vmem>>, vector<16xf32>,
        tpu.vector_store %arg13[%swap3A_310, %swap3A_311], %mul3A_309 {strides = array<i32>} : memref<128x128xf32, #tpu.memory_space<vmem>>, vector<16xf32>,
        %mul3A_313 = arith.mulf %unpack3A_306, %unpack3A_308 : vector<16xf32>
        %swap3A_314 = arith.index_cast %add3A_276 : i32 to index
        %swap3A_315 = arith.constant 80 : index
        %swap3A_316 = tpu.vector_load %arg13[%swap3A_314, %swap3A_315] {strides = array<i32>} : memref<128x128xf32, #tpu.memory_space<vmem>>, vector<16xf32>,
        tpu.vector_store %arg13[%swap3A_314, %swap3A_315], %mul3A_313 {strides = array<i32>} : memref<128x128xf32, #tpu.memory_space<vmem>>, vector<16xf32>,
        %get3A_317 = arith.index_cast %add3A_276 : i32 to index
        %get3A_318 = arith.constant 32 : index
        %get3A_319 = tpu.vector_load %arg9[%get3A_317, %get3A_318] {strides = array<i32>} : memref<128x64xi32, #tpu.memory_space<vmem>>, vector<16xi32>,
        %bitcast3A_320 = vector.bitcast %get3A_319 : vector<16xi32> to vector<32xbf16>
        %get3A_321 = arith.index_cast %add3A_192 : i32 to index
        %get3A_322 = arith.constant 96 : index
        %get3A_323 = tpu.vector_load %arg11[%get3A_321, %get3A_322] {strides = array<i32>} : memref<64x128xi32, #tpu.memory_space<vmem>>, vector<16xi32>,
        %bitcast3A_324 = vector.bitcast %get3A_323 : vector<16xi32> to vector<32xbf16>
        %unpack3A_325 = tpu.unpack_subelements %bitcast3A_320, 0 {pack_format = #tpu.pack_format<interleaved>} : vector<32xbf16> -> vector<16xf32>
        %unpack3A_326 = tpu.unpack_subelements %bitcast3A_320, 1 {pack_format = #tpu.pack_format<interleaved>} : vector<32xbf16> -> vector<16xf32>
        %unpack3A_327 = tpu.unpack_subelements %bitcast3A_324, 0 {pack_format = #tpu.pack_format<interleaved>} : vector<32xbf16> -> vector<16xf32>
        %unpack3A_328 = tpu.unpack_subelements %bitcast3A_324, 1 {pack_format = #tpu.pack_format<interleaved>} : vector<32xbf16> -> vector<16xf32>
        %mul3A_329 = arith.mulf %unpack3A_325, %unpack3A_327 : vector<16xf32>
        %swap3A_330 = arith.index_cast %add3A_276 : i32 to index
        %swap3A_331 = arith.constant 32 : index
        %swap3A_332 = tpu.vector_load %arg13[%swap3A_330, %swap3A_331] {strides = array<i32>} : memref<128x128xf32, #tpu.memory_space<vmem>>, vector<16xf32>,
        tpu.vector_store %arg13[%swap3A_330, %swap3A_331], %mul3A_329 {strides = array<i32>} : memref<128x128xf32, #tpu.memory_space<vmem>>, vector<16xf32>,
        %mul3A_333 = arith.mulf %unpack3A_326, %unpack3A_328 : vector<16xf32>
        %swap3A_334 = arith.index_cast %add3A_276 : i32 to index
        %swap3A_335 = arith.constant 96 : index
        %swap3A_336 = tpu.vector_load %arg13[%swap3A_334, %swap3A_335] {strides = array<i32>} : memref<128x128xf32, #tpu.memory_space<vmem>>, vector<16xf32>,
        tpu.vector_store %arg13[%swap3A_334, %swap3A_335], %mul3A_333 {strides = array<i32>} : memref<128x128xf32, #tpu.memory_space<vmem>>, vector<16xf32>,
        %get3A_337 = arith.index_cast %add3A_276 : i32 to index
        %get3A_338 = arith.constant 48 : index
        %get3A_339 = tpu.vector_load %arg9[%get3A_337, %get3A_338] {strides = array<i32>} : memref<128x64xi32, #tpu.memory_space<vmem>>, vector<16xi32>,
        %bitcast3A_340 = vector.bitcast %get3A_339 : vector<16xi32> to vector<32xbf16>
        %get3A_341 = arith.index_cast %add3A_192 : i32 to index
        %get3A_342 = arith.constant 112 : index
        %get3A_343 = tpu.vector_load %arg11[%get3A_341, %get3A_342] {strides = array<i32>} : memref<64x128xi32, #tpu.memory_space<vmem>>, vector<16xi32>,
        %bitcast3A_344 = vector.bitcast %get3A_343 : vector<16xi32> to vector<32xbf16>
        %unpack3A_345 = tpu.unpack_subelements %bitcast3A_340, 0 {pack_format = #tpu.pack_format<interleaved>} : vector<32xbf16> -> vector<16xf32>
        %unpack3A_346 = tpu.unpack_subelements %bitcast3A_340, 1 {pack_format = #tpu.pack_format<interleaved>} : vector<32xbf16> -> vector<16xf32>
        %unpack3A_347 = tpu.unpack_subelements %bitcast3A_344, 0 {pack_format = #tpu.pack_format<interleaved>} : vector<32xbf16> -> vector<16xf32>
        %unpack3A_348 = tpu.unpack_subelements %bitcast3A_344, 1 {pack_format = #tpu.pack_format<interleaved>} : vector<32xbf16> -> vector<16xf32>
        %mul3A_349 = arith.mulf %unpack3A_345, %unpack3A_347 : vector<16xf32>
        %swap3A_350 = arith.index_cast %add3A_276 : i32 to index
        %swap3A_351 = arith.constant 48 : index
        %swap3A_352 = tpu.vector_load %arg13[%swap3A_350, %swap3A_351] {strides = array<i32>} : memref<128x128xf32, #tpu.memory_space<vmem>>, vector<16xf32>,
        tpu.vector_store %arg13[%swap3A_350, %swap3A_351], %mul3A_349 {strides = array<i32>} : memref<128x128xf32, #tpu.memory_space<vmem>>, vector<16xf32>,
        %mul3A_353 = arith.mulf %unpack3A_346, %unpack3A_348 : vector<16xf32>
        %swap3A_354 = arith.index_cast %add3A_276 : i32 to index
        %swap3A_355 = arith.constant 112 : index
        %swap3A_356 = tpu.vector_load %arg13[%swap3A_354, %swap3A_355] {strides = array<i32>} : memref<128x128xf32, #tpu.memory_space<vmem>>, vector<16xf32>,
        tpu.vector_store %arg13[%swap3A_354, %swap3A_355], %mul3A_353 {strides = array<i32>} : memref<128x128xf32, #tpu.memory_space<vmem>>, vector<16xf32>,
      }
      %scan3A_158 = arith.constant 64 : i32
      %run_scoped3A_159 = arith.constant 1 : i32
      "tpu.region"() ({
        %run_scoped3A_188 = tpu.sem_alloc : memref<!tpu.dma_semaphore, #tpu.memory_space<semaphore_mem>>
        %dma_start3A_189 = arith.constant 0 : i32
        %dma_start3A_190 = tpu.memref_slice %arg8[%run_scoped3A_159, %dma_start3A_189] : memref<4x128xi32, #tpu.memory_space<vmem>> -> memref<1x128xi32, #tpu.memory_space<vmem>>
        %dma_start3A_191 = tpu.memref_squeeze %dma_start3A_190 : memref<1x128xi32, #tpu.memory_space<vmem>> -> memref<128xi32, #tpu.memory_space<vmem>>
        %dma_start3A_192 = arith.constant 0 : i32
        %dma_start3A_193 = arith.constant 0 : i32
        %dma_start3A_194 = tpu.memref_slice %arg14[%dma_start3A_192, %dma_start3A_193] : memref<10000x128xf32, #tpu.memory_space<vmem_shared>> -> memref<10000x128xf32, #tpu.memory_space<vmem_shared>>
        tpu.enqueue_indirect_dma source(%arg13 : memref<128x128xf32, #tpu.memory_space<vmem>>) target(%dma_start3A_194 : memref<10000x128xf32, #tpu.memory_space<vmem_shared>>) offsets(%dma_start3A_191 : memref<128xi32, #tpu.memory_space<vmem>>) semaphore(%run_scoped3A_188 : memref<!tpu.dma_semaphore, #tpu.memory_space<semaphore_mem>>) {add = true}
        %dma_wait3A_195 = arith.constant 0 : i32
        %dma_wait3A_196 = tpu.memref_slice %arg8[%run_scoped3A_159, %dma_wait3A_195] : memref<4x128xi32, #tpu.memory_space<vmem>> -> memref<1x128xi32, #tpu.memory_space<vmem>>
        %dma_wait3A_197 = tpu.memref_squeeze %dma_wait3A_196 : memref<1x128xi32, #tpu.memory_space<vmem>> -> memref<128xi32, #tpu.memory_space<vmem>>
        %dma_wait3A_198 = arith.constant 0 : i32
        %dma_wait3A_199 = arith.constant 0 : i32
        %dma_wait3A_200 = tpu.memref_slice %arg14[%dma_wait3A_198, %dma_wait3A_199] : memref<10000x128xf32, #tpu.memory_space<vmem_shared>> -> memref<10000x128xf32, #tpu.memory_space<vmem_shared>>
        tpu.wait_indirect_dma semaphore(%run_scoped3A_188 : memref<!tpu.dma_semaphore, #tpu.memory_space<semaphore_mem>>) src(%arg13 : memref<128x128xf32, #tpu.memory_space<vmem>>) dst(%dma_wait3A_200 : memref<10000x128xf32, #tpu.memory_space<vmem_shared>>)
        tpu.yield
      }) : () -> ()
      %lt3A_160 = arith.constant 19 : i32
      %lt3A_161 = arith.cmpi slt, %add3A_42, %lt3A_160 : i32
      %convert_element_type3A_162 = arith.extui %lt3A_161 : i1 to i32
      %cond3A_163 = arith.constant 0 : i32
      %cond3A_164 = arith.cmpi ne, %convert_element_type3A_162, %cond3A_163 : i32
      scf.if %cond3A_164 {
        %dma_wait3A_188 = arith.constant 0 : i32
        %dma_wait3A_189 = arith.constant 0 : i32
        %dma_wait3A_190 = arith.constant 0 : i32
        %dma_wait3A_191 = tpu.memref_slice %arg4[%add3A, %dma_wait3A_188, %dma_wait3A_189, %dma_wait3A_190] : memref<32x40x4x128xi32, #tpu.memory_space<hbm>> -> memref<1x1x4x128xi32, #tpu.memory_space<hbm>>
        %dma_wait3A_192 = tpu.memref_squeeze %dma_wait3A_191 : memref<1x1x4x128xi32, #tpu.memory_space<hbm>> -> memref<4x128xi32, #tpu.memory_space<hbm>>
        %dma_wait3A_193 = arith.constant 0 : i32
        %dma_wait3A_194 = arith.constant 0 : i32
        %dma_wait3A_195 = tpu.memref_slice %arg4[%add3A, %dma_wait3A_188, %dma_wait3A_193, %dma_wait3A_194] : memref<32x40x4x128xi32, #tpu.memory_space<hbm>> -> memref<1x1x4x128xi32, #tpu.memory_space<hbm>>
        %dma_wait3A_196 = tpu.memref_squeeze %dma_wait3A_195 : memref<1x1x4x128xi32, #tpu.memory_space<hbm>> -> memref<4x128xi32, #tpu.memory_space<hbm>>
        tpu.wait_dma2 semaphore(%arg15 : memref<!tpu.dma_semaphore, #tpu.memory_space<semaphore_mem>>) src(%dma_wait3A_196 : memref<4x128xi32, #tpu.memory_space<hbm>>) dst(%arg7 : memref<4x128xi32, #tpu.memory_space<vmem>>)
        %add3A_197 = arith.constant 4 : i32
        %add3A_198 = arith.addi %mul3A_44, %add3A_197 : i32
        %dma_start3A_199 = arith.constant 0 : i32
        %dma_start3A_200 = arith.constant 0 : i32
        %dma_start3A_201 = tpu.memref_slice %arg7[%dma_start3A_199, %dma_start3A_200] : memref<4x128xi32, #tpu.memory_space<vmem>> -> memref<1x128xi32, #tpu.memory_space<vmem>>
        %dma_start3A_202 = tpu.memref_squeeze %dma_start3A_201 : memref<1x128xi32, #tpu.memory_space<vmem>> -> memref<128xi32, #tpu.memory_space<vmem>>
        %dma_start3A_203 = arith.constant 0 : i32
        %dma_start3A_204 = arith.constant 0 : i32
        %dma_start3A_205 = tpu.memref_slice %arg2[%dma_start3A_203, %dma_start3A_204] : memref<10000x64xi32, #tpu.memory_space<hbm>> -> memref<10000x64xi32, #tpu.memory_space<hbm>>
        tpu.enqueue_indirect_dma source(%dma_start3A_205 : memref<10000x64xi32, #tpu.memory_space<hbm>>) target(%arg9 : memref<128x64xi32, #tpu.memory_space<vmem>>) offsets(%dma_start3A_202 : memref<128xi32, #tpu.memory_space<vmem>>) semaphore(%arg17 : memref<!tpu.dma_semaphore, #tpu.memory_space<semaphore_mem>>)
        %mul3A_206 = arith.constant 64 : i32
        %mul3A_207 = arith.muli %add3A_198, %mul3A_206 : i32
        %add3A_208 = arith.addi %mul3A_6, %mul3A_207 : i32
        %dma_start3A_209 = arith.constant 0 : i32
        %dma_start3A_210 = tpu.memref_slice %arg3[%add3A_208, %dma_start3A_209] : memref<163840x128xi32, #tpu.memory_space<hbm>> -> memref<64x128xi32, #tpu.memory_space<hbm>>
        %dma_start3A_211 = arith.constant 0 : i32
        %dma_start3A_212 = tpu.memref_slice %arg3[%add3A_208, %dma_start3A_211] : memref<163840x128xi32, #tpu.memory_space<hbm>> -> memref<64x128xi32, #tpu.memory_space<hbm>>
        tpu.enqueue_dma source(%dma_start3A_212 : memref<64x128xi32, #tpu.memory_space<hbm>>) target(%arg11 : memref<64x128xi32, #tpu.memory_space<vmem>>) target_semaphore(%arg19 : memref<!tpu.dma_semaphore, #tpu.memory_space<semaphore_mem>>)
      } else {
      }
      %dma_wait3A_165 = arith.constant 0 : i32
      %dma_wait3A_166 = arith.constant 0 : i32
      %dma_wait3A_167 = tpu.memref_slice %arg2[%dma_wait3A_165, %dma_wait3A_166] : memref<10000x64xi32, #tpu.memory_space<hbm>> -> memref<128x64xi32, #tpu.memory_space<hbm>>
      %dma_wait3A_168 = arith.constant 0 : i32
      %dma_wait3A_169 = arith.constant 0 : i32
      %dma_wait3A_170 = tpu.memref_slice %arg2[%dma_wait3A_168, %dma_wait3A_169] : memref<10000x64xi32, #tpu.memory_space<hbm>> -> memref<128x64xi32, #tpu.memory_space<hbm>>
      tpu.wait_dma2 semaphore(%arg18 : memref<!tpu.dma_semaphore, #tpu.memory_space<semaphore_mem>>) src(%dma_wait3A_170 : memref<128x64xi32, #tpu.memory_space<hbm>>) dst(%arg10 : memref<128x64xi32, #tpu.memory_space<vmem>>)
      %dma_wait3A_171 = arith.constant 0 : i32
      %dma_wait3A_172 = arith.constant 0 : i32
      %dma_wait3A_173 = tpu.memref_slice %arg3[%dma_wait3A_171, %dma_wait3A_172] : memref<163840x128xi32, #tpu.memory_space<hbm>> -> memref<64x128xi32, #tpu.memory_space<hbm>>
      %dma_wait3A_174 = arith.constant 0 : i32
      %dma_wait3A_175 = arith.constant 0 : i32
      %dma_wait3A_176 = tpu.memref_slice %arg3[%dma_wait3A_174, %dma_wait3A_175] : memref<163840x128xi32, #tpu.memory_space<hbm>> -> memref<64x128xi32, #tpu.memory_space<hbm>>
      tpu.wait_dma2 semaphore(%arg20 : memref<!tpu.dma_semaphore, #tpu.memory_space<semaphore_mem>>) src(%dma_wait3A_176 : memref<64x128xi32, #tpu.memory_space<hbm>>) dst(%arg12 : memref<64x128xi32, #tpu.memory_space<vmem>>)
      %scan3A_177 = arith.constant 0 : i32
      %scan3A_178 = arith.constant 64 : i32
      %scan3A_179 = arith.addi %scan3A_177, %scan3A_178 : i32
      %scan3A_180 = arith.constant 1 : i32
      scf.for %scan3A_188 = %scan3A_177 to %scan3A_179 step %scan3A_180  : i32 {
        %mul3A_189 = arith.constant 1 : i32
        %mul3A_190 = arith.muli %scan3A_188, %mul3A_189 : i32
        %add3A_191 = arith.constant 0 : i32
        %add3A_192 = arith.addi %add3A_191, %mul3A_190 : i32
        %mul3A_193 = arith.constant 2 : i32
        %mul3A_194 = arith.muli %mul3A_193, %add3A_192 : i32
        %add3A_195 = arith.constant 0 : i32
        %add3A_196 = arith.addi %mul3A_194, %add3A_195 : i32
        %get3A = arith.index_cast %add3A_196 : i32 to index
        %get3A_197 = arith.constant 0 : index
        %get3A_198 = tpu.vector_load %arg10[%get3A, %get3A_197] {strides = array<i32>} : memref<128x64xi32, #tpu.memory_space<vmem>>, vector<16xi32>,
        %bitcast3A = vector.bitcast %get3A_198 : vector<16xi32> to vector<32xbf16>
        %get3A_199 = arith.index_cast %add3A_192 : i32 to index
        %get3A_200 = arith.constant 0 : index
        %get3A_201 = tpu.vector_load %arg12[%get3A_199, %get3A_200] {strides = array<i32>} : memref<64x128xi32, #tpu.memory_space<vmem>>, vector<16xi32>,
        %bitcast3A_202 = vector.bitcast %get3A_201 : vector<16xi32> to vector<32xbf16>
        %unpack3A = tpu.unpack_subelements %bitcast3A, 0 {pack_format = #tpu.pack_format<interleaved>} : vector<32xbf16> -> vector<16xf32>
        %unpack3A_203 = tpu.unpack_subelements %bitcast3A, 1 {pack_format = #tpu.pack_format<interleaved>} : vector<32xbf16> -> vector<16xf32>
        %unpack3A_204 = tpu.unpack_subelements %bitcast3A_202, 0 {pack_format = #tpu.pack_format<interleaved>} : vector<32xbf16> -> vector<16xf32>
        %unpack3A_205 = tpu.unpack_subelements %bitcast3A_202, 1 {pack_format = #tpu.pack_format<interleaved>} : vector<32xbf16> -> vector<16xf32>
        %mul3A_206 = arith.mulf %unpack3A, %unpack3A_204 : vector<16xf32>
        %swap3A = arith.index_cast %add3A_196 : i32 to index
        %swap3A_207 = arith.constant 0 : index
        %swap3A_208 = tpu.vector_load %arg13[%swap3A, %swap3A_207] {strides = array<i32>} : memref<128x128xf32, #tpu.memory_space<vmem>>, vector<16xf32>,
        tpu.vector_store %arg13[%swap3A, %swap3A_207], %mul3A_206 {strides = array<i32>} : memref<128x128xf32, #tpu.memory_space<vmem>>, vector<16xf32>,
        %mul3A_209 = arith.mulf %unpack3A_203, %unpack3A_205 : vector<16xf32>
        %swap3A_210 = arith.index_cast %add3A_196 : i32 to index
        %swap3A_211 = arith.constant 64 : index
        %swap3A_212 = tpu.vector_load %arg13[%swap3A_210, %swap3A_211] {strides = array<i32>} : memref<128x128xf32, #tpu.memory_space<vmem>>, vector<16xf32>,
        tpu.vector_store %arg13[%swap3A_210, %swap3A_211], %mul3A_209 {strides = array<i32>} : memref<128x128xf32, #tpu.memory_space<vmem>>, vector<16xf32>,
        %get3A_213 = arith.index_cast %add3A_196 : i32 to index
        %get3A_214 = arith.constant 16 : index
        %get3A_215 = tpu.vector_load %arg10[%get3A_213, %get3A_214] {strides = array<i32>} : memref<128x64xi32, #tpu.memory_space<vmem>>, vector<16xi32>,
        %bitcast3A_216 = vector.bitcast %get3A_215 : vector<16xi32> to vector<32xbf16>
        %get3A_217 = arith.index_cast %add3A_192 : i32 to index
        %get3A_218 = arith.constant 16 : index
        %get3A_219 = tpu.vector_load %arg12[%get3A_217, %get3A_218] {strides = array<i32>} : memref<64x128xi32, #tpu.memory_space<vmem>>, vector<16xi32>,
        %bitcast3A_220 = vector.bitcast %get3A_219 : vector<16xi32> to vector<32xbf16>
        %unpack3A_221 = tpu.unpack_subelements %bitcast3A_216, 0 {pack_format = #tpu.pack_format<interleaved>} : vector<32xbf16> -> vector<16xf32>
        %unpack3A_222 = tpu.unpack_subelements %bitcast3A_216, 1 {pack_format = #tpu.pack_format<interleaved>} : vector<32xbf16> -> vector<16xf32>
        %unpack3A_223 = tpu.unpack_subelements %bitcast3A_220, 0 {pack_format = #tpu.pack_format<interleaved>} : vector<32xbf16> -> vector<16xf32>
        %unpack3A_224 = tpu.unpack_subelements %bitcast3A_220, 1 {pack_format = #tpu.pack_format<interleaved>} : vector<32xbf16> -> vector<16xf32>
        %mul3A_225 = arith.mulf %unpack3A_221, %unpack3A_223 : vector<16xf32>
        %swap3A_226 = arith.index_cast %add3A_196 : i32 to index
        %swap3A_227 = arith.constant 16 : index
        %swap3A_228 = tpu.vector_load %arg13[%swap3A_226, %swap3A_227] {strides = array<i32>} : memref<128x128xf32, #tpu.memory_space<vmem>>, vector<16xf32>,
        tpu.vector_store %arg13[%swap3A_226, %swap3A_227], %mul3A_225 {strides = array<i32>} : memref<128x128xf32, #tpu.memory_space<vmem>>, vector<16xf32>,
        %mul3A_229 = arith.mulf %unpack3A_222, %unpack3A_224 : vector<16xf32>
        %swap3A_230 = arith.index_cast %add3A_196 : i32 to index
        %swap3A_231 = arith.constant 80 : index
        %swap3A_232 = tpu.vector_load %arg13[%swap3A_230, %swap3A_231] {strides = array<i32>} : memref<128x128xf32, #tpu.memory_space<vmem>>, vector<16xf32>,
        tpu.vector_store %arg13[%swap3A_230, %swap3A_231], %mul3A_229 {strides = array<i32>} : memref<128x128xf32, #tpu.memory_space<vmem>>, vector<16xf32>,
        %get3A_233 = arith.index_cast %add3A_196 : i32 to index
        %get3A_234 = arith.constant 32 : index
        %get3A_235 = tpu.vector_load %arg10[%get3A_233, %get3A_234] {strides = array<i32>} : memref<128x64xi32, #tpu.memory_space<vmem>>, vector<16xi32>,
        %bitcast3A_236 = vector.bitcast %get3A_235 : vector<16xi32> to vector<32xbf16>
        %get3A_237 = arith.index_cast %add3A_192 : i32 to index
        %get3A_238 = arith.constant 32 : index
        %get3A_239 = tpu.vector_load %arg12[%get3A_237, %get3A_238] {strides = array<i32>} : memref<64x128xi32, #tpu.memory_space<vmem>>, vector<16xi32>,
        %bitcast3A_240 = vector.bitcast %get3A_239 : vector<16xi32> to vector<32xbf16>
        %unpack3A_241 = tpu.unpack_subelements %bitcast3A_236, 0 {pack_format = #tpu.pack_format<interleaved>} : vector<32xbf16> -> vector<16xf32>
        %unpack3A_242 = tpu.unpack_subelements %bitcast3A_236, 1 {pack_format = #tpu.pack_format<interleaved>} : vector<32xbf16> -> vector<16xf32>
        %unpack3A_243 = tpu.unpack_subelements %bitcast3A_240, 0 {pack_format = #tpu.pack_format<interleaved>} : vector<32xbf16> -> vector<16xf32>
        %unpack3A_244 = tpu.unpack_subelements %bitcast3A_240, 1 {pack_format = #tpu.pack_format<interleaved>} : vector<32xbf16> -> vector<16xf32>
        %mul3A_245 = arith.mulf %unpack3A_241, %unpack3A_243 : vector<16xf32>
        %swap3A_246 = arith.index_cast %add3A_196 : i32 to index
        %swap3A_247 = arith.constant 32 : index
        %swap3A_248 = tpu.vector_load %arg13[%swap3A_246, %swap3A_247] {strides = array<i32>} : memref<128x128xf32, #tpu.memory_space<vmem>>, vector<16xf32>,
        tpu.vector_store %arg13[%swap3A_246, %swap3A_247], %mul3A_245 {strides = array<i32>} : memref<128x128xf32, #tpu.memory_space<vmem>>, vector<16xf32>,
        %mul3A_249 = arith.mulf %unpack3A_242, %unpack3A_244 : vector<16xf32>
        %swap3A_250 = arith.index_cast %add3A_196 : i32 to index
        %swap3A_251 = arith.constant 96 : index
        %swap3A_252 = tpu.vector_load %arg13[%swap3A_250, %swap3A_251] {strides = array<i32>} : memref<128x128xf32, #tpu.memory_space<vmem>>, vector<16xf32>,
        tpu.vector_store %arg13[%swap3A_250, %swap3A_251], %mul3A_249 {strides = array<i32>} : memref<128x128xf32, #tpu.memory_space<vmem>>, vector<16xf32>,
        %get3A_253 = arith.index_cast %add3A_196 : i32 to index
        %get3A_254 = arith.constant 48 : index
        %get3A_255 = tpu.vector_load %arg10[%get3A_253, %get3A_254] {strides = array<i32>} : memref<128x64xi32, #tpu.memory_space<vmem>>, vector<16xi32>,
        %bitcast3A_256 = vector.bitcast %get3A_255 : vector<16xi32> to vector<32xbf16>
        %get3A_257 = arith.index_cast %add3A_192 : i32 to index
        %get3A_258 = arith.constant 48 : index
        %get3A_259 = tpu.vector_load %arg12[%get3A_257, %get3A_258] {strides = array<i32>} : memref<64x128xi32, #tpu.memory_space<vmem>>, vector<16xi32>,
        %bitcast3A_260 = vector.bitcast %get3A_259 : vector<16xi32> to vector<32xbf16>
        %unpack3A_261 = tpu.unpack_subelements %bitcast3A_256, 0 {pack_format = #tpu.pack_format<interleaved>} : vector<32xbf16> -> vector<16xf32>
        %unpack3A_262 = tpu.unpack_subelements %bitcast3A_256, 1 {pack_format = #tpu.pack_format<interleaved>} : vector<32xbf16> -> vector<16xf32>
        %unpack3A_263 = tpu.unpack_subelements %bitcast3A_260, 0 {pack_format = #tpu.pack_format<interleaved>} : vector<32xbf16> -> vector<16xf32>
        %unpack3A_264 = tpu.unpack_subelements %bitcast3A_260, 1 {pack_format = #tpu.pack_format<interleaved>} : vector<32xbf16> -> vector<16xf32>
        %mul3A_265 = arith.mulf %unpack3A_261, %unpack3A_263 : vector<16xf32>
        %swap3A_266 = arith.index_cast %add3A_196 : i32 to index
        %swap3A_267 = arith.constant 48 : index
        %swap3A_268 = tpu.vector_load %arg13[%swap3A_266, %swap3A_267] {strides = array<i32>} : memref<128x128xf32, #tpu.memory_space<vmem>>, vector<16xf32>,
        tpu.vector_store %arg13[%swap3A_266, %swap3A_267], %mul3A_265 {strides = array<i32>} : memref<128x128xf32, #tpu.memory_space<vmem>>, vector<16xf32>,
        %mul3A_269 = arith.mulf %unpack3A_262, %unpack3A_264 : vector<16xf32>
        %swap3A_270 = arith.index_cast %add3A_196 : i32 to index
        %swap3A_271 = arith.constant 112 : index
        %swap3A_272 = tpu.vector_load %arg13[%swap3A_270, %swap3A_271] {strides = array<i32>} : memref<128x128xf32, #tpu.memory_space<vmem>>, vector<16xf32>,
        tpu.vector_store %arg13[%swap3A_270, %swap3A_271], %mul3A_269 {strides = array<i32>} : memref<128x128xf32, #tpu.memory_space<vmem>>, vector<16xf32>,
        %mul3A_273 = arith.constant 2 : i32
        %mul3A_274 = arith.muli %mul3A_273, %add3A_192 : i32
        %add3A_275 = arith.constant 1 : i32
        %add3A_276 = arith.addi %mul3A_274, %add3A_275 : i32
        %get3A_277 = arith.index_cast %add3A_276 : i32 to index
        %get3A_278 = arith.constant 0 : index
        %get3A_279 = tpu.vector_load %arg10[%get3A_277, %get3A_278] {strides = array<i32>} : memref<128x64xi32, #tpu.memory_space<vmem>>, vector<16xi32>,
        %bitcast3A_280 = vector.bitcast %get3A_279 : vector<16xi32> to vector<32xbf16>
        %get3A_281 = arith.index_cast %add3A_192 : i32 to index
        %get3A_282 = arith.constant 64 : index
        %get3A_283 = tpu.vector_load %arg12[%get3A_281, %get3A_282] {strides = array<i32>} : memref<64x128xi32, #tpu.memory_space<vmem>>, vector<16xi32>,
        %bitcast3A_284 = vector.bitcast %get3A_283 : vector<16xi32> to vector<32xbf16>
        %unpack3A_285 = tpu.unpack_subelements %bitcast3A_280, 0 {pack_format = #tpu.pack_format<interleaved>} : vector<32xbf16> -> vector<16xf32>
        %unpack3A_286 = tpu.unpack_subelements %bitcast3A_280, 1 {pack_format = #tpu.pack_format<interleaved>} : vector<32xbf16> -> vector<16xf32>
        %unpack3A_287 = tpu.unpack_subelements %bitcast3A_284, 0 {pack_format = #tpu.pack_format<interleaved>} : vector<32xbf16> -> vector<16xf32>
        %unpack3A_288 = tpu.unpack_subelements %bitcast3A_284, 1 {pack_format = #tpu.pack_format<interleaved>} : vector<32xbf16> -> vector<16xf32>
        %mul3A_289 = arith.mulf %unpack3A_285, %unpack3A_287 : vector<16xf32>
        %swap3A_290 = arith.index_cast %add3A_276 : i32 to index
        %swap3A_291 = arith.constant 0 : index
        %swap3A_292 = tpu.vector_load %arg13[%swap3A_290, %swap3A_291] {strides = array<i32>} : memref<128x128xf32, #tpu.memory_space<vmem>>, vector<16xf32>,
        tpu.vector_store %arg13[%swap3A_290, %swap3A_291], %mul3A_289 {strides = array<i32>} : memref<128x128xf32, #tpu.memory_space<vmem>>, vector<16xf32>,
        %mul3A_293 = arith.mulf %unpack3A_286, %unpack3A_288 : vector<16xf32>
        %swap3A_294 = arith.index_cast %add3A_276 : i32 to index
        %swap3A_295 = arith.constant 64 : index
        %swap3A_296 = tpu.vector_load %arg13[%swap3A_294, %swap3A_295] {strides = array<i32>} : memref<128x128xf32, #tpu.memory_space<vmem>>, vector<16xf32>,
        tpu.vector_store %arg13[%swap3A_294, %swap3A_295], %mul3A_293 {strides = array<i32>} : memref<128x128xf32, #tpu.memory_space<vmem>>, vector<16xf32>,
        %get3A_297 = arith.index_cast %add3A_276 : i32 to index
        %get3A_298 = arith.constant 16 : index
        %get3A_299 = tpu.vector_load %arg10[%get3A_297, %get3A_298] {strides = array<i32>} : memref<128x64xi32, #tpu.memory_space<vmem>>, vector<16xi32>,
        %bitcast3A_300 = vector.bitcast %get3A_299 : vector<16xi32> to vector<32xbf16>
        %get3A_301 = arith.index_cast %add3A_192 : i32 to index
        %get3A_302 = arith.constant 80 : index
        %get3A_303 = tpu.vector_load %arg12[%get3A_301, %get3A_302] {strides = array<i32>} : memref<64x128xi32, #tpu.memory_space<vmem>>, vector<16xi32>,
        %bitcast3A_304 = vector.bitcast %get3A_303 : vector<16xi32> to vector<32xbf16>
        %unpack3A_305 = tpu.unpack_subelements %bitcast3A_300, 0 {pack_format = #tpu.pack_format<interleaved>} : vector<32xbf16> -> vector<16xf32>
        %unpack3A_306 = tpu.unpack_subelements %bitcast3A_300, 1 {pack_format = #tpu.pack_format<interleaved>} : vector<32xbf16> -> vector<16xf32>
        %unpack3A_307 = tpu.unpack_subelements %bitcast3A_304, 0 {pack_format = #tpu.pack_format<interleaved>} : vector<32xbf16> -> vector<16xf32>
        %unpack3A_308 = tpu.unpack_subelements %bitcast3A_304, 1 {pack_format = #tpu.pack_format<interleaved>} : vector<32xbf16> -> vector<16xf32>
        %mul3A_309 = arith.mulf %unpack3A_305, %unpack3A_307 : vector<16xf32>
        %swap3A_310 = arith.index_cast %add3A_276 : i32 to index
        %swap3A_311 = arith.constant 16 : index
        %swap3A_312 = tpu.vector_load %arg13[%swap3A_310, %swap3A_311] {strides = array<i32>} : memref<128x128xf32, #tpu.memory_space<vmem>>, vector<16xf32>,
        tpu.vector_store %arg13[%swap3A_310, %swap3A_311], %mul3A_309 {strides = array<i32>} : memref<128x128xf32, #tpu.memory_space<vmem>>, vector<16xf32>,
        %mul3A_313 = arith.mulf %unpack3A_306, %unpack3A_308 : vector<16xf32>
        %swap3A_314 = arith.index_cast %add3A_276 : i32 to index
        %swap3A_315 = arith.constant 80 : index
        %swap3A_316 = tpu.vector_load %arg13[%swap3A_314, %swap3A_315] {strides = array<i32>} : memref<128x128xf32, #tpu.memory_space<vmem>>, vector<16xf32>,
        tpu.vector_store %arg13[%swap3A_314, %swap3A_315], %mul3A_313 {strides = array<i32>} : memref<128x128xf32, #tpu.memory_space<vmem>>, vector<16xf32>,
        %get3A_317 = arith.index_cast %add3A_276 : i32 to index
        %get3A_318 = arith.constant 32 : index
        %get3A_319 = tpu.vector_load %arg10[%get3A_317, %get3A_318] {strides = array<i32>} : memref<128x64xi32, #tpu.memory_space<vmem>>, vector<16xi32>,
        %bitcast3A_320 = vector.bitcast %get3A_319 : vector<16xi32> to vector<32xbf16>
        %get3A_321 = arith.index_cast %add3A_192 : i32 to index
        %get3A_322 = arith.constant 96 : index
        %get3A_323 = tpu.vector_load %arg12[%get3A_321, %get3A_322] {strides = array<i32>} : memref<64x128xi32, #tpu.memory_space<vmem>>, vector<16xi32>,
        %bitcast3A_324 = vector.bitcast %get3A_323 : vector<16xi32> to vector<32xbf16>
        %unpack3A_325 = tpu.unpack_subelements %bitcast3A_320, 0 {pack_format = #tpu.pack_format<interleaved>} : vector<32xbf16> -> vector<16xf32>
        %unpack3A_326 = tpu.unpack_subelements %bitcast3A_320, 1 {pack_format = #tpu.pack_format<interleaved>} : vector<32xbf16> -> vector<16xf32>
        %unpack3A_327 = tpu.unpack_subelements %bitcast3A_324, 0 {pack_format = #tpu.pack_format<interleaved>} : vector<32xbf16> -> vector<16xf32>
        %unpack3A_328 = tpu.unpack_subelements %bitcast3A_324, 1 {pack_format = #tpu.pack_format<interleaved>} : vector<32xbf16> -> vector<16xf32>
        %mul3A_329 = arith.mulf %unpack3A_325, %unpack3A_327 : vector<16xf32>
        %swap3A_330 = arith.index_cast %add3A_276 : i32 to index
        %swap3A_331 = arith.constant 32 : index
        %swap3A_332 = tpu.vector_load %arg13[%swap3A_330, %swap3A_331] {strides = array<i32>} : memref<128x128xf32, #tpu.memory_space<vmem>>, vector<16xf32>,
        tpu.vector_store %arg13[%swap3A_330, %swap3A_331], %mul3A_329 {strides = array<i32>} : memref<128x128xf32, #tpu.memory_space<vmem>>, vector<16xf32>,
        %mul3A_333 = arith.mulf %unpack3A_326, %unpack3A_328 : vector<16xf32>
        %swap3A_334 = arith.index_cast %add3A_276 : i32 to index
        %swap3A_335 = arith.constant 96 : index
        %swap3A_336 = tpu.vector_load %arg13[%swap3A_334, %swap3A_335] {strides = array<i32>} : memref<128x128xf32, #tpu.memory_space<vmem>>, vector<16xf32>,
        tpu.vector_store %arg13[%swap3A_334, %swap3A_335], %mul3A_333 {strides = array<i32>} : memref<128x128xf32, #tpu.memory_space<vmem>>, vector<16xf32>,
        %get3A_337 = arith.index_cast %add3A_276 : i32 to index
        %get3A_338 = arith.constant 48 : index
        %get3A_339 = tpu.vector_load %arg10[%get3A_337, %get3A_338] {strides = array<i32>} : memref<128x64xi32, #tpu.memory_space<vmem>>, vector<16xi32>,
        %bitcast3A_340 = vector.bitcast %get3A_339 : vector<16xi32> to vector<32xbf16>
        %get3A_341 = arith.index_cast %add3A_192 : i32 to index
        %get3A_342 = arith.constant 112 : index
        %get3A_343 = tpu.vector_load %arg12[%get3A_341, %get3A_342] {strides = array<i32>} : memref<64x128xi32, #tpu.memory_space<vmem>>, vector<16xi32>,
        %bitcast3A_344 = vector.bitcast %get3A_343 : vector<16xi32> to vector<32xbf16>
        %unpack3A_345 = tpu.unpack_subelements %bitcast3A_340, 0 {pack_format = #tpu.pack_format<interleaved>} : vector<32xbf16> -> vector<16xf32>
        %unpack3A_346 = tpu.unpack_subelements %bitcast3A_340, 1 {pack_format = #tpu.pack_format<interleaved>} : vector<32xbf16> -> vector<16xf32>
        %unpack3A_347 = tpu.unpack_subelements %bitcast3A_344, 0 {pack_format = #tpu.pack_format<interleaved>} : vector<32xbf16> -> vector<16xf32>
        %unpack3A_348 = tpu.unpack_subelements %bitcast3A_344, 1 {pack_format = #tpu.pack_format<interleaved>} : vector<32xbf16> -> vector<16xf32>
        %mul3A_349 = arith.mulf %unpack3A_345, %unpack3A_347 : vector<16xf32>
        %swap3A_350 = arith.index_cast %add3A_276 : i32 to index
        %swap3A_351 = arith.constant 48 : index
        %swap3A_352 = tpu.vector_load %arg13[%swap3A_350, %swap3A_351] {strides = array<i32>} : memref<128x128xf32, #tpu.memory_space<vmem>>, vector<16xf32>,
        tpu.vector_store %arg13[%swap3A_350, %swap3A_351], %mul3A_349 {strides = array<i32>} : memref<128x128xf32, #tpu.memory_space<vmem>>, vector<16xf32>,
        %mul3A_353 = arith.mulf %unpack3A_346, %unpack3A_348 : vector<16xf32>
        %swap3A_354 = arith.index_cast %add3A_276 : i32 to index
        %swap3A_355 = arith.constant 112 : index
        %swap3A_356 = tpu.vector_load %arg13[%swap3A_354, %swap3A_355] {strides = array<i32>} : memref<128x128xf32, #tpu.memory_space<vmem>>, vector<16xf32>,
        tpu.vector_store %arg13[%swap3A_354, %swap3A_355], %mul3A_353 {strides = array<i32>} : memref<128x128xf32, #tpu.memory_space<vmem>>, vector<16xf32>,
      }
      %scan3A_181 = arith.constant 64 : i32
      %run_scoped3A_182 = arith.constant 3 : i32
      "tpu.region"() ({
        %run_scoped3A_188 = tpu.sem_alloc : memref<!tpu.dma_semaphore, #tpu.memory_space<semaphore_mem>>
        %dma_start3A_189 = arith.constant 0 : i32
        %dma_start3A_190 = tpu.memref_slice %arg8[%run_scoped3A_182, %dma_start3A_189] : memref<4x128xi32, #tpu.memory_space<vmem>> -> memref<1x128xi32, #tpu.memory_space<vmem>>
        %dma_start3A_191 = tpu.memref_squeeze %dma_start3A_190 : memref<1x128xi32, #tpu.memory_space<vmem>> -> memref<128xi32, #tpu.memory_space<vmem>>
        %dma_start3A_192 = arith.constant 0 : i32
        %dma_start3A_193 = arith.constant 0 : i32
        %dma_start3A_194 = tpu.memref_slice %arg14[%dma_start3A_192, %dma_start3A_193] : memref<10000x128xf32, #tpu.memory_space<vmem_shared>> -> memref<10000x128xf32, #tpu.memory_space<vmem_shared>>
        tpu.enqueue_indirect_dma source(%arg13 : memref<128x128xf32, #tpu.memory_space<vmem>>) target(%dma_start3A_194 : memref<10000x128xf32, #tpu.memory_space<vmem_shared>>) offsets(%dma_start3A_191 : memref<128xi32, #tpu.memory_space<vmem>>) semaphore(%run_scoped3A_188 : memref<!tpu.dma_semaphore, #tpu.memory_space<semaphore_mem>>) {add = true}
        %dma_wait3A_195 = arith.constant 0 : i32
        %dma_wait3A_196 = tpu.memref_slice %arg8[%run_scoped3A_182, %dma_wait3A_195] : memref<4x128xi32, #tpu.memory_space<vmem>> -> memref<1x128xi32, #tpu.memory_space<vmem>>
        %dma_wait3A_197 = tpu.memref_squeeze %dma_wait3A_196 : memref<1x128xi32, #tpu.memory_space<vmem>> -> memref<128xi32, #tpu.memory_space<vmem>>
        %dma_wait3A_198 = arith.constant 0 : i32
        %dma_wait3A_199 = arith.constant 0 : i32
        %dma_wait3A_200 = tpu.memref_slice %arg14[%dma_wait3A_198, %dma_wait3A_199] : memref<10000x128xf32, #tpu.memory_space<vmem_shared>> -> memref<10000x128xf32, #tpu.memory_space<vmem_shared>>
        tpu.wait_indirect_dma semaphore(%run_scoped3A_188 : memref<!tpu.dma_semaphore, #tpu.memory_space<semaphore_mem>>) src(%arg13 : memref<128x128xf32, #tpu.memory_space<vmem>>) dst(%dma_wait3A_200 : memref<10000x128xf32, #tpu.memory_space<vmem_shared>>)
        tpu.yield
      }) : () -> ()
      %lt3A_183 = arith.constant 19 : i32
      %lt3A_184 = arith.cmpi slt, %add3A_42, %lt3A_183 : i32
      %convert_element_type3A_185 = arith.extui %lt3A_184 : i1 to i32
      %cond3A_186 = arith.constant 0 : i32
      %cond3A_187 = arith.cmpi ne, %convert_element_type3A_185, %cond3A_186 : i32
      scf.if %cond3A_187 {
        %mul3A_188 = arith.constant 2 : i32
        %mul3A_189 = arith.muli %mul3A_188, %add3A_42 : i32
        %add3A_190 = arith.constant 3 : i32
        %add3A_191 = arith.addi %mul3A_189, %add3A_190 : i32
        %dma_start3A_192 = arith.constant 0 : i32
        %dma_start3A_193 = arith.constant 0 : i32
        %dma_start3A_194 = tpu.memref_slice %arg4[%add3A, %add3A_191, %dma_start3A_192, %dma_start3A_193] : memref<32x40x4x128xi32, #tpu.memory_space<hbm>> -> memref<1x1x4x128xi32, #tpu.memory_space<hbm>>
        %dma_start3A_195 = tpu.memref_squeeze %dma_start3A_194 : memref<1x1x4x128xi32, #tpu.memory_space<hbm>> -> memref<4x128xi32, #tpu.memory_space<hbm>>
        %dma_start3A_196 = arith.constant 0 : i32
        %dma_start3A_197 = arith.constant 0 : i32
        %dma_start3A_198 = tpu.memref_slice %arg4[%add3A, %add3A_191, %dma_start3A_196, %dma_start3A_197] : memref<32x40x4x128xi32, #tpu.memory_space<hbm>> -> memref<1x1x4x128xi32, #tpu.memory_space<hbm>>
        %dma_start3A_199 = tpu.memref_squeeze %dma_start3A_198 : memref<1x1x4x128xi32, #tpu.memory_space<hbm>> -> memref<4x128xi32, #tpu.memory_space<hbm>>
        tpu.enqueue_dma source(%dma_start3A_199 : memref<4x128xi32, #tpu.memory_space<hbm>>) target(%arg8 : memref<4x128xi32, #tpu.memory_space<vmem>>) target_semaphore(%arg16 : memref<!tpu.dma_semaphore, #tpu.memory_space<semaphore_mem>>)
      } else {
      }
    }
    %scan3A_31 = arith.constant 20 : i32
    %barrier3A_32 = arith.constant 0 : index
    tpu.barrier barrier_id(%barrier3A_32)
    %lt3A_33 = arith.constant 10 : i32
    %lt3A_34 = arith.cmpi slt, %arg1, %lt3A_33 : i32
    %convert_element_type3A_35 = arith.extui %lt3A_34 : i1 to i32
    %cond3A_36 = arith.constant 0 : i32
    %cond3A_37 = arith.cmpi ne, %convert_element_type3A_35, %cond3A_36 : i32
    scf.if %cond3A_37 {
      %mul3A_38 = arith.constant 1000 : i32
      %mul3A_39 = arith.muli %arg1, %mul3A_38 : i32
      %mul3A_40 = arith.constant 1000 : i32
      %mul3A_41 = arith.muli %arg1, %mul3A_40 : i32
      "tpu.region"() ({
        %run_scoped3A_42 = tpu.sem_alloc : memref<!tpu.dma_semaphore, #tpu.memory_space<semaphore_mem>>
        %dma_start3A_43 = arith.constant 0 : i32
        %dma_start3A_44 = tpu.memref_slice %arg6[%arg0, %mul3A_41, %dma_start3A_43] : memref<2x10000x128xf32, #tpu.memory_space<hbm>> -> memref<1x1000x128xf32, #tpu.memory_space<hbm>>
        %dma_start3A_45 = tpu.memref_squeeze %dma_start3A_44 : memref<1x1000x128xf32, #tpu.memory_space<hbm>> -> memref<1000x128xf32, #tpu.memory_space<hbm>>
        %dma_start3A_46 = arith.constant 0 : i32
        %dma_start3A_47 = tpu.memref_slice %arg14[%mul3A_39, %dma_start3A_46] : memref<10000x128xf32, #tpu.memory_space<vmem_shared>> -> memref<1000x128xf32, #tpu.memory_space<vmem_shared>>
        tpu.enqueue_dma source(%dma_start3A_47 : memref<1000x128xf32, #tpu.memory_space<vmem_shared>>) target(%dma_start3A_45 : memref<1000x128xf32, #tpu.memory_space<hbm>>) target_semaphore(%run_scoped3A_42 : memref<!tpu.dma_semaphore, #tpu.memory_space<semaphore_mem>>)
        %dma_wait3A = arith.constant 0 : i32
        %dma_wait3A_48 = tpu.memref_slice %arg6[%arg0, %mul3A_41, %dma_wait3A] : memref<2x10000x128xf32, #tpu.memory_space<hbm>> -> memref<1x1000x128xf32, #tpu.memory_space<hbm>>
        %dma_wait3A_49 = tpu.memref_squeeze %dma_wait3A_48 : memref<1x1000x128xf32, #tpu.memory_space<hbm>> -> memref<1000x128xf32, #tpu.memory_space<hbm>>
        %dma_wait3A_50 = arith.constant 0 : i32
        %dma_wait3A_51 = tpu.memref_slice %arg14[%mul3A_39, %dma_wait3A_50] : memref<10000x128xf32, #tpu.memory_space<vmem_shared>> -> memref<1000x128xf32, #tpu.memory_space<vmem_shared>>
        tpu.wait_dma2 semaphore(%run_scoped3A_42 : memref<!tpu.dma_semaphore, #tpu.memory_space<semaphore_mem>>) src(%dma_wait3A_51 : memref<1000x128xf32, #tpu.memory_space<vmem_shared>>) dst(%dma_wait3A_49 : memref<1000x128xf32, #tpu.memory_space<hbm>>)
        tpu.yield
      }) : () -> ()
    } else {
    }
    return
  }
}

module attributes {stable_mosaic.version = 14 : i64} {
  func.func @body(%arg0: memref<10000x128xf32, #tpu.memory_space<vmem>>, %arg1: memref<128x128xf32, #tpu.memory_space<vmem>>, %arg2: memref<1x128xf32, #tpu.memory_space<vmem>>, %arg3: memref<10000x128xf32, #tpu.memory_space<vmem>>, %arg4: memref<10000x64xi32, #tpu.memory_space<vmem>>) attributes {dimension_semantics = [], scalar_prefetch = 0 : i64, scratch_operands = 0 : i64, tpu.core_type = #tpu.core_type<tc>} {
    %get3A = arith.constant 0 : index
    %get3A_0 = arith.constant 0 : index
    %get3A_1 = vector.load %arg0[%get3A, %get3A_0] : memref<10000x128xf32, #tpu.memory_space<vmem>>, vector<10000x128xf32>
    %get3A_2 = arith.constant 0 : index
    %get3A_3 = arith.constant 0 : index
    %get3A_4 = vector.load %arg1[%get3A_2, %get3A_3] : memref<128x128xf32, #tpu.memory_space<vmem>>, vector<128x128xf32>
    %dot_general3A = arith.constant dense<0.000000e+00> : vector<10000x128xf32>
    %dot_general3A_5 = tpu.matmul %get3A_1, %get3A_4, %dot_general3A {dimension_numbers = #tpu.dot_dimension_numbers<[1], [0], [0], [1], [0, 0, 1, 1], [], []>, transpose_lhs_hint = false} : vector<10000x128xf32>, vector<128x128xf32>, vector<10000x128xf32> -> vector<10000x128xf32>
    %get3A_6 = arith.constant 0 : index
    %get3A_7 = arith.constant 0 : index
    %get3A_8 = vector.load %arg2[%get3A_6, %get3A_7] : memref<1x128xf32, #tpu.memory_space<vmem>>, vector<1x128xf32>
    %add3A = vector.broadcast %get3A_8 : vector<1x128xf32> to vector<10000x128xf32>
    %add3A_9 = arith.addf %dot_general3A_5, %add3A : vector<10000x128xf32>
    %swap3A = arith.constant 0 : index
    %swap3A_10 = arith.constant 0 : index
    %swap3A_11 = vector.load %arg3[%swap3A, %swap3A_10] : memref<10000x128xf32, #tpu.memory_space<vmem>>, vector<10000x128xf32>
    tpu.vector_store %arg3[%swap3A, %swap3A_10], %add3A_9 {strides = array<i32>} : memref<10000x128xf32, #tpu.memory_space<vmem>>, vector<10000x128xf32>,
    %slice3A = vector.extract_strided_slice %add3A_9 {offsets = [0, 0], sizes = [10000, 64], strides = [1, 1]} : vector<10000x128xf32> to vector<10000x64xf32>
    %bitcast_convert_type3A = tpu.bitcast %slice3A : vector<10000x64xf32> -> vector<10000x64xi32>
    %add3A_12 = arith.constant 32767 : i32
    %add3A_13 = vector.broadcast %add3A_12 : i32 to vector<10000x64xi32>
    %add3A_14 = arith.addi %bitcast_convert_type3A, %add3A_13 : vector<10000x64xi32>
    %shift_right_logical3A = arith.constant 16 : i32
    %shift_right_logical3A_15 = vector.broadcast %shift_right_logical3A : i32 to vector<10000x64xi32>
    %shift_right_logical3A_16 = arith.shrui %bitcast_convert_type3A, %shift_right_logical3A_15 : vector<10000x64xi32>
    %and3A = arith.constant 1 : i32
    %and3A_17 = vector.broadcast %and3A : i32 to vector<10000x64xi32>
    %and3A_18 = arith.andi %shift_right_logical3A_16, %and3A_17 : vector<10000x64xi32>
    %add3A_19 = arith.addi %add3A_14, %and3A_18 : vector<10000x64xi32>
    %shift_right_logical3A_20 = arith.constant 16 : i32
    %shift_right_logical3A_21 = vector.broadcast %shift_right_logical3A_20 : i32 to vector<10000x64xi32>
    %shift_right_logical3A_22 = arith.shrui %add3A_19, %shift_right_logical3A_21 : vector<10000x64xi32>
    %slice3A_23 = vector.extract_strided_slice %add3A_9 {offsets = [0, 64], sizes = [10000, 64], strides = [1, 1]} : vector<10000x128xf32> to vector<10000x64xf32>
    %bitcast_convert_type3A_24 = tpu.bitcast %slice3A_23 : vector<10000x64xf32> -> vector<10000x64xi32>
    %add3A_25 = arith.constant 32767 : i32
    %add3A_26 = vector.broadcast %add3A_25 : i32 to vector<10000x64xi32>
    %add3A_27 = arith.addi %bitcast_convert_type3A_24, %add3A_26 : vector<10000x64xi32>
    %shift_right_logical3A_28 = arith.constant 16 : i32
    %shift_right_logical3A_29 = vector.broadcast %shift_right_logical3A_28 : i32 to vector<10000x64xi32>
    %shift_right_logical3A_30 = arith.shrui %bitcast_convert_type3A_24, %shift_right_logical3A_29 : vector<10000x64xi32>
    %and3A_31 = arith.constant 1 : i32
    %and3A_32 = vector.broadcast %and3A_31 : i32 to vector<10000x64xi32>
    %and3A_33 = arith.andi %shift_right_logical3A_30, %and3A_32 : vector<10000x64xi32>
    %add3A_34 = arith.addi %add3A_27, %and3A_33 : vector<10000x64xi32>
    %shift_right_logical3A_35 = arith.constant 16 : i32
    %shift_right_logical3A_36 = vector.broadcast %shift_right_logical3A_35 : i32 to vector<10000x64xi32>
    %shift_right_logical3A_37 = arith.shrui %add3A_34, %shift_right_logical3A_36 : vector<10000x64xi32>
    %shift_left3A = arith.constant 16 : i32
    %shift_left3A_38 = vector.broadcast %shift_left3A : i32 to vector<10000x64xi32>
    %shift_left3A_39 = arith.shli %shift_right_logical3A_37, %shift_left3A_38 : vector<10000x64xi32>
    %or3A = arith.ori %shift_right_logical3A_22, %shift_left3A_39 : vector<10000x64xi32>
    %swap3A_40 = arith.constant 0 : index
    %swap3A_41 = arith.constant 0 : index
    %swap3A_42 = vector.load %arg4[%swap3A_40, %swap3A_41] : memref<10000x64xi32, #tpu.memory_space<vmem>>, vector<10000x64xi32>
    tpu.vector_store %arg4[%swap3A_40, %swap3A_41], %or3A {strides = array<i32>} : memref<10000x64xi32, #tpu.memory_space<vmem>>, vector<10000x64xi32>,
    return
  }
}

module attributes {stable_mosaic.version = 14 : i64} {
  func.func @body(%arg0: i32, %arg1: memref<4096x16xf32, #tpu.memory_space<vmem>>, %arg2: memref<2x16x128xf32, #tpu.memory_space<vmem>>, %arg3: memref<2x128xf32, #tpu.memory_space<vmem>>, %arg4: memref<2048x128xi32, #tpu.memory_space<vmem>>, %arg5: memref<2048x128xi32, #tpu.memory_space<vmem>>) attributes {dimension_semantics = [#tpu.dimension_semantics<arbitrary>], iteration_bounds = array<i64: 80>, scalar_prefetch = 0 : i64, scratch_operands = 0 : i64, tpu.core_type = #tpu.core_type<tc>, window_params = [{transform_indices = @transform_0, window_bounds = array<i64: 4096, 16>}, {pipeline_mode = #tpu.pipeline_mode<synchronous>, transform_indices = @transform_1, window_bounds = array<i64: 2, 16, 128>}, {pipeline_mode = #tpu.pipeline_mode<synchronous>, transform_indices = @transform_2, window_bounds = array<i64: 2, 128>}, {transform_indices = @transform_3, window_bounds = array<i64: 2048, 128>}, {transform_indices = @transform_4, window_bounds = array<i64: 2048, 128>}]} {
    %get3A = arith.constant 0 : index
    %get3A_0 = arith.constant 0 : index
    %get3A_1 = vector.load %arg1[%get3A, %get3A_0] : memref<4096x16xf32, #tpu.memory_space<vmem>>, vector<4096x16xf32>
    %iota3A = tpu.iota {dimensions = array<i32: 0>} : vector<4096x1xi32>
    %mul3A = arith.constant 4096 : i32
    %mul3A_2 = arith.muli %arg0, %mul3A : i32
    %add3A = vector.broadcast %mul3A_2 : i32 to vector<4096x1xi32>
    %add3A_3 = arith.addi %add3A, %iota3A : vector<4096x1xi32>
    %lt3A = arith.constant 320000 : i32
    %lt3A_4 = vector.broadcast %lt3A : i32 to vector<4096x1xi32>
    %lt3A_5 = arith.cmpi slt, %add3A_3, %lt3A_4 : vector<4096x1xi32>
    %get3A_6 = arith.constant 0 : index
    %get3A_7 = arith.constant 0 : index
    %get3A_8 = arith.constant 0 : index
    %get3A_9 = vector.load %arg2[%get3A_6, %get3A_7, %get3A_8] : memref<2x16x128xf32, #tpu.memory_space<vmem>>, vector<1x16x128xf32>
    %get3A_10 = vector.shape_cast %get3A_9 : vector<1x16x128xf32> to vector<16x128xf32>
    %dot_general3A = arith.constant dense<0.000000e+00> : vector<4096x128xf32>
    %dot_general3A_11 = tpu.matmul %get3A_1, %get3A_10, %dot_general3A {dimension_numbers = #tpu.dot_dimension_numbers<[1], [0], [0], [1], [0, 0, 1, 1], [], []>, transpose_lhs_hint = false} : vector<4096x16xf32>, vector<16x128xf32>, vector<4096x128xf32> -> vector<4096x128xf32>
    %get3A_12 = arith.constant 0 : index
    %get3A_13 = arith.constant 0 : index
    %get3A_14 = vector.load %arg3[%get3A_12, %get3A_13] : memref<2x128xf32, #tpu.memory_space<vmem>>, vector<1x128xf32>
    %get3A_15 = vector.shape_cast %get3A_14 : vector<1x128xf32> to vector<128xf32>
    %broadcast_in_dim3A = vector.shape_cast %get3A_15 : vector<128xf32> to vector<1x128xf32>
    %add3A_16 = vector.broadcast %broadcast_in_dim3A : vector<1x128xf32> to vector<4096x128xf32>
    %add3A_17 = arith.addf %dot_general3A_11, %add3A_16 : vector<4096x128xf32>
    %logistic3A = arith.negf %add3A_17 : vector<4096x128xf32>
    %logistic3A_18 = math.exp %logistic3A : vector<4096x128xf32>
    %logistic3A_19 = arith.constant 1.000000e+00 : f32
    %logistic3A_20 = vector.broadcast %logistic3A_19 : f32 to vector<4096x128xf32>
    %logistic3A_21 = arith.addf %logistic3A_20, %logistic3A_18 : vector<4096x128xf32>
    %logistic3A_22 = arith.divf %logistic3A_20, %logistic3A_21 : vector<4096x128xf32>
    %jit3A = arith.constant 0.000000e+00 : f32
    %broadcast_in_dim3A_23 = vector.shape_cast %lt3A_5 : vector<4096x1xi1> to vector<4096x1xi1>
    %broadcast_in_dim3A_24 = vector.broadcast %broadcast_in_dim3A_23 : vector<4096x1xi1> to vector<4096x128xi1>
    %broadcast_in_dim3A_25 = vector.broadcast %jit3A : f32 to vector<4096x128xf32>
    %select_n3A = arith.select %broadcast_in_dim3A_24, %logistic3A_22, %broadcast_in_dim3A_25 : vector<4096x128xi1>, vector<4096x128xf32>
    %slice3A = vector.extract_strided_slice %select_n3A {offsets = [0, 0], sizes = [4096, 64], strides = [1, 1]} : vector<4096x128xf32> to vector<4096x64xf32>
    %bitcast_convert_type3A = tpu.bitcast %slice3A : vector<4096x64xf32> -> vector<4096x64xi32>
    %add3A_26 = arith.constant 32767 : i32
    %add3A_27 = vector.broadcast %add3A_26 : i32 to vector<4096x64xi32>
    %add3A_28 = arith.addi %bitcast_convert_type3A, %add3A_27 : vector<4096x64xi32>
    %shift_right_logical3A = arith.constant 16 : i32
    %shift_right_logical3A_29 = vector.broadcast %shift_right_logical3A : i32 to vector<4096x64xi32>
    %shift_right_logical3A_30 = arith.shrui %bitcast_convert_type3A, %shift_right_logical3A_29 : vector<4096x64xi32>
    %and3A = arith.constant 1 : i32
    %and3A_31 = vector.broadcast %and3A : i32 to vector<4096x64xi32>
    %and3A_32 = arith.andi %shift_right_logical3A_30, %and3A_31 : vector<4096x64xi32>
    %add3A_33 = arith.addi %add3A_28, %and3A_32 : vector<4096x64xi32>
    %shift_right_logical3A_34 = arith.constant 16 : i32
    %shift_right_logical3A_35 = vector.broadcast %shift_right_logical3A_34 : i32 to vector<4096x64xi32>
    %shift_right_logical3A_36 = arith.shrui %add3A_33, %shift_right_logical3A_35 : vector<4096x64xi32>
    %slice3A_37 = vector.extract_strided_slice %select_n3A {offsets = [0, 64], sizes = [4096, 64], strides = [1, 1]} : vector<4096x128xf32> to vector<4096x64xf32>
    %bitcast_convert_type3A_38 = tpu.bitcast %slice3A_37 : vector<4096x64xf32> -> vector<4096x64xi32>
    %add3A_39 = arith.constant 32767 : i32
    %add3A_40 = vector.broadcast %add3A_39 : i32 to vector<4096x64xi32>
    %add3A_41 = arith.addi %bitcast_convert_type3A_38, %add3A_40 : vector<4096x64xi32>
    %shift_right_logical3A_42 = arith.constant 16 : i32
    %shift_right_logical3A_43 = vector.broadcast %shift_right_logical3A_42 : i32 to vector<4096x64xi32>
    %shift_right_logical3A_44 = arith.shrui %bitcast_convert_type3A_38, %shift_right_logical3A_43 : vector<4096x64xi32>
    %and3A_45 = arith.constant 1 : i32
    %and3A_46 = vector.broadcast %and3A_45 : i32 to vector<4096x64xi32>
    %and3A_47 = arith.andi %shift_right_logical3A_44, %and3A_46 : vector<4096x64xi32>
    %add3A_48 = arith.addi %add3A_41, %and3A_47 : vector<4096x64xi32>
    %shift_right_logical3A_49 = arith.constant 16 : i32
    %shift_right_logical3A_50 = vector.broadcast %shift_right_logical3A_49 : i32 to vector<4096x64xi32>
    %shift_right_logical3A_51 = arith.shrui %add3A_48, %shift_right_logical3A_50 : vector<4096x64xi32>
    %shift_left3A = arith.constant 16 : i32
    %shift_left3A_52 = vector.broadcast %shift_left3A : i32 to vector<4096x64xi32>
    %shift_left3A_53 = arith.shli %shift_right_logical3A_51, %shift_left3A_52 : vector<4096x64xi32>
    %or3A = arith.ori %shift_right_logical3A_36, %shift_left3A_53 : vector<4096x64xi32>
    %slice3A_54 = vector.extract_strided_slice %or3A {offsets = [0, 0], sizes = [1024, 64], strides = [1, 1]} : vector<4096x64xi32> to vector<1024x64xi32>
    %slice3A_55 = vector.extract_strided_slice %or3A {offsets = [1024, 0], sizes = [1024, 64], strides = [1, 1]} : vector<4096x64xi32> to vector<1024x64xi32>
    %concatenate3A = tpu.concatenate %slice3A_54, %slice3A_55 in 1 : vector<1024x64xi32>, vector<1024x64xi32> -> vector<1024x128xi32>
    %slice3A_56 = vector.extract_strided_slice %or3A {offsets = [2048, 0], sizes = [1024, 64], strides = [1, 1]} : vector<4096x64xi32> to vector<1024x64xi32>
    %slice3A_57 = vector.extract_strided_slice %or3A {offsets = [3072, 0], sizes = [1024, 64], strides = [1, 1]} : vector<4096x64xi32> to vector<1024x64xi32>
    %concatenate3A_58 = tpu.concatenate %slice3A_56, %slice3A_57 in 1 : vector<1024x64xi32>, vector<1024x64xi32> -> vector<1024x128xi32>
    %concatenate3A_59 = tpu.concatenate %concatenate3A, %concatenate3A_58 in 0 : vector<1024x128xi32>, vector<1024x128xi32> -> vector<2048x128xi32>
    %swap3A = arith.constant 0 : index
    %swap3A_60 = arith.constant 0 : index
    %swap3A_61 = vector.load %arg4[%swap3A, %swap3A_60] : memref<2048x128xi32, #tpu.memory_space<vmem>>, vector<2048x128xi32>
    tpu.vector_store %arg4[%swap3A, %swap3A_60], %concatenate3A_59 {strides = array<i32>} : memref<2048x128xi32, #tpu.memory_space<vmem>>, vector<2048x128xi32>,
    %get3A_62 = arith.constant 1 : index
    %get3A_63 = arith.constant 0 : index
    %get3A_64 = arith.constant 0 : index
    %get3A_65 = vector.load %arg2[%get3A_62, %get3A_63, %get3A_64] : memref<2x16x128xf32, #tpu.memory_space<vmem>>, vector<1x16x128xf32>
    %get3A_66 = vector.shape_cast %get3A_65 : vector<1x16x128xf32> to vector<16x128xf32>
    %dot_general3A_67 = arith.constant dense<0.000000e+00> : vector<4096x128xf32>
    %dot_general3A_68 = tpu.matmul %get3A_1, %get3A_66, %dot_general3A_67 {dimension_numbers = #tpu.dot_dimension_numbers<[1], [0], [0], [1], [0, 0, 1, 1], [], []>, transpose_lhs_hint = false} : vector<4096x16xf32>, vector<16x128xf32>, vector<4096x128xf32> -> vector<4096x128xf32>
    %get3A_69 = arith.constant 1 : index
    %get3A_70 = arith.constant 0 : index
    %get3A_71 = vector.load %arg3[%get3A_69, %get3A_70] : memref<2x128xf32, #tpu.memory_space<vmem>>, vector<1x128xf32>
    %get3A_72 = vector.shape_cast %get3A_71 : vector<1x128xf32> to vector<128xf32>
    %broadcast_in_dim3A_73 = vector.shape_cast %get3A_72 : vector<128xf32> to vector<1x128xf32>
    %add3A_74 = vector.broadcast %broadcast_in_dim3A_73 : vector<1x128xf32> to vector<4096x128xf32>
    %add3A_75 = arith.addf %dot_general3A_68, %add3A_74 : vector<4096x128xf32>
    %logistic3A_76 = arith.negf %add3A_75 : vector<4096x128xf32>
    %logistic3A_77 = math.exp %logistic3A_76 : vector<4096x128xf32>
    %logistic3A_78 = arith.constant 1.000000e+00 : f32
    %logistic3A_79 = vector.broadcast %logistic3A_78 : f32 to vector<4096x128xf32>
    %logistic3A_80 = arith.addf %logistic3A_79, %logistic3A_77 : vector<4096x128xf32>
    %logistic3A_81 = arith.divf %logistic3A_79, %logistic3A_80 : vector<4096x128xf32>
    %jit3A_82 = arith.constant 0.000000e+00 : f32
    %broadcast_in_dim3A_83 = vector.shape_cast %lt3A_5 : vector<4096x1xi1> to vector<4096x1xi1>
    %broadcast_in_dim3A_84 = vector.broadcast %broadcast_in_dim3A_83 : vector<4096x1xi1> to vector<4096x128xi1>
    %broadcast_in_dim3A_85 = vector.broadcast %jit3A_82 : f32 to vector<4096x128xf32>
    %select_n3A_86 = arith.select %broadcast_in_dim3A_84, %logistic3A_81, %broadcast_in_dim3A_85 : vector<4096x128xi1>, vector<4096x128xf32>
    %slice3A_87 = vector.extract_strided_slice %select_n3A_86 {offsets = [0, 0], sizes = [4096, 64], strides = [1, 1]} : vector<4096x128xf32> to vector<4096x64xf32>
    %bitcast_convert_type3A_88 = tpu.bitcast %slice3A_87 : vector<4096x64xf32> -> vector<4096x64xi32>
    %add3A_89 = arith.constant 32767 : i32
    %add3A_90 = vector.broadcast %add3A_89 : i32 to vector<4096x64xi32>
    %add3A_91 = arith.addi %bitcast_convert_type3A_88, %add3A_90 : vector<4096x64xi32>
    %shift_right_logical3A_92 = arith.constant 16 : i32
    %shift_right_logical3A_93 = vector.broadcast %shift_right_logical3A_92 : i32 to vector<4096x64xi32>
    %shift_right_logical3A_94 = arith.shrui %bitcast_convert_type3A_88, %shift_right_logical3A_93 : vector<4096x64xi32>
    %and3A_95 = arith.constant 1 : i32
    %and3A_96 = vector.broadcast %and3A_95 : i32 to vector<4096x64xi32>
    %and3A_97 = arith.andi %shift_right_logical3A_94, %and3A_96 : vector<4096x64xi32>
    %add3A_98 = arith.addi %add3A_91, %and3A_97 : vector<4096x64xi32>
    %shift_right_logical3A_99 = arith.constant 16 : i32
    %shift_right_logical3A_100 = vector.broadcast %shift_right_logical3A_99 : i32 to vector<4096x64xi32>
    %shift_right_logical3A_101 = arith.shrui %add3A_98, %shift_right_logical3A_100 : vector<4096x64xi32>
    %slice3A_102 = vector.extract_strided_slice %select_n3A_86 {offsets = [0, 64], sizes = [4096, 64], strides = [1, 1]} : vector<4096x128xf32> to vector<4096x64xf32>
    %bitcast_convert_type3A_103 = tpu.bitcast %slice3A_102 : vector<4096x64xf32> -> vector<4096x64xi32>
    %add3A_104 = arith.constant 32767 : i32
    %add3A_105 = vector.broadcast %add3A_104 : i32 to vector<4096x64xi32>
    %add3A_106 = arith.addi %bitcast_convert_type3A_103, %add3A_105 : vector<4096x64xi32>
    %shift_right_logical3A_107 = arith.constant 16 : i32
    %shift_right_logical3A_108 = vector.broadcast %shift_right_logical3A_107 : i32 to vector<4096x64xi32>
    %shift_right_logical3A_109 = arith.shrui %bitcast_convert_type3A_103, %shift_right_logical3A_108 : vector<4096x64xi32>
    %and3A_110 = arith.constant 1 : i32
    %and3A_111 = vector.broadcast %and3A_110 : i32 to vector<4096x64xi32>
    %and3A_112 = arith.andi %shift_right_logical3A_109, %and3A_111 : vector<4096x64xi32>
    %add3A_113 = arith.addi %add3A_106, %and3A_112 : vector<4096x64xi32>
    %shift_right_logical3A_114 = arith.constant 16 : i32
    %shift_right_logical3A_115 = vector.broadcast %shift_right_logical3A_114 : i32 to vector<4096x64xi32>
    %shift_right_logical3A_116 = arith.shrui %add3A_113, %shift_right_logical3A_115 : vector<4096x64xi32>
    %shift_left3A_117 = arith.constant 16 : i32
    %shift_left3A_118 = vector.broadcast %shift_left3A_117 : i32 to vector<4096x64xi32>
    %shift_left3A_119 = arith.shli %shift_right_logical3A_116, %shift_left3A_118 : vector<4096x64xi32>
    %or3A_120 = arith.ori %shift_right_logical3A_101, %shift_left3A_119 : vector<4096x64xi32>
    %slice3A_121 = vector.extract_strided_slice %or3A_120 {offsets = [0, 0], sizes = [1024, 64], strides = [1, 1]} : vector<4096x64xi32> to vector<1024x64xi32>
    %slice3A_122 = vector.extract_strided_slice %or3A_120 {offsets = [1024, 0], sizes = [1024, 64], strides = [1, 1]} : vector<4096x64xi32> to vector<1024x64xi32>
    %concatenate3A_123 = tpu.concatenate %slice3A_121, %slice3A_122 in 1 : vector<1024x64xi32>, vector<1024x64xi32> -> vector<1024x128xi32>
    %slice3A_124 = vector.extract_strided_slice %or3A_120 {offsets = [2048, 0], sizes = [1024, 64], strides = [1, 1]} : vector<4096x64xi32> to vector<1024x64xi32>
    %slice3A_125 = vector.extract_strided_slice %or3A_120 {offsets = [3072, 0], sizes = [1024, 64], strides = [1, 1]} : vector<4096x64xi32> to vector<1024x64xi32>
    %concatenate3A_126 = tpu.concatenate %slice3A_124, %slice3A_125 in 1 : vector<1024x64xi32>, vector<1024x64xi32> -> vector<1024x128xi32>
    %concatenate3A_127 = tpu.concatenate %concatenate3A_123, %concatenate3A_126 in 0 : vector<1024x128xi32>, vector<1024x128xi32> -> vector<2048x128xi32>
    %swap3A_128 = arith.constant 0 : index
    %swap3A_129 = arith.constant 0 : index
    %swap3A_130 = vector.load %arg5[%swap3A_128, %swap3A_129] : memref<2048x128xi32, #tpu.memory_space<vmem>>, vector<2048x128xi32>
    tpu.vector_store %arg5[%swap3A_128, %swap3A_129], %concatenate3A_127 {strides = array<i32>} : memref<2048x128xi32, #tpu.memory_space<vmem>>, vector<2048x128xi32>,
    return
  }
  func.func @transform_0(%arg0: i32) -> (i32, i32) {
    %min3A = arith.constant 78 : i32
    %min3A_0 = arith.minsi %arg0, %min3A : i32
    %c0_i32 = arith.constant 0 : i32
    %c0_i32_1 = arith.constant 0 : i32
    return %min3A_0, %c0_i32 : i32, i32
  }
  func.func @transform_1(%arg0: i32) -> (i32, i32, i32) {
    %c0_i32 = arith.constant 0 : i32
    %c0_i32_0 = arith.constant 0 : i32
    %c0_i32_1 = arith.constant 0 : i32
    %c0_i32_2 = arith.constant 0 : i32
    return %c0_i32, %c0_i32_0, %c0_i32_1 : i32, i32, i32
  }
  func.func @transform_2(%arg0: i32) -> (i32, i32) {
    %c0_i32 = arith.constant 0 : i32
    %c0_i32_0 = arith.constant 0 : i32
    %c0_i32_1 = arith.constant 0 : i32
    return %c0_i32, %c0_i32_0 : i32, i32
  }
  func.func @transform_3(%arg0: i32) -> (i32, i32) {
    %c0_i32 = arith.constant 0 : i32
    %c0_i32_0 = arith.constant 0 : i32
    return %arg0, %c0_i32 : i32, i32
  }
  func.func @transform_4(%arg0: i32) -> (i32, i32) {
    %c0_i32 = arith.constant 0 : i32
    %c0_i32_0 = arith.constant 0 : i32
    return %arg0, %c0_i32 : i32, i32
  }
}

module attributes {stable_mosaic.version = 14 : i64} {
  func.func @body(%arg0: memref<10000x128xf32, #tpu.memory_space<vmem>>, %arg1: memref<2x10000x128xf32, #tpu.memory_space<vmem>>, %arg2: memref<128x128xf32, #tpu.memory_space<vmem>>, %arg3: memref<128x128xf32, #tpu.memory_space<vmem>>, %arg4: memref<1x128xf32, #tpu.memory_space<vmem>>, %arg5: memref<128x64xf32, #tpu.memory_space<vmem>>, %arg6: memref<1x64xf32, #tpu.memory_space<vmem>>, %arg7: memref<10000x64xf32, #tpu.memory_space<vmem>>, %arg8: memref<10000x128xf32, #tpu.memory_space<vmem>>, %arg9: memref<10000x64xi32, #tpu.memory_space<vmem>>, %arg10: memref<10000x64xf32, #tpu.memory_space<vmem>>, %arg11: memref<1x1xf32, #tpu.memory_space<vmem>>) attributes {dimension_semantics = [], scalar_prefetch = 0 : i64, scratch_operands = 0 : i64, tpu.core_type = #tpu.core_type<tc>} {
    %get3A = arith.constant 0 : index
    %get3A_0 = arith.constant 0 : index
    %get3A_1 = arith.constant 0 : index
    %get3A_2 = vector.load %arg1[%get3A, %get3A_0, %get3A_1] : memref<2x10000x128xf32, #tpu.memory_space<vmem>>, vector<1x10000x128xf32>
    %get3A_3 = vector.shape_cast %get3A_2 : vector<1x10000x128xf32> to vector<10000x128xf32>
    %get3A_4 = arith.constant 1 : index
    %get3A_5 = arith.constant 0 : index
    %get3A_6 = arith.constant 0 : index
    %get3A_7 = vector.load %arg1[%get3A_4, %get3A_5, %get3A_6] : memref<2x10000x128xf32, #tpu.memory_space<vmem>>, vector<1x10000x128xf32>
    %get3A_8 = vector.shape_cast %get3A_7 : vector<1x10000x128xf32> to vector<10000x128xf32>
    %add3A = arith.addf %get3A_3, %get3A_8 : vector<10000x128xf32>
    %get3A_9 = arith.constant 0 : index
    %get3A_10 = arith.constant 0 : index
    %get3A_11 = vector.load %arg0[%get3A_9, %get3A_10] : memref<10000x128xf32, #tpu.memory_space<vmem>>, vector<10000x128xf32>
    %get3A_12 = arith.constant 0 : index
    %get3A_13 = arith.constant 0 : index
    %get3A_14 = vector.load %arg2[%get3A_12, %get3A_13] : memref<128x128xf32, #tpu.memory_space<vmem>>, vector<128x128xf32>
    %dot_general3A = arith.constant dense<0.000000e+00> : vector<10000x128xf32>
    %dot_general3A_15 = tpu.matmul %get3A_11, %get3A_14, %dot_general3A {dimension_numbers = #tpu.dot_dimension_numbers<[1], [0], [0], [1], [0, 0, 1, 1], [], []>, transpose_lhs_hint = false} : vector<10000x128xf32>, vector<128x128xf32>, vector<10000x128xf32> -> vector<10000x128xf32>
    %get3A_16 = arith.constant 0 : index
    %get3A_17 = arith.constant 0 : index
    %get3A_18 = vector.load %arg3[%get3A_16, %get3A_17] : memref<128x128xf32, #tpu.memory_space<vmem>>, vector<128x128xf32>
    %dot_general3A_19 = arith.constant dense<0.000000e+00> : vector<10000x128xf32>
    %dot_general3A_20 = tpu.matmul %add3A, %get3A_18, %dot_general3A_19 {dimension_numbers = #tpu.dot_dimension_numbers<[1], [0], [0], [1], [0, 0, 1, 1], [], []>, transpose_lhs_hint = false} : vector<10000x128xf32>, vector<128x128xf32>, vector<10000x128xf32> -> vector<10000x128xf32>
    %add3A_21 = arith.addf %dot_general3A_15, %dot_general3A_20 : vector<10000x128xf32>
    %get3A_22 = arith.constant 0 : index
    %get3A_23 = arith.constant 0 : index
    %get3A_24 = vector.load %arg4[%get3A_22, %get3A_23] : memref<1x128xf32, #tpu.memory_space<vmem>>, vector<1x128xf32>
    %add3A_25 = vector.broadcast %get3A_24 : vector<1x128xf32> to vector<10000x128xf32>
    %add3A_26 = arith.addf %add3A_21, %add3A_25 : vector<10000x128xf32>
    %max3A = arith.constant 0.000000e+00 : f32
    %max3A_27 = vector.broadcast %max3A : f32 to vector<10000x128xf32>
    %max3A_28 = arith.maximumf %add3A_26, %max3A_27 : vector<10000x128xf32>
    %swap3A = arith.constant 0 : index
    %swap3A_29 = arith.constant 0 : index
    %swap3A_30 = vector.load %arg8[%swap3A, %swap3A_29] : memref<10000x128xf32, #tpu.memory_space<vmem>>, vector<10000x128xf32>
    tpu.vector_store %arg8[%swap3A, %swap3A_29], %max3A_28 {strides = array<i32>} : memref<10000x128xf32, #tpu.memory_space<vmem>>, vector<10000x128xf32>,
    %slice3A = vector.extract_strided_slice %max3A_28 {offsets = [0, 0], sizes = [10000, 64], strides = [1, 1]} : vector<10000x128xf32> to vector<10000x64xf32>
    %bitcast_convert_type3A = tpu.bitcast %slice3A : vector<10000x64xf32> -> vector<10000x64xi32>
    %add3A_31 = arith.constant 32767 : i32
    %add3A_32 = vector.broadcast %add3A_31 : i32 to vector<10000x64xi32>
    %add3A_33 = arith.addi %bitcast_convert_type3A, %add3A_32 : vector<10000x64xi32>
    %shift_right_logical3A = arith.constant 16 : i32
    %shift_right_logical3A_34 = vector.broadcast %shift_right_logical3A : i32 to vector<10000x64xi32>
    %shift_right_logical3A_35 = arith.shrui %bitcast_convert_type3A, %shift_right_logical3A_34 : vector<10000x64xi32>
    %and3A = arith.constant 1 : i32
    %and3A_36 = vector.broadcast %and3A : i32 to vector<10000x64xi32>
    %and3A_37 = arith.andi %shift_right_logical3A_35, %and3A_36 : vector<10000x64xi32>
    %add3A_38 = arith.addi %add3A_33, %and3A_37 : vector<10000x64xi32>
    %shift_right_logical3A_39 = arith.constant 16 : i32
    %shift_right_logical3A_40 = vector.broadcast %shift_right_logical3A_39 : i32 to vector<10000x64xi32>
    %shift_right_logical3A_41 = arith.shrui %add3A_38, %shift_right_logical3A_40 : vector<10000x64xi32>
    %slice3A_42 = vector.extract_strided_slice %max3A_28 {offsets = [0, 64], sizes = [10000, 64], strides = [1, 1]} : vector<10000x128xf32> to vector<10000x64xf32>
    %bitcast_convert_type3A_43 = tpu.bitcast %slice3A_42 : vector<10000x64xf32> -> vector<10000x64xi32>
    %add3A_44 = arith.constant 32767 : i32
    %add3A_45 = vector.broadcast %add3A_44 : i32 to vector<10000x64xi32>
    %add3A_46 = arith.addi %bitcast_convert_type3A_43, %add3A_45 : vector<10000x64xi32>
    %shift_right_logical3A_47 = arith.constant 16 : i32
    %shift_right_logical3A_48 = vector.broadcast %shift_right_logical3A_47 : i32 to vector<10000x64xi32>
    %shift_right_logical3A_49 = arith.shrui %bitcast_convert_type3A_43, %shift_right_logical3A_48 : vector<10000x64xi32>
    %and3A_50 = arith.constant 1 : i32
    %and3A_51 = vector.broadcast %and3A_50 : i32 to vector<10000x64xi32>
    %and3A_52 = arith.andi %shift_right_logical3A_49, %and3A_51 : vector<10000x64xi32>
    %add3A_53 = arith.addi %add3A_46, %and3A_52 : vector<10000x64xi32>
    %shift_right_logical3A_54 = arith.constant 16 : i32
    %shift_right_logical3A_55 = vector.broadcast %shift_right_logical3A_54 : i32 to vector<10000x64xi32>
    %shift_right_logical3A_56 = arith.shrui %add3A_53, %shift_right_logical3A_55 : vector<10000x64xi32>
    %shift_left3A = arith.constant 16 : i32
    %shift_left3A_57 = vector.broadcast %shift_left3A : i32 to vector<10000x64xi32>
    %shift_left3A_58 = arith.shli %shift_right_logical3A_56, %shift_left3A_57 : vector<10000x64xi32>
    %or3A = arith.ori %shift_right_logical3A_41, %shift_left3A_58 : vector<10000x64xi32>
    %swap3A_59 = arith.constant 0 : index
    %swap3A_60 = arith.constant 0 : index
    %swap3A_61 = vector.load %arg9[%swap3A_59, %swap3A_60] : memref<10000x64xi32, #tpu.memory_space<vmem>>, vector<10000x64xi32>
    tpu.vector_store %arg9[%swap3A_59, %swap3A_60], %or3A {strides = array<i32>} : memref<10000x64xi32, #tpu.memory_space<vmem>>, vector<10000x64xi32>,
    %get3A_62 = arith.constant 0 : index
    %get3A_63 = arith.constant 0 : index
    %get3A_64 = vector.load %arg5[%get3A_62, %get3A_63] : memref<128x64xf32, #tpu.memory_space<vmem>>, vector<128x64xf32>
    %dot_general3A_65 = arith.constant dense<0.000000e+00> : vector<10000x64xf32>
    %dot_general3A_66 = tpu.matmul %max3A_28, %get3A_64, %dot_general3A_65 {dimension_numbers = #tpu.dot_dimension_numbers<[1], [0], [0], [1], [0, 0, 1, 1], [], []>, transpose_lhs_hint = false} : vector<10000x128xf32>, vector<128x64xf32>, vector<10000x64xf32> -> vector<10000x64xf32>
    %get3A_67 = arith.constant 0 : index
    %get3A_68 = arith.constant 0 : index
    %get3A_69 = vector.load %arg6[%get3A_67, %get3A_68] : memref<1x64xf32, #tpu.memory_space<vmem>>, vector<1x64xf32>
    %add3A_70 = vector.broadcast %get3A_69 : vector<1x64xf32> to vector<10000x64xf32>
    %add3A_71 = arith.addf %dot_general3A_66, %add3A_70 : vector<10000x64xf32>
    %reduce_max3A = arith.constant dense<0xFF800000> : vector<10000xf32>
    %reduce_max3A_72 = vector.multi_reduction <maximumf>, %add3A_71, %reduce_max3A [1] : vector<10000x64xf32> to vector<10000xf32>
    %broadcast_in_dim3A = vector.shape_cast %reduce_max3A_72 : vector<10000xf32> to vector<10000x1xf32>
    %sub3A = vector.broadcast %broadcast_in_dim3A : vector<10000x1xf32> to vector<10000x64xf32>
    %sub3A_73 = arith.subf %add3A_71, %sub3A : vector<10000x64xf32>
    %exp3A = math.exp %sub3A_73 : vector<10000x64xf32>
    %reduce_sum3A = arith.constant dense<0.000000e+00> : vector<10000xf32>
    %reduce_sum3A_74 = vector.multi_reduction <add>, %exp3A, %reduce_sum3A [1] : vector<10000x64xf32> to vector<10000xf32>
    %broadcast_in_dim3A_75 = vector.shape_cast %reduce_sum3A_74 : vector<10000xf32> to vector<10000x1xf32>
    %div3A = vector.broadcast %broadcast_in_dim3A_75 : vector<10000x1xf32> to vector<10000x64xf32>
    %div3A_76 = arith.divf %exp3A, %div3A : vector<10000x64xf32>
    %swap3A_77 = arith.constant 0 : index
    %swap3A_78 = arith.constant 0 : index
    %swap3A_79 = vector.load %arg10[%swap3A_77, %swap3A_78] : memref<10000x64xf32, #tpu.memory_space<vmem>>, vector<10000x64xf32>
    tpu.vector_store %arg10[%swap3A_77, %swap3A_78], %div3A_76 {strides = array<i32>} : memref<10000x64xf32, #tpu.memory_space<vmem>>, vector<10000x64xf32>,
    %get3A_80 = arith.constant 0 : index
    %get3A_81 = arith.constant 0 : index
    %get3A_82 = vector.load %arg7[%get3A_80, %get3A_81] : memref<10000x64xf32, #tpu.memory_space<vmem>>, vector<10000x64xf32>
    %sub3A_83 = arith.subf %div3A_76, %get3A_82 : vector<10000x64xf32>
    %mul3A = arith.mulf %sub3A_83, %sub3A_83 : vector<10000x64xf32>
    %reduce_sum3A_84 = vector.shape_cast %mul3A : vector<10000x64xf32> to vector<1x10000x64xf32>
    %reduce_sum3A_85 = arith.constant dense<0.000000e+00> : vector<1xf32>
    %reduce_sum3A_86 = vector.multi_reduction <add>, %reduce_sum3A_84, %reduce_sum3A_85 [1, 2] : vector<1x10000x64xf32> to vector<1xf32>
    %reduce_sum3A_87 = vector.shape_cast %reduce_sum3A_86 : vector<1xf32> to vector<1x1x1xf32>
    %reduce_sum3A_88 = vector.extract %reduce_sum3A_87[0, 0, 0] : f32 from vector<1x1x1xf32>
    %mul3A_89 = arith.constant 1.562500e-06 : f32
    %mul3A_90 = arith.mulf %reduce_sum3A_88, %mul3A_89 : f32
    %reshape3A = vector.broadcast %mul3A_90 : f32 to vector<1x1xf32>
    %swap3A_91 = arith.constant 0 : index
    %swap3A_92 = arith.constant 0 : index
    %swap3A_93 = vector.load %arg11[%swap3A_91, %swap3A_92] : memref<1x1xf32, #tpu.memory_space<vmem>>, vector<1x1xf32>
    tpu.vector_store %arg11[%swap3A_91, %swap3A_92], %reshape3A {strides = array<i32>} : memref<1x1xf32, #tpu.memory_space<vmem>>, vector<1x1xf32>,
    return
  }
}

module attributes {stable_mosaic.version = 14 : i64} {
  func.func @body(%arg0: memref<10000x128xf32, #tpu.memory_space<vmem>>, %arg1: memref<2x10000x128xf32, #tpu.memory_space<vmem>>, %arg2: memref<128x128xf32, #tpu.memory_space<vmem>>, %arg3: memref<128x128xf32, #tpu.memory_space<vmem>>, %arg4: memref<1x128xf32, #tpu.memory_space<vmem>>, %arg5: memref<128x64xf32, #tpu.memory_space<vmem>>, %arg6: memref<1x64xf32, #tpu.memory_space<vmem>>, %arg7: memref<10000x64xf32, #tpu.memory_space<vmem>>, %arg8: memref<10000x128xf32, #tpu.memory_space<vmem>>, %arg9: memref<10000x64xi32, #tpu.memory_space<vmem>>, %arg10: memref<10000x64xf32, #tpu.memory_space<vmem>>, %arg11: memref<1x1xf32, #tpu.memory_space<vmem>>) attributes {dimension_semantics = [], scalar_prefetch = 0 : i64, scratch_operands = 0 : i64, tpu.core_type = #tpu.core_type<tc>} {
    %get3A = arith.constant 0 : index
    %get3A_0 = arith.constant 0 : index
    %get3A_1 = arith.constant 0 : index
    %get3A_2 = vector.load %arg1[%get3A, %get3A_0, %get3A_1] : memref<2x10000x128xf32, #tpu.memory_space<vmem>>, vector<1x10000x128xf32>
    %get3A_3 = vector.shape_cast %get3A_2 : vector<1x10000x128xf32> to vector<10000x128xf32>
    %get3A_4 = arith.constant 1 : index
    %get3A_5 = arith.constant 0 : index
    %get3A_6 = arith.constant 0 : index
    %get3A_7 = vector.load %arg1[%get3A_4, %get3A_5, %get3A_6] : memref<2x10000x128xf32, #tpu.memory_space<vmem>>, vector<1x10000x128xf32>
    %get3A_8 = vector.shape_cast %get3A_7 : vector<1x10000x128xf32> to vector<10000x128xf32>
    %add3A = arith.addf %get3A_3, %get3A_8 : vector<10000x128xf32>
    %get3A_9 = arith.constant 0 : index
    %get3A_10 = arith.constant 0 : index
    %get3A_11 = vector.load %arg0[%get3A_9, %get3A_10] : memref<10000x128xf32, #tpu.memory_space<vmem>>, vector<10000x128xf32>
    %get3A_12 = arith.constant 0 : index
    %get3A_13 = arith.constant 0 : index
    %get3A_14 = vector.load %arg2[%get3A_12, %get3A_13] : memref<128x128xf32, #tpu.memory_space<vmem>>, vector<128x128xf32>
    %dot_general3A = arith.constant dense<0.000000e+00> : vector<10000x128xf32>
    %dot_general3A_15 = tpu.matmul %get3A_11, %get3A_14, %dot_general3A {dimension_numbers = #tpu.dot_dimension_numbers<[1], [0], [0], [1], [0, 0, 1, 1], [], []>, transpose_lhs_hint = false} : vector<10000x128xf32>, vector<128x128xf32>, vector<10000x128xf32> -> vector<10000x128xf32>
    %get3A_16 = arith.constant 0 : index
    %get3A_17 = arith.constant 0 : index
    %get3A_18 = vector.load %arg3[%get3A_16, %get3A_17] : memref<128x128xf32, #tpu.memory_space<vmem>>, vector<128x128xf32>
    %dot_general3A_19 = arith.constant dense<0.000000e+00> : vector<10000x128xf32>
    %dot_general3A_20 = tpu.matmul %add3A, %get3A_18, %dot_general3A_19 {dimension_numbers = #tpu.dot_dimension_numbers<[1], [0], [0], [1], [0, 0, 1, 1], [], []>, transpose_lhs_hint = false} : vector<10000x128xf32>, vector<128x128xf32>, vector<10000x128xf32> -> vector<10000x128xf32>
    %add3A_21 = arith.addf %dot_general3A_15, %dot_general3A_20 : vector<10000x128xf32>
    %get3A_22 = arith.constant 0 : index
    %get3A_23 = arith.constant 0 : index
    %get3A_24 = vector.load %arg4[%get3A_22, %get3A_23] : memref<1x128xf32, #tpu.memory_space<vmem>>, vector<1x128xf32>
    %add3A_25 = vector.broadcast %get3A_24 : vector<1x128xf32> to vector<10000x128xf32>
    %add3A_26 = arith.addf %add3A_21, %add3A_25 : vector<10000x128xf32>
    %max3A = arith.constant 0.000000e+00 : f32
    %max3A_27 = vector.broadcast %max3A : f32 to vector<10000x128xf32>
    %max3A_28 = arith.maximumf %add3A_26, %max3A_27 : vector<10000x128xf32>
    %swap3A = arith.constant 0 : index
    %swap3A_29 = arith.constant 0 : index
    %swap3A_30 = vector.load %arg8[%swap3A, %swap3A_29] : memref<10000x128xf32, #tpu.memory_space<vmem>>, vector<10000x128xf32>
    tpu.vector_store %arg8[%swap3A, %swap3A_29], %max3A_28 {strides = array<i32>} : memref<10000x128xf32, #tpu.memory_space<vmem>>, vector<10000x128xf32>,
    %slice3A = vector.extract_strided_slice %max3A_28 {offsets = [0, 0], sizes = [10000, 64], strides = [1, 1]} : vector<10000x128xf32> to vector<10000x64xf32>
    %bitcast_convert_type3A = tpu.bitcast %slice3A : vector<10000x64xf32> -> vector<10000x64xi32>
    %add3A_31 = arith.constant 32767 : i32
    %add3A_32 = vector.broadcast %add3A_31 : i32 to vector<10000x64xi32>
    %add3A_33 = arith.addi %bitcast_convert_type3A, %add3A_32 : vector<10000x64xi32>
    %shift_right_logical3A = arith.constant 16 : i32
    %shift_right_logical3A_34 = vector.broadcast %shift_right_logical3A : i32 to vector<10000x64xi32>
    %shift_right_logical3A_35 = arith.shrui %bitcast_convert_type3A, %shift_right_logical3A_34 : vector<10000x64xi32>
    %and3A = arith.constant 1 : i32
    %and3A_36 = vector.broadcast %and3A : i32 to vector<10000x64xi32>
    %and3A_37 = arith.andi %shift_right_logical3A_35, %and3A_36 : vector<10000x64xi32>
    %add3A_38 = arith.addi %add3A_33, %and3A_37 : vector<10000x64xi32>
    %shift_right_logical3A_39 = arith.constant 16 : i32
    %shift_right_logical3A_40 = vector.broadcast %shift_right_logical3A_39 : i32 to vector<10000x64xi32>
    %shift_right_logical3A_41 = arith.shrui %add3A_38, %shift_right_logical3A_40 : vector<10000x64xi32>
    %slice3A_42 = vector.extract_strided_slice %max3A_28 {offsets = [0, 64], sizes = [10000, 64], strides = [1, 1]} : vector<10000x128xf32> to vector<10000x64xf32>
    %bitcast_convert_type3A_43 = tpu.bitcast %slice3A_42 : vector<10000x64xf32> -> vector<10000x64xi32>
    %add3A_44 = arith.constant 32767 : i32
    %add3A_45 = vector.broadcast %add3A_44 : i32 to vector<10000x64xi32>
    %add3A_46 = arith.addi %bitcast_convert_type3A_43, %add3A_45 : vector<10000x64xi32>
    %shift_right_logical3A_47 = arith.constant 16 : i32
    %shift_right_logical3A_48 = vector.broadcast %shift_right_logical3A_47 : i32 to vector<10000x64xi32>
    %shift_right_logical3A_49 = arith.shrui %bitcast_convert_type3A_43, %shift_right_logical3A_48 : vector<10000x64xi32>
    %and3A_50 = arith.constant 1 : i32
    %and3A_51 = vector.broadcast %and3A_50 : i32 to vector<10000x64xi32>
    %and3A_52 = arith.andi %shift_right_logical3A_49, %and3A_51 : vector<10000x64xi32>
    %add3A_53 = arith.addi %add3A_46, %and3A_52 : vector<10000x64xi32>
    %shift_right_logical3A_54 = arith.constant 16 : i32
    %shift_right_logical3A_55 = vector.broadcast %shift_right_logical3A_54 : i32 to vector<10000x64xi32>
    %shift_right_logical3A_56 = arith.shrui %add3A_53, %shift_right_logical3A_55 : vector<10000x64xi32>
    %shift_left3A = arith.constant 16 : i32
    %shift_left3A_57 = vector.broadcast %shift_left3A : i32 to vector<10000x64xi32>
    %shift_left3A_58 = arith.shli %shift_right_logical3A_56, %shift_left3A_57 : vector<10000x64xi32>
    %or3A = arith.ori %shift_right_logical3A_41, %shift_left3A_58 : vector<10000x64xi32>
    %swap3A_59 = arith.constant 0 : index
    %swap3A_60 = arith.constant 0 : index
    %swap3A_61 = vector.load %arg9[%swap3A_59, %swap3A_60] : memref<10000x64xi32, #tpu.memory_space<vmem>>, vector<10000x64xi32>
    tpu.vector_store %arg9[%swap3A_59, %swap3A_60], %or3A {strides = array<i32>} : memref<10000x64xi32, #tpu.memory_space<vmem>>, vector<10000x64xi32>,
    %get3A_62 = arith.constant 0 : index
    %get3A_63 = arith.constant 0 : index
    %get3A_64 = vector.load %arg5[%get3A_62, %get3A_63] : memref<128x64xf32, #tpu.memory_space<vmem>>, vector<128x64xf32>
    %dot_general3A_65 = arith.constant dense<0.000000e+00> : vector<10000x64xf32>
    %dot_general3A_66 = tpu.matmul %max3A_28, %get3A_64, %dot_general3A_65 {dimension_numbers = #tpu.dot_dimension_numbers<[1], [0], [0], [1], [0, 0, 1, 1], [], []>, transpose_lhs_hint = false} : vector<10000x128xf32>, vector<128x64xf32>, vector<10000x64xf32> -> vector<10000x64xf32>
    %get3A_67 = arith.constant 0 : index
    %get3A_68 = arith.constant 0 : index
    %get3A_69 = vector.load %arg6[%get3A_67, %get3A_68] : memref<1x64xf32, #tpu.memory_space<vmem>>, vector<1x64xf32>
    %add3A_70 = vector.broadcast %get3A_69 : vector<1x64xf32> to vector<10000x64xf32>
    %add3A_71 = arith.addf %dot_general3A_66, %add3A_70 : vector<10000x64xf32>
    %reduce_max3A = arith.constant dense<0xFF800000> : vector<10000xf32>
    %reduce_max3A_72 = vector.multi_reduction <maximumf>, %add3A_71, %reduce_max3A [1] : vector<10000x64xf32> to vector<10000xf32>
    %broadcast_in_dim3A = vector.shape_cast %reduce_max3A_72 : vector<10000xf32> to vector<10000x1xf32>
    %sub3A = vector.broadcast %broadcast_in_dim3A : vector<10000x1xf32> to vector<10000x64xf32>
    %sub3A_73 = arith.subf %add3A_71, %sub3A : vector<10000x64xf32>
    %exp3A = math.exp %sub3A_73 : vector<10000x64xf32>
    %reduce_sum3A = arith.constant dense<0.000000e+00> : vector<10000xf32>
    %reduce_sum3A_74 = vector.multi_reduction <add>, %exp3A, %reduce_sum3A [1] : vector<10000x64xf32> to vector<10000xf32>
    %broadcast_in_dim3A_75 = vector.shape_cast %reduce_sum3A_74 : vector<10000xf32> to vector<10000x1xf32>
    %div3A = vector.broadcast %broadcast_in_dim3A_75 : vector<10000x1xf32> to vector<10000x64xf32>
    %div3A_76 = arith.divf %exp3A, %div3A : vector<10000x64xf32>
    %swap3A_77 = arith.constant 0 : index
    %swap3A_78 = arith.constant 0 : index
    %swap3A_79 = vector.load %arg10[%swap3A_77, %swap3A_78] : memref<10000x64xf32, #tpu.memory_space<vmem>>, vector<10000x64xf32>
    tpu.vector_store %arg10[%swap3A_77, %swap3A_78], %div3A_76 {strides = array<i32>} : memref<10000x64xf32, #tpu.memory_space<vmem>>, vector<10000x64xf32>,
    %get3A_80 = arith.constant 0 : index
    %get3A_81 = arith.constant 0 : index
    %get3A_82 = vector.load %arg7[%get3A_80, %get3A_81] : memref<10000x64xf32, #tpu.memory_space<vmem>>, vector<10000x64xf32>
    %sub3A_83 = arith.subf %div3A_76, %get3A_82 : vector<10000x64xf32>
    %mul3A = arith.mulf %sub3A_83, %sub3A_83 : vector<10000x64xf32>
    %reduce_sum3A_84 = vector.shape_cast %mul3A : vector<10000x64xf32> to vector<1x10000x64xf32>
    %reduce_sum3A_85 = arith.constant dense<0.000000e+00> : vector<1xf32>
    %reduce_sum3A_86 = vector.multi_reduction <add>, %reduce_sum3A_84, %reduce_sum3A_85 [1, 2] : vector<1x10000x64xf32> to vector<1xf32>
    %reduce_sum3A_87 = vector.shape_cast %reduce_sum3A_86 : vector<1xf32> to vector<1x1x1xf32>
    %reduce_sum3A_88 = vector.extract %reduce_sum3A_87[0, 0, 0] : f32 from vector<1x1x1xf32>
    %mul3A_89 = arith.constant 1.562500e-06 : f32
    %mul3A_90 = arith.mulf %reduce_sum3A_88, %mul3A_89 : f32
    %reshape3A = vector.broadcast %mul3A_90 : f32 to vector<1x1xf32>
    %swap3A_91 = arith.constant 0 : index
    %swap3A_92 = arith.constant 0 : index
    %swap3A_93 = vector.load %arg11[%swap3A_91, %swap3A_92] : memref<1x1xf32, #tpu.memory_space<vmem>>, vector<1x1xf32>
    tpu.vector_store %arg11[%swap3A_91, %swap3A_92], %reshape3A {strides = array<i32>} : memref<1x1xf32, #tpu.memory_space<vmem>>, vector<1x1xf32>,
    return
  }
}

</mosaic_0001>

<sc_bundles>
// kernel: kernel.11.cloned.1.call-start
scs
__scs_entry_jumppad:
0x0: {  	(pc) =	sbr.rel $0x88, $3  }
0x1: {  	(tag) =	ssettag $0x0;
	lr =	simm.s32 $0x1  }
0x2: {  	[smem:$0x3F94] =	sst lr;
	_ =	strace $0xD0000000  }
0x3: {  	_ = 	snop  }
0x4: {  	_ = 	snop  }
0x5: {  	_ = 	snop  }
0x6: {  	_ = 	snop  }
0x7: {  	_ = 	snop  }
__scs_overlays_trampoline_lowered:
0x8: {  	[smem:$0x3FA3] =	sst s0  }
0x9: {  	[smem:$0x3FA4] =	sst s1  }
0xa: {  	[smem:$0x3FA5] =	sst s2  }
0xb: {  	[smem:$0x3FA6] =	sst s3  }
0xc: {  	[smem:$0x3FA7] =	sst s4  }
0xd: {  	[smem:$0x3FA8] =	sst s5  }
0xe: {  	[smem:$0x3FA9] =	sst s6  }
0xf: {  	[smem:$0x3FAA] =	sst s7  }
0x10: {  	[smem:$0x3FAB] =	sst s8  }
0x11: {  	[smem:$0x3FAC] =	sst s9;
	s0 =	simm.s32 @!p0 $0x0  }
0x12: {  	s1 =	sld [smem:$0x3F92];
	s0 =	simm.s32 @p0 $0x1  }
0x13: {  	[smem:$0x3FAD] =	sst s0;
	s0 =	simm.s32 @!p1 $0x0  }
0x14: {  	s2 =	sld [smem:$0x3F91];
	s0 =	simm.s32 @p1 $0x1  }
0x15: {  	[smem:$0x3FAE] =	sst s0;
	s0 =	simm.s32 @!p2 $0x0  }
0x16: {  	s3 =	sld [smem:$0x3FDB];
	s0 =	simm.s32 @p2 $0x1  }
0x17: {  	s4 =	simm.s32 $0x1BF5;
	[smem:$0x3FB0] =	sst s0  }
0x18: {  	s0 =	sld [smem:$0x3F93];
	_ =	swait.ge [sflag:s4], $0x0  }
0x19: {  	s7 =	sld [smem:$0x3F94]  }
0x1a: {  	s8 =	sadd.s32 $0xFFFFE003, lr  }
0x1b: {  	s9 =	sadd.s32 $0xFFFFFEF7, lr;
	s5 =	simm.s32 $0xFFFFFFFF;
	p2 =	slt.u32 s8, $0xFFFFF086  }
0x1c: {  	p1 =	slt.u32 s9, $0xF7A;
	s5 =	simm.s32 @!p2 $0x0  }
0x1d: {  	s5 =	simm.s32 @p1 $0x1;
	p0 =	seq.s32 s7, s2  }
0x1e: {  	s7 =	smul.u32 @!p0 $0xF7A, s2;
	p2 =	seq.s32 @!p0 s5, $0x0  }
0x1f: {  	s9 =	smul.u32 $0xF7A, s1;
	s8 =	simm.s32 @!p0 $0x1BF5;
	p2 =	por !p2, p0  }
0x20: {  	[sflag:s8] =	ssyncset.s32 @!p0 $0xFFFFF086;
	s6 =	sadd.s32 @!p0 s3, s7;
	s7 =	simm.s32 @!p0 $0x108  }
0x21: {  	s3 =	sadd.s32 s3, s9;
	s6 =	sadd.s32 @!p0 $0x88, s6;
	s7 =	simm.s32 @p2 $0x1082  }
0x22: {  	[simem:s7], [sflag:s8] =	dma.local @!p0 [hbm:s6], $0xF7A  }
0x23: {  	s9 =	sor.u32 $0xD0000000, s2;
	s6 =	simm.s32 $0x108;
	_ =	swait.ge @!p0 [sflag:s8], $0x0  }
0x24: {  	s3 =	sadd.s32 $0x88, s3;
	s6 =	simm.s32 @!p1 $0x1082;
	[sflag:s4] =	ssyncset.s32 $0xFFFFF086  }
0x25: {  	[simem:s6], [sflag:s4] =	dma.local [hbm:s3], $0xF7A  }
0x26: {  	[smem:$0x3F94] =	sst s1;
	(tag) =	ssettag s2;
	_ =	strace s9  }
0x27: {  	s1 =	sld [smem:$0x3FA4]  }
0x28: {  	s2 =	sld [smem:$0x3FA5]  }
0x29: {  	s4 =	sld [smem:$0x3FA7]  }
0x2a: {  	p0 =	seq.s32 s5, $0x0;
	s5 =	sld [smem:$0x3FA8]  }
0x2b: {  	s6 =	sld [smem:$0x3FA9]  }
0x2c: {  	s7 =	sld [smem:$0x3FAA]  }
0x2d: {  	s3 =	simm.s32 $0x108;
	s8 =	sld [smem:$0x3FAB]  }
0x2e: {  	s3 =	simm.s32 @!p0 $0x1082;
	s9 =	sld [smem:$0x3FAC]  }
0x2f: {  	lr =	sadd.s32 s0, s3;
	s0 =	sld [smem:$0x3FA3]  }
0x30: {  	s3 =	sld [smem:$0x3FA6]  }
0x31: {  	[smem:$0x3FAF] =	sst s10  }
0x32: {  	s10 =	sld [smem:$0x3FAD];
	_ =	sdelay $0x3  }
0x33: {  	p0 =	seq.s32 s10, $0x1;
	s10 =	sld [smem:$0x3FAF];
	_ =	sdelay $0x3  }
0x34: {  	[smem:$0x3FAF] =	sst s10  }
0x35: {  	s10 =	sld [smem:$0x3FAE];
	_ =	sdelay $0x3  }
0x36: {  	p1 =	seq.s32 s10, $0x1;
	s10 =	sld [smem:$0x3FAF];
	_ =	sdelay $0x3  }
0x37: {  	[smem:$0x3FAF] =	sst s10  }
0x38: {  	s10 =	sld [smem:$0x3FB0]  }
0x39: {  	_ = 	snop;
	(pc) =	sbr.ind lr, $3  }
0x3a: {  	_ = 	snop  }
0x3b: {  	_ = 	snop  }
0x3c: {  	p2 =	seq.s32 s10, $0x1;
	s10 =	sld [smem:$0x3FAF]  }
0x3d: {  	_ =	shalt  }
0x3e: {  	_ =	shalt  }
0x3f: {  	_ =	shalt  }
0x40: {  	_ =	shalt  }
0x41: {  	_ =	shalt  }
0x42: {  	_ =	shalt  }
0x43: {  	_ =	shalt  }
0x44: {  	_ =	shalt  }
0x45: {  	_ =	shalt  }
0x46: {  	_ =	shalt  }
0x47: {  	_ =	shalt  }
0x48: {  	_ =	shalt  }
0x49: {  	_ =	shalt  }
0x4a: {  	_ =	shalt  }
0x4b: {  	_ =	shalt  }
0x4c: {  	_ =	shalt  }
0x4d: {  	_ =	shalt  }
0x4e: {  	_ =	shalt  }
0x4f: {  	_ =	shalt  }
0x50: {  	_ =	shalt  }
0x51: {  	_ =	shalt  }
0x52: {  	_ =	shalt  }
0x53: {  	_ =	shalt  }
0x54: {  	_ =	shalt  }
0x55: {  	_ =	shalt  }
0x56: {  	_ =	shalt  }
0x57: {  	_ =	shalt  }
0x58: {  	_ =	shalt  }
0x59: {  	_ =	shalt  }
0x5a: {  	_ =	shalt  }
0x5b: {  	_ =	shalt  }
0x5c: {  	_ =	shalt  }
0x5d: {  	_ =	shalt  }
0x5e: {  	_ =	shalt  }
0x5f: {  	_ =	shalt  }
0x60: {  	_ =	shalt  }
0x61: {  	_ =	shalt  }
0x62: {  	_ =	shalt  }
0x63: {  	_ =	shalt  }
0x64: {  	_ =	shalt  }
0x65: {  	_ =	shalt  }
0x66: {  	_ =	shalt  }
0x67: {  	_ =	shalt  }
0x68: {  	_ =	shalt  }
0x69: {  	_ =	shalt  }
0x6a: {  	_ =	shalt  }
0x6b: {  	_ =	shalt  }
0x6c: {  	_ =	shalt  }
0x6d: {  	_ =	shalt  }
0x6e: {  	_ =	shalt  }
0x6f: {  	_ =	shalt  }
0x70: {  	_ =	shalt  }
0x71: {  	_ =	shalt  }
0x72: {  	_ =	shalt  }
0x73: {  	_ =	shalt  }
0x74: {  	_ =	shalt  }
0x75: {  	_ =	shalt  }
0x76: {  	_ =	shalt  }
0x77: {  	_ =	shalt  }
0x78: {  	_ =	shalt  }
0x79: {  	_ =	shalt  }
0x7a: {  	_ =	shalt  }
0x7b: {  	_ =	shalt  }
0x7c: {  	_ =	shalt  }
0x7d: {  	_ =	shalt  }
0x7e: {  	_ =	shalt  }
0x7f: {  	_ =	shalt  }
0x80: {  	_ =	shalt  }
0x81: {  	_ =	shalt  }
0x82: {  	_ =	shalt  }
0x83: {  	_ =	shalt  }
0x84: {  	_ =	shalt  }
0x85: {  	_ =	shalt  }
0x86: {  	_ =	shalt  }
0x87: {  	_ =	shalt  }
.Lfunc_end0:
.L_simem_size_0:
called_computation.1_lowered:
.L_overlay_start_0:
0x88: {  	s2 =	sld [smem:$0x3FD9]  }
0x89: {  	s3 =	sld [smem:$0x3FFE];
	_ =	sdelay $0x1  }
0x8a: {  	s1 =	srdreg.scid  }
0x8b: {  	s0 =	sand.u32 $0x1, s1  }
0x8c: {  	s14 =	sshll.u32 s0, $0xA;
	s2 =	sadd.s32 s3, s2  }
0x8d: {  	s2 =	sadd.s32 s2, s14  }
0x8e: {  	[smem:$0x3FBB] =	sst s2  }
0x8f: {  	_ = 	snop  }
0x90: {  	s2 =	sld [smem:$0x3FD0];
	_ =	sdelay $0x2  }
0x91: {  	s15 =	simm.s32 $0xA;
	s4 =	simm.s32 $0x10  }
0x92: {  	[smem:s4], [sflag:s15] =	dma.local [hbm:s2], $0x1  }
0x93: {  	_ =	swait.eq [sflag:s15], $0x1  }
0x94: {  	[sflag:s15] =	ssyncset.done $0x0  }
0x95: {  	s16 =	sld [smem:$0x10];
	[sflag:s15] =	ssyncadd.s32 $0xFFFFFFFF  }
0x96: {  	s17 =	sld [smem:$0x11];
	(tm) =	ssettm $0x1  }
0x97: {  	s18 =	sld [smem:$0x3FFB];
	_ =	sdelay $0x3  }
0x98: {  	_ =	strace s18  }
0x99: {  	s4 =	sld [smem:$0x3FFC];
	_ =	sdelay $0x3  }
0x9a: {  	_ =	strace s4  }
0x9b: {  	s4 =	sld [smem:$0x3FFD];
	_ =	sdelay $0x3  }
0x9c: {  	_ =	strace s4  }
0x9d: {  	_ =	strace $0x8FFFFFFF  }
0x9e: {  	s19 =	sld [smem:$0x3FDB];
	_ =	sdelay $0x1  }
0x9f: {  	s5 =	simm.s32 $_scs_section_size  }
0xa0: {  	s6 =	simm.s32 $_size__tile_overlayer_lowered;
	s7 =	simm.s32 $_tile_overlayer_lowered  }
0xa1: {  	s22 =	simm.s32 $0x1BFF;
	s21 =	sshll.u32 s7, $0x1;
	s4 =	sadd.s32 s5, s19  }
0xa2: {  	s8 =	simm.s32 $0x0;
	s20 =	sshll.u32 s6, $0x1;
	s6 =	sadd.s32 s21, s4  }
0xa3: {  	[timem:s8], [sflag:s22] =	dma.local [hbm:s6], s20  }
0xa4: {  	_ =	swait.ge [sflag:s22], s20  }
0xa5: {  	s5 =	ssub.s32 $0x0, s20;
	[sflag:s22] =	ssyncset.done $0x0  }
0xa6: {  	[sflag:s22] =	ssyncadd.s32 s5;
	_ =	sdelay $0x1  }
0xa7: {  	s23 =	simm.s32 $0x1B8B  }
0xa8: {  	_ =	swait.ge [sflag:s23], $0x1  }
0xa9: {  	[sflag:s23] =	ssyncset.done $0x0  }
0xaa: {  	s25 =	simm.s32 $0x1B8E;
	s24 =	sld [smem:$0x3FFE];
	[sflag:s23] =	ssyncadd.s32 $0xFFFFFFFF  }
0xab: {  	s26 =	simm.s32 $execute0_lowered;
	[smem:$0x3FD2] =	sst s25  }
0xac: {  	s6 =	sshll.u32 s26, $0x1;
	_ =	strace $0x80000049;
	[dreg:$0x1] =	wrdreg $0xFFFFFFFF  }
0xad: {  	s28 =	simm.s32 $_size_execute0_lowered;
	s4 =	sadd.s32 s4, s6;
	[dreg:$0x0] =	wrdreg $0x0  }
0xae: {  	s6 =	sshll.u32 s28, $0x1;
	[dreg:$0x2] =	wrdreg s4  }
0xaf: {  	[dreg:$0x3] =	wrdreg s6  }
0xb0: {  	[dreg:$0x4] =	wrdreg $0xC0  }
0xb1: {  	_ =	task [dreg:s8], $0x5FFFF  }
0xb2: {  	[dreg:$0x1] =	wrdreg $0xFFFFFFFF  }
0xb3: {  	[dreg:$0x0] =	wrdreg $0x60  }
0xb4: {  	[dreg:$0x2] =	wrdreg s16  }
0xb5: {  	[dreg:$0x3] =	wrdreg s24  }
0xb6: {  	[dreg:$0x4] =	wrdreg s17  }
0xb7: {  	[dreg:$0x5] =	wrdreg $0xC4000  }
0xb8: {  	[dreg:$0x6] =	wrdreg $0x9  }
0xb9: {  	_ =	task.clear_ibuf [dreg:s8], $0x7FFFF;
	_ =	strace $0x90000049  }
0xba: {  	s29 =	simm.s32 $0x9;
	_ =	strace $0x8000004B  }
0xbb: {  	_ =	swait.ge [sflag:s29], $0x1  }
0xbc: {  	[sflag:s29] =	ssyncadd.s32 $0xFFFFFFFF  }
0xbd: {  	_ =	strace $0x9000004B  }
0xbe: {  	_ =	sfence  }
0xbf: {  	s30 =	sld [smem:$0x0];
	_ =	sdelay $0x2  }
0xc0: {  	s31 =	sshll.u32 s1, $0xD;
	s1 =	sshrl.u32 s1, $0x2  }
0xc1: {  	s3 =	sand.u32 $0x4000, s31;
	s1 =	sadd.s32 s1, s30  }
0xc2: {  	s0 =	sor.u32 s3, s0;
	s1 =	sshll.u32 s1, $0x11  }
0xc3: {  	s0 =	sor.u32 s1, s0  }
0xc4: {  	s0 =	sadd.s32 $0x8F2B, s0  }
0xc5: {  	[sflag:s0] =	ssyncadd.remote.s32 $0x1  }
0xc6: {  	_ =	sfence.sel $0xFFFF  }
0xc7: {  	[dreg:$0x0] =	wrdreg $0xFFFFFFFF;
	(pc) =	sbr.abs _section_cstart, $3  }
0xc8: {  	[dreg:$0x1] =	wrdreg $0xFFFFFFFF  }
0xc9: {  	_ =	task.clear_ibuf [dreg:s8], $0x2FFFF;
	_ =	strace $0x9FFFFFFF  }
0xca: {  	(tm) =	ssettm $0x7FFFFFFF  }
0xcb: {  	_ =	shalt  }
tec
execute0_lowered:
.L_overlay_start_1:
0x0: {  	(tag) =	ssettag $0x1  }
0x1: {  	s1 =	rddreg [dreg:$0x0]  }
0x2: {  	s0 =	rddreg [dreg:$0x1]  }
0x3: {  	s2 =	rddreg [dreg:$0x2]  }
0x4: {  	s3 =	rddreg [dreg:$0x3]  }
0x5: {  	s4 =	srdreg.scid;
	s5 =	simm.s32 $0x0;
	s17 =	stileid.u32  }
0x6: {  	s21 =	simm.s32 $0x7;
	s22 =	simm.s32 $0x80;
	s28 =	simm.s32 $0x2  }
0x7: {  	s30 =	simm.s32 $0x2400;
	s31 =	simm.s32 $0x6400;
	s19 =	simm.s32 $0x0  }
0x8: {  	s4 =	sand.u32 $0x1, s4;
	[smem:$0x7FF] =	sst s5;
	s8 =	smul.u32 $0x1F400, s17  }
0x9: {  	s6 =	sadd.s32 $0x779400, s0;
	s10 =	sadd.s32 $0x3A00, s0;
	s11 =	smul.u32 $0x7D000, s17  }
0xa: {  	p0 =	sgt.u32 s17, $0x9;
	s7 =	smul.u32 $0x138800, s4;
	s9 =	sshll.u32 s4, $0x4  }
0xb: {  	_ =	strace $0x8000004A;
	[dreg:$0x5] =	wrdreg s10;
	s9 =	sor.u32 s17, s9  }
0xc: {  	s4 =	ssub.s32 $0x2, s4;
	s10 =	simm.s32 $0x6;
	s23 =	smul.u32 $0x5000, s9  }
0xd: {  	s24 =	sshrl.u32 s4, $0x1;
	s11 =	sshrl.u32 s11, $0x2;
	s12 =	smul.u32 $0x14000, s9  }
0xe: {  	s7 =	sadd.s32 s8, s7;
	s4 =	ssub.s32 s4, s24;
	s9 =	smul.u32 $0x1400, s9  }
0xf: {  	s8 =	sadd.s32 s8, s3;
	s24 =	simm.s32 $0x4400;
	s7 =	sshrl.u32 s7, $0x3  }
0x10: {  	s4 =	smax.u32 s4, $0x1;
	s0 =	sadd.s32 s7, s0;
	s25 =	sshrl.u32 s23, $0x3  }
0x11: {  	s7 =	sadd.s32 s11, s3;
	s26 =	sadd.s32 s6, s12;
	s11 =	sor.u32 $0x40, s9  }
0x12: {  	s12 =	sor.u32 $0x80, s9;
	s14 =	sor.u32 $0xC0, s9;
	s15 =	sor.u32 $0x100, s9  }
0x13: {  	s16 =	sor.u32 $0x600, s23;
	[dreg:$0xa] =	wrdreg s4;
	s4 =	simm.s32 $0x5  }
0x14: {  	s9 =	simm.s32 $0x4;
	s13 =	sadd.s32 s2, s25;
	[dreg:$0x7] =	wrdreg s26  }
0x15: {  	s0 =	sadd.s32 $0x7A00, s0;
	[dreg:$0x6] =	wrdreg s13;
	s29 =	sadd.s32 $0x40, s13  }
.Ltmp0:
0x16: {  	[dreg:$0x9] =	wrdreg s0;
	s0 =	sshll.u32 @!p0 s17, $0x6;
	(pc) =	sbr.rel .LBB2_1-.Ltmp0, $4  }
0x17: {  	[dreg:$0x8] =	wrdreg s29;
	s18 =	sor.u32 @!p0 $0x1C07, s0;
	s0 =	sshrl.u32 @!p0 s7, $0x3  }
0x18: {  	s26 =	simm.s32 $0x200;
	s13 =	sor.u32 $0x400, s23;
	[dreg:$0xc] =	wrdreg s0  }
0x19: {  	s23 =	simm.s32 $0x400;
	s0 =	sshrl.u32 @!p0 s8, $0x3;
	[dreg:$0xb] =	wrdreg s18  }
0x1a: {  	s7 =	simm.s32 $0x8400;
	[dreg:$0xd] =	wrdreg s0;
	s0 =	simm.s32 $0x3  }
.LBB2_12:
0x1b: {  	[bflag:$0x0] =	sbarrier.arrive $0xFFFF  }
0x1c: {  	s8 =	rddreg [dreg:$0x9]  }
0x1d: {  	s18 =	rddreg [dreg:$0xb]  }
0x1e: {  	s17 =	rddreg [dreg:$0xd]  }
0x1f: {  	[hbm:s8], [sflag:s18] =	dma.local @!p0 [spmem:s17], $0x3E80  }
0x20: {  	s8 =	simm.s32 @!p0 $0x7  }
0x21: {  	_ =	swait.ge @!p0 [sflag:s8], $0x3E80  }
0x22: {  	s19 =	rddreg [dreg:$0xe]  }
0x23: {  	s29 =	rddreg [dreg:$0xa];
	s19 =	sadd.s32 $0x1, s19  }
0x24: {  	p1 =	sne.s32 s19, s29  }
.Ltmp1:
0x25: {  	_ = 	snop;
	(pc) =	sbr.rel @!p1 .LBB2_13-.Ltmp1, $3  }
0x26: {  	_ =	sdelay $0x1  }
0x27: {  	[sflag:s8] =	ssyncset.done @!p0 $0x0  }
0x28: {  	[sflag:s8] =	ssyncadd.s32 @!p0 $0xFFFFC180  }
.LBB2_1:
0x29: {  	[dreg:$0xe] =	wrdreg s19  }
0x2a: {  	s8 =	rddreg [dreg:$0x5]  }
0x2b: {  	s17 =	rddreg [dreg:$0xc]  }
0x2c: {  	[spmem:s17], [sflag:s18] =	dma.local @!p0 [hbm:s8], $0x3E80  }
0x2d: {  	s8 =	simm.s32 @!p0 $0x7  }
0x2e: {  	_ =	swait.ge @!p0 [sflag:s8], $0x3E80  }
0x2f: {  	[sflag:s8] =	ssyncset.done @!p0 $0x0  }
0x30: {  	[sflag:s8] =	ssyncadd.s32 @!p0 $0xFFFFC180  }
0x31: {  	[bflag:$0x0] =	sbarrier.arrive $0xFFFF  }
0x32: {  	s20 =	rddreg [dreg:$0x6]  }
0x33: {  	[tilespmem:s5], [sflag:$0x7] =	stream.linear.gather [hbm4b:s20+s5], $0x200, $0x38;
	[tilespmem:$0x1FC80] =	vst v63  }
0x34: {  	_ =	swait.ge [sflag:s21], $0x200  }
0x35: {  	[sflag:s21] =	ssyncset.done $0x0  }
0x36: {  	[sflag:s21] =	ssyncadd.s32 $0xFFFFFE00  }
0x37: {  	[tilespmem:s23], [sflag:$0x3] =	stream.indirect.gather [hbm4b:s1+s22], $0x40, s5, s22, $0xb8;
	[tilespmem:$0x1FC80] =	vst v63  }
0x38: {  	s25 =	rddreg [dreg:$0x7]  }
0x39: {  	[tilespmem:s24], [sflag:$0x5] =	stream.linear.gather [hbm4b:s25+s5], $0x2000, $0x38;
	[tilespmem:$0x1FC80] =	vst v63  }
0x3a: {  	s19 =	simm.s32 $0x0;
	s29 =	rddreg [dreg:$0x8]  }
0x3b: {  	[tilespmem:s26], [sflag:$0x2] =	stream.linear.gather [hbm4b:s29+s5], $0x200, $0x38;
	[tilespmem:$0x1FC80] =	vst v63  }
.LBB2_2:
0x3c: {  	_ =	swait.ge [sflag:s28], $0x200  }
0x3d: {  	s8 =	sshll.u32 s19, $0x8;
	[sflag:s28] =	ssyncset.done $0x0  }
0x3e: {  	s17 =	simm.s32 $0x100;
	s25 =	sadd.s32 s8, s11;
	[sflag:s28] =	ssyncadd.s32 $0xFFFFFE00  }
0x3f: {  	[tilespmem:s30], [sflag:$0x4] =	stream.indirect.gather [hbm4b:s1+s22], $0x40, s17, s22, $0xb8;
	[tilespmem:$0x1FC80] =	vst v63  }
0x40: {  	s17 =	sshll.u32 s25, $0x4  }
0x41: {  	s17 =	sand.u32 $0x1FFFF400, s17  }
0x42: {  	s18 =	simm.s32 $0x0;
	s17 =	sadd.s32 s6, s17  }
0x43: {  	[tilespmem:s31], [sflag:$0x6] =	stream.linear.gather [hbm4b:s17+s18], $0x2000, $0x38;
	[tilespmem:$0x1FC80] =	vst v63  }
0x44: {  	_ =	swait.ge [sflag:s0], $0x2000  }
0x45: {  	[sflag:s0] =	ssyncset.done $0x0  }
0x46: {  	[sflag:s0] =	ssyncadd.s32 $0xFFFFE000  }
0x47: {  	_ =	swait.ge [sflag:s4], $0x2000  }
0x48: {  	[sflag:s4] =	ssyncset.done $0x0  }
0x49: {  	s29 =	simm.s32 $0x0;
	[sflag:s4] =	ssyncadd.s32 $0xFFFFE000  }
0x4a: {  	v0 =	vld [tilespmem:s29+$0x400]  }
0x4b: {  	v1 =	vld [tilespmem:s29+$0x4400];
	_ =	sdelay $0x4  }
0x4c: {  	v2 =	vunpack.i.l.bf16.f32 v0;
	v3 =	vunpack.i.l.bf16.f32 v1  }
0x4d: {  	v0 =	vunpack.i.u.bf16.f32 v0;
	v1 =	vunpack.i.u.bf16.f32 v1;
	v2 =	vmul.f32 v3, v2  }
0x4e: {  	s17 =	simm.s32 $0x8480;
	v0 =	vmul.f32 v1, v0  }
0x4f: {  	[tilespmem:s17+$0xFFFFFF80] =	vst v2  }
0x50: {  	[tilespmem:s17+$0xFFFFFFC0] =	vst v0  }
0x51: {  	v0 =	vld [tilespmem:s29+$0x410]  }
0x52: {  	v1 =	vld [tilespmem:s29+$0x4410];
	_ =	sdelay $0x4  }
0x53: {  	v2 =	vunpack.i.l.bf16.f32 v0;
	v3 =	vunpack.i.l.bf16.f32 v1  }
0x54: {  	v0 =	vunpack.i.u.bf16.f32 v0;
	v1 =	vunpack.i.u.bf16.f32 v1;
	v2 =	vmul.f32 v3, v2  }
0x55: {  	v0 =	vmul.f32 v1, v0  }
0x56: {  	[tilespmem:s17+$0xFFFFFF90] =	vst v2  }
0x57: {  	[tilespmem:s17+$0xFFFFFFD0] =	vst v0  }
0x58: {  	v0 =	vld [tilespmem:s29+$0x420]  }
0x59: {  	v1 =	vld [tilespmem:s29+$0x4420];
	_ =	sdelay $0x4  }
0x5a: {  	v2 =	vunpack.i.l.bf16.f32 v0;
	v3 =	vunpack.i.l.bf16.f32 v1  }
0x5b: {  	v0 =	vunpack.i.u.bf16.f32 v0;
	v1 =	vunpack.i.u.bf16.f32 v1;
	v2 =	vmul.f32 v3, v2  }
0x5c: {  	v0 =	vmul.f32 v1, v0  }
0x5d: {  	[tilespmem:s17+$0xFFFFFFA0] =	vst v2  }
0x5e: {  	[tilespmem:s17+$0xFFFFFFE0] =	vst v0  }
0x5f: {  	v0 =	vld [tilespmem:s29+$0x430]  }
0x60: {  	v1 =	vld [tilespmem:s29+$0x4430];
	_ =	sdelay $0x4  }
0x61: {  	v2 =	vunpack.i.l.bf16.f32 v0;
	v3 =	vunpack.i.l.bf16.f32 v1  }
0x62: {  	v0 =	vunpack.i.u.bf16.f32 v0;
	v1 =	vunpack.i.u.bf16.f32 v1;
	v2 =	vmul.f32 v3, v2  }
0x63: {  	v0 =	vmul.f32 v1, v0  }
0x64: {  	[tilespmem:s17+$0xFFFFFFB0] =	vst v2  }
0x65: {  	[tilespmem:s17+$0xFFFFFFF0] =	vst v0  }
0x66: {  	v0 =	vld [tilespmem:s29+$0x440]  }
0x67: {  	v1 =	vld [tilespmem:s29+$0x4440];
	_ =	sdelay $0x4  }
0x68: {  	v2 =	vunpack.i.l.bf16.f32 v0;
	v3 =	vunpack.i.l.bf16.f32 v1  }
0x69: {  	v0 =	vunpack.i.u.bf16.f32 v0;
	v1 =	vunpack.i.u.bf16.f32 v1;
	v2 =	vmul.f32 v3, v2  }
0x6a: {  	v0 =	vmul.f32 v1, v0  }
0x6b: {  	[tilespmem:s17+$0x0] =	vst v2  }
0x6c: {  	[tilespmem:s17+$0x40] =	vst v0  }
0x6d: {  	v0 =	vld [tilespmem:s29+$0x450]  }
0x6e: {  	v1 =	vld [tilespmem:s29+$0x4450];
	_ =	sdelay $0x4  }
0x6f: {  	v2 =	vunpack.i.l.bf16.f32 v0;
	v3 =	vunpack.i.l.bf16.f32 v1  }
0x70: {  	v0 =	vunpack.i.u.bf16.f32 v0;
	v1 =	vunpack.i.u.bf16.f32 v1;
	v2 =	vmul.f32 v3, v2  }
0x71: {  	v0 =	vmul.f32 v1, v0  }
0x72: {  	[tilespmem:s17+$0x10] =	vst v2  }
0x73: {  	[tilespmem:s17+$0x50] =	vst v0  }
0x74: {  	v1 =	vld [tilespmem:s29+$0x460]  }
0x75: {  	s20 =	simm.s32 $0x200;
	s18 =	simm.s32 $0x8480;
	v0 =	vld [tilespmem:s29+$0x4460]  }
.LBB2_3:
0x76: {  	_ =	sdelay $0x1  }
0x77: {  	p1 =	sne.s32 s20, $0x7E00  }
0x78: {  	s17 =	sadd.s32 $0x100, s17;
	s25 =	smov.u32 s20;
	s20 =	sadd.s32 $0x200, s20;
	v2 =	vunpack.i.u.bf16.f32 v1;
	v1 =	vunpack.i.l.bf16.f32 v1  }
0x79: {  	v3 =	vunpack.i.u.bf16.f32 v0;
	v0 =	vunpack.i.l.bf16.f32 v0  }
0x7a: {  	v0 =	vmul.f32 v0, v1;
	v1 =	vmul.f32 v3, v2;
	_ =	sdelay $0x1  }
0x7b: {  	[tilespmem:s18+$0x20] =	vst v0  }
0x7c: {  	[tilespmem:s18+$0x60] =	vst v1  }
0x7d: {  	v0 =	vld [tilespmem:s29+$0x470]  }
0x7e: {  	v1 =	vld [tilespmem:s29+$0x4470];
	_ =	sdelay $0x3  }
0x7f: {  	v2 =	vunpack.i.u.bf16.f32 v0;
	v0 =	vunpack.i.l.bf16.f32 v0  }
0x80: {  	v3 =	vunpack.i.u.bf16.f32 v1;
	v1 =	vunpack.i.l.bf16.f32 v1  }
0x81: {  	v0 =	vmul.f32 v1, v0;
	v1 =	vmul.f32 v3, v2;
	_ =	sdelay $0x1  }
0x82: {  	[tilespmem:s18+$0x30] =	vst v0  }
0x83: {  	s29 =	sshra.s32 s25, $0x2;
	[tilespmem:s18+$0x70] =	vst v1;
	s18 =	smov.u32 s17  }
0x84: {  	v0 =	vld [tilespmem:s29+$0x400]  }
0x85: {  	v1 =	vld [tilespmem:s29+$0x4400];
	_ =	sdelay $0x3  }
0x86: {  	v2 =	vunpack.i.u.bf16.f32 v0;
	v0 =	vunpack.i.l.bf16.f32 v0  }
0x87: {  	v3 =	vunpack.i.u.bf16.f32 v1;
	v1 =	vunpack.i.l.bf16.f32 v1  }
0x88: {  	v0 =	vmul.f32 v1, v0;
	v1 =	vmul.f32 v3, v2;
	_ =	sdelay $0x1  }
0x89: {  	[tilespmem:s17+$0xFFFFFF80] =	vst v0  }
0x8a: {  	[tilespmem:s17+$0xFFFFFFC0] =	vst v1  }
0x8b: {  	v0 =	vld [tilespmem:s29+$0x410]  }
0x8c: {  	v1 =	vld [tilespmem:s29+$0x4410];
	_ =	sdelay $0x3  }
0x8d: {  	v2 =	vunpack.i.u.bf16.f32 v0;
	v0 =	vunpack.i.l.bf16.f32 v0  }
0x8e: {  	v3 =	vunpack.i.u.bf16.f32 v1;
	v1 =	vunpack.i.l.bf16.f32 v1  }
0x8f: {  	v0 =	vmul.f32 v1, v0;
	v1 =	vmul.f32 v3, v2;
	_ =	sdelay $0x1  }
0x90: {  	[tilespmem:s17+$0xFFFFFF90] =	vst v0  }
0x91: {  	[tilespmem:s17+$0xFFFFFFD0] =	vst v1  }
0x92: {  	v0 =	vld [tilespmem:s29+$0x420]  }
0x93: {  	v1 =	vld [tilespmem:s29+$0x4420];
	_ =	sdelay $0x3  }
0x94: {  	v2 =	vunpack.i.u.bf16.f32 v0;
	v0 =	vunpack.i.l.bf16.f32 v0  }
0x95: {  	v3 =	vunpack.i.u.bf16.f32 v1;
	v1 =	vunpack.i.l.bf16.f32 v1  }
0x96: {  	v0 =	vmul.f32 v1, v0;
	v1 =	vmul.f32 v3, v2;
	_ =	sdelay $0x1  }
0x97: {  	[tilespmem:s17+$0xFFFFFFA0] =	vst v0  }
0x98: {  	[tilespmem:s17+$0xFFFFFFE0] =	vst v1  }
0x99: {  	v0 =	vld [tilespmem:s29+$0x430]  }
0x9a: {  	v1 =	vld [tilespmem:s29+$0x4430];
	_ =	sdelay $0x3  }
0x9b: {  	v2 =	vunpack.i.u.bf16.f32 v0;
	v0 =	vunpack.i.l.bf16.f32 v0  }
0x9c: {  	v3 =	vunpack.i.u.bf16.f32 v1;
	v1 =	vunpack.i.l.bf16.f32 v1  }
0x9d: {  	v0 =	vmul.f32 v1, v0;
	v1 =	vmul.f32 v3, v2;
	_ =	sdelay $0x1  }
0x9e: {  	[tilespmem:s17+$0xFFFFFFB0] =	vst v0  }
0x9f: {  	[tilespmem:s17+$0xFFFFFFF0] =	vst v1  }
0xa0: {  	v0 =	vld [tilespmem:s29+$0x440]  }
0xa1: {  	v1 =	vld [tilespmem:s29+$0x4440];
	_ =	sdelay $0x3  }
0xa2: {  	v2 =	vunpack.i.u.bf16.f32 v0;
	v0 =	vunpack.i.l.bf16.f32 v0  }
0xa3: {  	v3 =	vunpack.i.u.bf16.f32 v1;
	v1 =	vunpack.i.l.bf16.f32 v1  }
0xa4: {  	v0 =	vmul.f32 v1, v0;
	v1 =	vmul.f32 v3, v2;
	_ =	sdelay $0x1  }
0xa5: {  	[tilespmem:s17+$0x0] =	vst v0  }
0xa6: {  	[tilespmem:s17+$0x40] =	vst v1  }
0xa7: {  	v0 =	vld [tilespmem:s29+$0x450]  }
0xa8: {  	v1 =	vld [tilespmem:s29+$0x4450];
	_ =	sdelay $0x3  }
0xa9: {  	v2 =	vunpack.i.u.bf16.f32 v0;
	v0 =	vunpack.i.l.bf16.f32 v0  }
0xaa: {  	v3 =	vunpack.i.u.bf16.f32 v1;
	v1 =	vunpack.i.l.bf16.f32 v1  }
0xab: {  	v0 =	vmul.f32 v1, v0;
	v1 =	vmul.f32 v3, v2  }
.Ltmp2:
0xac: {  	(pc) =	sbr.rel @p1 .LBB2_3-.Ltmp2, $4  }
0xad: {  	[tilespmem:s17+$0x10] =	vst v0  }
0xae: {  	[tilespmem:s17+$0x50] =	vst v1  }
0xaf: {  	v1 =	vld [tilespmem:s29+$0x460]  }
0xb0: {  	v0 =	vld [tilespmem:s29+$0x4460]  }
0xb1: {  	_ =	sdelay $0x3  }
0xb2: {  	v2 =	vunpack.i.l.bf16.f32 v1;
	v3 =	vunpack.i.l.bf16.f32 v0  }
0xb3: {  	v1 =	vunpack.i.u.bf16.f32 v1;
	v0 =	vunpack.i.u.bf16.f32 v0;
	v2 =	vmul.f32 v3, v2  }
0xb4: {  	v0 =	vmul.f32 v0, v1  }
0xb5: {  	[tilespmem:s18+$0x20] =	vst v2  }
0xb6: {  	[tilespmem:s18+$0x60] =	vst v0  }
0xb7: {  	v0 =	vld [tilespmem:s29+$0x470]  }
0xb8: {  	v1 =	vld [tilespmem:s29+$0x4470];
	_ =	sdelay $0x4  }
0xb9: {  	v2 =	vunpack.i.l.bf16.f32 v0;
	v3 =	vunpack.i.l.bf16.f32 v1  }
0xba: {  	v0 =	vunpack.i.u.bf16.f32 v0;
	v1 =	vunpack.i.u.bf16.f32 v1;
	v2 =	vmul.f32 v3, v2  }
0xbb: {  	v0 =	vmul.f32 v1, v0  }
0xbc: {  	[tilespmem:s18+$0x30] =	vst v2  }
0xbd: {  	[tilespmem:s18+$0x70] =	vst v0  }
0xbe: {  	[spmem:s3] =	stream.indirect.scatter.add.f32 [tilespmem:s7], [sflag:$0x7], $0x80, s22, s22, $0xb8;
	[tilespmem:$0x1FC80] =	vst v63  }
0xbf: {  	s17 =	sadd.s32 s8, s12;
	_ =	swait.ge [sflag:s21], $0x4000  }
0xc0: {  	s17 =	sshll.u32 s17, $0x4;
	[sflag:s21] =	ssyncset.done $0x0  }
0xc1: {  	s17 =	sand.u32 $0x1FFFF800, s17;
	[sflag:s21] =	ssyncadd.s32 $0xFFFFC000  }
0xc2: {  	[tilespmem:s23], [sflag:$0x3] =	stream.indirect.gather [hbm4b:s1+s22], $0x40, s26, s22, $0xb8;
	[tilespmem:$0x1FC80] =	vst v63  }
0xc3: {  	s25 =	simm.s32 $0x0;
	s17 =	sadd.s32 s6, s17  }
0xc4: {  	[tilespmem:s24], [sflag:$0x5] =	stream.linear.gather [hbm4b:s17+s25], $0x2000, $0x38;
	[tilespmem:$0x1FC80] =	vst v63  }
0xc5: {  	_ =	swait.ge [sflag:s9], $0x2000  }
0xc6: {  	[sflag:s9] =	ssyncset.done $0x0  }
0xc7: {  	[sflag:s9] =	ssyncadd.s32 $0xFFFFE000  }
0xc8: {  	_ =	swait.ge [sflag:s10], $0x2000  }
0xc9: {  	[sflag:s10] =	ssyncset.done $0x0  }
0xca: {  	s29 =	simm.s32 $0x0;
	[sflag:s10] =	ssyncadd.s32 $0xFFFFE000  }
0xcb: {  	v0 =	vld [tilespmem:s29+$0x2400]  }
0xcc: {  	v1 =	vld [tilespmem:s29+$0x6400];
	_ =	sdelay $0x4  }
0xcd: {  	v2 =	vunpack.i.l.bf16.f32 v0;
	v3 =	vunpack.i.l.bf16.f32 v1  }
0xce: {  	v0 =	vunpack.i.u.bf16.f32 v0;
	v1 =	vunpack.i.u.bf16.f32 v1;
	v2 =	vmul.f32 v3, v2  }
0xcf: {  	s17 =	simm.s32 $0x8480;
	v0 =	vmul.f32 v1, v0  }
0xd0: {  	[tilespmem:s17+$0xFFFFFF80] =	vst v2  }
0xd1: {  	[tilespmem:s17+$0xFFFFFFC0] =	vst v0  }
0xd2: {  	v0 =	vld [tilespmem:s29+$0x2410]  }
0xd3: {  	v1 =	vld [tilespmem:s29+$0x6410];
	_ =	sdelay $0x4  }
0xd4: {  	v2 =	vunpack.i.l.bf16.f32 v0;
	v3 =	vunpack.i.l.bf16.f32 v1  }
0xd5: {  	v0 =	vunpack.i.u.bf16.f32 v0;
	v1 =	vunpack.i.u.bf16.f32 v1;
	v2 =	vmul.f32 v3, v2  }
0xd6: {  	v0 =	vmul.f32 v1, v0  }
0xd7: {  	[tilespmem:s17+$0xFFFFFF90] =	vst v2  }
0xd8: {  	[tilespmem:s17+$0xFFFFFFD0] =	vst v0  }
0xd9: {  	v0 =	vld [tilespmem:s29+$0x2420]  }
0xda: {  	v1 =	vld [tilespmem:s29+$0x6420];
	_ =	sdelay $0x4  }
0xdb: {  	v2 =	vunpack.i.l.bf16.f32 v0;
	v3 =	vunpack.i.l.bf16.f32 v1  }
0xdc: {  	v0 =	vunpack.i.u.bf16.f32 v0;
	v1 =	vunpack.i.u.bf16.f32 v1;
	v2 =	vmul.f32 v3, v2  }
0xdd: {  	v0 =	vmul.f32 v1, v0  }
0xde: {  	[tilespmem:s17+$0xFFFFFFA0] =	vst v2  }
0xdf: {  	[tilespmem:s17+$0xFFFFFFE0] =	vst v0  }
0xe0: {  	v0 =	vld [tilespmem:s29+$0x2430]  }
0xe1: {  	v1 =	vld [tilespmem:s29+$0x6430];
	_ =	sdelay $0x4  }
0xe2: {  	v2 =	vunpack.i.l.bf16.f32 v0;
	v3 =	vunpack.i.l.bf16.f32 v1  }
0xe3: {  	v0 =	vunpack.i.u.bf16.f32 v0;
	v1 =	vunpack.i.u.bf16.f32 v1;
	v2 =	vmul.f32 v3, v2  }
0xe4: {  	v0 =	vmul.f32 v1, v0  }
0xe5: {  	[tilespmem:s17+$0xFFFFFFB0] =	vst v2  }
0xe6: {  	[tilespmem:s17+$0xFFFFFFF0] =	vst v0  }
0xe7: {  	v0 =	vld [tilespmem:s29+$0x2440]  }
0xe8: {  	v1 =	vld [tilespmem:s29+$0x6440];
	_ =	sdelay $0x4  }
0xe9: {  	v2 =	vunpack.i.l.bf16.f32 v0;
	v3 =	vunpack.i.l.bf16.f32 v1  }
0xea: {  	v0 =	vunpack.i.u.bf16.f32 v0;
	v1 =	vunpack.i.u.bf16.f32 v1;
	v2 =	vmul.f32 v3, v2  }
0xeb: {  	v0 =	vmul.f32 v1, v0  }
0xec: {  	[tilespmem:s17+$0x0] =	vst v2  }
0xed: {  	[tilespmem:s17+$0x40] =	vst v0  }
0xee: {  	v0 =	vld [tilespmem:s29+$0x2450]  }
0xef: {  	v1 =	vld [tilespmem:s29+$0x6450];
	_ =	sdelay $0x4  }
0xf0: {  	v2 =	vunpack.i.l.bf16.f32 v0;
	v3 =	vunpack.i.l.bf16.f32 v1  }
0xf1: {  	v0 =	vunpack.i.u.bf16.f32 v0;
	v1 =	vunpack.i.u.bf16.f32 v1;
	v2 =	vmul.f32 v3, v2  }
0xf2: {  	v0 =	vmul.f32 v1, v0  }
0xf3: {  	[tilespmem:s17+$0x10] =	vst v2  }
0xf4: {  	[tilespmem:s17+$0x50] =	vst v0  }
0xf5: {  	v1 =	vld [tilespmem:s29+$0x2460]  }
0xf6: {  	s20 =	simm.s32 $0x200;
	s18 =	simm.s32 $0x8480;
	v0 =	vld [tilespmem:s29+$0x6460]  }
.LBB2_5:
0xf7: {  	_ =	sdelay $0x1  }
0xf8: {  	p1 =	sne.s32 s20, $0x7E00  }
0xf9: {  	s17 =	sadd.s32 $0x100, s17;
	s25 =	smov.u32 s20;
	s20 =	sadd.s32 $0x200, s20;
	v2 =	vunpack.i.u.bf16.f32 v1;
	v1 =	vunpack.i.l.bf16.f32 v1  }
0xfa: {  	v3 =	vunpack.i.u.bf16.f32 v0;
	v0 =	vunpack.i.l.bf16.f32 v0  }
0xfb: {  	v0 =	vmul.f32 v0, v1;
	v1 =	vmul.f32 v3, v2;
	_ =	sdelay $0x1  }
0xfc: {  	[tilespmem:s18+$0x20] =	vst v0  }
0xfd: {  	[tilespmem:s18+$0x60] =	vst v1  }
0xfe: {  	v0 =	vld [tilespmem:s29+$0x2470]  }
0xff: {  	v1 =	vld [tilespmem:s29+$0x6470];
	_ =	sdelay $0x3  }
0x100: {  	v2 =	vunpack.i.u.bf16.f32 v0;
	v0 =	vunpack.i.l.bf16.f32 v0  }
0x101: {  	v3 =	vunpack.i.u.bf16.f32 v1;
	v1 =	vunpack.i.l.bf16.f32 v1  }
0x102: {  	v0 =	vmul.f32 v1, v0;
	v1 =	vmul.f32 v3, v2;
	_ =	sdelay $0x1  }
0x103: {  	[tilespmem:s18+$0x30] =	vst v0  }
0x104: {  	s29 =	sshra.s32 s25, $0x2;
	[tilespmem:s18+$0x70] =	vst v1;
	s18 =	smov.u32 s17  }
0x105: {  	v0 =	vld [tilespmem:s29+$0x2400]  }
0x106: {  	v1 =	vld [tilespmem:s29+$0x6400];
	_ =	sdelay $0x3  }
0x107: {  	v2 =	vunpack.i.u.bf16.f32 v0;
	v0 =	vunpack.i.l.bf16.f32 v0  }
0x108: {  	v3 =	vunpack.i.u.bf16.f32 v1;
	v1 =	vunpack.i.l.bf16.f32 v1  }
0x109: {  	v0 =	vmul.f32 v1, v0;
	v1 =	vmul.f32 v3, v2;
	_ =	sdelay $0x1  }
0x10a: {  	[tilespmem:s17+$0xFFFFFF80] =	vst v0  }
0x10b: {  	[tilespmem:s17+$0xFFFFFFC0] =	vst v1  }
0x10c: {  	v0 =	vld [tilespmem:s29+$0x2410]  }
0x10d: {  	v1 =	vld [tilespmem:s29+$0x6410];
	_ =	sdelay $0x3  }
0x10e: {  	v2 =	vunpack.i.u.bf16.f32 v0;
	v0 =	vunpack.i.l.bf16.f32 v0  }
0x10f: {  	v3 =	vunpack.i.u.bf16.f32 v1;
	v1 =	vunpack.i.l.bf16.f32 v1  }
0x110: {  	v0 =	vmul.f32 v1, v0;
	v1 =	vmul.f32 v3, v2;
	_ =	sdelay $0x1  }
0x111: {  	[tilespmem:s17+$0xFFFFFF90] =	vst v0  }
0x112: {  	[tilespmem:s17+$0xFFFFFFD0] =	vst v1  }
0x113: {  	v0 =	vld [tilespmem:s29+$0x2420]  }
0x114: {  	v1 =	vld [tilespmem:s29+$0x6420];
	_ =	sdelay $0x3  }
0x115: {  	v2 =	vunpack.i.u.bf16.f32 v0;
	v0 =	vunpack.i.l.bf16.f32 v0  }
0x116: {  	v3 =	vunpack.i.u.bf16.f32 v1;
	v1 =	vunpack.i.l.bf16.f32 v1  }
0x117: {  	v0 =	vmul.f32 v1, v0;
	v1 =	vmul.f32 v3, v2;
	_ =	sdelay $0x1  }
0x118: {  	[tilespmem:s17+$0xFFFFFFA0] =	vst v0  }
0x119: {  	[tilespmem:s17+$0xFFFFFFE0] =	vst v1  }
0x11a: {  	v0 =	vld [tilespmem:s29+$0x2430]  }
0x11b: {  	v1 =	vld [tilespmem:s29+$0x6430];
	_ =	sdelay $0x3  }
0x11c: {  	v2 =	vunpack.i.u.bf16.f32 v0;
	v0 =	vunpack.i.l.bf16.f32 v0  }
0x11d: {  	v3 =	vunpack.i.u.bf16.f32 v1;
	v1 =	vunpack.i.l.bf16.f32 v1  }
0x11e: {  	v0 =	vmul.f32 v1, v0;
	v1 =	vmul.f32 v3, v2;
	_ =	sdelay $0x1  }
0x11f: {  	[tilespmem:s17+$0xFFFFFFB0] =	vst v0  }
0x120: {  	[tilespmem:s17+$0xFFFFFFF0] =	vst v1  }
0x121: {  	v0 =	vld [tilespmem:s29+$0x2440]  }
0x122: {  	v1 =	vld [tilespmem:s29+$0x6440];
	_ =	sdelay $0x3  }
0x123: {  	v2 =	vunpack.i.u.bf16.f32 v0;
	v0 =	vunpack.i.l.bf16.f32 v0  }
0x124: {  	v3 =	vunpack.i.u.bf16.f32 v1;
	v1 =	vunpack.i.l.bf16.f32 v1  }
0x125: {  	v0 =	vmul.f32 v1, v0;
	v1 =	vmul.f32 v3, v2;
	_ =	sdelay $0x1  }
0x126: {  	[tilespmem:s17+$0x0] =	vst v0  }
0x127: {  	[tilespmem:s17+$0x40] =	vst v1  }
0x128: {  	v0 =	vld [tilespmem:s29+$0x2450]  }
0x129: {  	v1 =	vld [tilespmem:s29+$0x6450];
	_ =	sdelay $0x3  }
0x12a: {  	v2 =	vunpack.i.u.bf16.f32 v0;
	v0 =	vunpack.i.l.bf16.f32 v0  }
0x12b: {  	v3 =	vunpack.i.u.bf16.f32 v1;
	v1 =	vunpack.i.l.bf16.f32 v1  }
0x12c: {  	v0 =	vmul.f32 v1, v0;
	v1 =	vmul.f32 v3, v2  }
.Ltmp3:
0x12d: {  	(pc) =	sbr.rel @p1 .LBB2_5-.Ltmp3, $4  }
0x12e: {  	[tilespmem:s17+$0x10] =	vst v0  }
0x12f: {  	[tilespmem:s17+$0x50] =	vst v1  }
0x130: {  	v1 =	vld [tilespmem:s29+$0x2460]  }
0x131: {  	v0 =	vld [tilespmem:s29+$0x6460]  }
0x132: {  	_ =	sdelay $0x3  }
0x133: {  	v2 =	vunpack.i.l.bf16.f32 v1;
	v3 =	vunpack.i.l.bf16.f32 v0  }
0x134: {  	v1 =	vunpack.i.u.bf16.f32 v1;
	v0 =	vunpack.i.u.bf16.f32 v0;
	v2 =	vmul.f32 v3, v2  }
0x135: {  	v0 =	vmul.f32 v0, v1  }
0x136: {  	[tilespmem:s18+$0x20] =	vst v2  }
0x137: {  	[tilespmem:s18+$0x60] =	vst v0  }
0x138: {  	v0 =	vld [tilespmem:s29+$0x2470]  }
0x139: {  	v1 =	vld [tilespmem:s29+$0x6470];
	_ =	sdelay $0x4  }
0x13a: {  	v2 =	vunpack.i.l.bf16.f32 v0;
	v3 =	vunpack.i.l.bf16.f32 v1  }
0x13b: {  	v0 =	vunpack.i.u.bf16.f32 v0;
	v1 =	vunpack.i.u.bf16.f32 v1;
	v2 =	vmul.f32 v3, v2  }
0x13c: {  	v0 =	vmul.f32 v1, v0  }
0x13d: {  	[tilespmem:s18+$0x30] =	vst v2  }
0x13e: {  	s17 =	simm.s32 $0x180;
	p1 =	seq.s32 s19, $0x13;
	[tilespmem:s18+$0x70] =	vst v0  }
0x13f: {  	[spmem:s3] =	stream.indirect.scatter.add.f32 [tilespmem:s7], [sflag:$0x7], $0x80, s17, s22, $0xb8;
	[tilespmem:$0x1FC80] =	vst v63  }
0x140: {  	s17 =	sshll.u32 @!p1 s19, $0xA  }
0x141: {  	_ =	swait.ge [sflag:s21], $0x4000;
	s17 =	sadd.s32 @!p1 s17, s13  }
0x142: {  	s20 =	sadd.s32 s8, s14;
	[sflag:s21] =	ssyncset.done $0x0;
	s17 =	sshrl.u32 @!p1 s17, $0x3  }
0x143: {  	s18 =	simm.s32 @!p1 $0x0;
	[sflag:s21] =	ssyncadd.s32 $0xFFFFC000;
	s17 =	sadd.s32 @!p1 s2, s17  }
0x144: {  	[tilespmem:s18], [sflag:$0x1] =	stream.linear.gather @!p1 [hbm4b:s17+s18], $0x200, $0x38;
	[tilespmem:$0x1FC80] =	vst v63  }
0x145: {  	s17 =	sshll.u32 s20, $0x4  }
0x146: {  	s18 =	simm.s32 $0x300;
	s17 =	sand.u32 $0x1FFFFC00, s17  }
0x147: {  	[tilespmem:s30], [sflag:$0x4] =	stream.indirect.gather [hbm4b:s1+s22], $0x40, s18, s22, $0xb8;
	[tilespmem:$0x1FC80] =	vst v63  }
0x148: {  	s25 =	simm.s32 $0x0;
	s17 =	sadd.s32 s6, s17  }
0x149: {  	[tilespmem:s31], [sflag:$0x6] =	stream.linear.gather [hbm4b:s17+s25], $0x2000, $0x38;
	[tilespmem:$0x1FC80] =	vst v63  }
0x14a: {  	_ =	swait.ge [sflag:s0], $0x2000  }
0x14b: {  	[sflag:s0] =	ssyncset.done $0x0  }
0x14c: {  	[sflag:s0] =	ssyncadd.s32 $0xFFFFE000  }
0x14d: {  	_ =	swait.ge [sflag:s4], $0x2000  }
0x14e: {  	[sflag:s4] =	ssyncset.done $0x0  }
0x14f: {  	s29 =	simm.s32 $0x0;
	[sflag:s4] =	ssyncadd.s32 $0xFFFFE000  }
0x150: {  	v0 =	vld [tilespmem:s29+$0x400]  }
0x151: {  	v1 =	vld [tilespmem:s29+$0x4400];
	_ =	sdelay $0x4  }
0x152: {  	v2 =	vunpack.i.l.bf16.f32 v0;
	v3 =	vunpack.i.l.bf16.f32 v1  }
0x153: {  	v0 =	vunpack.i.u.bf16.f32 v0;
	v1 =	vunpack.i.u.bf16.f32 v1;
	v2 =	vmul.f32 v3, v2  }
0x154: {  	s17 =	simm.s32 $0x8480;
	v0 =	vmul.f32 v1, v0  }
0x155: {  	[tilespmem:s17+$0xFFFFFF80] =	vst v2  }
0x156: {  	[tilespmem:s17+$0xFFFFFFC0] =	vst v0  }
0x157: {  	v0 =	vld [tilespmem:s29+$0x410]  }
0x158: {  	v1 =	vld [tilespmem:s29+$0x4410];
	_ =	sdelay $0x4  }
0x159: {  	v2 =	vunpack.i.l.bf16.f32 v0;
	v3 =	vunpack.i.l.bf16.f32 v1  }
0x15a: {  	v0 =	vunpack.i.u.bf16.f32 v0;
	v1 =	vunpack.i.u.bf16.f32 v1;
	v2 =	vmul.f32 v3, v2  }
0x15b: {  	v0 =	vmul.f32 v1, v0  }
0x15c: {  	[tilespmem:s17+$0xFFFFFF90] =	vst v2  }
0x15d: {  	[tilespmem:s17+$0xFFFFFFD0] =	vst v0  }
0x15e: {  	v0 =	vld [tilespmem:s29+$0x420]  }
0x15f: {  	v1 =	vld [tilespmem:s29+$0x4420];
	_ =	sdelay $0x4  }
0x160: {  	v2 =	vunpack.i.l.bf16.f32 v0;
	v3 =	vunpack.i.l.bf16.f32 v1  }
0x161: {  	v0 =	vunpack.i.u.bf16.f32 v0;
	v1 =	vunpack.i.u.bf16.f32 v1;
	v2 =	vmul.f32 v3, v2  }
0x162: {  	v0 =	vmul.f32 v1, v0  }
0x163: {  	[tilespmem:s17+$0xFFFFFFA0] =	vst v2  }
0x164: {  	[tilespmem:s17+$0xFFFFFFE0] =	vst v0  }
0x165: {  	v0 =	vld [tilespmem:s29+$0x430]  }
0x166: {  	v1 =	vld [tilespmem:s29+$0x4430];
	_ =	sdelay $0x4  }
0x167: {  	v2 =	vunpack.i.l.bf16.f32 v0;
	v3 =	vunpack.i.l.bf16.f32 v1  }
0x168: {  	v0 =	vunpack.i.u.bf16.f32 v0;
	v1 =	vunpack.i.u.bf16.f32 v1;
	v2 =	vmul.f32 v3, v2  }
0x169: {  	v0 =	vmul.f32 v1, v0  }
0x16a: {  	[tilespmem:s17+$0xFFFFFFB0] =	vst v2  }
0x16b: {  	[tilespmem:s17+$0xFFFFFFF0] =	vst v0  }
0x16c: {  	v0 =	vld [tilespmem:s29+$0x440]  }
0x16d: {  	v1 =	vld [tilespmem:s29+$0x4440];
	_ =	sdelay $0x4  }
0x16e: {  	v2 =	vunpack.i.l.bf16.f32 v0;
	v3 =	vunpack.i.l.bf16.f32 v1  }
0x16f: {  	v0 =	vunpack.i.u.bf16.f32 v0;
	v1 =	vunpack.i.u.bf16.f32 v1;
	v2 =	vmul.f32 v3, v2  }
0x170: {  	v0 =	vmul.f32 v1, v0  }
0x171: {  	[tilespmem:s17+$0x0] =	vst v2  }
0x172: {  	[tilespmem:s17+$0x40] =	vst v0  }
0x173: {  	v0 =	vld [tilespmem:s29+$0x450]  }
0x174: {  	v1 =	vld [tilespmem:s29+$0x4450];
	_ =	sdelay $0x4  }
0x175: {  	v2 =	vunpack.i.l.bf16.f32 v0;
	v3 =	vunpack.i.l.bf16.f32 v1  }
0x176: {  	v0 =	vunpack.i.u.bf16.f32 v0;
	v1 =	vunpack.i.u.bf16.f32 v1;
	v2 =	vmul.f32 v3, v2  }
0x177: {  	v0 =	vmul.f32 v1, v0  }
0x178: {  	[tilespmem:s17+$0x10] =	vst v2  }
0x179: {  	[tilespmem:s17+$0x50] =	vst v0  }
0x17a: {  	v1 =	vld [tilespmem:s29+$0x460]  }
0x17b: {  	s20 =	simm.s32 $0x200;
	s18 =	simm.s32 $0x8480;
	v0 =	vld [tilespmem:s29+$0x4460]  }
.LBB2_7:
0x17c: {  	_ =	sdelay $0x1  }
0x17d: {  	p2 =	sne.s32 s20, $0x7E00  }
0x17e: {  	s17 =	sadd.s32 $0x100, s17;
	s25 =	smov.u32 s20;
	s20 =	sadd.s32 $0x200, s20;
	v2 =	vunpack.i.u.bf16.f32 v1;
	v1 =	vunpack.i.l.bf16.f32 v1  }
0x17f: {  	v3 =	vunpack.i.u.bf16.f32 v0;
	v0 =	vunpack.i.l.bf16.f32 v0  }
0x180: {  	v0 =	vmul.f32 v0, v1;
	v1 =	vmul.f32 v3, v2;
	_ =	sdelay $0x1  }
0x181: {  	[tilespmem:s18+$0x20] =	vst v0  }
0x182: {  	[tilespmem:s18+$0x60] =	vst v1  }
0x183: {  	v0 =	vld [tilespmem:s29+$0x470]  }
0x184: {  	v1 =	vld [tilespmem:s29+$0x4470];
	_ =	sdelay $0x3  }
0x185: {  	v2 =	vunpack.i.u.bf16.f32 v0;
	v0 =	vunpack.i.l.bf16.f32 v0  }
0x186: {  	v3 =	vunpack.i.u.bf16.f32 v1;
	v1 =	vunpack.i.l.bf16.f32 v1  }
0x187: {  	v0 =	vmul.f32 v1, v0;
	v1 =	vmul.f32 v3, v2;
	_ =	sdelay $0x1  }
0x188: {  	[tilespmem:s18+$0x30] =	vst v0  }
0x189: {  	s29 =	sshra.s32 s25, $0x2;
	[tilespmem:s18+$0x70] =	vst v1;
	s18 =	smov.u32 s17  }
0x18a: {  	v0 =	vld [tilespmem:s29+$0x400]  }
0x18b: {  	v1 =	vld [tilespmem:s29+$0x4400];
	_ =	sdelay $0x3  }
0x18c: {  	v2 =	vunpack.i.u.bf16.f32 v0;
	v0 =	vunpack.i.l.bf16.f32 v0  }
0x18d: {  	v3 =	vunpack.i.u.bf16.f32 v1;
	v1 =	vunpack.i.l.bf16.f32 v1  }
0x18e: {  	v0 =	vmul.f32 v1, v0;
	v1 =	vmul.f32 v3, v2;
	_ =	sdelay $0x1  }
0x18f: {  	[tilespmem:s17+$0xFFFFFF80] =	vst v0  }
0x190: {  	[tilespmem:s17+$0xFFFFFFC0] =	vst v1  }
0x191: {  	v0 =	vld [tilespmem:s29+$0x410]  }
0x192: {  	v1 =	vld [tilespmem:s29+$0x4410];
	_ =	sdelay $0x3  }
0x193: {  	v2 =	vunpack.i.u.bf16.f32 v0;
	v0 =	vunpack.i.l.bf16.f32 v0  }
0x194: {  	v3 =	vunpack.i.u.bf16.f32 v1;
	v1 =	vunpack.i.l.bf16.f32 v1  }
0x195: {  	v0 =	vmul.f32 v1, v0;
	v1 =	vmul.f32 v3, v2;
	_ =	sdelay $0x1  }
0x196: {  	[tilespmem:s17+$0xFFFFFF90] =	vst v0  }
0x197: {  	[tilespmem:s17+$0xFFFFFFD0] =	vst v1  }
0x198: {  	v0 =	vld [tilespmem:s29+$0x420]  }
0x199: {  	v1 =	vld [tilespmem:s29+$0x4420];
	_ =	sdelay $0x3  }
0x19a: {  	v2 =	vunpack.i.u.bf16.f32 v0;
	v0 =	vunpack.i.l.bf16.f32 v0  }
0x19b: {  	v3 =	vunpack.i.u.bf16.f32 v1;
	v1 =	vunpack.i.l.bf16.f32 v1  }
0x19c: {  	v0 =	vmul.f32 v1, v0;
	v1 =	vmul.f32 v3, v2;
	_ =	sdelay $0x1  }
0x19d: {  	[tilespmem:s17+$0xFFFFFFA0] =	vst v0  }
0x19e: {  	[tilespmem:s17+$0xFFFFFFE0] =	vst v1  }
0x19f: {  	v0 =	vld [tilespmem:s29+$0x430]  }
0x1a0: {  	v1 =	vld [tilespmem:s29+$0x4430];
	_ =	sdelay $0x3  }
0x1a1: {  	v2 =	vunpack.i.u.bf16.f32 v0;
	v0 =	vunpack.i.l.bf16.f32 v0  }
0x1a2: {  	v3 =	vunpack.i.u.bf16.f32 v1;
	v1 =	vunpack.i.l.bf16.f32 v1  }
0x1a3: {  	v0 =	vmul.f32 v1, v0;
	v1 =	vmul.f32 v3, v2;
	_ =	sdelay $0x1  }
0x1a4: {  	[tilespmem:s17+$0xFFFFFFB0] =	vst v0  }
0x1a5: {  	[tilespmem:s17+$0xFFFFFFF0] =	vst v1  }
0x1a6: {  	v0 =	vld [tilespmem:s29+$0x440]  }
0x1a7: {  	v1 =	vld [tilespmem:s29+$0x4440];
	_ =	sdelay $0x3  }
0x1a8: {  	v2 =	vunpack.i.u.bf16.f32 v0;
	v0 =	vunpack.i.l.bf16.f32 v0  }
0x1a9: {  	v3 =	vunpack.i.u.bf16.f32 v1;
	v1 =	vunpack.i.l.bf16.f32 v1  }
0x1aa: {  	v0 =	vmul.f32 v1, v0;
	v1 =	vmul.f32 v3, v2;
	_ =	sdelay $0x1  }
0x1ab: {  	[tilespmem:s17+$0x0] =	vst v0  }
0x1ac: {  	[tilespmem:s17+$0x40] =	vst v1  }
0x1ad: {  	v0 =	vld [tilespmem:s29+$0x450]  }
0x1ae: {  	v1 =	vld [tilespmem:s29+$0x4450];
	_ =	sdelay $0x3  }
0x1af: {  	v2 =	vunpack.i.u.bf16.f32 v0;
	v0 =	vunpack.i.l.bf16.f32 v0  }
0x1b0: {  	v3 =	vunpack.i.u.bf16.f32 v1;
	v1 =	vunpack.i.l.bf16.f32 v1  }
0x1b1: {  	v0 =	vmul.f32 v1, v0;
	v1 =	vmul.f32 v3, v2  }
.Ltmp4:
0x1b2: {  	(pc) =	sbr.rel @p2 .LBB2_7-.Ltmp4, $4  }
0x1b3: {  	[tilespmem:s17+$0x10] =	vst v0  }
0x1b4: {  	[tilespmem:s17+$0x50] =	vst v1  }
0x1b5: {  	v1 =	vld [tilespmem:s29+$0x460]  }
0x1b6: {  	v0 =	vld [tilespmem:s29+$0x4460]  }
0x1b7: {  	_ =	sdelay $0x3  }
0x1b8: {  	v2 =	vunpack.i.l.bf16.f32 v1;
	v3 =	vunpack.i.l.bf16.f32 v0  }
0x1b9: {  	v1 =	vunpack.i.u.bf16.f32 v1;
	v0 =	vunpack.i.u.bf16.f32 v0;
	v2 =	vmul.f32 v3, v2  }
0x1ba: {  	v0 =	vmul.f32 v0, v1  }
0x1bb: {  	[tilespmem:s18+$0x20] =	vst v2  }
0x1bc: {  	[tilespmem:s18+$0x60] =	vst v0  }
0x1bd: {  	v0 =	vld [tilespmem:s29+$0x470]  }
0x1be: {  	v1 =	vld [tilespmem:s29+$0x4470];
	_ =	sdelay $0x4  }
0x1bf: {  	v2 =	vunpack.i.l.bf16.f32 v0;
	v3 =	vunpack.i.l.bf16.f32 v1  }
0x1c0: {  	v0 =	vunpack.i.u.bf16.f32 v0;
	v1 =	vunpack.i.u.bf16.f32 v1;
	v2 =	vmul.f32 v3, v2  }
0x1c1: {  	v0 =	vmul.f32 v1, v0  }
0x1c2: {  	[tilespmem:s18+$0x30] =	vst v2  }
0x1c3: {  	s17 =	simm.s32 $0x280;
	[tilespmem:s18+$0x70] =	vst v0  }
0x1c4: {  	[spmem:s3] =	stream.indirect.scatter.add.f32 [tilespmem:s7], [sflag:$0x7], $0x80, s17, s22, $0xb8;
	[tilespmem:$0x1FC80] =	vst v63  }
0x1c5: {  	_ =	swait.ge [sflag:s21], $0x4000  }
0x1c6: {  	[sflag:s21] =	ssyncset.done $0x0  }
0x1c7: {  	s8 =	sadd.s32 @!p1 s8, s15;
	s17 =	simm.s32 @!p1 $0x1;
	[sflag:s21] =	ssyncadd.s32 $0xFFFFC000  }
0x1c8: {  	s8 =	sshll.u32 @!p1 s8, $0x4;
	_ =	swait.ge @!p1 [sflag:s17], $0x200  }
0x1c9: {  	s20 =	simm.s32 @!p1 $0x400;
	s8 =	sand.u32 @!p1 $0x1FFFF000, s8;
	[sflag:s17] =	ssyncset.done @!p1 $0x0  }
0x1ca: {  	s18 =	simm.s32 @!p1 $0x0;
	[sflag:s17] =	ssyncadd.s32 @!p1 $0xFFFFFE00;
	s17 =	simm.s32 @!p1 $0x80  }
0x1cb: {  	[tilespmem:s20], [sflag:$0x3] =	stream.indirect.gather @!p1 [hbm4b:s1+s17], $0x40, s18, s17, $0xb8;
	[tilespmem:$0x1FC80] =	vst v63  }
0x1cc: {  	s8 =	sadd.s32 @!p1 s6, s8;
	s17 =	simm.s32 @!p1 $0x4400  }
0x1cd: {  	[tilespmem:s17], [sflag:$0x5] =	stream.linear.gather @!p1 [hbm4b:s8+s18], $0x2000, $0x38;
	[tilespmem:$0x1FC80] =	vst v63  }
0x1ce: {  	_ =	swait.ge [sflag:s9], $0x2000  }
0x1cf: {  	[sflag:s9] =	ssyncset.done $0x0  }
0x1d0: {  	[sflag:s9] =	ssyncadd.s32 $0xFFFFE000  }
0x1d1: {  	_ =	swait.ge [sflag:s10], $0x2000  }
0x1d2: {  	[sflag:s10] =	ssyncset.done $0x0  }
0x1d3: {  	s8 =	simm.s32 $0x0;
	[sflag:s10] =	ssyncadd.s32 $0xFFFFE000  }
0x1d4: {  	v0 =	vld [tilespmem:s8+$0x2400]  }
0x1d5: {  	v1 =	vld [tilespmem:s8+$0x6400];
	_ =	sdelay $0x4  }
0x1d6: {  	v2 =	vunpack.i.l.bf16.f32 v0;
	v3 =	vunpack.i.l.bf16.f32 v1  }
0x1d7: {  	v0 =	vunpack.i.u.bf16.f32 v0;
	v1 =	vunpack.i.u.bf16.f32 v1;
	v2 =	vmul.f32 v3, v2  }
0x1d8: {  	s17 =	simm.s32 $0x8480;
	v0 =	vmul.f32 v1, v0  }
0x1d9: {  	[tilespmem:s17+$0xFFFFFF80] =	vst v2  }
0x1da: {  	[tilespmem:s17+$0xFFFFFFC0] =	vst v0  }
0x1db: {  	v0 =	vld [tilespmem:s8+$0x2410]  }
0x1dc: {  	v1 =	vld [tilespmem:s8+$0x6410];
	_ =	sdelay $0x4  }
0x1dd: {  	v2 =	vunpack.i.l.bf16.f32 v0;
	v3 =	vunpack.i.l.bf16.f32 v1  }
0x1de: {  	v0 =	vunpack.i.u.bf16.f32 v0;
	v1 =	vunpack.i.u.bf16.f32 v1;
	v2 =	vmul.f32 v3, v2  }
0x1df: {  	v0 =	vmul.f32 v1, v0  }
0x1e0: {  	[tilespmem:s17+$0xFFFFFF90] =	vst v2  }
0x1e1: {  	[tilespmem:s17+$0xFFFFFFD0] =	vst v0  }
0x1e2: {  	v0 =	vld [tilespmem:s8+$0x2420]  }
0x1e3: {  	v1 =	vld [tilespmem:s8+$0x6420];
	_ =	sdelay $0x4  }
0x1e4: {  	v2 =	vunpack.i.l.bf16.f32 v0;
	v3 =	vunpack.i.l.bf16.f32 v1  }
0x1e5: {  	v0 =	vunpack.i.u.bf16.f32 v0;
	v1 =	vunpack.i.u.bf16.f32 v1;
	v2 =	vmul.f32 v3, v2  }
0x1e6: {  	v0 =	vmul.f32 v1, v0  }
0x1e7: {  	[tilespmem:s17+$0xFFFFFFA0] =	vst v2  }
0x1e8: {  	[tilespmem:s17+$0xFFFFFFE0] =	vst v0  }
0x1e9: {  	v0 =	vld [tilespmem:s8+$0x2430]  }
0x1ea: {  	v1 =	vld [tilespmem:s8+$0x6430];
	_ =	sdelay $0x4  }
0x1eb: {  	v2 =	vunpack.i.l.bf16.f32 v0;
	v3 =	vunpack.i.l.bf16.f32 v1  }
0x1ec: {  	v0 =	vunpack.i.u.bf16.f32 v0;
	v1 =	vunpack.i.u.bf16.f32 v1;
	v2 =	vmul.f32 v3, v2  }
0x1ed: {  	v0 =	vmul.f32 v1, v0  }
0x1ee: {  	[tilespmem:s17+$0xFFFFFFB0] =	vst v2  }
0x1ef: {  	[tilespmem:s17+$0xFFFFFFF0] =	vst v0  }
0x1f0: {  	v0 =	vld [tilespmem:s8+$0x2440]  }
0x1f1: {  	v1 =	vld [tilespmem:s8+$0x6440];
	_ =	sdelay $0x4  }
0x1f2: {  	v2 =	vunpack.i.l.bf16.f32 v0;
	v3 =	vunpack.i.l.bf16.f32 v1  }
0x1f3: {  	v0 =	vunpack.i.u.bf16.f32 v0;
	v1 =	vunpack.i.u.bf16.f32 v1;
	v2 =	vmul.f32 v3, v2  }
0x1f4: {  	v0 =	vmul.f32 v1, v0  }
0x1f5: {  	[tilespmem:s17+$0x0] =	vst v2  }
0x1f6: {  	[tilespmem:s17+$0x40] =	vst v0  }
0x1f7: {  	v0 =	vld [tilespmem:s8+$0x2450]  }
0x1f8: {  	v1 =	vld [tilespmem:s8+$0x6450];
	_ =	sdelay $0x4  }
0x1f9: {  	v2 =	vunpack.i.l.bf16.f32 v0;
	v3 =	vunpack.i.l.bf16.f32 v1  }
0x1fa: {  	v0 =	vunpack.i.u.bf16.f32 v0;
	v1 =	vunpack.i.u.bf16.f32 v1;
	v2 =	vmul.f32 v3, v2  }
0x1fb: {  	v0 =	vmul.f32 v1, v0  }
0x1fc: {  	[tilespmem:s17+$0x10] =	vst v2  }
0x1fd: {  	[tilespmem:s17+$0x50] =	vst v0  }
0x1fe: {  	v1 =	vld [tilespmem:s8+$0x2460]  }
0x1ff: {  	s20 =	simm.s32 $0x200;
	s18 =	simm.s32 $0x8480;
	v0 =	vld [tilespmem:s8+$0x6460]  }
.LBB2_9:
0x200: {  	_ =	sdelay $0x1  }
0x201: {  	p2 =	sne.s32 s20, $0x7E00  }
0x202: {  	s17 =	sadd.s32 $0x100, s17;
	s25 =	smov.u32 s20;
	s20 =	sadd.s32 $0x200, s20;
	v2 =	vunpack.i.u.bf16.f32 v1;
	v1 =	vunpack.i.l.bf16.f32 v1  }
0x203: {  	v3 =	vunpack.i.u.bf16.f32 v0;
	v0 =	vunpack.i.l.bf16.f32 v0  }
0x204: {  	v0 =	vmul.f32 v0, v1;
	v1 =	vmul.f32 v3, v2;
	_ =	sdelay $0x1  }
0x205: {  	[tilespmem:s18+$0x20] =	vst v0  }
0x206: {  	[tilespmem:s18+$0x60] =	vst v1  }
0x207: {  	v0 =	vld [tilespmem:s8+$0x2470]  }
0x208: {  	v1 =	vld [tilespmem:s8+$0x6470];
	_ =	sdelay $0x3  }
0x209: {  	v2 =	vunpack.i.u.bf16.f32 v0;
	v0 =	vunpack.i.l.bf16.f32 v0  }
0x20a: {  	v3 =	vunpack.i.u.bf16.f32 v1;
	v1 =	vunpack.i.l.bf16.f32 v1  }
0x20b: {  	v0 =	vmul.f32 v1, v0;
	v1 =	vmul.f32 v3, v2;
	_ =	sdelay $0x1  }
0x20c: {  	[tilespmem:s18+$0x30] =	vst v0  }
0x20d: {  	s8 =	sshra.s32 s25, $0x2;
	[tilespmem:s18+$0x70] =	vst v1;
	s18 =	smov.u32 s17  }
0x20e: {  	v0 =	vld [tilespmem:s8+$0x2400]  }
0x20f: {  	v1 =	vld [tilespmem:s8+$0x6400];
	_ =	sdelay $0x3  }
0x210: {  	v2 =	vunpack.i.u.bf16.f32 v0;
	v0 =	vunpack.i.l.bf16.f32 v0  }
0x211: {  	v3 =	vunpack.i.u.bf16.f32 v1;
	v1 =	vunpack.i.l.bf16.f32 v1  }
0x212: {  	v0 =	vmul.f32 v1, v0;
	v1 =	vmul.f32 v3, v2;
	_ =	sdelay $0x1  }
0x213: {  	[tilespmem:s17+$0xFFFFFF80] =	vst v0  }
0x214: {  	[tilespmem:s17+$0xFFFFFFC0] =	vst v1  }
0x215: {  	v0 =	vld [tilespmem:s8+$0x2410]  }
0x216: {  	v1 =	vld [tilespmem:s8+$0x6410];
	_ =	sdelay $0x3  }
0x217: {  	v2 =	vunpack.i.u.bf16.f32 v0;
	v0 =	vunpack.i.l.bf16.f32 v0  }
0x218: {  	v3 =	vunpack.i.u.bf16.f32 v1;
	v1 =	vunpack.i.l.bf16.f32 v1  }
0x219: {  	v0 =	vmul.f32 v1, v0;
	v1 =	vmul.f32 v3, v2;
	_ =	sdelay $0x1  }
0x21a: {  	[tilespmem:s17+$0xFFFFFF90] =	vst v0  }
0x21b: {  	[tilespmem:s17+$0xFFFFFFD0] =	vst v1  }
0x21c: {  	v0 =	vld [tilespmem:s8+$0x2420]  }
0x21d: {  	v1 =	vld [tilespmem:s8+$0x6420];
	_ =	sdelay $0x3  }
0x21e: {  	v2 =	vunpack.i.u.bf16.f32 v0;
	v0 =	vunpack.i.l.bf16.f32 v0  }
0x21f: {  	v3 =	vunpack.i.u.bf16.f32 v1;
	v1 =	vunpack.i.l.bf16.f32 v1  }
0x220: {  	v0 =	vmul.f32 v1, v0;
	v1 =	vmul.f32 v3, v2;
	_ =	sdelay $0x1  }
0x221: {  	[tilespmem:s17+$0xFFFFFFA0] =	vst v0  }
0x222: {  	[tilespmem:s17+$0xFFFFFFE0] =	vst v1  }
0x223: {  	v0 =	vld [tilespmem:s8+$0x2430]  }
0x224: {  	v1 =	vld [tilespmem:s8+$0x6430];
	_ =	sdelay $0x3  }
0x225: {  	v2 =	vunpack.i.u.bf16.f32 v0;
	v0 =	vunpack.i.l.bf16.f32 v0  }
0x226: {  	v3 =	vunpack.i.u.bf16.f32 v1;
	v1 =	vunpack.i.l.bf16.f32 v1  }
0x227: {  	v0 =	vmul.f32 v1, v0;
	v1 =	vmul.f32 v3, v2;
	_ =	sdelay $0x1  }
0x228: {  	[tilespmem:s17+$0xFFFFFFB0] =	vst v0  }
0x229: {  	[tilespmem:s17+$0xFFFFFFF0] =	vst v1  }
0x22a: {  	v0 =	vld [tilespmem:s8+$0x2440]  }
0x22b: {  	v1 =	vld [tilespmem:s8+$0x6440];
	_ =	sdelay $0x3  }
0x22c: {  	v2 =	vunpack.i.u.bf16.f32 v0;
	v0 =	vunpack.i.l.bf16.f32 v0  }
0x22d: {  	v3 =	vunpack.i.u.bf16.f32 v1;
	v1 =	vunpack.i.l.bf16.f32 v1  }
0x22e: {  	v0 =	vmul.f32 v1, v0;
	v1 =	vmul.f32 v3, v2;
	_ =	sdelay $0x1  }
0x22f: {  	[tilespmem:s17+$0x0] =	vst v0  }
0x230: {  	[tilespmem:s17+$0x40] =	vst v1  }
0x231: {  	v0 =	vld [tilespmem:s8+$0x2450]  }
0x232: {  	v1 =	vld [tilespmem:s8+$0x6450];
	_ =	sdelay $0x3  }
0x233: {  	v2 =	vunpack.i.u.bf16.f32 v0;
	v0 =	vunpack.i.l.bf16.f32 v0  }
0x234: {  	v3 =	vunpack.i.u.bf16.f32 v1;
	v1 =	vunpack.i.l.bf16.f32 v1  }
0x235: {  	v0 =	vmul.f32 v1, v0;
	v1 =	vmul.f32 v3, v2  }
.Ltmp5:
0x236: {  	(pc) =	sbr.rel @p2 .LBB2_9-.Ltmp5, $4  }
0x237: {  	[tilespmem:s17+$0x10] =	vst v0  }
0x238: {  	[tilespmem:s17+$0x50] =	vst v1  }
0x239: {  	v1 =	vld [tilespmem:s8+$0x2460]  }
0x23a: {  	v0 =	vld [tilespmem:s8+$0x6460]  }
0x23b: {  	_ =	sdelay $0x3  }
0x23c: {  	v2 =	vunpack.i.l.bf16.f32 v1;
	v3 =	vunpack.i.l.bf16.f32 v0  }
0x23d: {  	v59 =	vunpack.i.u.bf16.f32 v1;
	v60 =	vunpack.i.u.bf16.f32 v0;
	v2 =	vmul.f32 v3, v2  }
0x23e: {  	v0 =	vmul.f32 v60, v59  }
0x23f: {  	[tilespmem:s18+$0x20] =	vst v2  }
0x240: {  	[tilespmem:s18+$0x60] =	vst v0  }
0x241: {  	v0 =	vld [tilespmem:s8+$0x2470]  }
0x242: {  	v61 =	vld [tilespmem:s8+$0x6470];
	_ =	sdelay $0x4  }
0x243: {  	v62 =	vunpack.i.l.bf16.f32 v0;
	v63 =	vunpack.i.l.bf16.f32 v61  }
0x244: {  	v0 =	vunpack.i.u.bf16.f32 v0;
	v1 =	vunpack.i.u.bf16.f32 v61;
	v2 =	vmul.f32 v63, v62  }
0x245: {  	v0 =	vmul.f32 v1, v0  }
0x246: {  	[tilespmem:s18+$0x30] =	vst v2  }
.Ltmp6:
0x247: {  	s29 =	simm.s32 $0x380;
	[tilespmem:s18+$0x70] =	vst v0;
	(pc) =	sbr.rel @p1 .LBB2_12-.Ltmp6, $4  }
0x248: {  	[spmem:s3] =	stream.indirect.scatter.add.f32 [tilespmem:s7], [sflag:$0x7], $0x80, s29, s22, $0xb8;
	[tilespmem:$0x1FC80] =	vst v63  }
0x249: {  	_ =	swait.ge [sflag:s21], $0x4000  }
0x24a: {  	[sflag:s21] =	ssyncset.done $0x0  }
0x24b: {  	[sflag:s21] =	ssyncadd.s32 $0xFFFFC000  }
.Ltmp7:
0x24c: {  	s8 =	sshll.u32 s19, $0xA;
	(pc) =	sbr.rel .LBB2_2-.Ltmp7, $4  }
0x24d: {  	s8 =	sadd.s32 s8, s16  }
0x24e: {  	s8 =	sshrl.u32 s8, $0x3  }
0x24f: {  	s19 =	sadd.s32 $0x1, s19;
	s8 =	sadd.s32 s2, s8  }
0x250: {  	[tilespmem:s26], [sflag:$0x2] =	stream.linear.gather [hbm4b:s8+s5], $0x200, $0x38;
	[tilespmem:$0x1FC80] =	vst v63  }
.LBB2_13:
0x251: {  	_ =	sfence.sel $0x180000  }
0x252: {  	[bflag:$0x0] =	sbarrier.arrive $0xFFFF  }
0x253: {  	_ =	strace $0x9000004A  }
0x254: {  	s0 =	stileid.u32;
	[bflag:$0x2] =	sbarrier.arrive $0xFFFF  }
0x255: {  	p0 =	sne.s32 s0, $0x0;
	s0 =	rddreg [dreg:$0x4]  }
0x256: {  	s0 =	sadd.s32 @!p0 $0x100000, s0  }
0x257: {  	[sflag:s0] =	ssyncadd.tile.s32 @!p0 $0x1;
	_ =	shalt  }
.Lfunc_end2:
_tile_overlayer_lowered:
.L_overlay_start_2:
0x258: {  	(tag) =	ssettag $0x2  }
0x259: {  	s0 =	rddreg [dreg:$0x0];
	s2 =	stileid.u32  }
0x25a: {  	s1 =	rddreg [dreg:$0x1];
	p0 =	sne.s32 s2, $0x0  }
0x25b: {  	s3 =	rddreg [dreg:$0x2];
	[bflag:$0x3] =	sbarrier.arrive $0xFFFF;
	s2 =	simm.s32 @!p0 $0x1C07  }
0x25c: {  	[timem:s3], [sflag:s2] =	dma.local @!p0 [hbm:s0], s1  }
0x25d: {  	s0 =	simm.s32 @!p0 $0x7  }
0x25e: {  	_ =	swait.ge @!p0 [sflag:s0], s1  }
0x25f: {  	s1 =	ssub.s32 @!p0 $0x0, s1;
	[sflag:s0] =	ssyncset.done @!p0 $0x0  }
0x260: {  	[sflag:s0] =	ssyncadd.s32 @!p0 s1  }
0x261: {  	[bflag:$0x3] =	sbarrier.arrive $0xFFFF  }
0x262: {  	_ =	shalt  }

// kernel: kernel.8.cloned.1.call-start
scs
__scs_entry_jumppad:
0x0: {  	(pc) =	sbr.rel $0x88, $3  }
0x1: {  	(tag) =	ssettag $0x0;
	lr =	simm.s32 $0x1  }
0x2: {  	[smem:$0x3F94] =	sst lr;
	_ =	strace $0xD0000000  }
0x3: {  	_ = 	snop  }
0x4: {  	_ = 	snop  }
0x5: {  	_ = 	snop  }
0x6: {  	_ = 	snop  }
0x7: {  	_ = 	snop  }
__scs_overlays_trampoline_lowered:
0x8: {  	[smem:$0x3FA3] =	sst s0  }
0x9: {  	[smem:$0x3FA4] =	sst s1  }
0xa: {  	[smem:$0x3FA5] =	sst s2  }
0xb: {  	[smem:$0x3FA6] =	sst s3  }
0xc: {  	[smem:$0x3FA7] =	sst s4  }
0xd: {  	[smem:$0x3FA8] =	sst s5  }
0xe: {  	[smem:$0x3FA9] =	sst s6  }
0xf: {  	[smem:$0x3FAA] =	sst s7  }
0x10: {  	[smem:$0x3FAB] =	sst s8  }
0x11: {  	[smem:$0x3FAC] =	sst s9;
	s0 =	simm.s32 @!p0 $0x0  }
0x12: {  	s1 =	sld [smem:$0x3F92];
	s0 =	simm.s32 @p0 $0x1  }
0x13: {  	[smem:$0x3FAD] =	sst s0;
	s0 =	simm.s32 @!p1 $0x0  }
0x14: {  	s2 =	sld [smem:$0x3F91];
	s0 =	simm.s32 @p1 $0x1  }
0x15: {  	[smem:$0x3FAE] =	sst s0;
	s0 =	simm.s32 @!p2 $0x0  }
0x16: {  	s3 =	sld [smem:$0x3FDB];
	s0 =	simm.s32 @p2 $0x1  }
0x17: {  	s4 =	simm.s32 $0x1BF5;
	[smem:$0x3FB0] =	sst s0  }
0x18: {  	s0 =	sld [smem:$0x3F93];
	_ =	swait.ge [sflag:s4], $0x0  }
0x19: {  	s7 =	sld [smem:$0x3F94]  }
0x1a: {  	s8 =	sadd.s32 $0xFFFFE003, lr  }
0x1b: {  	s9 =	sadd.s32 $0xFFFFFEF7, lr;
	s5 =	simm.s32 $0xFFFFFFFF;
	p2 =	slt.u32 s8, $0xFFFFF086  }
0x1c: {  	p1 =	slt.u32 s9, $0xF7A;
	s5 =	simm.s32 @!p2 $0x0  }
0x1d: {  	s5 =	simm.s32 @p1 $0x1;
	p0 =	seq.s32 s7, s2  }
0x1e: {  	s7 =	smul.u32 @!p0 $0xF7A, s2;
	p2 =	seq.s32 @!p0 s5, $0x0  }
0x1f: {  	s9 =	smul.u32 $0xF7A, s1;
	s8 =	simm.s32 @!p0 $0x1BF5;
	p2 =	por !p2, p0  }
0x20: {  	[sflag:s8] =	ssyncset.s32 @!p0 $0xFFFFF086;
	s6 =	sadd.s32 @!p0 s3, s7;
	s7 =	simm.s32 @!p0 $0x108  }
0x21: {  	s3 =	sadd.s32 s3, s9;
	s6 =	sadd.s32 @!p0 $0x88, s6;
	s7 =	simm.s32 @p2 $0x1082  }
0x22: {  	[simem:s7], [sflag:s8] =	dma.local @!p0 [hbm:s6], $0xF7A  }
0x23: {  	s9 =	sor.u32 $0xD0000000, s2;
	s6 =	simm.s32 $0x108;
	_ =	swait.ge @!p0 [sflag:s8], $0x0  }
0x24: {  	s3 =	sadd.s32 $0x88, s3;
	s6 =	simm.s32 @!p1 $0x1082;
	[sflag:s4] =	ssyncset.s32 $0xFFFFF086  }
0x25: {  	[simem:s6], [sflag:s4] =	dma.local [hbm:s3], $0xF7A  }
0x26: {  	[smem:$0x3F94] =	sst s1;
	(tag) =	ssettag s2;
	_ =	strace s9  }
0x27: {  	s1 =	sld [smem:$0x3FA4]  }
0x28: {  	s2 =	sld [smem:$0x3FA5]  }
0x29: {  	s4 =	sld [smem:$0x3FA7]  }
0x2a: {  	p0 =	seq.s32 s5, $0x0;
	s5 =	sld [smem:$0x3FA8]  }
0x2b: {  	s6 =	sld [smem:$0x3FA9]  }
0x2c: {  	s7 =	sld [smem:$0x3FAA]  }
0x2d: {  	s3 =	simm.s32 $0x108;
	s8 =	sld [smem:$0x3FAB]  }
0x2e: {  	s3 =	simm.s32 @!p0 $0x1082;
	s9 =	sld [smem:$0x3FAC]  }
0x2f: {  	lr =	sadd.s32 s0, s3;
	s0 =	sld [smem:$0x3FA3]  }
0x30: {  	s3 =	sld [smem:$0x3FA6]  }
0x31: {  	[smem:$0x3FAF] =	sst s10  }
0x32: {  	s10 =	sld [smem:$0x3FAD];
	_ =	sdelay $0x3  }
0x33: {  	p0 =	seq.s32 s10, $0x1;
	s10 =	sld [smem:$0x3FAF];
	_ =	sdelay $0x3  }
0x34: {  	[smem:$0x3FAF] =	sst s10  }
0x35: {  	s10 =	sld [smem:$0x3FAE];
	_ =	sdelay $0x3  }
0x36: {  	p1 =	seq.s32 s10, $0x1;
	s10 =	sld [smem:$0x3FAF];
	_ =	sdelay $0x3  }
0x37: {  	[smem:$0x3FAF] =	sst s10  }
0x38: {  	s10 =	sld [smem:$0x3FB0]  }
0x39: {  	_ = 	snop;
	(pc) =	sbr.ind lr, $3  }
0x3a: {  	_ = 	snop  }
0x3b: {  	_ = 	snop  }
0x3c: {  	p2 =	seq.s32 s10, $0x1;
	s10 =	sld [smem:$0x3FAF]  }
0x3d: {  	_ =	shalt  }
0x3e: {  	_ =	shalt  }
0x3f: {  	_ =	shalt  }
0x40: {  	_ =	shalt  }
0x41: {  	_ =	shalt  }
0x42: {  	_ =	shalt  }
0x43: {  	_ =	shalt  }
0x44: {  	_ =	shalt  }
0x45: {  	_ =	shalt  }
0x46: {  	_ =	shalt  }
0x47: {  	_ =	shalt  }
0x48: {  	_ =	shalt  }
0x49: {  	_ =	shalt  }
0x4a: {  	_ =	shalt  }
0x4b: {  	_ =	shalt  }
0x4c: {  	_ =	shalt  }
0x4d: {  	_ =	shalt  }
0x4e: {  	_ =	shalt  }
0x4f: {  	_ =	shalt  }
0x50: {  	_ =	shalt  }
0x51: {  	_ =	shalt  }
0x52: {  	_ =	shalt  }
0x53: {  	_ =	shalt  }
0x54: {  	_ =	shalt  }
0x55: {  	_ =	shalt  }
0x56: {  	_ =	shalt  }
0x57: {  	_ =	shalt  }
0x58: {  	_ =	shalt  }
0x59: {  	_ =	shalt  }
0x5a: {  	_ =	shalt  }
0x5b: {  	_ =	shalt  }
0x5c: {  	_ =	shalt  }
0x5d: {  	_ =	shalt  }
0x5e: {  	_ =	shalt  }
0x5f: {  	_ =	shalt  }
0x60: {  	_ =	shalt  }
0x61: {  	_ =	shalt  }
0x62: {  	_ =	shalt  }
0x63: {  	_ =	shalt  }
0x64: {  	_ =	shalt  }
0x65: {  	_ =	shalt  }
0x66: {  	_ =	shalt  }
0x67: {  	_ =	shalt  }
0x68: {  	_ =	shalt  }
0x69: {  	_ =	shalt  }
0x6a: {  	_ =	shalt  }
0x6b: {  	_ =	shalt  }
0x6c: {  	_ =	shalt  }
0x6d: {  	_ =	shalt  }
0x6e: {  	_ =	shalt  }
0x6f: {  	_ =	shalt  }
0x70: {  	_ =	shalt  }
0x71: {  	_ =	shalt  }
0x72: {  	_ =	shalt  }
0x73: {  	_ =	shalt  }
0x74: {  	_ =	shalt  }
0x75: {  	_ =	shalt  }
0x76: {  	_ =	shalt  }
0x77: {  	_ =	shalt  }
0x78: {  	_ =	shalt  }
0x79: {  	_ =	shalt  }
0x7a: {  	_ =	shalt  }
0x7b: {  	_ =	shalt  }
0x7c: {  	_ =	shalt  }
0x7d: {  	_ =	shalt  }
0x7e: {  	_ =	shalt  }
0x7f: {  	_ =	shalt  }
0x80: {  	_ =	shalt  }
0x81: {  	_ =	shalt  }
0x82: {  	_ =	shalt  }
0x83: {  	_ =	shalt  }
0x84: {  	_ =	shalt  }
0x85: {  	_ =	shalt  }
0x86: {  	_ =	shalt  }
0x87: {  	_ =	shalt  }
.Lfunc_end0:
.L_simem_size_0:
called_computation_lowered:
.L_overlay_start_0:
0x88: {  	s2 =	sld [smem:$0x3FD9]  }
0x89: {  	s3 =	sld [smem:$0x3FFE];
	_ =	sdelay $0x1  }
0x8a: {  	s1 =	srdreg.scid  }
0x8b: {  	s0 =	sand.u32 $0x1, s1  }
0x8c: {  	s14 =	sshll.u32 s0, $0xA;
	s2 =	sadd.s32 s3, s2  }
0x8d: {  	s2 =	sadd.s32 s2, s14  }
0x8e: {  	[smem:$0x3FBB] =	sst s2  }
0x8f: {  	_ = 	snop  }
0x90: {  	s2 =	sld [smem:$0x3FD0];
	_ =	sdelay $0x2  }
0x91: {  	s15 =	simm.s32 $0xA;
	s4 =	simm.s32 $0x10  }
0x92: {  	[smem:s4], [sflag:s15] =	dma.local [hbm:s2], $0x1  }
0x93: {  	_ =	swait.eq [sflag:s15], $0x1  }
0x94: {  	[sflag:s15] =	ssyncset.done $0x0  }
0x95: {  	[sflag:s15] =	ssyncadd.s32 $0xFFFFFFFF  }
0x96: {  	s16 =	sld [smem:$0x11];
	(tm) =	ssettm $0x1  }
0x97: {  	s17 =	sld [smem:$0x3FFB];
	_ =	sdelay $0x3  }
0x98: {  	_ =	strace s17  }
0x99: {  	s3 =	sld [smem:$0x3FFC];
	_ =	sdelay $0x3  }
0x9a: {  	_ =	strace s3  }
0x9b: {  	s3 =	sld [smem:$0x3FFD];
	_ =	sdelay $0x3  }
0x9c: {  	_ =	strace s3  }
0x9d: {  	_ =	strace $0x8FFFFFFF  }
0x9e: {  	s18 =	sld [smem:$0x3FDB];
	_ =	sdelay $0x1  }
0x9f: {  	s19 =	simm.s32 $_scs_section_size  }
0xa0: {  	s5 =	simm.s32 $_size__tile_overlayer_lowered;
	s6 =	simm.s32 $_tile_overlayer_lowered  }
0xa1: {  	s22 =	simm.s32 $0x1BFF;
	s21 =	sshll.u32 s6, $0x1;
	s3 =	sadd.s32 s19, s18  }
0xa2: {  	s7 =	simm.s32 $0x0;
	s20 =	sshll.u32 s5, $0x1;
	s5 =	sadd.s32 s21, s3  }
0xa3: {  	[timem:s7], [sflag:s22] =	dma.local [hbm:s5], s20  }
0xa4: {  	_ =	swait.ge [sflag:s22], s20  }
0xa5: {  	s4 =	ssub.s32 $0x0, s20;
	[sflag:s22] =	ssyncset.done $0x0  }
0xa6: {  	[sflag:s22] =	ssyncadd.s32 s4;
	_ =	sdelay $0x1  }
0xa7: {  	s23 =	simm.s32 $0x1B8B  }
0xa8: {  	_ =	swait.ge [sflag:s23], $0x1  }
0xa9: {  	[sflag:s23] =	ssyncset.done $0x0  }
0xaa: {  	s25 =	simm.s32 $0x1B8E;
	s24 =	sld [smem:$0x3FFE];
	[sflag:s23] =	ssyncadd.s32 $0xFFFFFFFF  }
0xab: {  	s26 =	simm.s32 $execute0_lowered;
	[smem:$0x3FD2] =	sst s25  }
0xac: {  	s5 =	sshll.u32 s26, $0x1;
	_ =	strace $0x80000046;
	[dreg:$0x1] =	wrdreg $0xFFFFFFFF  }
0xad: {  	s28 =	simm.s32 $_size_execute0_lowered;
	s3 =	sadd.s32 s3, s5;
	[dreg:$0x0] =	wrdreg $0x0  }
0xae: {  	s5 =	sshll.u32 s28, $0x1;
	[dreg:$0x2] =	wrdreg s3  }
0xaf: {  	[dreg:$0x3] =	wrdreg s5  }
0xb0: {  	[dreg:$0x4] =	wrdreg $0xC0  }
0xb1: {  	_ =	task [dreg:s7], $0x5FFFF  }
0xb2: {  	[dreg:$0x1] =	wrdreg $0xFFFFFFFF  }
0xb3: {  	[dreg:$0x0] =	wrdreg $0x60  }
0xb4: {  	[dreg:$0x2] =	wrdreg s24  }
0xb5: {  	[dreg:$0x3] =	wrdreg s16  }
0xb6: {  	[dreg:$0x4] =	wrdreg $0xC4000  }
0xb7: {  	[dreg:$0x5] =	wrdreg $0x9  }
0xb8: {  	_ =	task.clear_ibuf [dreg:s7], $0x6FFFF;
	_ =	strace $0x90000046  }
0xb9: {  	s29 =	simm.s32 $0x9;
	_ =	strace $0x80000048  }
0xba: {  	_ =	swait.ge [sflag:s29], $0x1  }
0xbb: {  	[sflag:s29] =	ssyncadd.s32 $0xFFFFFFFF  }
0xbc: {  	_ =	strace $0x90000048  }
0xbd: {  	_ =	sfence  }
0xbe: {  	s30 =	sld [smem:$0x0];
	_ =	sdelay $0x2  }
0xbf: {  	s31 =	sshll.u32 s1, $0xD;
	s1 =	sshrl.u32 s1, $0x2  }
0xc0: {  	s3 =	sand.u32 $0x4000, s31;
	s1 =	sadd.s32 s1, s30  }
0xc1: {  	s0 =	sor.u32 s3, s0;
	s1 =	sshll.u32 s1, $0x11  }
0xc2: {  	s0 =	sor.u32 s1, s0  }
0xc3: {  	s0 =	sadd.s32 $0x8F2B, s0  }
0xc4: {  	[sflag:s0] =	ssyncadd.remote.s32 $0x1  }
0xc5: {  	_ =	sfence.sel $0xFFFF  }
0xc6: {  	[dreg:$0x0] =	wrdreg $0xFFFFFFFF;
	(pc) =	sbr.abs _section_cstart, $3  }
0xc7: {  	[dreg:$0x1] =	wrdreg $0xFFFFFFFF  }
0xc8: {  	_ =	task.clear_ibuf [dreg:s7], $0x2FFFF;
	_ =	strace $0x9FFFFFFF  }
0xc9: {  	(tm) =	ssettm $0x7FFFFFFF  }
tec
execute0_lowered:
.L_overlay_start_1:
0x0: {  	(tag) =	ssettag $0x1  }
0x1: {  	s0 =	rddreg [dreg:$0x0]  }
0x2: {  	s1 =	rddreg [dreg:$0x1]  }
0x3: {  	s2 =	rddreg [dreg:$0x2];
	s4 =	simm.s32 $0x0  }
0x4: {  	s3 =	srdreg.scid;
	s17 =	stileid.u32;
	s21 =	simm.s32 $0x7  }
0x5: {  	s22 =	simm.s32 $0x80;
	s28 =	simm.s32 $0x2;
	s30 =	simm.s32 $0x2400  }
0x6: {  	s31 =	simm.s32 $0x6400;
	s19 =	simm.s32 $0x0;
	[smem:$0x7FF] =	sst s4  }
0x7: {  	s3 =	sand.u32 $0x1, s3;
	s8 =	smul.u32 $0x1F400, s17;
	s5 =	sadd.s32 $0x4E5A00, s0  }
0x8: {  	s6 =	sadd.s32 $0x4F9400, s0;
	s10 =	sadd.s32 $0x3A00, s0;
	s11 =	smul.u32 $0x7D000, s17  }
0x9: {  	p0 =	sgt.u32 s17, $0x9;
	s7 =	smul.u32 $0x138800, s3;
	s9 =	sshll.u32 s3, $0x4  }
0xa: {  	_ =	strace $0x80000047;
	[dreg:$0x4] =	wrdreg s10;
	s9 =	sor.u32 s17, s9  }
0xb: {  	s3 =	ssub.s32 $0x2, s3;
	s10 =	simm.s32 $0x6;
	s23 =	smul.u32 $0x5000, s9  }
0xc: {  	s24 =	sshrl.u32 s3, $0x1;
	s11 =	sshrl.u32 s11, $0x2;
	s12 =	smul.u32 $0x14000, s9  }
0xd: {  	s7 =	sadd.s32 s8, s7;
	s3 =	ssub.s32 s3, s24;
	s9 =	smul.u32 $0x1400, s9  }
0xe: {  	s8 =	sadd.s32 s8, s2;
	s24 =	simm.s32 $0x4400;
	s7 =	sshrl.u32 s7, $0x3  }
0xf: {  	s3 =	smax.u32 s3, $0x1;
	s0 =	sadd.s32 s7, s0;
	s25 =	sshrl.u32 s23, $0x3  }
0x10: {  	s7 =	sadd.s32 s11, s2;
	s26 =	sadd.s32 s6, s12;
	s11 =	sor.u32 $0x40, s9  }
0x11: {  	s12 =	sor.u32 $0x80, s9;
	s14 =	sor.u32 $0xC0, s9;
	s15 =	sor.u32 $0x100, s9  }
0x12: {  	s16 =	sor.u32 $0x600, s23;
	[dreg:$0x9] =	wrdreg s3;
	s3 =	simm.s32 $0x5  }
0x13: {  	s9 =	simm.s32 $0x4;
	s13 =	sadd.s32 s1, s25;
	[dreg:$0x6] =	wrdreg s26  }
0x14: {  	s0 =	sadd.s32 $0x7A00, s0;
	[dreg:$0x5] =	wrdreg s13;
	s29 =	sadd.s32 $0x40, s13  }
.Ltmp0:
0x15: {  	[dreg:$0x8] =	wrdreg s0;
	s0 =	sshll.u32 @!p0 s17, $0x6;
	(pc) =	sbr.rel .LBB2_1-.Ltmp0, $4  }
0x16: {  	[dreg:$0x7] =	wrdreg s29;
	s18 =	sor.u32 @!p0 $0x1C07, s0;
	s0 =	sshrl.u32 @!p0 s7, $0x3  }
0x17: {  	s26 =	simm.s32 $0x200;
	s13 =	sor.u32 $0x400, s23;
	[dreg:$0xb] =	wrdreg s0  }
0x18: {  	s23 =	simm.s32 $0x400;
	s0 =	sshrl.u32 @!p0 s8, $0x3;
	[dreg:$0xa] =	wrdreg s18  }
0x19: {  	s7 =	simm.s32 $0x8400;
	[dreg:$0xc] =	wrdreg s0;
	s0 =	simm.s32 $0x3  }
.LBB2_12:
0x1a: {  	[bflag:$0x0] =	sbarrier.arrive $0xFFFF  }
0x1b: {  	s8 =	rddreg [dreg:$0x8]  }
0x1c: {  	s18 =	rddreg [dreg:$0xa]  }
0x1d: {  	s17 =	rddreg [dreg:$0xc]  }
0x1e: {  	[hbm:s8], [sflag:s18] =	dma.local @!p0 [spmem:s17], $0x3E80  }
0x1f: {  	s8 =	simm.s32 @!p0 $0x7  }
0x20: {  	_ =	swait.ge @!p0 [sflag:s8], $0x3E80  }
0x21: {  	s19 =	rddreg [dreg:$0xd]  }
0x22: {  	s29 =	rddreg [dreg:$0x9];
	s19 =	sadd.s32 $0x1, s19  }
0x23: {  	p1 =	sne.s32 s19, s29  }
.Ltmp1:
0x24: {  	_ = 	snop;
	(pc) =	sbr.rel @!p1 .LBB2_13-.Ltmp1, $3  }
0x25: {  	_ =	sdelay $0x1  }
0x26: {  	[sflag:s8] =	ssyncset.done @!p0 $0x0  }
0x27: {  	[sflag:s8] =	ssyncadd.s32 @!p0 $0xFFFFC180  }
.LBB2_1:
0x28: {  	[dreg:$0xd] =	wrdreg s19  }
0x29: {  	s8 =	rddreg [dreg:$0x4]  }
0x2a: {  	s17 =	rddreg [dreg:$0xb]  }
0x2b: {  	[spmem:s17], [sflag:s18] =	dma.local @!p0 [hbm:s8], $0x3E80  }
0x2c: {  	s8 =	simm.s32 @!p0 $0x7  }
0x2d: {  	_ =	swait.ge @!p0 [sflag:s8], $0x3E80  }
0x2e: {  	[sflag:s8] =	ssyncset.done @!p0 $0x0  }
0x2f: {  	[sflag:s8] =	ssyncadd.s32 @!p0 $0xFFFFC180  }
0x30: {  	[bflag:$0x0] =	sbarrier.arrive $0xFFFF  }
0x31: {  	s20 =	rddreg [dreg:$0x5]  }
0x32: {  	[tilespmem:s4], [sflag:$0x7] =	stream.linear.gather [hbm4b:s20+s4], $0x200, $0x38;
	[tilespmem:$0x1FC80] =	vst v63  }
0x33: {  	_ =	swait.ge [sflag:s21], $0x200  }
0x34: {  	[sflag:s21] =	ssyncset.done $0x0  }
0x35: {  	[sflag:s21] =	ssyncadd.s32 $0xFFFFFE00  }
0x36: {  	[tilespmem:s23], [sflag:$0x3] =	stream.indirect.gather [hbm4b:s5+s22], $0x40, s4, s22, $0xb8;
	[tilespmem:$0x1FC80] =	vst v63  }
0x37: {  	s25 =	rddreg [dreg:$0x6]  }
0x38: {  	[tilespmem:s24], [sflag:$0x5] =	stream.linear.gather [hbm4b:s25+s4], $0x2000, $0x38;
	[tilespmem:$0x1FC80] =	vst v63  }
0x39: {  	s19 =	simm.s32 $0x0;
	s29 =	rddreg [dreg:$0x7]  }
0x3a: {  	[tilespmem:s26], [sflag:$0x2] =	stream.linear.gather [hbm4b:s29+s4], $0x200, $0x38;
	[tilespmem:$0x1FC80] =	vst v63  }
.LBB2_2:
0x3b: {  	_ =	swait.ge [sflag:s28], $0x200  }
0x3c: {  	s8 =	sshll.u32 s19, $0x8;
	[sflag:s28] =	ssyncset.done $0x0  }
0x3d: {  	s17 =	simm.s32 $0x100;
	s25 =	sadd.s32 s8, s11;
	[sflag:s28] =	ssyncadd.s32 $0xFFFFFE00  }
0x3e: {  	[tilespmem:s30], [sflag:$0x4] =	stream.indirect.gather [hbm4b:s5+s22], $0x40, s17, s22, $0xb8;
	[tilespmem:$0x1FC80] =	vst v63  }
0x3f: {  	s17 =	sshll.u32 s25, $0x4  }
0x40: {  	s17 =	sand.u32 $0x1FFFF400, s17  }
0x41: {  	s18 =	simm.s32 $0x0;
	s17 =	sadd.s32 s6, s17  }
0x42: {  	[tilespmem:s31], [sflag:$0x6] =	stream.linear.gather [hbm4b:s17+s18], $0x2000, $0x38;
	[tilespmem:$0x1FC80] =	vst v63  }
0x43: {  	_ =	swait.ge [sflag:s0], $0x2000  }
0x44: {  	[sflag:s0] =	ssyncset.done $0x0  }
0x45: {  	[sflag:s0] =	ssyncadd.s32 $0xFFFFE000  }
0x46: {  	_ =	swait.ge [sflag:s3], $0x2000  }
0x47: {  	[sflag:s3] =	ssyncset.done $0x0  }
0x48: {  	s29 =	simm.s32 $0x0;
	[sflag:s3] =	ssyncadd.s32 $0xFFFFE000  }
0x49: {  	v0 =	vld [tilespmem:s29+$0x400]  }
0x4a: {  	v1 =	vld [tilespmem:s29+$0x4400];
	_ =	sdelay $0x4  }
0x4b: {  	v2 =	vunpack.i.l.bf16.f32 v0;
	v3 =	vunpack.i.l.bf16.f32 v1  }
0x4c: {  	v0 =	vunpack.i.u.bf16.f32 v0;
	v1 =	vunpack.i.u.bf16.f32 v1;
	v2 =	vmul.f32 v3, v2  }
0x4d: {  	s17 =	simm.s32 $0x8480;
	v0 =	vmul.f32 v1, v0  }
0x4e: {  	[tilespmem:s17+$0xFFFFFF80] =	vst v2  }
0x4f: {  	[tilespmem:s17+$0xFFFFFFC0] =	vst v0  }
0x50: {  	v0 =	vld [tilespmem:s29+$0x410]  }
0x51: {  	v1 =	vld [tilespmem:s29+$0x4410];
	_ =	sdelay $0x4  }
0x52: {  	v2 =	vunpack.i.l.bf16.f32 v0;
	v3 =	vunpack.i.l.bf16.f32 v1  }
0x53: {  	v0 =	vunpack.i.u.bf16.f32 v0;
	v1 =	vunpack.i.u.bf16.f32 v1;
	v2 =	vmul.f32 v3, v2  }
0x54: {  	v0 =	vmul.f32 v1, v0  }
0x55: {  	[tilespmem:s17+$0xFFFFFF90] =	vst v2  }
0x56: {  	[tilespmem:s17+$0xFFFFFFD0] =	vst v0  }
0x57: {  	v0 =	vld [tilespmem:s29+$0x420]  }
0x58: {  	v1 =	vld [tilespmem:s29+$0x4420];
	_ =	sdelay $0x4  }
0x59: {  	v2 =	vunpack.i.l.bf16.f32 v0;
	v3 =	vunpack.i.l.bf16.f32 v1  }
0x5a: {  	v0 =	vunpack.i.u.bf16.f32 v0;
	v1 =	vunpack.i.u.bf16.f32 v1;
	v2 =	vmul.f32 v3, v2  }
0x5b: {  	v0 =	vmul.f32 v1, v0  }
0x5c: {  	[tilespmem:s17+$0xFFFFFFA0] =	vst v2  }
0x5d: {  	[tilespmem:s17+$0xFFFFFFE0] =	vst v0  }
0x5e: {  	v0 =	vld [tilespmem:s29+$0x430]  }
0x5f: {  	v1 =	vld [tilespmem:s29+$0x4430];
	_ =	sdelay $0x4  }
0x60: {  	v2 =	vunpack.i.l.bf16.f32 v0;
	v3 =	vunpack.i.l.bf16.f32 v1  }
0x61: {  	v0 =	vunpack.i.u.bf16.f32 v0;
	v1 =	vunpack.i.u.bf16.f32 v1;
	v2 =	vmul.f32 v3, v2  }
0x62: {  	v0 =	vmul.f32 v1, v0  }
0x63: {  	[tilespmem:s17+$0xFFFFFFB0] =	vst v2  }
0x64: {  	[tilespmem:s17+$0xFFFFFFF0] =	vst v0  }
0x65: {  	v0 =	vld [tilespmem:s29+$0x440]  }
0x66: {  	v1 =	vld [tilespmem:s29+$0x4440];
	_ =	sdelay $0x4  }
0x67: {  	v2 =	vunpack.i.l.bf16.f32 v0;
	v3 =	vunpack.i.l.bf16.f32 v1  }
0x68: {  	v0 =	vunpack.i.u.bf16.f32 v0;
	v1 =	vunpack.i.u.bf16.f32 v1;
	v2 =	vmul.f32 v3, v2  }
0x69: {  	v0 =	vmul.f32 v1, v0  }
0x6a: {  	[tilespmem:s17+$0x0] =	vst v2  }
0x6b: {  	[tilespmem:s17+$0x40] =	vst v0  }
0x6c: {  	v0 =	vld [tilespmem:s29+$0x450]  }
0x6d: {  	v1 =	vld [tilespmem:s29+$0x4450];
	_ =	sdelay $0x4  }
0x6e: {  	v2 =	vunpack.i.l.bf16.f32 v0;
	v3 =	vunpack.i.l.bf16.f32 v1  }
0x6f: {  	v0 =	vunpack.i.u.bf16.f32 v0;
	v1 =	vunpack.i.u.bf16.f32 v1;
	v2 =	vmul.f32 v3, v2  }
0x70: {  	v0 =	vmul.f32 v1, v0  }
0x71: {  	[tilespmem:s17+$0x10] =	vst v2  }
0x72: {  	[tilespmem:s17+$0x50] =	vst v0  }
0x73: {  	v1 =	vld [tilespmem:s29+$0x460]  }
0x74: {  	s20 =	simm.s32 $0x200;
	s18 =	simm.s32 $0x8480;
	v0 =	vld [tilespmem:s29+$0x4460]  }
.LBB2_3:
0x75: {  	_ =	sdelay $0x1  }
0x76: {  	p1 =	sne.s32 s20, $0x7E00  }
0x77: {  	s17 =	sadd.s32 $0x100, s17;
	s25 =	smov.u32 s20;
	s20 =	sadd.s32 $0x200, s20;
	v2 =	vunpack.i.u.bf16.f32 v1;
	v1 =	vunpack.i.l.bf16.f32 v1  }
0x78: {  	v3 =	vunpack.i.u.bf16.f32 v0;
	v0 =	vunpack.i.l.bf16.f32 v0  }
0x79: {  	v0 =	vmul.f32 v0, v1;
	v1 =	vmul.f32 v3, v2;
	_ =	sdelay $0x1  }
0x7a: {  	[tilespmem:s18+$0x20] =	vst v0  }
0x7b: {  	[tilespmem:s18+$0x60] =	vst v1  }
0x7c: {  	v0 =	vld [tilespmem:s29+$0x470]  }
0x7d: {  	v1 =	vld [tilespmem:s29+$0x4470];
	_ =	sdelay $0x3  }
0x7e: {  	v2 =	vunpack.i.u.bf16.f32 v0;
	v0 =	vunpack.i.l.bf16.f32 v0  }
0x7f: {  	v3 =	vunpack.i.u.bf16.f32 v1;
	v1 =	vunpack.i.l.bf16.f32 v1  }
0x80: {  	v0 =	vmul.f32 v1, v0;
	v1 =	vmul.f32 v3, v2;
	_ =	sdelay $0x1  }
0x81: {  	[tilespmem:s18+$0x30] =	vst v0  }
0x82: {  	s29 =	sshra.s32 s25, $0x2;
	[tilespmem:s18+$0x70] =	vst v1;
	s18 =	smov.u32 s17  }
0x83: {  	v0 =	vld [tilespmem:s29+$0x400]  }
0x84: {  	v1 =	vld [tilespmem:s29+$0x4400];
	_ =	sdelay $0x3  }
0x85: {  	v2 =	vunpack.i.u.bf16.f32 v0;
	v0 =	vunpack.i.l.bf16.f32 v0  }
0x86: {  	v3 =	vunpack.i.u.bf16.f32 v1;
	v1 =	vunpack.i.l.bf16.f32 v1  }
0x87: {  	v0 =	vmul.f32 v1, v0;
	v1 =	vmul.f32 v3, v2;
	_ =	sdelay $0x1  }
0x88: {  	[tilespmem:s17+$0xFFFFFF80] =	vst v0  }
0x89: {  	[tilespmem:s17+$0xFFFFFFC0] =	vst v1  }
0x8a: {  	v0 =	vld [tilespmem:s29+$0x410]  }
0x8b: {  	v1 =	vld [tilespmem:s29+$0x4410];
	_ =	sdelay $0x3  }
0x8c: {  	v2 =	vunpack.i.u.bf16.f32 v0;
	v0 =	vunpack.i.l.bf16.f32 v0  }
0x8d: {  	v3 =	vunpack.i.u.bf16.f32 v1;
	v1 =	vunpack.i.l.bf16.f32 v1  }
0x8e: {  	v0 =	vmul.f32 v1, v0;
	v1 =	vmul.f32 v3, v2;
	_ =	sdelay $0x1  }
0x8f: {  	[tilespmem:s17+$0xFFFFFF90] =	vst v0  }
0x90: {  	[tilespmem:s17+$0xFFFFFFD0] =	vst v1  }
0x91: {  	v0 =	vld [tilespmem:s29+$0x420]  }
0x92: {  	v1 =	vld [tilespmem:s29+$0x4420];
	_ =	sdelay $0x3  }
0x93: {  	v2 =	vunpack.i.u.bf16.f32 v0;
	v0 =	vunpack.i.l.bf16.f32 v0  }
0x94: {  	v3 =	vunpack.i.u.bf16.f32 v1;
	v1 =	vunpack.i.l.bf16.f32 v1  }
0x95: {  	v0 =	vmul.f32 v1, v0;
	v1 =	vmul.f32 v3, v2;
	_ =	sdelay $0x1  }
0x96: {  	[tilespmem:s17+$0xFFFFFFA0] =	vst v0  }
0x97: {  	[tilespmem:s17+$0xFFFFFFE0] =	vst v1  }
0x98: {  	v0 =	vld [tilespmem:s29+$0x430]  }
0x99: {  	v1 =	vld [tilespmem:s29+$0x4430];
	_ =	sdelay $0x3  }
0x9a: {  	v2 =	vunpack.i.u.bf16.f32 v0;
	v0 =	vunpack.i.l.bf16.f32 v0  }
0x9b: {  	v3 =	vunpack.i.u.bf16.f32 v1;
	v1 =	vunpack.i.l.bf16.f32 v1  }
0x9c: {  	v0 =	vmul.f32 v1, v0;
	v1 =	vmul.f32 v3, v2;
	_ =	sdelay $0x1  }
0x9d: {  	[tilespmem:s17+$0xFFFFFFB0] =	vst v0  }
0x9e: {  	[tilespmem:s17+$0xFFFFFFF0] =	vst v1  }
0x9f: {  	v0 =	vld [tilespmem:s29+$0x440]  }
0xa0: {  	v1 =	vld [tilespmem:s29+$0x4440];
	_ =	sdelay $0x3  }
0xa1: {  	v2 =	vunpack.i.u.bf16.f32 v0;
	v0 =	vunpack.i.l.bf16.f32 v0  }
0xa2: {  	v3 =	vunpack.i.u.bf16.f32 v1;
	v1 =	vunpack.i.l.bf16.f32 v1  }
0xa3: {  	v0 =	vmul.f32 v1, v0;
	v1 =	vmul.f32 v3, v2;
	_ =	sdelay $0x1  }
0xa4: {  	[tilespmem:s17+$0x0] =	vst v0  }
0xa5: {  	[tilespmem:s17+$0x40] =	vst v1  }
0xa6: {  	v0 =	vld [tilespmem:s29+$0x450]  }
0xa7: {  	v1 =	vld [tilespmem:s29+$0x4450];
	_ =	sdelay $0x3  }
0xa8: {  	v2 =	vunpack.i.u.bf16.f32 v0;
	v0 =	vunpack.i.l.bf16.f32 v0  }
0xa9: {  	v3 =	vunpack.i.u.bf16.f32 v1;
	v1 =	vunpack.i.l.bf16.f32 v1  }
0xaa: {  	v0 =	vmul.f32 v1, v0;
	v1 =	vmul.f32 v3, v2  }
.Ltmp2:
0xab: {  	(pc) =	sbr.rel @p1 .LBB2_3-.Ltmp2, $4  }
0xac: {  	[tilespmem:s17+$0x10] =	vst v0  }
0xad: {  	[tilespmem:s17+$0x50] =	vst v1  }
0xae: {  	v1 =	vld [tilespmem:s29+$0x460]  }
0xaf: {  	v0 =	vld [tilespmem:s29+$0x4460]  }
0xb0: {  	_ =	sdelay $0x3  }
0xb1: {  	v2 =	vunpack.i.l.bf16.f32 v1;
	v3 =	vunpack.i.l.bf16.f32 v0  }
0xb2: {  	v1 =	vunpack.i.u.bf16.f32 v1;
	v0 =	vunpack.i.u.bf16.f32 v0;
	v2 =	vmul.f32 v3, v2  }
0xb3: {  	v0 =	vmul.f32 v0, v1  }
0xb4: {  	[tilespmem:s18+$0x20] =	vst v2  }
0xb5: {  	[tilespmem:s18+$0x60] =	vst v0  }
0xb6: {  	v0 =	vld [tilespmem:s29+$0x470]  }
0xb7: {  	v1 =	vld [tilespmem:s29+$0x4470];
	_ =	sdelay $0x4  }
0xb8: {  	v2 =	vunpack.i.l.bf16.f32 v0;
	v3 =	vunpack.i.l.bf16.f32 v1  }
0xb9: {  	v0 =	vunpack.i.u.bf16.f32 v0;
	v1 =	vunpack.i.u.bf16.f32 v1;
	v2 =	vmul.f32 v3, v2  }
0xba: {  	v0 =	vmul.f32 v1, v0  }
0xbb: {  	[tilespmem:s18+$0x30] =	vst v2  }
0xbc: {  	[tilespmem:s18+$0x70] =	vst v0  }
0xbd: {  	[spmem:s2] =	stream.indirect.scatter.add.f32 [tilespmem:s7], [sflag:$0x7], $0x80, s22, s22, $0xb8;
	[tilespmem:$0x1FC80] =	vst v63  }
0xbe: {  	s17 =	sadd.s32 s8, s12;
	_ =	swait.ge [sflag:s21], $0x4000  }
0xbf: {  	s17 =	sshll.u32 s17, $0x4;
	[sflag:s21] =	ssyncset.done $0x0  }
0xc0: {  	s17 =	sand.u32 $0x1FFFF800, s17;
	[sflag:s21] =	ssyncadd.s32 $0xFFFFC000  }
0xc1: {  	[tilespmem:s23], [sflag:$0x3] =	stream.indirect.gather [hbm4b:s5+s22], $0x40, s26, s22, $0xb8;
	[tilespmem:$0x1FC80] =	vst v63  }
0xc2: {  	s25 =	simm.s32 $0x0;
	s17 =	sadd.s32 s6, s17  }
0xc3: {  	[tilespmem:s24], [sflag:$0x5] =	stream.linear.gather [hbm4b:s17+s25], $0x2000, $0x38;
	[tilespmem:$0x1FC80] =	vst v63  }
0xc4: {  	_ =	swait.ge [sflag:s9], $0x2000  }
0xc5: {  	[sflag:s9] =	ssyncset.done $0x0  }
0xc6: {  	[sflag:s9] =	ssyncadd.s32 $0xFFFFE000  }
0xc7: {  	_ =	swait.ge [sflag:s10], $0x2000  }
0xc8: {  	[sflag:s10] =	ssyncset.done $0x0  }
0xc9: {  	s29 =	simm.s32 $0x0;
	[sflag:s10] =	ssyncadd.s32 $0xFFFFE000  }
0xca: {  	v0 =	vld [tilespmem:s29+$0x2400]  }
0xcb: {  	v1 =	vld [tilespmem:s29+$0x6400];
	_ =	sdelay $0x4  }
0xcc: {  	v2 =	vunpack.i.l.bf16.f32 v0;
	v3 =	vunpack.i.l.bf16.f32 v1  }
0xcd: {  	v0 =	vunpack.i.u.bf16.f32 v0;
	v1 =	vunpack.i.u.bf16.f32 v1;
	v2 =	vmul.f32 v3, v2  }
0xce: {  	s17 =	simm.s32 $0x8480;
	v0 =	vmul.f32 v1, v0  }
0xcf: {  	[tilespmem:s17+$0xFFFFFF80] =	vst v2  }
0xd0: {  	[tilespmem:s17+$0xFFFFFFC0] =	vst v0  }
0xd1: {  	v0 =	vld [tilespmem:s29+$0x2410]  }
0xd2: {  	v1 =	vld [tilespmem:s29+$0x6410];
	_ =	sdelay $0x4  }
0xd3: {  	v2 =	vunpack.i.l.bf16.f32 v0;
	v3 =	vunpack.i.l.bf16.f32 v1  }
0xd4: {  	v0 =	vunpack.i.u.bf16.f32 v0;
	v1 =	vunpack.i.u.bf16.f32 v1;
	v2 =	vmul.f32 v3, v2  }
0xd5: {  	v0 =	vmul.f32 v1, v0  }
0xd6: {  	[tilespmem:s17+$0xFFFFFF90] =	vst v2  }
0xd7: {  	[tilespmem:s17+$0xFFFFFFD0] =	vst v0  }
0xd8: {  	v0 =	vld [tilespmem:s29+$0x2420]  }
0xd9: {  	v1 =	vld [tilespmem:s29+$0x6420];
	_ =	sdelay $0x4  }
0xda: {  	v2 =	vunpack.i.l.bf16.f32 v0;
	v3 =	vunpack.i.l.bf16.f32 v1  }
0xdb: {  	v0 =	vunpack.i.u.bf16.f32 v0;
	v1 =	vunpack.i.u.bf16.f32 v1;
	v2 =	vmul.f32 v3, v2  }
0xdc: {  	v0 =	vmul.f32 v1, v0  }
0xdd: {  	[tilespmem:s17+$0xFFFFFFA0] =	vst v2  }
0xde: {  	[tilespmem:s17+$0xFFFFFFE0] =	vst v0  }
0xdf: {  	v0 =	vld [tilespmem:s29+$0x2430]  }
0xe0: {  	v1 =	vld [tilespmem:s29+$0x6430];
	_ =	sdelay $0x4  }
0xe1: {  	v2 =	vunpack.i.l.bf16.f32 v0;
	v3 =	vunpack.i.l.bf16.f32 v1  }
0xe2: {  	v0 =	vunpack.i.u.bf16.f32 v0;
	v1 =	vunpack.i.u.bf16.f32 v1;
	v2 =	vmul.f32 v3, v2  }
0xe3: {  	v0 =	vmul.f32 v1, v0  }
0xe4: {  	[tilespmem:s17+$0xFFFFFFB0] =	vst v2  }
0xe5: {  	[tilespmem:s17+$0xFFFFFFF0] =	vst v0  }
0xe6: {  	v0 =	vld [tilespmem:s29+$0x2440]  }
0xe7: {  	v1 =	vld [tilespmem:s29+$0x6440];
	_ =	sdelay $0x4  }
0xe8: {  	v2 =	vunpack.i.l.bf16.f32 v0;
	v3 =	vunpack.i.l.bf16.f32 v1  }
0xe9: {  	v0 =	vunpack.i.u.bf16.f32 v0;
	v1 =	vunpack.i.u.bf16.f32 v1;
	v2 =	vmul.f32 v3, v2  }
0xea: {  	v0 =	vmul.f32 v1, v0  }
0xeb: {  	[tilespmem:s17+$0x0] =	vst v2  }
0xec: {  	[tilespmem:s17+$0x40] =	vst v0  }
0xed: {  	v0 =	vld [tilespmem:s29+$0x2450]  }
0xee: {  	v1 =	vld [tilespmem:s29+$0x6450];
	_ =	sdelay $0x4  }
0xef: {  	v2 =	vunpack.i.l.bf16.f32 v0;
	v3 =	vunpack.i.l.bf16.f32 v1  }
0xf0: {  	v0 =	vunpack.i.u.bf16.f32 v0;
	v1 =	vunpack.i.u.bf16.f32 v1;
	v2 =	vmul.f32 v3, v2  }
0xf1: {  	v0 =	vmul.f32 v1, v0  }
0xf2: {  	[tilespmem:s17+$0x10] =	vst v2  }
0xf3: {  	[tilespmem:s17+$0x50] =	vst v0  }
0xf4: {  	v1 =	vld [tilespmem:s29+$0x2460]  }
0xf5: {  	s20 =	simm.s32 $0x200;
	s18 =	simm.s32 $0x8480;
	v0 =	vld [tilespmem:s29+$0x6460]  }
.LBB2_5:
0xf6: {  	_ =	sdelay $0x1  }
0xf7: {  	p1 =	sne.s32 s20, $0x7E00  }
0xf8: {  	s17 =	sadd.s32 $0x100, s17;
	s25 =	smov.u32 s20;
	s20 =	sadd.s32 $0x200, s20;
	v2 =	vunpack.i.u.bf16.f32 v1;
	v1 =	vunpack.i.l.bf16.f32 v1  }
0xf9: {  	v3 =	vunpack.i.u.bf16.f32 v0;
	v0 =	vunpack.i.l.bf16.f32 v0  }
0xfa: {  	v0 =	vmul.f32 v0, v1;
	v1 =	vmul.f32 v3, v2;
	_ =	sdelay $0x1  }
0xfb: {  	[tilespmem:s18+$0x20] =	vst v0  }
0xfc: {  	[tilespmem:s18+$0x60] =	vst v1  }
0xfd: {  	v0 =	vld [tilespmem:s29+$0x2470]  }
0xfe: {  	v1 =	vld [tilespmem:s29+$0x6470];
	_ =	sdelay $0x3  }
0xff: {  	v2 =	vunpack.i.u.bf16.f32 v0;
	v0 =	vunpack.i.l.bf16.f32 v0  }
0x100: {  	v3 =	vunpack.i.u.bf16.f32 v1;
	v1 =	vunpack.i.l.bf16.f32 v1  }
0x101: {  	v0 =	vmul.f32 v1, v0;
	v1 =	vmul.f32 v3, v2;
	_ =	sdelay $0x1  }
0x102: {  	[tilespmem:s18+$0x30] =	vst v0  }
0x103: {  	s29 =	sshra.s32 s25, $0x2;
	[tilespmem:s18+$0x70] =	vst v1;
	s18 =	smov.u32 s17  }
0x104: {  	v0 =	vld [tilespmem:s29+$0x2400]  }
0x105: {  	v1 =	vld [tilespmem:s29+$0x6400];
	_ =	sdelay $0x3  }
0x106: {  	v2 =	vunpack.i.u.bf16.f32 v0;
	v0 =	vunpack.i.l.bf16.f32 v0  }
0x107: {  	v3 =	vunpack.i.u.bf16.f32 v1;
	v1 =	vunpack.i.l.bf16.f32 v1  }
0x108: {  	v0 =	vmul.f32 v1, v0;
	v1 =	vmul.f32 v3, v2;
	_ =	sdelay $0x1  }
0x109: {  	[tilespmem:s17+$0xFFFFFF80] =	vst v0  }
0x10a: {  	[tilespmem:s17+$0xFFFFFFC0] =	vst v1  }
0x10b: {  	v0 =	vld [tilespmem:s29+$0x2410]  }
0x10c: {  	v1 =	vld [tilespmem:s29+$0x6410];
	_ =	sdelay $0x3  }
0x10d: {  	v2 =	vunpack.i.u.bf16.f32 v0;
	v0 =	vunpack.i.l.bf16.f32 v0  }
0x10e: {  	v3 =	vunpack.i.u.bf16.f32 v1;
	v1 =	vunpack.i.l.bf16.f32 v1  }
0x10f: {  	v0 =	vmul.f32 v1, v0;
	v1 =	vmul.f32 v3, v2;
	_ =	sdelay $0x1  }
0x110: {  	[tilespmem:s17+$0xFFFFFF90] =	vst v0  }
0x111: {  	[tilespmem:s17+$0xFFFFFFD0] =	vst v1  }
0x112: {  	v0 =	vld [tilespmem:s29+$0x2420]  }
0x113: {  	v1 =	vld [tilespmem:s29+$0x6420];
	_ =	sdelay $0x3  }
0x114: {  	v2 =	vunpack.i.u.bf16.f32 v0;
	v0 =	vunpack.i.l.bf16.f32 v0  }
0x115: {  	v3 =	vunpack.i.u.bf16.f32 v1;
	v1 =	vunpack.i.l.bf16.f32 v1  }
0x116: {  	v0 =	vmul.f32 v1, v0;
	v1 =	vmul.f32 v3, v2;
	_ =	sdelay $0x1  }
0x117: {  	[tilespmem:s17+$0xFFFFFFA0] =	vst v0  }
0x118: {  	[tilespmem:s17+$0xFFFFFFE0] =	vst v1  }
0x119: {  	v0 =	vld [tilespmem:s29+$0x2430]  }
0x11a: {  	v1 =	vld [tilespmem:s29+$0x6430];
	_ =	sdelay $0x3  }
0x11b: {  	v2 =	vunpack.i.u.bf16.f32 v0;
	v0 =	vunpack.i.l.bf16.f32 v0  }
0x11c: {  	v3 =	vunpack.i.u.bf16.f32 v1;
	v1 =	vunpack.i.l.bf16.f32 v1  }
0x11d: {  	v0 =	vmul.f32 v1, v0;
	v1 =	vmul.f32 v3, v2;
	_ =	sdelay $0x1  }
0x11e: {  	[tilespmem:s17+$0xFFFFFFB0] =	vst v0  }
0x11f: {  	[tilespmem:s17+$0xFFFFFFF0] =	vst v1  }
0x120: {  	v0 =	vld [tilespmem:s29+$0x2440]  }
0x121: {  	v1 =	vld [tilespmem:s29+$0x6440];
	_ =	sdelay $0x3  }
0x122: {  	v2 =	vunpack.i.u.bf16.f32 v0;
	v0 =	vunpack.i.l.bf16.f32 v0  }
0x123: {  	v3 =	vunpack.i.u.bf16.f32 v1;
	v1 =	vunpack.i.l.bf16.f32 v1  }
0x124: {  	v0 =	vmul.f32 v1, v0;
	v1 =	vmul.f32 v3, v2;
	_ =	sdelay $0x1  }
0x125: {  	[tilespmem:s17+$0x0] =	vst v0  }
0x126: {  	[tilespmem:s17+$0x40] =	vst v1  }
0x127: {  	v0 =	vld [tilespmem:s29+$0x2450]  }
0x128: {  	v1 =	vld [tilespmem:s29+$0x6450];
	_ =	sdelay $0x3  }
0x129: {  	v2 =	vunpack.i.u.bf16.f32 v0;
	v0 =	vunpack.i.l.bf16.f32 v0  }
0x12a: {  	v3 =	vunpack.i.u.bf16.f32 v1;
	v1 =	vunpack.i.l.bf16.f32 v1  }
0x12b: {  	v0 =	vmul.f32 v1, v0;
	v1 =	vmul.f32 v3, v2  }
.Ltmp3:
0x12c: {  	(pc) =	sbr.rel @p1 .LBB2_5-.Ltmp3, $4  }
0x12d: {  	[tilespmem:s17+$0x10] =	vst v0  }
0x12e: {  	[tilespmem:s17+$0x50] =	vst v1  }
0x12f: {  	v1 =	vld [tilespmem:s29+$0x2460]  }
0x130: {  	v0 =	vld [tilespmem:s29+$0x6460]  }
0x131: {  	_ =	sdelay $0x3  }
0x132: {  	v2 =	vunpack.i.l.bf16.f32 v1;
	v3 =	vunpack.i.l.bf16.f32 v0  }
0x133: {  	v1 =	vunpack.i.u.bf16.f32 v1;
	v0 =	vunpack.i.u.bf16.f32 v0;
	v2 =	vmul.f32 v3, v2  }
0x134: {  	v0 =	vmul.f32 v0, v1  }
0x135: {  	[tilespmem:s18+$0x20] =	vst v2  }
0x136: {  	[tilespmem:s18+$0x60] =	vst v0  }
0x137: {  	v0 =	vld [tilespmem:s29+$0x2470]  }
0x138: {  	v1 =	vld [tilespmem:s29+$0x6470];
	_ =	sdelay $0x4  }
0x139: {  	v2 =	vunpack.i.l.bf16.f32 v0;
	v3 =	vunpack.i.l.bf16.f32 v1  }
0x13a: {  	v0 =	vunpack.i.u.bf16.f32 v0;
	v1 =	vunpack.i.u.bf16.f32 v1;
	v2 =	vmul.f32 v3, v2  }
0x13b: {  	v0 =	vmul.f32 v1, v0  }
0x13c: {  	[tilespmem:s18+$0x30] =	vst v2  }
0x13d: {  	s17 =	simm.s32 $0x180;
	p1 =	seq.s32 s19, $0x13;
	[tilespmem:s18+$0x70] =	vst v0  }
0x13e: {  	[spmem:s2] =	stream.indirect.scatter.add.f32 [tilespmem:s7], [sflag:$0x7], $0x80, s17, s22, $0xb8;
	[tilespmem:$0x1FC80] =	vst v63  }
0x13f: {  	s17 =	sshll.u32 @!p1 s19, $0xA  }
0x140: {  	_ =	swait.ge [sflag:s21], $0x4000;
	s17 =	sadd.s32 @!p1 s17, s13  }
0x141: {  	s20 =	sadd.s32 s8, s14;
	[sflag:s21] =	ssyncset.done $0x0;
	s17 =	sshrl.u32 @!p1 s17, $0x3  }
0x142: {  	s18 =	simm.s32 @!p1 $0x0;
	[sflag:s21] =	ssyncadd.s32 $0xFFFFC000;
	s17 =	sadd.s32 @!p1 s1, s17  }
0x143: {  	[tilespmem:s18], [sflag:$0x1] =	stream.linear.gather @!p1 [hbm4b:s17+s18], $0x200, $0x38;
	[tilespmem:$0x1FC80] =	vst v63  }
0x144: {  	s17 =	sshll.u32 s20, $0x4  }
0x145: {  	s18 =	simm.s32 $0x300;
	s17 =	sand.u32 $0x1FFFFC00, s17  }
0x146: {  	[tilespmem:s30], [sflag:$0x4] =	stream.indirect.gather [hbm4b:s5+s22], $0x40, s18, s22, $0xb8;
	[tilespmem:$0x1FC80] =	vst v63  }
0x147: {  	s25 =	simm.s32 $0x0;
	s17 =	sadd.s32 s6, s17  }
0x148: {  	[tilespmem:s31], [sflag:$0x6] =	stream.linear.gather [hbm4b:s17+s25], $0x2000, $0x38;
	[tilespmem:$0x1FC80] =	vst v63  }
0x149: {  	_ =	swait.ge [sflag:s0], $0x2000  }
0x14a: {  	[sflag:s0] =	ssyncset.done $0x0  }
0x14b: {  	[sflag:s0] =	ssyncadd.s32 $0xFFFFE000  }
0x14c: {  	_ =	swait.ge [sflag:s3], $0x2000  }
0x14d: {  	[sflag:s3] =	ssyncset.done $0x0  }
0x14e: {  	s29 =	simm.s32 $0x0;
	[sflag:s3] =	ssyncadd.s32 $0xFFFFE000  }
0x14f: {  	v0 =	vld [tilespmem:s29+$0x400]  }
0x150: {  	v1 =	vld [tilespmem:s29+$0x4400];
	_ =	sdelay $0x4  }
0x151: {  	v2 =	vunpack.i.l.bf16.f32 v0;
	v3 =	vunpack.i.l.bf16.f32 v1  }
0x152: {  	v0 =	vunpack.i.u.bf16.f32 v0;
	v1 =	vunpack.i.u.bf16.f32 v1;
	v2 =	vmul.f32 v3, v2  }
0x153: {  	s17 =	simm.s32 $0x8480;
	v0 =	vmul.f32 v1, v0  }
0x154: {  	[tilespmem:s17+$0xFFFFFF80] =	vst v2  }
0x155: {  	[tilespmem:s17+$0xFFFFFFC0] =	vst v0  }
0x156: {  	v0 =	vld [tilespmem:s29+$0x410]  }
0x157: {  	v1 =	vld [tilespmem:s29+$0x4410];
	_ =	sdelay $0x4  }
0x158: {  	v2 =	vunpack.i.l.bf16.f32 v0;
	v3 =	vunpack.i.l.bf16.f32 v1  }
0x159: {  	v0 =	vunpack.i.u.bf16.f32 v0;
	v1 =	vunpack.i.u.bf16.f32 v1;
	v2 =	vmul.f32 v3, v2  }
0x15a: {  	v0 =	vmul.f32 v1, v0  }
0x15b: {  	[tilespmem:s17+$0xFFFFFF90] =	vst v2  }
0x15c: {  	[tilespmem:s17+$0xFFFFFFD0] =	vst v0  }
0x15d: {  	v0 =	vld [tilespmem:s29+$0x420]  }
0x15e: {  	v1 =	vld [tilespmem:s29+$0x4420];
	_ =	sdelay $0x4  }
0x15f: {  	v2 =	vunpack.i.l.bf16.f32 v0;
	v3 =	vunpack.i.l.bf16.f32 v1  }
0x160: {  	v0 =	vunpack.i.u.bf16.f32 v0;
	v1 =	vunpack.i.u.bf16.f32 v1;
	v2 =	vmul.f32 v3, v2  }
0x161: {  	v0 =	vmul.f32 v1, v0  }
0x162: {  	[tilespmem:s17+$0xFFFFFFA0] =	vst v2  }
0x163: {  	[tilespmem:s17+$0xFFFFFFE0] =	vst v0  }
0x164: {  	v0 =	vld [tilespmem:s29+$0x430]  }
0x165: {  	v1 =	vld [tilespmem:s29+$0x4430];
	_ =	sdelay $0x4  }
0x166: {  	v2 =	vunpack.i.l.bf16.f32 v0;
	v3 =	vunpack.i.l.bf16.f32 v1  }
0x167: {  	v0 =	vunpack.i.u.bf16.f32 v0;
	v1 =	vunpack.i.u.bf16.f32 v1;
	v2 =	vmul.f32 v3, v2  }
0x168: {  	v0 =	vmul.f32 v1, v0  }
0x169: {  	[tilespmem:s17+$0xFFFFFFB0] =	vst v2  }
0x16a: {  	[tilespmem:s17+$0xFFFFFFF0] =	vst v0  }
0x16b: {  	v0 =	vld [tilespmem:s29+$0x440]  }
0x16c: {  	v1 =	vld [tilespmem:s29+$0x4440];
	_ =	sdelay $0x4  }
0x16d: {  	v2 =	vunpack.i.l.bf16.f32 v0;
	v3 =	vunpack.i.l.bf16.f32 v1  }
0x16e: {  	v0 =	vunpack.i.u.bf16.f32 v0;
	v1 =	vunpack.i.u.bf16.f32 v1;
	v2 =	vmul.f32 v3, v2  }
0x16f: {  	v0 =	vmul.f32 v1, v0  }
0x170: {  	[tilespmem:s17+$0x0] =	vst v2  }
0x171: {  	[tilespmem:s17+$0x40] =	vst v0  }
0x172: {  	v0 =	vld [tilespmem:s29+$0x450]  }
0x173: {  	v1 =	vld [tilespmem:s29+$0x4450];
	_ =	sdelay $0x4  }
0x174: {  	v2 =	vunpack.i.l.bf16.f32 v0;
	v3 =	vunpack.i.l.bf16.f32 v1  }
0x175: {  	v0 =	vunpack.i.u.bf16.f32 v0;
	v1 =	vunpack.i.u.bf16.f32 v1;
	v2 =	vmul.f32 v3, v2  }
0x176: {  	v0 =	vmul.f32 v1, v0  }
0x177: {  	[tilespmem:s17+$0x10] =	vst v2  }
0x178: {  	[tilespmem:s17+$0x50] =	vst v0  }
0x179: {  	v1 =	vld [tilespmem:s29+$0x460]  }
0x17a: {  	s20 =	simm.s32 $0x200;
	s18 =	simm.s32 $0x8480;
	v0 =	vld [tilespmem:s29+$0x4460]  }
.LBB2_7:
0x17b: {  	_ =	sdelay $0x1  }
0x17c: {  	p2 =	sne.s32 s20, $0x7E00  }
0x17d: {  	s17 =	sadd.s32 $0x100, s17;
	s25 =	smov.u32 s20;
	s20 =	sadd.s32 $0x200, s20;
	v2 =	vunpack.i.u.bf16.f32 v1;
	v1 =	vunpack.i.l.bf16.f32 v1  }
0x17e: {  	v3 =	vunpack.i.u.bf16.f32 v0;
	v0 =	vunpack.i.l.bf16.f32 v0  }
0x17f: {  	v0 =	vmul.f32 v0, v1;
	v1 =	vmul.f32 v3, v2;
	_ =	sdelay $0x1  }
0x180: {  	[tilespmem:s18+$0x20] =	vst v0  }
0x181: {  	[tilespmem:s18+$0x60] =	vst v1  }
0x182: {  	v0 =	vld [tilespmem:s29+$0x470]  }
0x183: {  	v1 =	vld [tilespmem:s29+$0x4470];
	_ =	sdelay $0x3  }
0x184: {  	v2 =	vunpack.i.u.bf16.f32 v0;
	v0 =	vunpack.i.l.bf16.f32 v0  }
0x185: {  	v3 =	vunpack.i.u.bf16.f32 v1;
	v1 =	vunpack.i.l.bf16.f32 v1  }
0x186: {  	v0 =	vmul.f32 v1, v0;
	v1 =	vmul.f32 v3, v2;
	_ =	sdelay $0x1  }
0x187: {  	[tilespmem:s18+$0x30] =	vst v0  }
0x188: {  	s29 =	sshra.s32 s25, $0x2;
	[tilespmem:s18+$0x70] =	vst v1;
	s18 =	smov.u32 s17  }
0x189: {  	v0 =	vld [tilespmem:s29+$0x400]  }
0x18a: {  	v1 =	vld [tilespmem:s29+$0x4400];
	_ =	sdelay $0x3  }
0x18b: {  	v2 =	vunpack.i.u.bf16.f32 v0;
	v0 =	vunpack.i.l.bf16.f32 v0  }
0x18c: {  	v3 =	vunpack.i.u.bf16.f32 v1;
	v1 =	vunpack.i.l.bf16.f32 v1  }
0x18d: {  	v0 =	vmul.f32 v1, v0;
	v1 =	vmul.f32 v3, v2;
	_ =	sdelay $0x1  }
0x18e: {  	[tilespmem:s17+$0xFFFFFF80] =	vst v0  }
0x18f: {  	[tilespmem:s17+$0xFFFFFFC0] =	vst v1  }
0x190: {  	v0 =	vld [tilespmem:s29+$0x410]  }
0x191: {  	v1 =	vld [tilespmem:s29+$0x4410];
	_ =	sdelay $0x3  }
0x192: {  	v2 =	vunpack.i.u.bf16.f32 v0;
	v0 =	vunpack.i.l.bf16.f32 v0  }
0x193: {  	v3 =	vunpack.i.u.bf16.f32 v1;
	v1 =	vunpack.i.l.bf16.f32 v1  }
0x194: {  	v0 =	vmul.f32 v1, v0;
	v1 =	vmul.f32 v3, v2;
	_ =	sdelay $0x1  }
0x195: {  	[tilespmem:s17+$0xFFFFFF90] =	vst v0  }
0x196: {  	[tilespmem:s17+$0xFFFFFFD0] =	vst v1  }
0x197: {  	v0 =	vld [tilespmem:s29+$0x420]  }
0x198: {  	v1 =	vld [tilespmem:s29+$0x4420];
	_ =	sdelay $0x3  }
0x199: {  	v2 =	vunpack.i.u.bf16.f32 v0;
	v0 =	vunpack.i.l.bf16.f32 v0  }
0x19a: {  	v3 =	vunpack.i.u.bf16.f32 v1;
	v1 =	vunpack.i.l.bf16.f32 v1  }
0x19b: {  	v0 =	vmul.f32 v1, v0;
	v1 =	vmul.f32 v3, v2;
	_ =	sdelay $0x1  }
0x19c: {  	[tilespmem:s17+$0xFFFFFFA0] =	vst v0  }
0x19d: {  	[tilespmem:s17+$0xFFFFFFE0] =	vst v1  }
0x19e: {  	v0 =	vld [tilespmem:s29+$0x430]  }
0x19f: {  	v1 =	vld [tilespmem:s29+$0x4430];
	_ =	sdelay $0x3  }
0x1a0: {  	v2 =	vunpack.i.u.bf16.f32 v0;
	v0 =	vunpack.i.l.bf16.f32 v0  }
0x1a1: {  	v3 =	vunpack.i.u.bf16.f32 v1;
	v1 =	vunpack.i.l.bf16.f32 v1  }
0x1a2: {  	v0 =	vmul.f32 v1, v0;
	v1 =	vmul.f32 v3, v2;
	_ =	sdelay $0x1  }
0x1a3: {  	[tilespmem:s17+$0xFFFFFFB0] =	vst v0  }
0x1a4: {  	[tilespmem:s17+$0xFFFFFFF0] =	vst v1  }
0x1a5: {  	v0 =	vld [tilespmem:s29+$0x440]  }
0x1a6: {  	v1 =	vld [tilespmem:s29+$0x4440];
	_ =	sdelay $0x3  }
0x1a7: {  	v2 =	vunpack.i.u.bf16.f32 v0;
	v0 =	vunpack.i.l.bf16.f32 v0  }
0x1a8: {  	v3 =	vunpack.i.u.bf16.f32 v1;
	v1 =	vunpack.i.l.bf16.f32 v1  }
0x1a9: {  	v0 =	vmul.f32 v1, v0;
	v1 =	vmul.f32 v3, v2;
	_ =	sdelay $0x1  }
0x1aa: {  	[tilespmem:s17+$0x0] =	vst v0  }
0x1ab: {  	[tilespmem:s17+$0x40] =	vst v1  }
0x1ac: {  	v0 =	vld [tilespmem:s29+$0x450]  }
0x1ad: {  	v1 =	vld [tilespmem:s29+$0x4450];
	_ =	sdelay $0x3  }
0x1ae: {  	v2 =	vunpack.i.u.bf16.f32 v0;
	v0 =	vunpack.i.l.bf16.f32 v0  }
0x1af: {  	v3 =	vunpack.i.u.bf16.f32 v1;
	v1 =	vunpack.i.l.bf16.f32 v1  }
0x1b0: {  	v0 =	vmul.f32 v1, v0;
	v1 =	vmul.f32 v3, v2  }
.Ltmp4:
0x1b1: {  	(pc) =	sbr.rel @p2 .LBB2_7-.Ltmp4, $4  }
0x1b2: {  	[tilespmem:s17+$0x10] =	vst v0  }
0x1b3: {  	[tilespmem:s17+$0x50] =	vst v1  }
0x1b4: {  	v1 =	vld [tilespmem:s29+$0x460]  }
0x1b5: {  	v0 =	vld [tilespmem:s29+$0x4460]  }
0x1b6: {  	_ =	sdelay $0x3  }
0x1b7: {  	v2 =	vunpack.i.l.bf16.f32 v1;
	v3 =	vunpack.i.l.bf16.f32 v0  }
0x1b8: {  	v1 =	vunpack.i.u.bf16.f32 v1;
	v0 =	vunpack.i.u.bf16.f32 v0;
	v2 =	vmul.f32 v3, v2  }
0x1b9: {  	v0 =	vmul.f32 v0, v1  }
0x1ba: {  	[tilespmem:s18+$0x20] =	vst v2  }
0x1bb: {  	[tilespmem:s18+$0x60] =	vst v0  }
0x1bc: {  	v0 =	vld [tilespmem:s29+$0x470]  }
0x1bd: {  	v1 =	vld [tilespmem:s29+$0x4470];
	_ =	sdelay $0x4  }
0x1be: {  	v2 =	vunpack.i.l.bf16.f32 v0;
	v3 =	vunpack.i.l.bf16.f32 v1  }
0x1bf: {  	v0 =	vunpack.i.u.bf16.f32 v0;
	v1 =	vunpack.i.u.bf16.f32 v1;
	v2 =	vmul.f32 v3, v2  }
0x1c0: {  	v0 =	vmul.f32 v1, v0  }
0x1c1: {  	[tilespmem:s18+$0x30] =	vst v2  }
0x1c2: {  	s17 =	simm.s32 $0x280;
	[tilespmem:s18+$0x70] =	vst v0  }
0x1c3: {  	[spmem:s2] =	stream.indirect.scatter.add.f32 [tilespmem:s7], [sflag:$0x7], $0x80, s17, s22, $0xb8;
	[tilespmem:$0x1FC80] =	vst v63  }
0x1c4: {  	_ =	swait.ge [sflag:s21], $0x4000  }
0x1c5: {  	[sflag:s21] =	ssyncset.done $0x0  }
0x1c6: {  	s8 =	sadd.s32 @!p1 s8, s15;
	s17 =	simm.s32 @!p1 $0x1;
	[sflag:s21] =	ssyncadd.s32 $0xFFFFC000  }
0x1c7: {  	s8 =	sshll.u32 @!p1 s8, $0x4;
	_ =	swait.ge @!p1 [sflag:s17], $0x200  }
0x1c8: {  	s20 =	simm.s32 @!p1 $0x400;
	s8 =	sand.u32 @!p1 $0x1FFFF000, s8;
	[sflag:s17] =	ssyncset.done @!p1 $0x0  }
0x1c9: {  	s18 =	simm.s32 @!p1 $0x0;
	[sflag:s17] =	ssyncadd.s32 @!p1 $0xFFFFFE00;
	s17 =	simm.s32 @!p1 $0x80  }
0x1ca: {  	[tilespmem:s20], [sflag:$0x3] =	stream.indirect.gather @!p1 [hbm4b:s5+s17], $0x40, s18, s17, $0xb8;
	[tilespmem:$0x1FC80] =	vst v63  }
0x1cb: {  	s8 =	sadd.s32 @!p1 s6, s8;
	s17 =	simm.s32 @!p1 $0x4400  }
0x1cc: {  	[tilespmem:s17], [sflag:$0x5] =	stream.linear.gather @!p1 [hbm4b:s8+s18], $0x2000, $0x38;
	[tilespmem:$0x1FC80] =	vst v63  }
0x1cd: {  	_ =	swait.ge [sflag:s9], $0x2000  }
0x1ce: {  	[sflag:s9] =	ssyncset.done $0x0  }
0x1cf: {  	[sflag:s9] =	ssyncadd.s32 $0xFFFFE000  }
0x1d0: {  	_ =	swait.ge [sflag:s10], $0x2000  }
0x1d1: {  	[sflag:s10] =	ssyncset.done $0x0  }
0x1d2: {  	s8 =	simm.s32 $0x0;
	[sflag:s10] =	ssyncadd.s32 $0xFFFFE000  }
0x1d3: {  	v0 =	vld [tilespmem:s8+$0x2400]  }
0x1d4: {  	v1 =	vld [tilespmem:s8+$0x6400];
	_ =	sdelay $0x4  }
0x1d5: {  	v2 =	vunpack.i.l.bf16.f32 v0;
	v3 =	vunpack.i.l.bf16.f32 v1  }
0x1d6: {  	v0 =	vunpack.i.u.bf16.f32 v0;
	v1 =	vunpack.i.u.bf16.f32 v1;
	v2 =	vmul.f32 v3, v2  }
0x1d7: {  	s17 =	simm.s32 $0x8480;
	v0 =	vmul.f32 v1, v0  }
0x1d8: {  	[tilespmem:s17+$0xFFFFFF80] =	vst v2  }
0x1d9: {  	[tilespmem:s17+$0xFFFFFFC0] =	vst v0  }
0x1da: {  	v0 =	vld [tilespmem:s8+$0x2410]  }
0x1db: {  	v1 =	vld [tilespmem:s8+$0x6410];
	_ =	sdelay $0x4  }
0x1dc: {  	v2 =	vunpack.i.l.bf16.f32 v0;
	v3 =	vunpack.i.l.bf16.f32 v1  }
0x1dd: {  	v0 =	vunpack.i.u.bf16.f32 v0;
	v1 =	vunpack.i.u.bf16.f32 v1;
	v2 =	vmul.f32 v3, v2  }
0x1de: {  	v0 =	vmul.f32 v1, v0  }
0x1df: {  	[tilespmem:s17+$0xFFFFFF90] =	vst v2  }
0x1e0: {  	[tilespmem:s17+$0xFFFFFFD0] =	vst v0  }
0x1e1: {  	v0 =	vld [tilespmem:s8+$0x2420]  }
0x1e2: {  	v1 =	vld [tilespmem:s8+$0x6420];
	_ =	sdelay $0x4  }
0x1e3: {  	v2 =	vunpack.i.l.bf16.f32 v0;
	v3 =	vunpack.i.l.bf16.f32 v1  }
0x1e4: {  	v0 =	vunpack.i.u.bf16.f32 v0;
	v1 =	vunpack.i.u.bf16.f32 v1;
	v2 =	vmul.f32 v3, v2  }
0x1e5: {  	v0 =	vmul.f32 v1, v0  }
0x1e6: {  	[tilespmem:s17+$0xFFFFFFA0] =	vst v2  }
0x1e7: {  	[tilespmem:s17+$0xFFFFFFE0] =	vst v0  }
0x1e8: {  	v0 =	vld [tilespmem:s8+$0x2430]  }
0x1e9: {  	v1 =	vld [tilespmem:s8+$0x6430];
	_ =	sdelay $0x4  }
0x1ea: {  	v2 =	vunpack.i.l.bf16.f32 v0;
	v3 =	vunpack.i.l.bf16.f32 v1  }
0x1eb: {  	v0 =	vunpack.i.u.bf16.f32 v0;
	v1 =	vunpack.i.u.bf16.f32 v1;
	v2 =	vmul.f32 v3, v2  }
0x1ec: {  	v0 =	vmul.f32 v1, v0  }
0x1ed: {  	[tilespmem:s17+$0xFFFFFFB0] =	vst v2  }
0x1ee: {  	[tilespmem:s17+$0xFFFFFFF0] =	vst v0  }
0x1ef: {  	v0 =	vld [tilespmem:s8+$0x2440]  }
0x1f0: {  	v1 =	vld [tilespmem:s8+$0x6440];
	_ =	sdelay $0x4  }
0x1f1: {  	v2 =	vunpack.i.l.bf16.f32 v0;
	v3 =	vunpack.i.l.bf16.f32 v1  }
0x1f2: {  	v0 =	vunpack.i.u.bf16.f32 v0;
	v1 =	vunpack.i.u.bf16.f32 v1;
	v2 =	vmul.f32 v3, v2  }
0x1f3: {  	v0 =	vmul.f32 v1, v0  }
0x1f4: {  	[tilespmem:s17+$0x0] =	vst v2  }
0x1f5: {  	[tilespmem:s17+$0x40] =	vst v0  }
0x1f6: {  	v0 =	vld [tilespmem:s8+$0x2450]  }
0x1f7: {  	v1 =	vld [tilespmem:s8+$0x6450];
	_ =	sdelay $0x4  }
0x1f8: {  	v2 =	vunpack.i.l.bf16.f32 v0;
	v3 =	vunpack.i.l.bf16.f32 v1  }
0x1f9: {  	v0 =	vunpack.i.u.bf16.f32 v0;
	v1 =	vunpack.i.u.bf16.f32 v1;
	v2 =	vmul.f32 v3, v2  }
0x1fa: {  	v0 =	vmul.f32 v1, v0  }
0x1fb: {  	[tilespmem:s17+$0x10] =	vst v2  }
0x1fc: {  	[tilespmem:s17+$0x50] =	vst v0  }
0x1fd: {  	v1 =	vld [tilespmem:s8+$0x2460]  }
0x1fe: {  	s20 =	simm.s32 $0x200;
	s18 =	simm.s32 $0x8480;
	v0 =	vld [tilespmem:s8+$0x6460]  }
.LBB2_9:
0x1ff: {  	_ =	sdelay $0x1  }
0x200: {  	p2 =	sne.s32 s20, $0x7E00  }
0x201: {  	s17 =	sadd.s32 $0x100, s17;
	s25 =	smov.u32 s20;
	s20 =	sadd.s32 $0x200, s20;
	v2 =	vunpack.i.u.bf16.f32 v1;
	v1 =	vunpack.i.l.bf16.f32 v1  }
0x202: {  	v3 =	vunpack.i.u.bf16.f32 v0;
	v0 =	vunpack.i.l.bf16.f32 v0  }
0x203: {  	v0 =	vmul.f32 v0, v1;
	v1 =	vmul.f32 v3, v2;
	_ =	sdelay $0x1  }
0x204: {  	[tilespmem:s18+$0x20] =	vst v0  }
0x205: {  	[tilespmem:s18+$0x60] =	vst v1  }
0x206: {  	v0 =	vld [tilespmem:s8+$0x2470]  }
0x207: {  	v1 =	vld [tilespmem:s8+$0x6470];
	_ =	sdelay $0x3  }
0x208: {  	v2 =	vunpack.i.u.bf16.f32 v0;
	v0 =	vunpack.i.l.bf16.f32 v0  }
0x209: {  	v3 =	vunpack.i.u.bf16.f32 v1;
	v1 =	vunpack.i.l.bf16.f32 v1  }
0x20a: {  	v0 =	vmul.f32 v1, v0;
	v1 =	vmul.f32 v3, v2;
	_ =	sdelay $0x1  }
0x20b: {  	[tilespmem:s18+$0x30] =	vst v0  }
0x20c: {  	s8 =	sshra.s32 s25, $0x2;
	[tilespmem:s18+$0x70] =	vst v1;
	s18 =	smov.u32 s17  }
0x20d: {  	v0 =	vld [tilespmem:s8+$0x2400]  }
0x20e: {  	v1 =	vld [tilespmem:s8+$0x6400];
	_ =	sdelay $0x3  }
0x20f: {  	v2 =	vunpack.i.u.bf16.f32 v0;
	v0 =	vunpack.i.l.bf16.f32 v0  }
0x210: {  	v3 =	vunpack.i.u.bf16.f32 v1;
	v1 =	vunpack.i.l.bf16.f32 v1  }
0x211: {  	v0 =	vmul.f32 v1, v0;
	v1 =	vmul.f32 v3, v2;
	_ =	sdelay $0x1  }
0x212: {  	[tilespmem:s17+$0xFFFFFF80] =	vst v0  }
0x213: {  	[tilespmem:s17+$0xFFFFFFC0] =	vst v1  }
0x214: {  	v0 =	vld [tilespmem:s8+$0x2410]  }
0x215: {  	v1 =	vld [tilespmem:s8+$0x6410];
	_ =	sdelay $0x3  }
0x216: {  	v2 =	vunpack.i.u.bf16.f32 v0;
	v0 =	vunpack.i.l.bf16.f32 v0  }
0x217: {  	v3 =	vunpack.i.u.bf16.f32 v1;
	v1 =	vunpack.i.l.bf16.f32 v1  }
0x218: {  	v0 =	vmul.f32 v1, v0;
	v1 =	vmul.f32 v3, v2;
	_ =	sdelay $0x1  }
0x219: {  	[tilespmem:s17+$0xFFFFFF90] =	vst v0  }
0x21a: {  	[tilespmem:s17+$0xFFFFFFD0] =	vst v1  }
0x21b: {  	v0 =	vld [tilespmem:s8+$0x2420]  }
0x21c: {  	v1 =	vld [tilespmem:s8+$0x6420];
	_ =	sdelay $0x3  }
0x21d: {  	v2 =	vunpack.i.u.bf16.f32 v0;
	v0 =	vunpack.i.l.bf16.f32 v0  }
0x21e: {  	v3 =	vunpack.i.u.bf16.f32 v1;
	v1 =	vunpack.i.l.bf16.f32 v1  }
0x21f: {  	v0 =	vmul.f32 v1, v0;
	v1 =	vmul.f32 v3, v2;
	_ =	sdelay $0x1  }
0x220: {  	[tilespmem:s17+$0xFFFFFFA0] =	vst v0  }
0x221: {  	[tilespmem:s17+$0xFFFFFFE0] =	vst v1  }
0x222: {  	v0 =	vld [tilespmem:s8+$0x2430]  }
0x223: {  	v1 =	vld [tilespmem:s8+$0x6430];
	_ =	sdelay $0x3  }
0x224: {  	v2 =	vunpack.i.u.bf16.f32 v0;
	v0 =	vunpack.i.l.bf16.f32 v0  }
0x225: {  	v3 =	vunpack.i.u.bf16.f32 v1;
	v1 =	vunpack.i.l.bf16.f32 v1  }
0x226: {  	v0 =	vmul.f32 v1, v0;
	v1 =	vmul.f32 v3, v2;
	_ =	sdelay $0x1  }
0x227: {  	[tilespmem:s17+$0xFFFFFFB0] =	vst v0  }
0x228: {  	[tilespmem:s17+$0xFFFFFFF0] =	vst v1  }
0x229: {  	v0 =	vld [tilespmem:s8+$0x2440]  }
0x22a: {  	v1 =	vld [tilespmem:s8+$0x6440];
	_ =	sdelay $0x3  }
0x22b: {  	v2 =	vunpack.i.u.bf16.f32 v0;
	v0 =	vunpack.i.l.bf16.f32 v0  }
0x22c: {  	v3 =	vunpack.i.u.bf16.f32 v1;
	v1 =	vunpack.i.l.bf16.f32 v1  }
0x22d: {  	v0 =	vmul.f32 v1, v0;
	v1 =	vmul.f32 v3, v2;
	_ =	sdelay $0x1  }
0x22e: {  	[tilespmem:s17+$0x0] =	vst v0  }
0x22f: {  	[tilespmem:s17+$0x40] =	vst v1  }
0x230: {  	v0 =	vld [tilespmem:s8+$0x2450]  }
0x231: {  	v1 =	vld [tilespmem:s8+$0x6450];
	_ =	sdelay $0x3  }
0x232: {  	v2 =	vunpack.i.u.bf16.f32 v0;
	v0 =	vunpack.i.l.bf16.f32 v0  }
0x233: {  	v3 =	vunpack.i.u.bf16.f32 v1;
	v1 =	vunpack.i.l.bf16.f32 v1  }
0x234: {  	v0 =	vmul.f32 v1, v0;
	v1 =	vmul.f32 v3, v2  }
.Ltmp5:
0x235: {  	(pc) =	sbr.rel @p2 .LBB2_9-.Ltmp5, $4  }
0x236: {  	[tilespmem:s17+$0x10] =	vst v0  }
0x237: {  	[tilespmem:s17+$0x50] =	vst v1  }
0x238: {  	v1 =	vld [tilespmem:s8+$0x2460]  }
0x239: {  	v0 =	vld [tilespmem:s8+$0x6460]  }
0x23a: {  	_ =	sdelay $0x3  }
0x23b: {  	v2 =	vunpack.i.l.bf16.f32 v1;
	v3 =	vunpack.i.l.bf16.f32 v0  }
0x23c: {  	v59 =	vunpack.i.u.bf16.f32 v1;
	v60 =	vunpack.i.u.bf16.f32 v0;
	v2 =	vmul.f32 v3, v2  }
0x23d: {  	v0 =	vmul.f32 v60, v59  }
0x23e: {  	[tilespmem:s18+$0x20] =	vst v2  }
0x23f: {  	[tilespmem:s18+$0x60] =	vst v0  }
0x240: {  	v0 =	vld [tilespmem:s8+$0x2470]  }
0x241: {  	v61 =	vld [tilespmem:s8+$0x6470];
	_ =	sdelay $0x4  }
0x242: {  	v62 =	vunpack.i.l.bf16.f32 v0;
	v63 =	vunpack.i.l.bf16.f32 v61  }
0x243: {  	v0 =	vunpack.i.u.bf16.f32 v0;
	v1 =	vunpack.i.u.bf16.f32 v61;
	v2 =	vmul.f32 v63, v62  }
0x244: {  	v0 =	vmul.f32 v1, v0  }
0x245: {  	[tilespmem:s18+$0x30] =	vst v2  }
.Ltmp6:
0x246: {  	s29 =	simm.s32 $0x380;
	[tilespmem:s18+$0x70] =	vst v0;
	(pc) =	sbr.rel @p1 .LBB2_12-.Ltmp6, $4  }
0x247: {  	[spmem:s2] =	stream.indirect.scatter.add.f32 [tilespmem:s7], [sflag:$0x7], $0x80, s29, s22, $0xb8;
	[tilespmem:$0x1FC80] =	vst v63  }
0x248: {  	_ =	swait.ge [sflag:s21], $0x4000  }
0x249: {  	[sflag:s21] =	ssyncset.done $0x0  }
0x24a: {  	[sflag:s21] =	ssyncadd.s32 $0xFFFFC000  }
.Ltmp7:
0x24b: {  	s8 =	sshll.u32 s19, $0xA;
	(pc) =	sbr.rel .LBB2_2-.Ltmp7, $4  }
0x24c: {  	s8 =	sadd.s32 s8, s16  }
0x24d: {  	s8 =	sshrl.u32 s8, $0x3  }
0x24e: {  	s19 =	sadd.s32 $0x1, s19;
	s8 =	sadd.s32 s1, s8  }
0x24f: {  	[tilespmem:s26], [sflag:$0x2] =	stream.linear.gather [hbm4b:s8+s4], $0x200, $0x38;
	[tilespmem:$0x1FC80] =	vst v63  }
.LBB2_13:
0x250: {  	_ =	sfence.sel $0x180000  }
0x251: {  	[bflag:$0x0] =	sbarrier.arrive $0xFFFF  }
0x252: {  	_ =	strace $0x90000047  }
0x253: {  	s0 =	stileid.u32;
	[bflag:$0x2] =	sbarrier.arrive $0xFFFF  }
0x254: {  	p0 =	sne.s32 s0, $0x0;
	s0 =	rddreg [dreg:$0x3]  }
0x255: {  	s0 =	sadd.s32 @!p0 $0x100000, s0  }
0x256: {  	[sflag:s0] =	ssyncadd.tile.s32 @!p0 $0x1;
	_ =	shalt  }
.Lfunc_end2:
_tile_overlayer_lowered:
.L_overlay_start_2:
0x257: {  	(tag) =	ssettag $0x2  }
0x258: {  	s0 =	rddreg [dreg:$0x0];
	s2 =	stileid.u32  }
0x259: {  	s1 =	rddreg [dreg:$0x1];
	p0 =	sne.s32 s2, $0x0  }
0x25a: {  	s3 =	rddreg [dreg:$0x2];
	[bflag:$0x3] =	sbarrier.arrive $0xFFFF;
	s2 =	simm.s32 @!p0 $0x1C07  }
0x25b: {  	[timem:s3], [sflag:s2] =	dma.local @!p0 [hbm:s0], s1  }
0x25c: {  	s0 =	simm.s32 @!p0 $0x7  }
0x25d: {  	_ =	swait.ge @!p0 [sflag:s0], s1  }
0x25e: {  	s1 =	ssub.s32 @!p0 $0x0, s1;
	[sflag:s0] =	ssyncset.done @!p0 $0x0  }
0x25f: {  	[sflag:s0] =	ssyncadd.s32 @!p0 s1  }
0x260: {  	[bflag:$0x3] =	sbarrier.arrive $0xFFFF  }
0x261: {  	_ =	shalt  }

</sc_bundles>
